<compile_context>
chip_gen: v7x
topology: tpu7x:2x2x1
jax: 0.10.2.dev20260603
libtpu: 0.0.44.dev20260713+nightly
codegen_flags: <defaults>
</compile_context>

<pallas_src>
import functools

import jax
import jax.numpy as jnp
from jax import lax
from jax.experimental import pallas as pl
from jax.experimental.pallas import tpu as pltpu
from jax.experimental.pallas import tpu_sc as plsc

NC = 2
NS = 16
NW = NC * NS
B = 16384
V = 100000
D = 32
NSLAB = 25
VPW = NSLAB * 128
SEG = 4096
LANES = 16
FLUSH = 64
CAP = 80


def _emb_kernel(idx_hbm, tt_hbm, out_hbm, buf, iv, lbuf, bbuf, orows, didx,
                sem, osem):
    wid = lax.axis_index("s") * NC + lax.axis_index("c")
    v_lo = wid * VPW
    v_hi = jnp.minimum(v_lo + VPW, V)
    iota = lax.iota(jnp.int32, LANES)
    nslab = (v_hi - v_lo + 127) // 128

    def fire(j, x):
        pltpu.async_copy(tt_hbm.at[:, pl.ds(v_lo + 128 * j, 128)],
                         buf.at[j], sem)
        return x

    lax.fori_loop(0, nslab, fire, 0)

    def drain(j, x):
        pltpu.make_async_copy(tt_hbm.at[:, pl.ds(0, 128)], buf.at[0],
                              sem).wait()
        return x

    lax.fori_loop(0, nslab, drain, 0)

    def flush(nf, n_rows):
        slot = lax.rem(nf, 2)

        @pl.when(nf >= 2)
        def _():
            pltpu.make_async_copy(orows.at[0], out_hbm.at[pl.ds(0, FLUSH)],
                                  osem).wait()

        l0v = lbuf[pl.ds(0, LANES)]
        b0v = bbuf[pl.ds(0, LANES)]
        l0 = jnp.sum(jnp.where(iota == 0, l0v, 0))
        b0 = jnp.sum(jnp.where(iota == 0, b0v, 0))
        zero = jnp.zeros_like(iota)
        for k in range(FLUSH // LANES):
            lk = lbuf[pl.ds(k * LANES, LANES)]
            bk = bbuf[pl.ds(k * LANES, LANES)]
            mt = (k * LANES + iota) < n_rows
            lsel = jnp.where(mt, lk, l0)
            bsel = jnp.where(mt, bk, b0)
            slab16 = lax.shift_right_logical(lsel, 7)
            col16 = lax.bitwise_and(lsel, 127)
            plsc.store_scatter(didx, [slot + zero, k * LANES + iota], bsel)
            for c in range(D):
                col = plsc.load_gather(buf, [slab16, c + zero, col16])
                plsc.store_scatter(
                    orows, [slot + zero, k * LANES + iota, c + zero], col)
        pltpu.async_copy(orows.at[slot], out_hbm.at[didx.at[slot]], osem)

    def seg_body(s, carry):
        hc0, nf0 = carry
        pltpu.sync_copy(idx_hbm.at[pl.ds(s * SEG, SEG)], iv)

        def chunk_body(ch, carry):
            hc, nf = carry
            v16 = iv[pl.ds(ch * LANES, LANES)]
            local = v16 - v_lo
            m = (v16 >= v_lo) & (v16 < v_hi)
            cnt = jnp.sum(jnp.where(m, 1, 0))

            @pl.when(cnt > 0)
            def _():
                plsc.store_compressed(lbuf.at[pl.ds(hc, LANES)], local,
                                      mask=m)
                plsc.store_compressed(bbuf.at[pl.ds(hc, LANES)],
                                      s * SEG + ch * LANES + iota, mask=m)

            hc = hc + cnt

            @pl.when(hc >= FLUSH)
            def _():
                flush(nf, FLUSH)
                lt = lbuf[pl.ds(FLUSH, LANES)]
                bt = bbuf[pl.ds(FLUSH, LANES)]
                lbuf[pl.ds(0, LANES)] = lt
                bbuf[pl.ds(0, LANES)] = bt

            nf = nf + jnp.where(hc >= FLUSH, 1, 0)
            hc = jnp.where(hc >= FLUSH, hc - FLUSH, hc)
            return hc, nf

        return lax.fori_loop(0, SEG // LANES, chunk_body, (hc0, nf0))

    hc, nf = lax.fori_loop(0, B // SEG, seg_body, (jnp.int32(0), jnp.int32(0)))

    @pl.when(hc > 0)
    def _():
        flush(nf, hc)

    nf = nf + jnp.where(hc > 0, 1, 0)

    @pl.when(nf >= 2)
    def _():
        pltpu.make_async_copy(orows.at[0], out_hbm.at[pl.ds(0, FLUSH)],
                              osem).wait()

    @pl.when(nf >= 1)
    def _():
        pltpu.make_async_copy(orows.at[0], out_hbm.at[pl.ds(0, FLUSH)],
                              osem).wait()


@jax.jit
def kernel(char_indices, table):
    tt = jnp.swapaxes(table, 0, 1)
    mesh = plsc.VectorSubcoreMesh(
        core_axis_name="c", subcore_axis_name="s", num_cores=NC, num_subcores=NS
    )
    k = functools.partial(
        pl.kernel,
        out_type=jax.ShapeDtypeStruct((B, 128), jnp.float32),
        mesh=mesh,
        compiler_params=pltpu.CompilerParams(needs_layout_passes=False),
        scratch_types=[
            pltpu.VMEM((NSLAB, 32, 128), jnp.float32),
            pltpu.VMEM((SEG,), jnp.int32),
            pltpu.VMEM((CAP,), jnp.int32),
            pltpu.VMEM((CAP,), jnp.int32),
            pltpu.VMEM((2, FLUSH, 128), jnp.float32),
            pltpu.VMEM((2, FLUSH), jnp.int32),
            pltpu.SemaphoreType.DMA,
            pltpu.SemaphoreType.DMA,
        ],
    )(_emb_kernel)
    out128 = k(char_indices.astype(jnp.int32), tt)
    return out128[:, :D]

# --- scband reference (transcript-rebuilt; emitter-appended) ---
"""Pipeline reference for scband-character-embedding-8323646619726 (READ-ONLY COPY).

The authoritative reference and input builder live on the scoring server;
editing this copy changes nothing except your own understanding.
"""

import jax, jax.numpy as jnp
import numpy as np

NUM_EMB = 100000
EMB_DIM = 32
BATCH = 16384

def setup_inputs(seed: int = 0) -> dict:
    key = jax.random.key(seed)
    k_idx, k_tab = jax.random.split(key)
    char_indices = jax.random.randint(k_idx, (BATCH,), 0, NUM_EMB, dtype=jnp.int64 if jax.config.jax_enable_x64 else jnp.int32)
    # nn.Embedding default init: N(0, 1)
    table = jax.random.normal(k_tab, (NUM_EMB, EMB_DIM), dtype=jnp.float32)
    return {"char_indices": char_indices, "table": table}

def reference(char_indices, table):
    return jnp.take(table, char_indices, axis=0)

if __name__ == "__main__":
    import jax
    _d = setup_inputs()
    print(jax.jit(kernel)(*tuple(_d.values())))

</pallas_src>

<mosaic_0001>
#map = affine_map<(d0, d1) -> (0)>
#map1 = affine_map<(d0, d1) -> (0, 0)>
module attributes {stable_mosaic.version = 14 : i64} {
  func.func @_emb_kernel(%arg0: i32, %arg1: i32, %arg2: memref<16384xi32, #tpu.memory_space<hbm>>, %arg3: memref<32x100000xf32, #tpu.memory_space<hbm>>, %arg4: memref<16384x128xf32, #tpu.memory_space<hbm>>, %arg5: memref<25x32x128xf32, #tpu.memory_space<vmem>>, %arg6: memref<4096xi32, #tpu.memory_space<vmem>>, %arg7: memref<80xi32, #tpu.memory_space<vmem>>, %arg8: memref<80xi32, #tpu.memory_space<vmem>>, %arg9: memref<2x64x128xf32, #tpu.memory_space<vmem>>, %arg10: memref<2x64xi32, #tpu.memory_space<vmem>>, %arg11: memref<!tpu.dma_semaphore, #tpu.memory_space<semaphore_mem>>, %arg12: memref<!tpu.dma_semaphore, #tpu.memory_space<semaphore_mem>>) attributes {dimension_semantics = [#tpu.dimension_semantics<core_parallel>, #tpu.dimension_semantics<subcore_parallel>], iteration_bounds = array<i64: 2, 16>, scalar_prefetch = 0 : i64, scratch_operands = 8 : i64, tpu.core_type = #tpu.core_type<sc_vector_subcore>, window_params = [{transform_indices = #map}, {transform_indices = #map1}, {transform_indices = #map1}]} {
    %mul3A = arith.constant 2 : i32
    %mul3A_0 = arith.muli %arg1, %mul3A : i32
    %add3A = arith.addi %mul3A_0, %arg0 : i32
    %mul3A_1 = arith.constant 3200 : i32
    %mul3A_2 = arith.muli %add3A, %mul3A_1 : i32
    %add3A_3 = arith.constant 3200 : i32
    %add3A_4 = arith.addi %mul3A_2, %add3A_3 : i32
    %min3A = arith.constant 100000 : i32
    %min3A_5 = arith.minsi %add3A_4, %min3A : i32
    %iota3A = tpu.iota {dimensions = array<i32: 0>} : vector<16xi32>
    %sub3A = arith.subi %min3A_5, %mul3A_2 : i32
    %add3A_6 = arith.constant 127 : i32
    %add3A_7 = arith.addi %sub3A, %add3A_6 : i32
    %jit3A = arith.constant 128 : i32
    %div3A = arith.divsi %add3A_7, %jit3A : i32
    %sign3A = arith.constant 0 : i32
    %sign3A_8 = arith.cmpi sgt, %add3A_7, %sign3A : i32
    %sign3A_9 = arith.extui %sign3A_8 : i1 to i32
    %sign3A_10 = arith.constant 0 : i32
    %sign3A_11 = arith.cmpi slt, %add3A_7, %sign3A_10 : i32
    %sign3A_12 = arith.extui %sign3A_11 : i1 to i32
    %sign3A_13 = arith.subi %sign3A_9, %sign3A_12 : i32
    %sign3A_14 = arith.constant 0 : i32
    %sign3A_15 = arith.cmpi sgt, %jit3A, %sign3A_14 : i32
    %sign3A_16 = arith.extui %sign3A_15 : i1 to i32
    %sign3A_17 = arith.constant 0 : i32
    %sign3A_18 = arith.cmpi slt, %jit3A, %sign3A_17 : i32
    %sign3A_19 = arith.extui %sign3A_18 : i1 to i32
    %sign3A_20 = arith.subi %sign3A_16, %sign3A_19 : i32
    %ne3A = arith.cmpi ne, %sign3A_13, %sign3A_20 : i32
    %rem3A = arith.remsi %add3A_7, %jit3A : i32
    %ne3A_21 = arith.constant 0 : i32
    %ne3A_22 = arith.cmpi ne, %rem3A, %ne3A_21 : i32
    %and3A = arith.andi %ne3A, %ne3A_22 : i1
    %sub3A_23 = arith.constant 1 : i32
    %sub3A_24 = arith.subi %div3A, %sub3A_23 : i32
    %select_n3A = arith.select %and3A, %sub3A_24, %div3A : i32
    %while3A = arith.constant 0 : i32
    %while3A_25 = arith.constant 0 : i32
    %while3A_26 = arith.subi %select_n3A, %while3A_25 : i32
    %while3A_27 = arith.addi %while3A_25, %while3A_26 : i32
    %while3A_28 = arith.constant 1 : i32
    %while3A_29 = arith.divsi %while3A_26, %while3A_28 : i32
    %while3A_30 = arith.muli %while3A_29, %while3A_28 : i32
    %while3A_31 = arith.addi %while3A_25, %while3A_30 : i32
    %while3A_32 = arith.constant 1 : i32
    scf.for %while3A_68 = %while3A_25 to %while3A_31 step %while3A_32  : i32 {
      %mul3A_69 = arith.constant 128 : i32
      %mul3A_70 = arith.muli %mul3A_69, %while3A_68 : i32
      %add3A_71 = arith.addi %mul3A_2, %mul3A_70 : i32
      %dma_start3A = arith.constant 0 : i32
      %dma_start3A_72 = arith.constant 0 : i32
      %dma_start3A_73 = tpu.memref_slice %arg5[%while3A_68, %dma_start3A, %dma_start3A_72] : memref<25x32x128xf32, #tpu.memory_space<vmem>> -> memref<1x32x128xf32, #tpu.memory_space<vmem>>
      %dma_start3A_74 = tpu.memref_squeeze %dma_start3A_73 : memref<1x32x128xf32, #tpu.memory_space<vmem>> -> memref<32x128xf32, #tpu.memory_space<vmem>>
      %dma_start3A_75 = arith.constant 0 : i32
      %dma_start3A_76 = tpu.memref_slice %arg3[%dma_start3A_75, %add3A_71] : memref<32x100000xf32, #tpu.memory_space<hbm>> -> memref<32x128xf32, #tpu.memory_space<hbm>>
      %dma_start3A_77 = arith.constant 0 : i32
      %dma_start3A_78 = arith.constant 0 : i32
      %dma_start3A_79 = tpu.memref_slice %arg5[%while3A_68, %dma_start3A_77, %dma_start3A_78] : memref<25x32x128xf32, #tpu.memory_space<vmem>> -> memref<1x32x128xf32, #tpu.memory_space<vmem>>
      %dma_start3A_80 = tpu.memref_squeeze %dma_start3A_79 : memref<1x32x128xf32, #tpu.memory_space<vmem>> -> memref<32x128xf32, #tpu.memory_space<vmem>>
      %dma_start3A_81 = arith.constant 0 : i32
      %dma_start3A_82 = tpu.memref_slice %arg3[%dma_start3A_81, %add3A_71] : memref<32x100000xf32, #tpu.memory_space<hbm>> -> memref<32x128xf32, #tpu.memory_space<hbm>>
      tpu.enqueue_dma source(%dma_start3A_82 : memref<32x128xf32, #tpu.memory_space<hbm>>) target(%dma_start3A_80 : memref<32x128xf32, #tpu.memory_space<vmem>>) target_semaphore(%arg11 : memref<!tpu.dma_semaphore, #tpu.memory_space<semaphore_mem>>)
    }
    %while3A_33 = arith.constant 1 : i32
    scf.for %while3A_68 = %while3A_31 to %while3A_27 step %while3A_33  : i32 {
      %mul3A_69 = arith.constant 128 : i32
      %mul3A_70 = arith.muli %mul3A_69, %while3A_68 : i32
      %add3A_71 = arith.addi %mul3A_2, %mul3A_70 : i32
      %dma_start3A = arith.constant 0 : i32
      %dma_start3A_72 = arith.constant 0 : i32
      %dma_start3A_73 = tpu.memref_slice %arg5[%while3A_68, %dma_start3A, %dma_start3A_72] : memref<25x32x128xf32, #tpu.memory_space<vmem>> -> memref<1x32x128xf32, #tpu.memory_space<vmem>>
      %dma_start3A_74 = tpu.memref_squeeze %dma_start3A_73 : memref<1x32x128xf32, #tpu.memory_space<vmem>> -> memref<32x128xf32, #tpu.memory_space<vmem>>
      %dma_start3A_75 = arith.constant 0 : i32
      %dma_start3A_76 = tpu.memref_slice %arg3[%dma_start3A_75, %add3A_71] : memref<32x100000xf32, #tpu.memory_space<hbm>> -> memref<32x128xf32, #tpu.memory_space<hbm>>
      %dma_start3A_77 = arith.constant 0 : i32
      %dma_start3A_78 = arith.constant 0 : i32
      %dma_start3A_79 = tpu.memref_slice %arg5[%while3A_68, %dma_start3A_77, %dma_start3A_78] : memref<25x32x128xf32, #tpu.memory_space<vmem>> -> memref<1x32x128xf32, #tpu.memory_space<vmem>>
      %dma_start3A_80 = tpu.memref_squeeze %dma_start3A_79 : memref<1x32x128xf32, #tpu.memory_space<vmem>> -> memref<32x128xf32, #tpu.memory_space<vmem>>
      %dma_start3A_81 = arith.constant 0 : i32
      %dma_start3A_82 = tpu.memref_slice %arg3[%dma_start3A_81, %add3A_71] : memref<32x100000xf32, #tpu.memory_space<hbm>> -> memref<32x128xf32, #tpu.memory_space<hbm>>
      tpu.enqueue_dma source(%dma_start3A_82 : memref<32x128xf32, #tpu.memory_space<hbm>>) target(%dma_start3A_80 : memref<32x128xf32, #tpu.memory_space<vmem>>) target_semaphore(%arg11 : memref<!tpu.dma_semaphore, #tpu.memory_space<semaphore_mem>>)
    }
    %while3A_34 = arith.constant 0 : i32
    %while3A_35 = arith.constant 0 : i32
    %while3A_36 = arith.subi %select_n3A, %while3A_35 : i32
    %while3A_37 = arith.addi %while3A_35, %while3A_36 : i32
    %while3A_38 = arith.constant 1 : i32
    %while3A_39 = arith.divsi %while3A_36, %while3A_38 : i32
    %while3A_40 = arith.muli %while3A_39, %while3A_38 : i32
    %while3A_41 = arith.addi %while3A_35, %while3A_40 : i32
    %while3A_42 = arith.constant 1 : i32
    scf.for %while3A_68 = %while3A_35 to %while3A_41 step %while3A_42  : i32 {
      %dma_wait3A = arith.constant 0 : i32
      %dma_wait3A_69 = arith.constant 0 : i32
      %dma_wait3A_70 = arith.constant 0 : i32
      %dma_wait3A_71 = tpu.memref_slice %arg5[%dma_wait3A, %dma_wait3A_69, %dma_wait3A_70] : memref<25x32x128xf32, #tpu.memory_space<vmem>> -> memref<1x32x128xf32, #tpu.memory_space<vmem>>
      %dma_wait3A_72 = tpu.memref_squeeze %dma_wait3A_71 : memref<1x32x128xf32, #tpu.memory_space<vmem>> -> memref<32x128xf32, #tpu.memory_space<vmem>>
      %dma_wait3A_73 = arith.constant 0 : i32
      %dma_wait3A_74 = arith.constant 0 : i32
      %dma_wait3A_75 = tpu.memref_slice %arg3[%dma_wait3A_73, %dma_wait3A_74] : memref<32x100000xf32, #tpu.memory_space<hbm>> -> memref<32x128xf32, #tpu.memory_space<hbm>>
      %dma_wait3A_76 = arith.constant 0 : i32
      %dma_wait3A_77 = arith.constant 0 : i32
      %dma_wait3A_78 = tpu.memref_slice %arg5[%dma_wait3A, %dma_wait3A_76, %dma_wait3A_77] : memref<25x32x128xf32, #tpu.memory_space<vmem>> -> memref<1x32x128xf32, #tpu.memory_space<vmem>>
      %dma_wait3A_79 = tpu.memref_squeeze %dma_wait3A_78 : memref<1x32x128xf32, #tpu.memory_space<vmem>> -> memref<32x128xf32, #tpu.memory_space<vmem>>
      %dma_wait3A_80 = arith.constant 0 : i32
      %dma_wait3A_81 = arith.constant 0 : i32
      %dma_wait3A_82 = tpu.memref_slice %arg3[%dma_wait3A_80, %dma_wait3A_81] : memref<32x100000xf32, #tpu.memory_space<hbm>> -> memref<32x128xf32, #tpu.memory_space<hbm>>
      tpu.wait_dma2 semaphore(%arg11 : memref<!tpu.dma_semaphore, #tpu.memory_space<semaphore_mem>>) src(%dma_wait3A_82 : memref<32x128xf32, #tpu.memory_space<hbm>>) dst(%dma_wait3A_79 : memref<32x128xf32, #tpu.memory_space<vmem>>)
    }
    %while3A_43 = arith.constant 1 : i32
    scf.for %while3A_68 = %while3A_41 to %while3A_37 step %while3A_43  : i32 {
      %dma_wait3A = arith.constant 0 : i32
      %dma_wait3A_69 = arith.constant 0 : i32
      %dma_wait3A_70 = arith.constant 0 : i32
      %dma_wait3A_71 = tpu.memref_slice %arg5[%dma_wait3A, %dma_wait3A_69, %dma_wait3A_70] : memref<25x32x128xf32, #tpu.memory_space<vmem>> -> memref<1x32x128xf32, #tpu.memory_space<vmem>>
      %dma_wait3A_72 = tpu.memref_squeeze %dma_wait3A_71 : memref<1x32x128xf32, #tpu.memory_space<vmem>> -> memref<32x128xf32, #tpu.memory_space<vmem>>
      %dma_wait3A_73 = arith.constant 0 : i32
      %dma_wait3A_74 = arith.constant 0 : i32
      %dma_wait3A_75 = tpu.memref_slice %arg3[%dma_wait3A_73, %dma_wait3A_74] : memref<32x100000xf32, #tpu.memory_space<hbm>> -> memref<32x128xf32, #tpu.memory_space<hbm>>
      %dma_wait3A_76 = arith.constant 0 : i32
      %dma_wait3A_77 = arith.constant 0 : i32
      %dma_wait3A_78 = tpu.memref_slice %arg5[%dma_wait3A, %dma_wait3A_76, %dma_wait3A_77] : memref<25x32x128xf32, #tpu.memory_space<vmem>> -> memref<1x32x128xf32, #tpu.memory_space<vmem>>
      %dma_wait3A_79 = tpu.memref_squeeze %dma_wait3A_78 : memref<1x32x128xf32, #tpu.memory_space<vmem>> -> memref<32x128xf32, #tpu.memory_space<vmem>>
      %dma_wait3A_80 = arith.constant 0 : i32
      %dma_wait3A_81 = arith.constant 0 : i32
      %dma_wait3A_82 = tpu.memref_slice %arg3[%dma_wait3A_80, %dma_wait3A_81] : memref<32x100000xf32, #tpu.memory_space<hbm>> -> memref<32x128xf32, #tpu.memory_space<hbm>>
      tpu.wait_dma2 semaphore(%arg11 : memref<!tpu.dma_semaphore, #tpu.memory_space<semaphore_mem>>) src(%dma_wait3A_82 : memref<32x128xf32, #tpu.memory_space<hbm>>) dst(%dma_wait3A_79 : memref<32x128xf32, #tpu.memory_space<vmem>>)
    }
    %scan3A = arith.constant 0 : i32
    %scan3A_44 = arith.constant 0 : i32
    %scan3A_45 = arith.constant 0 : i32
    %scan3A_46 = arith.constant 4 : i32
    %scan3A_47 = arith.addi %scan3A_45, %scan3A_46 : i32
    %scan3A_48 = arith.constant 1 : i32
    %scan3A_49:2 = scf.for %scan3A_68 = %scan3A_45 to %scan3A_47 step %scan3A_48 iter_args(%scan3A_69 = %scan3A, %scan3A_70 = %scan3A_44) -> (i32, i32)  : i32 {
      %mul3A_71 = arith.constant 4096 : i32
      %mul3A_72 = arith.muli %scan3A_68, %mul3A_71 : i32
      "tpu.region"() ({
        %run_scoped3A = tpu.sem_alloc : memref<!tpu.dma_semaphore, #tpu.memory_space<semaphore_mem>>
        %dma_start3A = tpu.memref_slice %arg2[%mul3A_72] : memref<16384xi32, #tpu.memory_space<hbm>> -> memref<4096xi32, #tpu.memory_space<hbm>>
        %dma_start3A_79 = tpu.memref_slice %arg2[%mul3A_72] : memref<16384xi32, #tpu.memory_space<hbm>> -> memref<4096xi32, #tpu.memory_space<hbm>>
        tpu.enqueue_dma source(%dma_start3A_79 : memref<4096xi32, #tpu.memory_space<hbm>>) target(%arg6 : memref<4096xi32, #tpu.memory_space<vmem>>) target_semaphore(%run_scoped3A : memref<!tpu.dma_semaphore, #tpu.memory_space<semaphore_mem>>)
        %dma_wait3A = tpu.memref_slice %arg2[%mul3A_72] : memref<16384xi32, #tpu.memory_space<hbm>> -> memref<4096xi32, #tpu.memory_space<hbm>>
        %dma_wait3A_80 = tpu.memref_slice %arg2[%mul3A_72] : memref<16384xi32, #tpu.memory_space<hbm>> -> memref<4096xi32, #tpu.memory_space<hbm>>
        tpu.wait_dma2 semaphore(%run_scoped3A : memref<!tpu.dma_semaphore, #tpu.memory_space<semaphore_mem>>) src(%dma_wait3A_80 : memref<4096xi32, #tpu.memory_space<hbm>>) dst(%arg6 : memref<4096xi32, #tpu.memory_space<vmem>>)
        tpu.yield
      }) : () -> ()
      %scan3A_73 = arith.constant 0 : i32
      %scan3A_74 = arith.constant 256 : i32
      %scan3A_75 = arith.addi %scan3A_73, %scan3A_74 : i32
      %scan3A_76 = arith.constant 1 : i32
      %scan3A_77:2 = scf.for %scan3A_79 = %scan3A_73 to %scan3A_75 step %scan3A_76 iter_args(%scan3A_80 = %scan3A_69, %scan3A_81 = %scan3A_70) -> (i32, i32)  : i32 {
        %mul3A_82 = arith.constant 16 : i32
        %mul3A_83 = arith.muli %scan3A_79, %mul3A_82 : i32
        %get3A = arith.index_cast %mul3A_83 : i32 to index
        %get3A_84 = tpu.vector_load %arg6[%get3A] {strides = array<i32>} : memref<4096xi32, #tpu.memory_space<vmem>>, vector<16xi32>,
        %sub3A_85 = vector.broadcast %mul3A_2 : i32 to vector<16xi32>
        %sub3A_86 = arith.subi %get3A_84, %sub3A_85 : vector<16xi32>
        %ge3A_87 = vector.broadcast %mul3A_2 : i32 to vector<16xi32>
        %ge3A_88 = arith.cmpi sge, %get3A_84, %ge3A_87 : vector<16xi32>
        %lt3A = vector.broadcast %min3A_5 : i32 to vector<16xi32>
        %lt3A_89 = arith.cmpi slt, %get3A_84, %lt3A : vector<16xi32>
        %and3A_90 = arith.andi %ge3A_88, %lt3A_89 : vector<16xi1>
        %jit3A_91 = arith.constant 1 : i32
        %jit3A_92 = arith.constant 0 : i32
        %broadcast_in_dim3A = vector.broadcast %jit3A_91 : i32 to vector<16xi32>
        %broadcast_in_dim3A_93 = vector.broadcast %jit3A_92 : i32 to vector<16xi32>
        %select_n3A_94 = arith.select %and3A_90, %broadcast_in_dim3A, %broadcast_in_dim3A_93 : vector<16xi1>, vector<16xi32>
        %reduce_sum3A = arith.constant true
        %reduce_sum3A_95 = vector.broadcast %reduce_sum3A : i1 to vector<16xi1>
        %reduce_sum3A_96 = tpu.scan <sum>, %select_n3A_94 masked %reduce_sum3A_95 : vector<16xi32>, vector<16xi1> -> vector<16xi32>
        %reduce_sum3A_97 = vector.extract %reduce_sum3A_96[15] : i32 from vector<16xi32>
        %gt3A_98 = arith.constant 0 : i32
        %gt3A_99 = arith.cmpi sgt, %reduce_sum3A_97, %gt3A_98 : i32
        %convert_element_type3A_100 = arith.extui %gt3A_99 : i1 to i32
        %cond3A_101 = arith.constant 0 : i32
        %cond3A_102 = arith.cmpi ne, %convert_element_type3A_100, %cond3A_101 : i32
        scf.if %cond3A_102 {
          %swap3A = arith.index_cast %scan3A_80 : i32 to index
          %swap3A_120 = tpu.vector_load %arg7[%swap3A] masked %and3A_90 {strides = array<i32>} : memref<80xi32, #tpu.memory_space<vmem>>, vector<16xi32>, vector<16xi1>
          tpu.vector_store %arg7[%swap3A], %sub3A_86 masked %and3A_90 {strides = array<i32>} : memref<80xi32, #tpu.memory_space<vmem>>, vector<16xi32>, vector<16xi1>
          %mul3A_121 = arith.constant 4096 : i32
          %mul3A_122 = arith.muli %scan3A_68, %mul3A_121 : i32
          %mul3A_123 = arith.constant 16 : i32
          %mul3A_124 = arith.muli %scan3A_79, %mul3A_123 : i32
          %add3A_125 = arith.addi %mul3A_122, %mul3A_124 : i32
          %add3A_126 = vector.broadcast %add3A_125 : i32 to vector<16xi32>
          %add3A_127 = arith.addi %add3A_126, %iota3A : vector<16xi32>
          %swap3A_128 = arith.index_cast %scan3A_80 : i32 to index
          %swap3A_129 = tpu.vector_load %arg8[%swap3A_128] masked %and3A_90 {strides = array<i32>} : memref<80xi32, #tpu.memory_space<vmem>>, vector<16xi32>, vector<16xi1>
          tpu.vector_store %arg8[%swap3A_128], %add3A_127 masked %and3A_90 {strides = array<i32>} : memref<80xi32, #tpu.memory_space<vmem>>, vector<16xi32>, vector<16xi1>
        } else {
        }
        %add3A_103 = arith.addi %scan3A_80, %reduce_sum3A_97 : i32
        %ge3A_104 = arith.constant 64 : i32
        %ge3A_105 = arith.cmpi sge, %add3A_103, %ge3A_104 : i32
        %convert_element_type3A_106 = arith.extui %ge3A_105 : i1 to i32
        %cond3A_107 = arith.constant 0 : i32
        %cond3A_108 = arith.cmpi ne, %convert_element_type3A_106, %cond3A_107 : i32
        scf.if %cond3A_108 {
          %rem3A_120 = arith.constant 2 : i32
          %rem3A_121 = arith.remsi %scan3A_81, %rem3A_120 : i32
          %ge3A_122 = arith.constant 2 : i32
          %ge3A_123 = arith.cmpi sge, %scan3A_81, %ge3A_122 : i32
          %convert_element_type3A_124 = arith.extui %ge3A_123 : i1 to i32
          %cond3A_125 = arith.constant 0 : i32
          %cond3A_126 = arith.cmpi ne, %convert_element_type3A_124, %cond3A_125 : i32
          scf.if %cond3A_126 {
            %dma_wait3A = arith.constant 0 : i32
            %dma_wait3A_1802 = arith.constant 0 : i32
            %dma_wait3A_1803 = arith.constant 0 : i32
            %dma_wait3A_1804 = tpu.memref_slice %arg9[%dma_wait3A, %dma_wait3A_1802, %dma_wait3A_1803] : memref<2x64x128xf32, #tpu.memory_space<vmem>> -> memref<1x64x128xf32, #tpu.memory_space<vmem>>
            %dma_wait3A_1805 = tpu.memref_squeeze %dma_wait3A_1804 : memref<1x64x128xf32, #tpu.memory_space<vmem>> -> memref<64x128xf32, #tpu.memory_space<vmem>>
            %dma_wait3A_1806 = arith.constant 0 : i32
            %dma_wait3A_1807 = arith.constant 0 : i32
            %dma_wait3A_1808 = tpu.memref_slice %arg4[%dma_wait3A_1806, %dma_wait3A_1807] : memref<16384x128xf32, #tpu.memory_space<hbm>> -> memref<64x128xf32, #tpu.memory_space<hbm>>
            %dma_wait3A_1809 = arith.constant 0 : i32
            %dma_wait3A_1810 = arith.constant 0 : i32
            %dma_wait3A_1811 = tpu.memref_slice %arg4[%dma_wait3A_1809, %dma_wait3A_1810] : memref<16384x128xf32, #tpu.memory_space<hbm>> -> memref<64x128xf32, #tpu.memory_space<hbm>>
            %dma_wait3A_1812 = arith.constant 0 : i32
            %dma_wait3A_1813 = arith.constant 0 : i32
            %dma_wait3A_1814 = tpu.memref_slice %arg9[%dma_wait3A, %dma_wait3A_1812, %dma_wait3A_1813] : memref<2x64x128xf32, #tpu.memory_space<vmem>> -> memref<1x64x128xf32, #tpu.memory_space<vmem>>
            %dma_wait3A_1815 = tpu.memref_squeeze %dma_wait3A_1814 : memref<1x64x128xf32, #tpu.memory_space<vmem>> -> memref<64x128xf32, #tpu.memory_space<vmem>>
            tpu.wait_dma2 semaphore(%arg12 : memref<!tpu.dma_semaphore, #tpu.memory_space<semaphore_mem>>) src(%dma_wait3A_1815 : memref<64x128xf32, #tpu.memory_space<vmem>>) dst(%dma_wait3A_1811 : memref<64x128xf32, #tpu.memory_space<hbm>>)
          } else {
          }
          %get3A_127 = arith.constant 0 : index
          %get3A_128 = tpu.vector_load %arg7[%get3A_127] {strides = array<i32>} : memref<80xi32, #tpu.memory_space<vmem>>, vector<16xi32>,
          %get3A_129 = arith.constant 0 : index
          %get3A_130 = tpu.vector_load %arg8[%get3A_129] {strides = array<i32>} : memref<80xi32, #tpu.memory_space<vmem>>, vector<16xi32>,
          %eq3A = arith.constant 0 : i32
          %eq3A_131 = vector.broadcast %eq3A : i32 to vector<16xi32>
          %eq3A_132 = arith.cmpi eq, %iota3A, %eq3A_131 : vector<16xi32>
          %jit3A_133 = arith.constant 0 : i32
          %broadcast_in_dim3A_134 = vector.broadcast %jit3A_133 : i32 to vector<16xi32>
          %select_n3A_135 = arith.select %eq3A_132, %get3A_128, %broadcast_in_dim3A_134 : vector<16xi1>, vector<16xi32>
          %reduce_sum3A_136 = arith.constant true
          %reduce_sum3A_137 = vector.broadcast %reduce_sum3A_136 : i1 to vector<16xi1>
          %reduce_sum3A_138 = tpu.scan <sum>, %select_n3A_135 masked %reduce_sum3A_137 : vector<16xi32>, vector<16xi1> -> vector<16xi32>
          %reduce_sum3A_139 = vector.extract %reduce_sum3A_138[15] : i32 from vector<16xi32>
          %eq3A_140 = arith.constant 0 : i32
          %eq3A_141 = vector.broadcast %eq3A_140 : i32 to vector<16xi32>
          %eq3A_142 = arith.cmpi eq, %iota3A, %eq3A_141 : vector<16xi32>
          %jit3A_143 = arith.constant 0 : i32
          %broadcast_in_dim3A_144 = vector.broadcast %jit3A_143 : i32 to vector<16xi32>
          %select_n3A_145 = arith.select %eq3A_142, %get3A_130, %broadcast_in_dim3A_144 : vector<16xi1>, vector<16xi32>
          %reduce_sum3A_146 = arith.constant true
          %reduce_sum3A_147 = vector.broadcast %reduce_sum3A_146 : i1 to vector<16xi1>
          %reduce_sum3A_148 = tpu.scan <sum>, %select_n3A_145 masked %reduce_sum3A_147 : vector<16xi32>, vector<16xi1> -> vector<16xi32>
          %reduce_sum3A_149 = vector.extract %reduce_sum3A_148[15] : i32 from vector<16xi32>
          %broadcast_in_dim3A_150 = arith.constant 0 : i32
          %broadcast_in_dim3A_151 = vector.broadcast %broadcast_in_dim3A_150 : i32 to vector<16xi32>
          %get3A_152 = arith.constant 0 : index
          %get3A_153 = tpu.vector_load %arg7[%get3A_152] {strides = array<i32>} : memref<80xi32, #tpu.memory_space<vmem>>, vector<16xi32>,
          %get3A_154 = arith.constant 0 : index
          %get3A_155 = tpu.vector_load %arg8[%get3A_154] {strides = array<i32>} : memref<80xi32, #tpu.memory_space<vmem>>, vector<16xi32>,
          %add3A_156 = arith.constant 0 : i32
          %add3A_157 = vector.broadcast %add3A_156 : i32 to vector<16xi32>
          %add3A_158 = arith.addi %add3A_157, %iota3A : vector<16xi32>
          %lt3A_159 = arith.constant 64 : i32
          %lt3A_160 = vector.broadcast %lt3A_159 : i32 to vector<16xi32>
          %lt3A_161 = arith.cmpi slt, %add3A_158, %lt3A_160 : vector<16xi32>
          %broadcast_in_dim3A_162 = vector.broadcast %reduce_sum3A_139 : i32 to vector<16xi32>
          %select_n3A_163 = arith.select %lt3A_161, %get3A_153, %broadcast_in_dim3A_162 : vector<16xi1>, vector<16xi32>
          %broadcast_in_dim3A_164 = vector.broadcast %reduce_sum3A_149 : i32 to vector<16xi32>
          %select_n3A_165 = arith.select %lt3A_161, %get3A_155, %broadcast_in_dim3A_164 : vector<16xi1>, vector<16xi32>
          %shift_right_logical3A = arith.constant 7 : i32
          %shift_right_logical3A_166 = vector.broadcast %shift_right_logical3A : i32 to vector<16xi32>
          %shift_right_logical3A_167 = arith.shrui %select_n3A_163, %shift_right_logical3A_166 : vector<16xi32>
          %and3A_168 = arith.constant 127 : i32
          %and3A_169 = vector.broadcast %and3A_168 : i32 to vector<16xi32>
          %and3A_170 = arith.andi %select_n3A_163, %and3A_169 : vector<16xi32>
          %add3A_171 = vector.broadcast %rem3A_121 : i32 to vector<16xi32>
          %add3A_172 = arith.addi %add3A_171, %broadcast_in_dim3A_151 : vector<16xi32>
          %add3A_173 = arith.constant 0 : i32
          %add3A_174 = vector.broadcast %add3A_173 : i32 to vector<16xi32>
          %add3A_175 = arith.addi %add3A_174, %iota3A : vector<16xi32>
          tpu.vector_store_idx %arg10[%add3A_172, %add3A_175], %select_n3A_165 : memref<2x64xi32, #tpu.memory_space<vmem>>[vector<16xi32>, vector<16xi32>], vector<16xi32>,
          %add3A_176 = arith.constant 0 : i32
          %add3A_177 = vector.broadcast %add3A_176 : i32 to vector<16xi32>
          %add3A_178 = arith.addi %add3A_177, %broadcast_in_dim3A_151 : vector<16xi32>
          %gather3A = tpu.vector_load_idx %arg5[%shift_right_logical3A_167, %add3A_178, %and3A_170] : memref<25x32x128xf32, #tpu.memory_space<vmem>>[vector<16xi32>, vector<16xi32>, vector<16xi32>], vector<16xf32>,
          %add3A_179 = vector.broadcast %rem3A_121 : i32 to vector<16xi32>
          %add3A_180 = arith.addi %add3A_179, %broadcast_in_dim3A_151 : vector<16xi32>
          %add3A_181 = arith.constant 0 : i32
          %add3A_182 = vector.broadcast %add3A_181 : i32 to vector<16xi32>
          %add3A_183 = arith.addi %add3A_182, %iota3A : vector<16xi32>
          %add3A_184 = arith.constant 0 : i32
          %add3A_185 = vector.broadcast %add3A_184 : i32 to vector<16xi32>
          %add3A_186 = arith.addi %add3A_185, %broadcast_in_dim3A_151 : vector<16xi32>
          tpu.vector_store_idx %arg9[%add3A_180, %add3A_183, %add3A_186], %gather3A : memref<2x64x128xf32, #tpu.memory_space<vmem>>[vector<16xi32>, vector<16xi32>, vector<16xi32>], vector<16xf32>,
          %add3A_187 = arith.constant 1 : i32
          %add3A_188 = vector.broadcast %add3A_187 : i32 to vector<16xi32>
          %add3A_189 = arith.addi %add3A_188, %broadcast_in_dim3A_151 : vector<16xi32>
          %gather3A_190 = tpu.vector_load_idx %arg5[%shift_right_logical3A_167, %add3A_189, %and3A_170] : memref<25x32x128xf32, #tpu.memory_space<vmem>>[vector<16xi32>, vector<16xi32>, vector<16xi32>], vector<16xf32>,
          %add3A_191 = vector.broadcast %rem3A_121 : i32 to vector<16xi32>
          %add3A_192 = arith.addi %add3A_191, %broadcast_in_dim3A_151 : vector<16xi32>
          %add3A_193 = arith.constant 0 : i32
          %add3A_194 = vector.broadcast %add3A_193 : i32 to vector<16xi32>
          %add3A_195 = arith.addi %add3A_194, %iota3A : vector<16xi32>
          %add3A_196 = arith.constant 1 : i32
          %add3A_197 = vector.broadcast %add3A_196 : i32 to vector<16xi32>
          %add3A_198 = arith.addi %add3A_197, %broadcast_in_dim3A_151 : vector<16xi32>
          tpu.vector_store_idx %arg9[%add3A_192, %add3A_195, %add3A_198], %gather3A_190 : memref<2x64x128xf32, #tpu.memory_space<vmem>>[vector<16xi32>, vector<16xi32>, vector<16xi32>], vector<16xf32>,
          %add3A_199 = arith.constant 2 : i32
          %add3A_200 = vector.broadcast %add3A_199 : i32 to vector<16xi32>
          %add3A_201 = arith.addi %add3A_200, %broadcast_in_dim3A_151 : vector<16xi32>
          %gather3A_202 = tpu.vector_load_idx %arg5[%shift_right_logical3A_167, %add3A_201, %and3A_170] : memref<25x32x128xf32, #tpu.memory_space<vmem>>[vector<16xi32>, vector<16xi32>, vector<16xi32>], vector<16xf32>,
          %add3A_203 = vector.broadcast %rem3A_121 : i32 to vector<16xi32>
          %add3A_204 = arith.addi %add3A_203, %broadcast_in_dim3A_151 : vector<16xi32>
          %add3A_205 = arith.constant 0 : i32
          %add3A_206 = vector.broadcast %add3A_205 : i32 to vector<16xi32>
          %add3A_207 = arith.addi %add3A_206, %iota3A : vector<16xi32>
          %add3A_208 = arith.constant 2 : i32
          %add3A_209 = vector.broadcast %add3A_208 : i32 to vector<16xi32>
          %add3A_210 = arith.addi %add3A_209, %broadcast_in_dim3A_151 : vector<16xi32>
          tpu.vector_store_idx %arg9[%add3A_204, %add3A_207, %add3A_210], %gather3A_202 : memref<2x64x128xf32, #tpu.memory_space<vmem>>[vector<16xi32>, vector<16xi32>, vector<16xi32>], vector<16xf32>,
          %add3A_211 = arith.constant 3 : i32
          %add3A_212 = vector.broadcast %add3A_211 : i32 to vector<16xi32>
          %add3A_213 = arith.addi %add3A_212, %broadcast_in_dim3A_151 : vector<16xi32>
          %gather3A_214 = tpu.vector_load_idx %arg5[%shift_right_logical3A_167, %add3A_213, %and3A_170] : memref<25x32x128xf32, #tpu.memory_space<vmem>>[vector<16xi32>, vector<16xi32>, vector<16xi32>], vector<16xf32>,
          %add3A_215 = vector.broadcast %rem3A_121 : i32 to vector<16xi32>
          %add3A_216 = arith.addi %add3A_215, %broadcast_in_dim3A_151 : vector<16xi32>
          %add3A_217 = arith.constant 0 : i32
          %add3A_218 = vector.broadcast %add3A_217 : i32 to vector<16xi32>
          %add3A_219 = arith.addi %add3A_218, %iota3A : vector<16xi32>
          %add3A_220 = arith.constant 3 : i32
          %add3A_221 = vector.broadcast %add3A_220 : i32 to vector<16xi32>
          %add3A_222 = arith.addi %add3A_221, %broadcast_in_dim3A_151 : vector<16xi32>
          tpu.vector_store_idx %arg9[%add3A_216, %add3A_219, %add3A_222], %gather3A_214 : memref<2x64x128xf32, #tpu.memory_space<vmem>>[vector<16xi32>, vector<16xi32>, vector<16xi32>], vector<16xf32>,
          %add3A_223 = arith.constant 4 : i32
          %add3A_224 = vector.broadcast %add3A_223 : i32 to vector<16xi32>
          %add3A_225 = arith.addi %add3A_224, %broadcast_in_dim3A_151 : vector<16xi32>
          %gather3A_226 = tpu.vector_load_idx %arg5[%shift_right_logical3A_167, %add3A_225, %and3A_170] : memref<25x32x128xf32, #tpu.memory_space<vmem>>[vector<16xi32>, vector<16xi32>, vector<16xi32>], vector<16xf32>,
          %add3A_227 = vector.broadcast %rem3A_121 : i32 to vector<16xi32>
          %add3A_228 = arith.addi %add3A_227, %broadcast_in_dim3A_151 : vector<16xi32>
          %add3A_229 = arith.constant 0 : i32
          %add3A_230 = vector.broadcast %add3A_229 : i32 to vector<16xi32>
          %add3A_231 = arith.addi %add3A_230, %iota3A : vector<16xi32>
          %add3A_232 = arith.constant 4 : i32
          %add3A_233 = vector.broadcast %add3A_232 : i32 to vector<16xi32>
          %add3A_234 = arith.addi %add3A_233, %broadcast_in_dim3A_151 : vector<16xi32>
          tpu.vector_store_idx %arg9[%add3A_228, %add3A_231, %add3A_234], %gather3A_226 : memref<2x64x128xf32, #tpu.memory_space<vmem>>[vector<16xi32>, vector<16xi32>, vector<16xi32>], vector<16xf32>,
          %add3A_235 = arith.constant 5 : i32
          %add3A_236 = vector.broadcast %add3A_235 : i32 to vector<16xi32>
          %add3A_237 = arith.addi %add3A_236, %broadcast_in_dim3A_151 : vector<16xi32>
          %gather3A_238 = tpu.vector_load_idx %arg5[%shift_right_logical3A_167, %add3A_237, %and3A_170] : memref<25x32x128xf32, #tpu.memory_space<vmem>>[vector<16xi32>, vector<16xi32>, vector<16xi32>], vector<16xf32>,
          %add3A_239 = vector.broadcast %rem3A_121 : i32 to vector<16xi32>
          %add3A_240 = arith.addi %add3A_239, %broadcast_in_dim3A_151 : vector<16xi32>
          %add3A_241 = arith.constant 0 : i32
          %add3A_242 = vector.broadcast %add3A_241 : i32 to vector<16xi32>
          %add3A_243 = arith.addi %add3A_242, %iota3A : vector<16xi32>
          %add3A_244 = arith.constant 5 : i32
          %add3A_245 = vector.broadcast %add3A_244 : i32 to vector<16xi32>
          %add3A_246 = arith.addi %add3A_245, %broadcast_in_dim3A_151 : vector<16xi32>
          tpu.vector_store_idx %arg9[%add3A_240, %add3A_243, %add3A_246], %gather3A_238 : memref<2x64x128xf32, #tpu.memory_space<vmem>>[vector<16xi32>, vector<16xi32>, vector<16xi32>], vector<16xf32>,
          %add3A_247 = arith.constant 6 : i32
          %add3A_248 = vector.broadcast %add3A_247 : i32 to vector<16xi32>
          %add3A_249 = arith.addi %add3A_248, %broadcast_in_dim3A_151 : vector<16xi32>
          %gather3A_250 = tpu.vector_load_idx %arg5[%shift_right_logical3A_167, %add3A_249, %and3A_170] : memref<25x32x128xf32, #tpu.memory_space<vmem>>[vector<16xi32>, vector<16xi32>, vector<16xi32>], vector<16xf32>,
          %add3A_251 = vector.broadcast %rem3A_121 : i32 to vector<16xi32>
          %add3A_252 = arith.addi %add3A_251, %broadcast_in_dim3A_151 : vector<16xi32>
          %add3A_253 = arith.constant 0 : i32
          %add3A_254 = vector.broadcast %add3A_253 : i32 to vector<16xi32>
          %add3A_255 = arith.addi %add3A_254, %iota3A : vector<16xi32>
          %add3A_256 = arith.constant 6 : i32
          %add3A_257 = vector.broadcast %add3A_256 : i32 to vector<16xi32>
          %add3A_258 = arith.addi %add3A_257, %broadcast_in_dim3A_151 : vector<16xi32>
          tpu.vector_store_idx %arg9[%add3A_252, %add3A_255, %add3A_258], %gather3A_250 : memref<2x64x128xf32, #tpu.memory_space<vmem>>[vector<16xi32>, vector<16xi32>, vector<16xi32>], vector<16xf32>,
          %add3A_259 = arith.constant 7 : i32
          %add3A_260 = vector.broadcast %add3A_259 : i32 to vector<16xi32>
          %add3A_261 = arith.addi %add3A_260, %broadcast_in_dim3A_151 : vector<16xi32>
          %gather3A_262 = tpu.vector_load_idx %arg5[%shift_right_logical3A_167, %add3A_261, %and3A_170] : memref<25x32x128xf32, #tpu.memory_space<vmem>>[vector<16xi32>, vector<16xi32>, vector<16xi32>], vector<16xf32>,
          %add3A_263 = vector.broadcast %rem3A_121 : i32 to vector<16xi32>
          %add3A_264 = arith.addi %add3A_263, %broadcast_in_dim3A_151 : vector<16xi32>
          %add3A_265 = arith.constant 0 : i32
          %add3A_266 = vector.broadcast %add3A_265 : i32 to vector<16xi32>
          %add3A_267 = arith.addi %add3A_266, %iota3A : vector<16xi32>
          %add3A_268 = arith.constant 7 : i32
          %add3A_269 = vector.broadcast %add3A_268 : i32 to vector<16xi32>
          %add3A_270 = arith.addi %add3A_269, %broadcast_in_dim3A_151 : vector<16xi32>
          tpu.vector_store_idx %arg9[%add3A_264, %add3A_267, %add3A_270], %gather3A_262 : memref<2x64x128xf32, #tpu.memory_space<vmem>>[vector<16xi32>, vector<16xi32>, vector<16xi32>], vector<16xf32>,
          %add3A_271 = arith.constant 8 : i32
          %add3A_272 = vector.broadcast %add3A_271 : i32 to vector<16xi32>
          %add3A_273 = arith.addi %add3A_272, %broadcast_in_dim3A_151 : vector<16xi32>
          %gather3A_274 = tpu.vector_load_idx %arg5[%shift_right_logical3A_167, %add3A_273, %and3A_170] : memref<25x32x128xf32, #tpu.memory_space<vmem>>[vector<16xi32>, vector<16xi32>, vector<16xi32>], vector<16xf32>,
          %add3A_275 = vector.broadcast %rem3A_121 : i32 to vector<16xi32>
          %add3A_276 = arith.addi %add3A_275, %broadcast_in_dim3A_151 : vector<16xi32>
          %add3A_277 = arith.constant 0 : i32
          %add3A_278 = vector.broadcast %add3A_277 : i32 to vector<16xi32>
          %add3A_279 = arith.addi %add3A_278, %iota3A : vector<16xi32>
          %add3A_280 = arith.constant 8 : i32
          %add3A_281 = vector.broadcast %add3A_280 : i32 to vector<16xi32>
          %add3A_282 = arith.addi %add3A_281, %broadcast_in_dim3A_151 : vector<16xi32>
          tpu.vector_store_idx %arg9[%add3A_276, %add3A_279, %add3A_282], %gather3A_274 : memref<2x64x128xf32, #tpu.memory_space<vmem>>[vector<16xi32>, vector<16xi32>, vector<16xi32>], vector<16xf32>,
          %add3A_283 = arith.constant 9 : i32
          %add3A_284 = vector.broadcast %add3A_283 : i32 to vector<16xi32>
          %add3A_285 = arith.addi %add3A_284, %broadcast_in_dim3A_151 : vector<16xi32>
          %gather3A_286 = tpu.vector_load_idx %arg5[%shift_right_logical3A_167, %add3A_285, %and3A_170] : memref<25x32x128xf32, #tpu.memory_space<vmem>>[vector<16xi32>, vector<16xi32>, vector<16xi32>], vector<16xf32>,
          %add3A_287 = vector.broadcast %rem3A_121 : i32 to vector<16xi32>
          %add3A_288 = arith.addi %add3A_287, %broadcast_in_dim3A_151 : vector<16xi32>
          %add3A_289 = arith.constant 0 : i32
          %add3A_290 = vector.broadcast %add3A_289 : i32 to vector<16xi32>
          %add3A_291 = arith.addi %add3A_290, %iota3A : vector<16xi32>
          %add3A_292 = arith.constant 9 : i32
          %add3A_293 = vector.broadcast %add3A_292 : i32 to vector<16xi32>
          %add3A_294 = arith.addi %add3A_293, %broadcast_in_dim3A_151 : vector<16xi32>
          tpu.vector_store_idx %arg9[%add3A_288, %add3A_291, %add3A_294], %gather3A_286 : memref<2x64x128xf32, #tpu.memory_space<vmem>>[vector<16xi32>, vector<16xi32>, vector<16xi32>], vector<16xf32>,
          %add3A_295 = arith.constant 10 : i32
          %add3A_296 = vector.broadcast %add3A_295 : i32 to vector<16xi32>
          %add3A_297 = arith.addi %add3A_296, %broadcast_in_dim3A_151 : vector<16xi32>
          %gather3A_298 = tpu.vector_load_idx %arg5[%shift_right_logical3A_167, %add3A_297, %and3A_170] : memref<25x32x128xf32, #tpu.memory_space<vmem>>[vector<16xi32>, vector<16xi32>, vector<16xi32>], vector<16xf32>,
          %add3A_299 = vector.broadcast %rem3A_121 : i32 to vector<16xi32>
          %add3A_300 = arith.addi %add3A_299, %broadcast_in_dim3A_151 : vector<16xi32>
          %add3A_301 = arith.constant 0 : i32
          %add3A_302 = vector.broadcast %add3A_301 : i32 to vector<16xi32>
          %add3A_303 = arith.addi %add3A_302, %iota3A : vector<16xi32>
          %add3A_304 = arith.constant 10 : i32
          %add3A_305 = vector.broadcast %add3A_304 : i32 to vector<16xi32>
          %add3A_306 = arith.addi %add3A_305, %broadcast_in_dim3A_151 : vector<16xi32>
          tpu.vector_store_idx %arg9[%add3A_300, %add3A_303, %add3A_306], %gather3A_298 : memref<2x64x128xf32, #tpu.memory_space<vmem>>[vector<16xi32>, vector<16xi32>, vector<16xi32>], vector<16xf32>,
          %add3A_307 = arith.constant 11 : i32
          %add3A_308 = vector.broadcast %add3A_307 : i32 to vector<16xi32>
          %add3A_309 = arith.addi %add3A_308, %broadcast_in_dim3A_151 : vector<16xi32>
          %gather3A_310 = tpu.vector_load_idx %arg5[%shift_right_logical3A_167, %add3A_309, %and3A_170] : memref<25x32x128xf32, #tpu.memory_space<vmem>>[vector<16xi32>, vector<16xi32>, vector<16xi32>], vector<16xf32>,
          %add3A_311 = vector.broadcast %rem3A_121 : i32 to vector<16xi32>
          %add3A_312 = arith.addi %add3A_311, %broadcast_in_dim3A_151 : vector<16xi32>
          %add3A_313 = arith.constant 0 : i32
          %add3A_314 = vector.broadcast %add3A_313 : i32 to vector<16xi32>
          %add3A_315 = arith.addi %add3A_314, %iota3A : vector<16xi32>
          %add3A_316 = arith.constant 11 : i32
          %add3A_317 = vector.broadcast %add3A_316 : i32 to vector<16xi32>
          %add3A_318 = arith.addi %add3A_317, %broadcast_in_dim3A_151 : vector<16xi32>
          tpu.vector_store_idx %arg9[%add3A_312, %add3A_315, %add3A_318], %gather3A_310 : memref<2x64x128xf32, #tpu.memory_space<vmem>>[vector<16xi32>, vector<16xi32>, vector<16xi32>], vector<16xf32>,
          %add3A_319 = arith.constant 12 : i32
          %add3A_320 = vector.broadcast %add3A_319 : i32 to vector<16xi32>
          %add3A_321 = arith.addi %add3A_320, %broadcast_in_dim3A_151 : vector<16xi32>
          %gather3A_322 = tpu.vector_load_idx %arg5[%shift_right_logical3A_167, %add3A_321, %and3A_170] : memref<25x32x128xf32, #tpu.memory_space<vmem>>[vector<16xi32>, vector<16xi32>, vector<16xi32>], vector<16xf32>,
          %add3A_323 = vector.broadcast %rem3A_121 : i32 to vector<16xi32>
          %add3A_324 = arith.addi %add3A_323, %broadcast_in_dim3A_151 : vector<16xi32>
          %add3A_325 = arith.constant 0 : i32
          %add3A_326 = vector.broadcast %add3A_325 : i32 to vector<16xi32>
          %add3A_327 = arith.addi %add3A_326, %iota3A : vector<16xi32>
          %add3A_328 = arith.constant 12 : i32
          %add3A_329 = vector.broadcast %add3A_328 : i32 to vector<16xi32>
          %add3A_330 = arith.addi %add3A_329, %broadcast_in_dim3A_151 : vector<16xi32>
          tpu.vector_store_idx %arg9[%add3A_324, %add3A_327, %add3A_330], %gather3A_322 : memref<2x64x128xf32, #tpu.memory_space<vmem>>[vector<16xi32>, vector<16xi32>, vector<16xi32>], vector<16xf32>,
          %add3A_331 = arith.constant 13 : i32
          %add3A_332 = vector.broadcast %add3A_331 : i32 to vector<16xi32>
          %add3A_333 = arith.addi %add3A_332, %broadcast_in_dim3A_151 : vector<16xi32>
          %gather3A_334 = tpu.vector_load_idx %arg5[%shift_right_logical3A_167, %add3A_333, %and3A_170] : memref<25x32x128xf32, #tpu.memory_space<vmem>>[vector<16xi32>, vector<16xi32>, vector<16xi32>], vector<16xf32>,
          %add3A_335 = vector.broadcast %rem3A_121 : i32 to vector<16xi32>
          %add3A_336 = arith.addi %add3A_335, %broadcast_in_dim3A_151 : vector<16xi32>
          %add3A_337 = arith.constant 0 : i32
          %add3A_338 = vector.broadcast %add3A_337 : i32 to vector<16xi32>
          %add3A_339 = arith.addi %add3A_338, %iota3A : vector<16xi32>
          %add3A_340 = arith.constant 13 : i32
          %add3A_341 = vector.broadcast %add3A_340 : i32 to vector<16xi32>
          %add3A_342 = arith.addi %add3A_341, %broadcast_in_dim3A_151 : vector<16xi32>
          tpu.vector_store_idx %arg9[%add3A_336, %add3A_339, %add3A_342], %gather3A_334 : memref<2x64x128xf32, #tpu.memory_space<vmem>>[vector<16xi32>, vector<16xi32>, vector<16xi32>], vector<16xf32>,
          %add3A_343 = arith.constant 14 : i32
          %add3A_344 = vector.broadcast %add3A_343 : i32 to vector<16xi32>
          %add3A_345 = arith.addi %add3A_344, %broadcast_in_dim3A_151 : vector<16xi32>
          %gather3A_346 = tpu.vector_load_idx %arg5[%shift_right_logical3A_167, %add3A_345, %and3A_170] : memref<25x32x128xf32, #tpu.memory_space<vmem>>[vector<16xi32>, vector<16xi32>, vector<16xi32>], vector<16xf32>,
          %add3A_347 = vector.broadcast %rem3A_121 : i32 to vector<16xi32>
          %add3A_348 = arith.addi %add3A_347, %broadcast_in_dim3A_151 : vector<16xi32>
          %add3A_349 = arith.constant 0 : i32
          %add3A_350 = vector.broadcast %add3A_349 : i32 to vector<16xi32>
          %add3A_351 = arith.addi %add3A_350, %iota3A : vector<16xi32>
          %add3A_352 = arith.constant 14 : i32
          %add3A_353 = vector.broadcast %add3A_352 : i32 to vector<16xi32>
          %add3A_354 = arith.addi %add3A_353, %broadcast_in_dim3A_151 : vector<16xi32>
          tpu.vector_store_idx %arg9[%add3A_348, %add3A_351, %add3A_354], %gather3A_346 : memref<2x64x128xf32, #tpu.memory_space<vmem>>[vector<16xi32>, vector<16xi32>, vector<16xi32>], vector<16xf32>,
          %add3A_355 = arith.constant 15 : i32
          %add3A_356 = vector.broadcast %add3A_355 : i32 to vector<16xi32>
          %add3A_357 = arith.addi %add3A_356, %broadcast_in_dim3A_151 : vector<16xi32>
          %gather3A_358 = tpu.vector_load_idx %arg5[%shift_right_logical3A_167, %add3A_357, %and3A_170] : memref<25x32x128xf32, #tpu.memory_space<vmem>>[vector<16xi32>, vector<16xi32>, vector<16xi32>], vector<16xf32>,
          %add3A_359 = vector.broadcast %rem3A_121 : i32 to vector<16xi32>
          %add3A_360 = arith.addi %add3A_359, %broadcast_in_dim3A_151 : vector<16xi32>
          %add3A_361 = arith.constant 0 : i32
          %add3A_362 = vector.broadcast %add3A_361 : i32 to vector<16xi32>
          %add3A_363 = arith.addi %add3A_362, %iota3A : vector<16xi32>
          %add3A_364 = arith.constant 15 : i32
          %add3A_365 = vector.broadcast %add3A_364 : i32 to vector<16xi32>
          %add3A_366 = arith.addi %add3A_365, %broadcast_in_dim3A_151 : vector<16xi32>
          tpu.vector_store_idx %arg9[%add3A_360, %add3A_363, %add3A_366], %gather3A_358 : memref<2x64x128xf32, #tpu.memory_space<vmem>>[vector<16xi32>, vector<16xi32>, vector<16xi32>], vector<16xf32>,
          %add3A_367 = arith.constant 16 : i32
          %add3A_368 = vector.broadcast %add3A_367 : i32 to vector<16xi32>
          %add3A_369 = arith.addi %add3A_368, %broadcast_in_dim3A_151 : vector<16xi32>
          %gather3A_370 = tpu.vector_load_idx %arg5[%shift_right_logical3A_167, %add3A_369, %and3A_170] : memref<25x32x128xf32, #tpu.memory_space<vmem>>[vector<16xi32>, vector<16xi32>, vector<16xi32>], vector<16xf32>,
          %add3A_371 = vector.broadcast %rem3A_121 : i32 to vector<16xi32>
          %add3A_372 = arith.addi %add3A_371, %broadcast_in_dim3A_151 : vector<16xi32>
          %add3A_373 = arith.constant 0 : i32
          %add3A_374 = vector.broadcast %add3A_373 : i32 to vector<16xi32>
          %add3A_375 = arith.addi %add3A_374, %iota3A : vector<16xi32>
          %add3A_376 = arith.constant 16 : i32
          %add3A_377 = vector.broadcast %add3A_376 : i32 to vector<16xi32>
          %add3A_378 = arith.addi %add3A_377, %broadcast_in_dim3A_151 : vector<16xi32>
          tpu.vector_store_idx %arg9[%add3A_372, %add3A_375, %add3A_378], %gather3A_370 : memref<2x64x128xf32, #tpu.memory_space<vmem>>[vector<16xi32>, vector<16xi32>, vector<16xi32>], vector<16xf32>,
          %add3A_379 = arith.constant 17 : i32
          %add3A_380 = vector.broadcast %add3A_379 : i32 to vector<16xi32>
          %add3A_381 = arith.addi %add3A_380, %broadcast_in_dim3A_151 : vector<16xi32>
          %gather3A_382 = tpu.vector_load_idx %arg5[%shift_right_logical3A_167, %add3A_381, %and3A_170] : memref<25x32x128xf32, #tpu.memory_space<vmem>>[vector<16xi32>, vector<16xi32>, vector<16xi32>], vector<16xf32>,
          %add3A_383 = vector.broadcast %rem3A_121 : i32 to vector<16xi32>
          %add3A_384 = arith.addi %add3A_383, %broadcast_in_dim3A_151 : vector<16xi32>
          %add3A_385 = arith.constant 0 : i32
          %add3A_386 = vector.broadcast %add3A_385 : i32 to vector<16xi32>
          %add3A_387 = arith.addi %add3A_386, %iota3A : vector<16xi32>
          %add3A_388 = arith.constant 17 : i32
          %add3A_389 = vector.broadcast %add3A_388 : i32 to vector<16xi32>
          %add3A_390 = arith.addi %add3A_389, %broadcast_in_dim3A_151 : vector<16xi32>
          tpu.vector_store_idx %arg9[%add3A_384, %add3A_387, %add3A_390], %gather3A_382 : memref<2x64x128xf32, #tpu.memory_space<vmem>>[vector<16xi32>, vector<16xi32>, vector<16xi32>], vector<16xf32>,
          %add3A_391 = arith.constant 18 : i32
          %add3A_392 = vector.broadcast %add3A_391 : i32 to vector<16xi32>
          %add3A_393 = arith.addi %add3A_392, %broadcast_in_dim3A_151 : vector<16xi32>
          %gather3A_394 = tpu.vector_load_idx %arg5[%shift_right_logical3A_167, %add3A_393, %and3A_170] : memref<25x32x128xf32, #tpu.memory_space<vmem>>[vector<16xi32>, vector<16xi32>, vector<16xi32>], vector<16xf32>,
          %add3A_395 = vector.broadcast %rem3A_121 : i32 to vector<16xi32>
          %add3A_396 = arith.addi %add3A_395, %broadcast_in_dim3A_151 : vector<16xi32>
          %add3A_397 = arith.constant 0 : i32
          %add3A_398 = vector.broadcast %add3A_397 : i32 to vector<16xi32>
          %add3A_399 = arith.addi %add3A_398, %iota3A : vector<16xi32>
          %add3A_400 = arith.constant 18 : i32
          %add3A_401 = vector.broadcast %add3A_400 : i32 to vector<16xi32>
          %add3A_402 = arith.addi %add3A_401, %broadcast_in_dim3A_151 : vector<16xi32>
          tpu.vector_store_idx %arg9[%add3A_396, %add3A_399, %add3A_402], %gather3A_394 : memref<2x64x128xf32, #tpu.memory_space<vmem>>[vector<16xi32>, vector<16xi32>, vector<16xi32>], vector<16xf32>,
          %add3A_403 = arith.constant 19 : i32
          %add3A_404 = vector.broadcast %add3A_403 : i32 to vector<16xi32>
          %add3A_405 = arith.addi %add3A_404, %broadcast_in_dim3A_151 : vector<16xi32>
          %gather3A_406 = tpu.vector_load_idx %arg5[%shift_right_logical3A_167, %add3A_405, %and3A_170] : memref<25x32x128xf32, #tpu.memory_space<vmem>>[vector<16xi32>, vector<16xi32>, vector<16xi32>], vector<16xf32>,
          %add3A_407 = vector.broadcast %rem3A_121 : i32 to vector<16xi32>
          %add3A_408 = arith.addi %add3A_407, %broadcast_in_dim3A_151 : vector<16xi32>
          %add3A_409 = arith.constant 0 : i32
          %add3A_410 = vector.broadcast %add3A_409 : i32 to vector<16xi32>
          %add3A_411 = arith.addi %add3A_410, %iota3A : vector<16xi32>
          %add3A_412 = arith.constant 19 : i32
          %add3A_413 = vector.broadcast %add3A_412 : i32 to vector<16xi32>
          %add3A_414 = arith.addi %add3A_413, %broadcast_in_dim3A_151 : vector<16xi32>
          tpu.vector_store_idx %arg9[%add3A_408, %add3A_411, %add3A_414], %gather3A_406 : memref<2x64x128xf32, #tpu.memory_space<vmem>>[vector<16xi32>, vector<16xi32>, vector<16xi32>], vector<16xf32>,
          %add3A_415 = arith.constant 20 : i32
          %add3A_416 = vector.broadcast %add3A_415 : i32 to vector<16xi32>
          %add3A_417 = arith.addi %add3A_416, %broadcast_in_dim3A_151 : vector<16xi32>
          %gather3A_418 = tpu.vector_load_idx %arg5[%shift_right_logical3A_167, %add3A_417, %and3A_170] : memref<25x32x128xf32, #tpu.memory_space<vmem>>[vector<16xi32>, vector<16xi32>, vector<16xi32>], vector<16xf32>,
          %add3A_419 = vector.broadcast %rem3A_121 : i32 to vector<16xi32>
          %add3A_420 = arith.addi %add3A_419, %broadcast_in_dim3A_151 : vector<16xi32>
          %add3A_421 = arith.constant 0 : i32
          %add3A_422 = vector.broadcast %add3A_421 : i32 to vector<16xi32>
          %add3A_423 = arith.addi %add3A_422, %iota3A : vector<16xi32>
          %add3A_424 = arith.constant 20 : i32
          %add3A_425 = vector.broadcast %add3A_424 : i32 to vector<16xi32>
          %add3A_426 = arith.addi %add3A_425, %broadcast_in_dim3A_151 : vector<16xi32>
          tpu.vector_store_idx %arg9[%add3A_420, %add3A_423, %add3A_426], %gather3A_418 : memref<2x64x128xf32, #tpu.memory_space<vmem>>[vector<16xi32>, vector<16xi32>, vector<16xi32>], vector<16xf32>,
          %add3A_427 = arith.constant 21 : i32
          %add3A_428 = vector.broadcast %add3A_427 : i32 to vector<16xi32>
          %add3A_429 = arith.addi %add3A_428, %broadcast_in_dim3A_151 : vector<16xi32>
          %gather3A_430 = tpu.vector_load_idx %arg5[%shift_right_logical3A_167, %add3A_429, %and3A_170] : memref<25x32x128xf32, #tpu.memory_space<vmem>>[vector<16xi32>, vector<16xi32>, vector<16xi32>], vector<16xf32>,
          %add3A_431 = vector.broadcast %rem3A_121 : i32 to vector<16xi32>
          %add3A_432 = arith.addi %add3A_431, %broadcast_in_dim3A_151 : vector<16xi32>
          %add3A_433 = arith.constant 0 : i32
          %add3A_434 = vector.broadcast %add3A_433 : i32 to vector<16xi32>
          %add3A_435 = arith.addi %add3A_434, %iota3A : vector<16xi32>
          %add3A_436 = arith.constant 21 : i32
          %add3A_437 = vector.broadcast %add3A_436 : i32 to vector<16xi32>
          %add3A_438 = arith.addi %add3A_437, %broadcast_in_dim3A_151 : vector<16xi32>
          tpu.vector_store_idx %arg9[%add3A_432, %add3A_435, %add3A_438], %gather3A_430 : memref<2x64x128xf32, #tpu.memory_space<vmem>>[vector<16xi32>, vector<16xi32>, vector<16xi32>], vector<16xf32>,
          %add3A_439 = arith.constant 22 : i32
          %add3A_440 = vector.broadcast %add3A_439 : i32 to vector<16xi32>
          %add3A_441 = arith.addi %add3A_440, %broadcast_in_dim3A_151 : vector<16xi32>
          %gather3A_442 = tpu.vector_load_idx %arg5[%shift_right_logical3A_167, %add3A_441, %and3A_170] : memref<25x32x128xf32, #tpu.memory_space<vmem>>[vector<16xi32>, vector<16xi32>, vector<16xi32>], vector<16xf32>,
          %add3A_443 = vector.broadcast %rem3A_121 : i32 to vector<16xi32>
          %add3A_444 = arith.addi %add3A_443, %broadcast_in_dim3A_151 : vector<16xi32>
          %add3A_445 = arith.constant 0 : i32
          %add3A_446 = vector.broadcast %add3A_445 : i32 to vector<16xi32>
          %add3A_447 = arith.addi %add3A_446, %iota3A : vector<16xi32>
          %add3A_448 = arith.constant 22 : i32
          %add3A_449 = vector.broadcast %add3A_448 : i32 to vector<16xi32>
          %add3A_450 = arith.addi %add3A_449, %broadcast_in_dim3A_151 : vector<16xi32>
          tpu.vector_store_idx %arg9[%add3A_444, %add3A_447, %add3A_450], %gather3A_442 : memref<2x64x128xf32, #tpu.memory_space<vmem>>[vector<16xi32>, vector<16xi32>, vector<16xi32>], vector<16xf32>,
          %add3A_451 = arith.constant 23 : i32
          %add3A_452 = vector.broadcast %add3A_451 : i32 to vector<16xi32>
          %add3A_453 = arith.addi %add3A_452, %broadcast_in_dim3A_151 : vector<16xi32>
          %gather3A_454 = tpu.vector_load_idx %arg5[%shift_right_logical3A_167, %add3A_453, %and3A_170] : memref<25x32x128xf32, #tpu.memory_space<vmem>>[vector<16xi32>, vector<16xi32>, vector<16xi32>], vector<16xf32>,
          %add3A_455 = vector.broadcast %rem3A_121 : i32 to vector<16xi32>
          %add3A_456 = arith.addi %add3A_455, %broadcast_in_dim3A_151 : vector<16xi32>
          %add3A_457 = arith.constant 0 : i32
          %add3A_458 = vector.broadcast %add3A_457 : i32 to vector<16xi32>
          %add3A_459 = arith.addi %add3A_458, %iota3A : vector<16xi32>
          %add3A_460 = arith.constant 23 : i32
          %add3A_461 = vector.broadcast %add3A_460 : i32 to vector<16xi32>
          %add3A_462 = arith.addi %add3A_461, %broadcast_in_dim3A_151 : vector<16xi32>
          tpu.vector_store_idx %arg9[%add3A_456, %add3A_459, %add3A_462], %gather3A_454 : memref<2x64x128xf32, #tpu.memory_space<vmem>>[vector<16xi32>, vector<16xi32>, vector<16xi32>], vector<16xf32>,
          %add3A_463 = arith.constant 24 : i32
          %add3A_464 = vector.broadcast %add3A_463 : i32 to vector<16xi32>
          %add3A_465 = arith.addi %add3A_464, %broadcast_in_dim3A_151 : vector<16xi32>
          %gather3A_466 = tpu.vector_load_idx %arg5[%shift_right_logical3A_167, %add3A_465, %and3A_170] : memref<25x32x128xf32, #tpu.memory_space<vmem>>[vector<16xi32>, vector<16xi32>, vector<16xi32>], vector<16xf32>,
          %add3A_467 = vector.broadcast %rem3A_121 : i32 to vector<16xi32>
          %add3A_468 = arith.addi %add3A_467, %broadcast_in_dim3A_151 : vector<16xi32>
          %add3A_469 = arith.constant 0 : i32
          %add3A_470 = vector.broadcast %add3A_469 : i32 to vector<16xi32>
          %add3A_471 = arith.addi %add3A_470, %iota3A : vector<16xi32>
          %add3A_472 = arith.constant 24 : i32
          %add3A_473 = vector.broadcast %add3A_472 : i32 to vector<16xi32>
          %add3A_474 = arith.addi %add3A_473, %broadcast_in_dim3A_151 : vector<16xi32>
          tpu.vector_store_idx %arg9[%add3A_468, %add3A_471, %add3A_474], %gather3A_466 : memref<2x64x128xf32, #tpu.memory_space<vmem>>[vector<16xi32>, vector<16xi32>, vector<16xi32>], vector<16xf32>,
          %add3A_475 = arith.constant 25 : i32
          %add3A_476 = vector.broadcast %add3A_475 : i32 to vector<16xi32>
          %add3A_477 = arith.addi %add3A_476, %broadcast_in_dim3A_151 : vector<16xi32>
          %gather3A_478 = tpu.vector_load_idx %arg5[%shift_right_logical3A_167, %add3A_477, %and3A_170] : memref<25x32x128xf32, #tpu.memory_space<vmem>>[vector<16xi32>, vector<16xi32>, vector<16xi32>], vector<16xf32>,
          %add3A_479 = vector.broadcast %rem3A_121 : i32 to vector<16xi32>
          %add3A_480 = arith.addi %add3A_479, %broadcast_in_dim3A_151 : vector<16xi32>
          %add3A_481 = arith.constant 0 : i32
          %add3A_482 = vector.broadcast %add3A_481 : i32 to vector<16xi32>
          %add3A_483 = arith.addi %add3A_482, %iota3A : vector<16xi32>
          %add3A_484 = arith.constant 25 : i32
          %add3A_485 = vector.broadcast %add3A_484 : i32 to vector<16xi32>
          %add3A_486 = arith.addi %add3A_485, %broadcast_in_dim3A_151 : vector<16xi32>
          tpu.vector_store_idx %arg9[%add3A_480, %add3A_483, %add3A_486], %gather3A_478 : memref<2x64x128xf32, #tpu.memory_space<vmem>>[vector<16xi32>, vector<16xi32>, vector<16xi32>], vector<16xf32>,
          %add3A_487 = arith.constant 26 : i32
          %add3A_488 = vector.broadcast %add3A_487 : i32 to vector<16xi32>
          %add3A_489 = arith.addi %add3A_488, %broadcast_in_dim3A_151 : vector<16xi32>
          %gather3A_490 = tpu.vector_load_idx %arg5[%shift_right_logical3A_167, %add3A_489, %and3A_170] : memref<25x32x128xf32, #tpu.memory_space<vmem>>[vector<16xi32>, vector<16xi32>, vector<16xi32>], vector<16xf32>,
          %add3A_491 = vector.broadcast %rem3A_121 : i32 to vector<16xi32>
          %add3A_492 = arith.addi %add3A_491, %broadcast_in_dim3A_151 : vector<16xi32>
          %add3A_493 = arith.constant 0 : i32
          %add3A_494 = vector.broadcast %add3A_493 : i32 to vector<16xi32>
          %add3A_495 = arith.addi %add3A_494, %iota3A : vector<16xi32>
          %add3A_496 = arith.constant 26 : i32
          %add3A_497 = vector.broadcast %add3A_496 : i32 to vector<16xi32>
          %add3A_498 = arith.addi %add3A_497, %broadcast_in_dim3A_151 : vector<16xi32>
          tpu.vector_store_idx %arg9[%add3A_492, %add3A_495, %add3A_498], %gather3A_490 : memref<2x64x128xf32, #tpu.memory_space<vmem>>[vector<16xi32>, vector<16xi32>, vector<16xi32>], vector<16xf32>,
          %add3A_499 = arith.constant 27 : i32
          %add3A_500 = vector.broadcast %add3A_499 : i32 to vector<16xi32>
          %add3A_501 = arith.addi %add3A_500, %broadcast_in_dim3A_151 : vector<16xi32>
          %gather3A_502 = tpu.vector_load_idx %arg5[%shift_right_logical3A_167, %add3A_501, %and3A_170] : memref<25x32x128xf32, #tpu.memory_space<vmem>>[vector<16xi32>, vector<16xi32>, vector<16xi32>], vector<16xf32>,
          %add3A_503 = vector.broadcast %rem3A_121 : i32 to vector<16xi32>
          %add3A_504 = arith.addi %add3A_503, %broadcast_in_dim3A_151 : vector<16xi32>
          %add3A_505 = arith.constant 0 : i32
          %add3A_506 = vector.broadcast %add3A_505 : i32 to vector<16xi32>
          %add3A_507 = arith.addi %add3A_506, %iota3A : vector<16xi32>
          %add3A_508 = arith.constant 27 : i32
          %add3A_509 = vector.broadcast %add3A_508 : i32 to vector<16xi32>
          %add3A_510 = arith.addi %add3A_509, %broadcast_in_dim3A_151 : vector<16xi32>
          tpu.vector_store_idx %arg9[%add3A_504, %add3A_507, %add3A_510], %gather3A_502 : memref<2x64x128xf32, #tpu.memory_space<vmem>>[vector<16xi32>, vector<16xi32>, vector<16xi32>], vector<16xf32>,
          %add3A_511 = arith.constant 28 : i32
          %add3A_512 = vector.broadcast %add3A_511 : i32 to vector<16xi32>
          %add3A_513 = arith.addi %add3A_512, %broadcast_in_dim3A_151 : vector<16xi32>
          %gather3A_514 = tpu.vector_load_idx %arg5[%shift_right_logical3A_167, %add3A_513, %and3A_170] : memref<25x32x128xf32, #tpu.memory_space<vmem>>[vector<16xi32>, vector<16xi32>, vector<16xi32>], vector<16xf32>,
          %add3A_515 = vector.broadcast %rem3A_121 : i32 to vector<16xi32>
          %add3A_516 = arith.addi %add3A_515, %broadcast_in_dim3A_151 : vector<16xi32>
          %add3A_517 = arith.constant 0 : i32
          %add3A_518 = vector.broadcast %add3A_517 : i32 to vector<16xi32>
          %add3A_519 = arith.addi %add3A_518, %iota3A : vector<16xi32>
          %add3A_520 = arith.constant 28 : i32
          %add3A_521 = vector.broadcast %add3A_520 : i32 to vector<16xi32>
          %add3A_522 = arith.addi %add3A_521, %broadcast_in_dim3A_151 : vector<16xi32>
          tpu.vector_store_idx %arg9[%add3A_516, %add3A_519, %add3A_522], %gather3A_514 : memref<2x64x128xf32, #tpu.memory_space<vmem>>[vector<16xi32>, vector<16xi32>, vector<16xi32>], vector<16xf32>,
          %add3A_523 = arith.constant 29 : i32
          %add3A_524 = vector.broadcast %add3A_523 : i32 to vector<16xi32>
          %add3A_525 = arith.addi %add3A_524, %broadcast_in_dim3A_151 : vector<16xi32>
          %gather3A_526 = tpu.vector_load_idx %arg5[%shift_right_logical3A_167, %add3A_525, %and3A_170] : memref<25x32x128xf32, #tpu.memory_space<vmem>>[vector<16xi32>, vector<16xi32>, vector<16xi32>], vector<16xf32>,
          %add3A_527 = vector.broadcast %rem3A_121 : i32 to vector<16xi32>
          %add3A_528 = arith.addi %add3A_527, %broadcast_in_dim3A_151 : vector<16xi32>
          %add3A_529 = arith.constant 0 : i32
          %add3A_530 = vector.broadcast %add3A_529 : i32 to vector<16xi32>
          %add3A_531 = arith.addi %add3A_530, %iota3A : vector<16xi32>
          %add3A_532 = arith.constant 29 : i32
          %add3A_533 = vector.broadcast %add3A_532 : i32 to vector<16xi32>
          %add3A_534 = arith.addi %add3A_533, %broadcast_in_dim3A_151 : vector<16xi32>
          tpu.vector_store_idx %arg9[%add3A_528, %add3A_531, %add3A_534], %gather3A_526 : memref<2x64x128xf32, #tpu.memory_space<vmem>>[vector<16xi32>, vector<16xi32>, vector<16xi32>], vector<16xf32>,
          %add3A_535 = arith.constant 30 : i32
          %add3A_536 = vector.broadcast %add3A_535 : i32 to vector<16xi32>
          %add3A_537 = arith.addi %add3A_536, %broadcast_in_dim3A_151 : vector<16xi32>
          %gather3A_538 = tpu.vector_load_idx %arg5[%shift_right_logical3A_167, %add3A_537, %and3A_170] : memref<25x32x128xf32, #tpu.memory_space<vmem>>[vector<16xi32>, vector<16xi32>, vector<16xi32>], vector<16xf32>,
          %add3A_539 = vector.broadcast %rem3A_121 : i32 to vector<16xi32>
          %add3A_540 = arith.addi %add3A_539, %broadcast_in_dim3A_151 : vector<16xi32>
          %add3A_541 = arith.constant 0 : i32
          %add3A_542 = vector.broadcast %add3A_541 : i32 to vector<16xi32>
          %add3A_543 = arith.addi %add3A_542, %iota3A : vector<16xi32>
          %add3A_544 = arith.constant 30 : i32
          %add3A_545 = vector.broadcast %add3A_544 : i32 to vector<16xi32>
          %add3A_546 = arith.addi %add3A_545, %broadcast_in_dim3A_151 : vector<16xi32>
          tpu.vector_store_idx %arg9[%add3A_540, %add3A_543, %add3A_546], %gather3A_538 : memref<2x64x128xf32, #tpu.memory_space<vmem>>[vector<16xi32>, vector<16xi32>, vector<16xi32>], vector<16xf32>,
          %add3A_547 = arith.constant 31 : i32
          %add3A_548 = vector.broadcast %add3A_547 : i32 to vector<16xi32>
          %add3A_549 = arith.addi %add3A_548, %broadcast_in_dim3A_151 : vector<16xi32>
          %gather3A_550 = tpu.vector_load_idx %arg5[%shift_right_logical3A_167, %add3A_549, %and3A_170] : memref<25x32x128xf32, #tpu.memory_space<vmem>>[vector<16xi32>, vector<16xi32>, vector<16xi32>], vector<16xf32>,
          %add3A_551 = vector.broadcast %rem3A_121 : i32 to vector<16xi32>
          %add3A_552 = arith.addi %add3A_551, %broadcast_in_dim3A_151 : vector<16xi32>
          %add3A_553 = arith.constant 0 : i32
          %add3A_554 = vector.broadcast %add3A_553 : i32 to vector<16xi32>
          %add3A_555 = arith.addi %add3A_554, %iota3A : vector<16xi32>
          %add3A_556 = arith.constant 31 : i32
          %add3A_557 = vector.broadcast %add3A_556 : i32 to vector<16xi32>
          %add3A_558 = arith.addi %add3A_557, %broadcast_in_dim3A_151 : vector<16xi32>
          tpu.vector_store_idx %arg9[%add3A_552, %add3A_555, %add3A_558], %gather3A_550 : memref<2x64x128xf32, #tpu.memory_space<vmem>>[vector<16xi32>, vector<16xi32>, vector<16xi32>], vector<16xf32>,
          %get3A_559 = arith.constant 16 : index
          %get3A_560 = tpu.vector_load %arg7[%get3A_559] {strides = array<i32>} : memref<80xi32, #tpu.memory_space<vmem>>, vector<16xi32>,
          %get3A_561 = arith.constant 16 : index
          %get3A_562 = tpu.vector_load %arg8[%get3A_561] {strides = array<i32>} : memref<80xi32, #tpu.memory_space<vmem>>, vector<16xi32>,
          %add3A_563 = arith.constant 16 : i32
          %add3A_564 = vector.broadcast %add3A_563 : i32 to vector<16xi32>
          %add3A_565 = arith.addi %add3A_564, %iota3A : vector<16xi32>
          %lt3A_566 = arith.constant 64 : i32
          %lt3A_567 = vector.broadcast %lt3A_566 : i32 to vector<16xi32>
          %lt3A_568 = arith.cmpi slt, %add3A_565, %lt3A_567 : vector<16xi32>
          %broadcast_in_dim3A_569 = vector.broadcast %reduce_sum3A_139 : i32 to vector<16xi32>
          %select_n3A_570 = arith.select %lt3A_568, %get3A_560, %broadcast_in_dim3A_569 : vector<16xi1>, vector<16xi32>
          %broadcast_in_dim3A_571 = vector.broadcast %reduce_sum3A_149 : i32 to vector<16xi32>
          %select_n3A_572 = arith.select %lt3A_568, %get3A_562, %broadcast_in_dim3A_571 : vector<16xi1>, vector<16xi32>
          %shift_right_logical3A_573 = arith.constant 7 : i32
          %shift_right_logical3A_574 = vector.broadcast %shift_right_logical3A_573 : i32 to vector<16xi32>
          %shift_right_logical3A_575 = arith.shrui %select_n3A_570, %shift_right_logical3A_574 : vector<16xi32>
          %and3A_576 = arith.constant 127 : i32
          %and3A_577 = vector.broadcast %and3A_576 : i32 to vector<16xi32>
          %and3A_578 = arith.andi %select_n3A_570, %and3A_577 : vector<16xi32>
          %add3A_579 = vector.broadcast %rem3A_121 : i32 to vector<16xi32>
          %add3A_580 = arith.addi %add3A_579, %broadcast_in_dim3A_151 : vector<16xi32>
          %add3A_581 = arith.constant 16 : i32
          %add3A_582 = vector.broadcast %add3A_581 : i32 to vector<16xi32>
          %add3A_583 = arith.addi %add3A_582, %iota3A : vector<16xi32>
          tpu.vector_store_idx %arg10[%add3A_580, %add3A_583], %select_n3A_572 : memref<2x64xi32, #tpu.memory_space<vmem>>[vector<16xi32>, vector<16xi32>], vector<16xi32>,
          %add3A_584 = arith.constant 0 : i32
          %add3A_585 = vector.broadcast %add3A_584 : i32 to vector<16xi32>
          %add3A_586 = arith.addi %add3A_585, %broadcast_in_dim3A_151 : vector<16xi32>
          %gather3A_587 = tpu.vector_load_idx %arg5[%shift_right_logical3A_575, %add3A_586, %and3A_578] : memref<25x32x128xf32, #tpu.memory_space<vmem>>[vector<16xi32>, vector<16xi32>, vector<16xi32>], vector<16xf32>,
          %add3A_588 = vector.broadcast %rem3A_121 : i32 to vector<16xi32>
          %add3A_589 = arith.addi %add3A_588, %broadcast_in_dim3A_151 : vector<16xi32>
          %add3A_590 = arith.constant 16 : i32
          %add3A_591 = vector.broadcast %add3A_590 : i32 to vector<16xi32>
          %add3A_592 = arith.addi %add3A_591, %iota3A : vector<16xi32>
          %add3A_593 = arith.constant 0 : i32
          %add3A_594 = vector.broadcast %add3A_593 : i32 to vector<16xi32>
          %add3A_595 = arith.addi %add3A_594, %broadcast_in_dim3A_151 : vector<16xi32>
          tpu.vector_store_idx %arg9[%add3A_589, %add3A_592, %add3A_595], %gather3A_587 : memref<2x64x128xf32, #tpu.memory_space<vmem>>[vector<16xi32>, vector<16xi32>, vector<16xi32>], vector<16xf32>,
          %add3A_596 = arith.constant 1 : i32
          %add3A_597 = vector.broadcast %add3A_596 : i32 to vector<16xi32>
          %add3A_598 = arith.addi %add3A_597, %broadcast_in_dim3A_151 : vector<16xi32>
          %gather3A_599 = tpu.vector_load_idx %arg5[%shift_right_logical3A_575, %add3A_598, %and3A_578] : memref<25x32x128xf32, #tpu.memory_space<vmem>>[vector<16xi32>, vector<16xi32>, vector<16xi32>], vector<16xf32>,
          %add3A_600 = vector.broadcast %rem3A_121 : i32 to vector<16xi32>
          %add3A_601 = arith.addi %add3A_600, %broadcast_in_dim3A_151 : vector<16xi32>
          %add3A_602 = arith.constant 16 : i32
          %add3A_603 = vector.broadcast %add3A_602 : i32 to vector<16xi32>
          %add3A_604 = arith.addi %add3A_603, %iota3A : vector<16xi32>
          %add3A_605 = arith.constant 1 : i32
          %add3A_606 = vector.broadcast %add3A_605 : i32 to vector<16xi32>
          %add3A_607 = arith.addi %add3A_606, %broadcast_in_dim3A_151 : vector<16xi32>
          tpu.vector_store_idx %arg9[%add3A_601, %add3A_604, %add3A_607], %gather3A_599 : memref<2x64x128xf32, #tpu.memory_space<vmem>>[vector<16xi32>, vector<16xi32>, vector<16xi32>], vector<16xf32>,
          %add3A_608 = arith.constant 2 : i32
          %add3A_609 = vector.broadcast %add3A_608 : i32 to vector<16xi32>
          %add3A_610 = arith.addi %add3A_609, %broadcast_in_dim3A_151 : vector<16xi32>
          %gather3A_611 = tpu.vector_load_idx %arg5[%shift_right_logical3A_575, %add3A_610, %and3A_578] : memref<25x32x128xf32, #tpu.memory_space<vmem>>[vector<16xi32>, vector<16xi32>, vector<16xi32>], vector<16xf32>,
          %add3A_612 = vector.broadcast %rem3A_121 : i32 to vector<16xi32>
          %add3A_613 = arith.addi %add3A_612, %broadcast_in_dim3A_151 : vector<16xi32>
          %add3A_614 = arith.constant 16 : i32
          %add3A_615 = vector.broadcast %add3A_614 : i32 to vector<16xi32>
          %add3A_616 = arith.addi %add3A_615, %iota3A : vector<16xi32>
          %add3A_617 = arith.constant 2 : i32
          %add3A_618 = vector.broadcast %add3A_617 : i32 to vector<16xi32>
          %add3A_619 = arith.addi %add3A_618, %broadcast_in_dim3A_151 : vector<16xi32>
          tpu.vector_store_idx %arg9[%add3A_613, %add3A_616, %add3A_619], %gather3A_611 : memref<2x64x128xf32, #tpu.memory_space<vmem>>[vector<16xi32>, vector<16xi32>, vector<16xi32>], vector<16xf32>,
          %add3A_620 = arith.constant 3 : i32
          %add3A_621 = vector.broadcast %add3A_620 : i32 to vector<16xi32>
          %add3A_622 = arith.addi %add3A_621, %broadcast_in_dim3A_151 : vector<16xi32>
          %gather3A_623 = tpu.vector_load_idx %arg5[%shift_right_logical3A_575, %add3A_622, %and3A_578] : memref<25x32x128xf32, #tpu.memory_space<vmem>>[vector<16xi32>, vector<16xi32>, vector<16xi32>], vector<16xf32>,
          %add3A_624 = vector.broadcast %rem3A_121 : i32 to vector<16xi32>
          %add3A_625 = arith.addi %add3A_624, %broadcast_in_dim3A_151 : vector<16xi32>
          %add3A_626 = arith.constant 16 : i32
          %add3A_627 = vector.broadcast %add3A_626 : i32 to vector<16xi32>
          %add3A_628 = arith.addi %add3A_627, %iota3A : vector<16xi32>
          %add3A_629 = arith.constant 3 : i32
          %add3A_630 = vector.broadcast %add3A_629 : i32 to vector<16xi32>
          %add3A_631 = arith.addi %add3A_630, %broadcast_in_dim3A_151 : vector<16xi32>
          tpu.vector_store_idx %arg9[%add3A_625, %add3A_628, %add3A_631], %gather3A_623 : memref<2x64x128xf32, #tpu.memory_space<vmem>>[vector<16xi32>, vector<16xi32>, vector<16xi32>], vector<16xf32>,
          %add3A_632 = arith.constant 4 : i32
          %add3A_633 = vector.broadcast %add3A_632 : i32 to vector<16xi32>
          %add3A_634 = arith.addi %add3A_633, %broadcast_in_dim3A_151 : vector<16xi32>
          %gather3A_635 = tpu.vector_load_idx %arg5[%shift_right_logical3A_575, %add3A_634, %and3A_578] : memref<25x32x128xf32, #tpu.memory_space<vmem>>[vector<16xi32>, vector<16xi32>, vector<16xi32>], vector<16xf32>,
          %add3A_636 = vector.broadcast %rem3A_121 : i32 to vector<16xi32>
          %add3A_637 = arith.addi %add3A_636, %broadcast_in_dim3A_151 : vector<16xi32>
          %add3A_638 = arith.constant 16 : i32
          %add3A_639 = vector.broadcast %add3A_638 : i32 to vector<16xi32>
          %add3A_640 = arith.addi %add3A_639, %iota3A : vector<16xi32>
          %add3A_641 = arith.constant 4 : i32
          %add3A_642 = vector.broadcast %add3A_641 : i32 to vector<16xi32>
          %add3A_643 = arith.addi %add3A_642, %broadcast_in_dim3A_151 : vector<16xi32>
          tpu.vector_store_idx %arg9[%add3A_637, %add3A_640, %add3A_643], %gather3A_635 : memref<2x64x128xf32, #tpu.memory_space<vmem>>[vector<16xi32>, vector<16xi32>, vector<16xi32>], vector<16xf32>,
          %add3A_644 = arith.constant 5 : i32
          %add3A_645 = vector.broadcast %add3A_644 : i32 to vector<16xi32>
          %add3A_646 = arith.addi %add3A_645, %broadcast_in_dim3A_151 : vector<16xi32>
          %gather3A_647 = tpu.vector_load_idx %arg5[%shift_right_logical3A_575, %add3A_646, %and3A_578] : memref<25x32x128xf32, #tpu.memory_space<vmem>>[vector<16xi32>, vector<16xi32>, vector<16xi32>], vector<16xf32>,
          %add3A_648 = vector.broadcast %rem3A_121 : i32 to vector<16xi32>
          %add3A_649 = arith.addi %add3A_648, %broadcast_in_dim3A_151 : vector<16xi32>
          %add3A_650 = arith.constant 16 : i32
          %add3A_651 = vector.broadcast %add3A_650 : i32 to vector<16xi32>
          %add3A_652 = arith.addi %add3A_651, %iota3A : vector<16xi32>
          %add3A_653 = arith.constant 5 : i32
          %add3A_654 = vector.broadcast %add3A_653 : i32 to vector<16xi32>
          %add3A_655 = arith.addi %add3A_654, %broadcast_in_dim3A_151 : vector<16xi32>
          tpu.vector_store_idx %arg9[%add3A_649, %add3A_652, %add3A_655], %gather3A_647 : memref<2x64x128xf32, #tpu.memory_space<vmem>>[vector<16xi32>, vector<16xi32>, vector<16xi32>], vector<16xf32>,
          %add3A_656 = arith.constant 6 : i32
          %add3A_657 = vector.broadcast %add3A_656 : i32 to vector<16xi32>
          %add3A_658 = arith.addi %add3A_657, %broadcast_in_dim3A_151 : vector<16xi32>
          %gather3A_659 = tpu.vector_load_idx %arg5[%shift_right_logical3A_575, %add3A_658, %and3A_578] : memref<25x32x128xf32, #tpu.memory_space<vmem>>[vector<16xi32>, vector<16xi32>, vector<16xi32>], vector<16xf32>,
          %add3A_660 = vector.broadcast %rem3A_121 : i32 to vector<16xi32>
          %add3A_661 = arith.addi %add3A_660, %broadcast_in_dim3A_151 : vector<16xi32>
          %add3A_662 = arith.constant 16 : i32
          %add3A_663 = vector.broadcast %add3A_662 : i32 to vector<16xi32>
          %add3A_664 = arith.addi %add3A_663, %iota3A : vector<16xi32>
          %add3A_665 = arith.constant 6 : i32
          %add3A_666 = vector.broadcast %add3A_665 : i32 to vector<16xi32>
          %add3A_667 = arith.addi %add3A_666, %broadcast_in_dim3A_151 : vector<16xi32>
          tpu.vector_store_idx %arg9[%add3A_661, %add3A_664, %add3A_667], %gather3A_659 : memref<2x64x128xf32, #tpu.memory_space<vmem>>[vector<16xi32>, vector<16xi32>, vector<16xi32>], vector<16xf32>,
          %add3A_668 = arith.constant 7 : i32
          %add3A_669 = vector.broadcast %add3A_668 : i32 to vector<16xi32>
          %add3A_670 = arith.addi %add3A_669, %broadcast_in_dim3A_151 : vector<16xi32>
          %gather3A_671 = tpu.vector_load_idx %arg5[%shift_right_logical3A_575, %add3A_670, %and3A_578] : memref<25x32x128xf32, #tpu.memory_space<vmem>>[vector<16xi32>, vector<16xi32>, vector<16xi32>], vector<16xf32>,
          %add3A_672 = vector.broadcast %rem3A_121 : i32 to vector<16xi32>
          %add3A_673 = arith.addi %add3A_672, %broadcast_in_dim3A_151 : vector<16xi32>
          %add3A_674 = arith.constant 16 : i32
          %add3A_675 = vector.broadcast %add3A_674 : i32 to vector<16xi32>
          %add3A_676 = arith.addi %add3A_675, %iota3A : vector<16xi32>
          %add3A_677 = arith.constant 7 : i32
          %add3A_678 = vector.broadcast %add3A_677 : i32 to vector<16xi32>
          %add3A_679 = arith.addi %add3A_678, %broadcast_in_dim3A_151 : vector<16xi32>
          tpu.vector_store_idx %arg9[%add3A_673, %add3A_676, %add3A_679], %gather3A_671 : memref<2x64x128xf32, #tpu.memory_space<vmem>>[vector<16xi32>, vector<16xi32>, vector<16xi32>], vector<16xf32>,
          %add3A_680 = arith.constant 8 : i32
          %add3A_681 = vector.broadcast %add3A_680 : i32 to vector<16xi32>
          %add3A_682 = arith.addi %add3A_681, %broadcast_in_dim3A_151 : vector<16xi32>
          %gather3A_683 = tpu.vector_load_idx %arg5[%shift_right_logical3A_575, %add3A_682, %and3A_578] : memref<25x32x128xf32, #tpu.memory_space<vmem>>[vector<16xi32>, vector<16xi32>, vector<16xi32>], vector<16xf32>,
          %add3A_684 = vector.broadcast %rem3A_121 : i32 to vector<16xi32>
          %add3A_685 = arith.addi %add3A_684, %broadcast_in_dim3A_151 : vector<16xi32>
          %add3A_686 = arith.constant 16 : i32
          %add3A_687 = vector.broadcast %add3A_686 : i32 to vector<16xi32>
          %add3A_688 = arith.addi %add3A_687, %iota3A : vector<16xi32>
          %add3A_689 = arith.constant 8 : i32
          %add3A_690 = vector.broadcast %add3A_689 : i32 to vector<16xi32>
          %add3A_691 = arith.addi %add3A_690, %broadcast_in_dim3A_151 : vector<16xi32>
          tpu.vector_store_idx %arg9[%add3A_685, %add3A_688, %add3A_691], %gather3A_683 : memref<2x64x128xf32, #tpu.memory_space<vmem>>[vector<16xi32>, vector<16xi32>, vector<16xi32>], vector<16xf32>,
          %add3A_692 = arith.constant 9 : i32
          %add3A_693 = vector.broadcast %add3A_692 : i32 to vector<16xi32>
          %add3A_694 = arith.addi %add3A_693, %broadcast_in_dim3A_151 : vector<16xi32>
          %gather3A_695 = tpu.vector_load_idx %arg5[%shift_right_logical3A_575, %add3A_694, %and3A_578] : memref<25x32x128xf32, #tpu.memory_space<vmem>>[vector<16xi32>, vector<16xi32>, vector<16xi32>], vector<16xf32>,
          %add3A_696 = vector.broadcast %rem3A_121 : i32 to vector<16xi32>
          %add3A_697 = arith.addi %add3A_696, %broadcast_in_dim3A_151 : vector<16xi32>
          %add3A_698 = arith.constant 16 : i32
          %add3A_699 = vector.broadcast %add3A_698 : i32 to vector<16xi32>
          %add3A_700 = arith.addi %add3A_699, %iota3A : vector<16xi32>
          %add3A_701 = arith.constant 9 : i32
          %add3A_702 = vector.broadcast %add3A_701 : i32 to vector<16xi32>
          %add3A_703 = arith.addi %add3A_702, %broadcast_in_dim3A_151 : vector<16xi32>
          tpu.vector_store_idx %arg9[%add3A_697, %add3A_700, %add3A_703], %gather3A_695 : memref<2x64x128xf32, #tpu.memory_space<vmem>>[vector<16xi32>, vector<16xi32>, vector<16xi32>], vector<16xf32>,
          %add3A_704 = arith.constant 10 : i32
          %add3A_705 = vector.broadcast %add3A_704 : i32 to vector<16xi32>
          %add3A_706 = arith.addi %add3A_705, %broadcast_in_dim3A_151 : vector<16xi32>
          %gather3A_707 = tpu.vector_load_idx %arg5[%shift_right_logical3A_575, %add3A_706, %and3A_578] : memref<25x32x128xf32, #tpu.memory_space<vmem>>[vector<16xi32>, vector<16xi32>, vector<16xi32>], vector<16xf32>,
          %add3A_708 = vector.broadcast %rem3A_121 : i32 to vector<16xi32>
          %add3A_709 = arith.addi %add3A_708, %broadcast_in_dim3A_151 : vector<16xi32>
          %add3A_710 = arith.constant 16 : i32
          %add3A_711 = vector.broadcast %add3A_710 : i32 to vector<16xi32>
          %add3A_712 = arith.addi %add3A_711, %iota3A : vector<16xi32>
          %add3A_713 = arith.constant 10 : i32
          %add3A_714 = vector.broadcast %add3A_713 : i32 to vector<16xi32>
          %add3A_715 = arith.addi %add3A_714, %broadcast_in_dim3A_151 : vector<16xi32>
          tpu.vector_store_idx %arg9[%add3A_709, %add3A_712, %add3A_715], %gather3A_707 : memref<2x64x128xf32, #tpu.memory_space<vmem>>[vector<16xi32>, vector<16xi32>, vector<16xi32>], vector<16xf32>,
          %add3A_716 = arith.constant 11 : i32
          %add3A_717 = vector.broadcast %add3A_716 : i32 to vector<16xi32>
          %add3A_718 = arith.addi %add3A_717, %broadcast_in_dim3A_151 : vector<16xi32>
          %gather3A_719 = tpu.vector_load_idx %arg5[%shift_right_logical3A_575, %add3A_718, %and3A_578] : memref<25x32x128xf32, #tpu.memory_space<vmem>>[vector<16xi32>, vector<16xi32>, vector<16xi32>], vector<16xf32>,
          %add3A_720 = vector.broadcast %rem3A_121 : i32 to vector<16xi32>
          %add3A_721 = arith.addi %add3A_720, %broadcast_in_dim3A_151 : vector<16xi32>
          %add3A_722 = arith.constant 16 : i32
          %add3A_723 = vector.broadcast %add3A_722 : i32 to vector<16xi32>
          %add3A_724 = arith.addi %add3A_723, %iota3A : vector<16xi32>
          %add3A_725 = arith.constant 11 : i32
          %add3A_726 = vector.broadcast %add3A_725 : i32 to vector<16xi32>
          %add3A_727 = arith.addi %add3A_726, %broadcast_in_dim3A_151 : vector<16xi32>
          tpu.vector_store_idx %arg9[%add3A_721, %add3A_724, %add3A_727], %gather3A_719 : memref<2x64x128xf32, #tpu.memory_space<vmem>>[vector<16xi32>, vector<16xi32>, vector<16xi32>], vector<16xf32>,
          %add3A_728 = arith.constant 12 : i32
          %add3A_729 = vector.broadcast %add3A_728 : i32 to vector<16xi32>
          %add3A_730 = arith.addi %add3A_729, %broadcast_in_dim3A_151 : vector<16xi32>
          %gather3A_731 = tpu.vector_load_idx %arg5[%shift_right_logical3A_575, %add3A_730, %and3A_578] : memref<25x32x128xf32, #tpu.memory_space<vmem>>[vector<16xi32>, vector<16xi32>, vector<16xi32>], vector<16xf32>,
          %add3A_732 = vector.broadcast %rem3A_121 : i32 to vector<16xi32>
          %add3A_733 = arith.addi %add3A_732, %broadcast_in_dim3A_151 : vector<16xi32>
          %add3A_734 = arith.constant 16 : i32
          %add3A_735 = vector.broadcast %add3A_734 : i32 to vector<16xi32>
          %add3A_736 = arith.addi %add3A_735, %iota3A : vector<16xi32>
          %add3A_737 = arith.constant 12 : i32
          %add3A_738 = vector.broadcast %add3A_737 : i32 to vector<16xi32>
          %add3A_739 = arith.addi %add3A_738, %broadcast_in_dim3A_151 : vector<16xi32>
          tpu.vector_store_idx %arg9[%add3A_733, %add3A_736, %add3A_739], %gather3A_731 : memref<2x64x128xf32, #tpu.memory_space<vmem>>[vector<16xi32>, vector<16xi32>, vector<16xi32>], vector<16xf32>,
          %add3A_740 = arith.constant 13 : i32
          %add3A_741 = vector.broadcast %add3A_740 : i32 to vector<16xi32>
          %add3A_742 = arith.addi %add3A_741, %broadcast_in_dim3A_151 : vector<16xi32>
          %gather3A_743 = tpu.vector_load_idx %arg5[%shift_right_logical3A_575, %add3A_742, %and3A_578] : memref<25x32x128xf32, #tpu.memory_space<vmem>>[vector<16xi32>, vector<16xi32>, vector<16xi32>], vector<16xf32>,
          %add3A_744 = vector.broadcast %rem3A_121 : i32 to vector<16xi32>
          %add3A_745 = arith.addi %add3A_744, %broadcast_in_dim3A_151 : vector<16xi32>
          %add3A_746 = arith.constant 16 : i32
          %add3A_747 = vector.broadcast %add3A_746 : i32 to vector<16xi32>
          %add3A_748 = arith.addi %add3A_747, %iota3A : vector<16xi32>
          %add3A_749 = arith.constant 13 : i32
          %add3A_750 = vector.broadcast %add3A_749 : i32 to vector<16xi32>
          %add3A_751 = arith.addi %add3A_750, %broadcast_in_dim3A_151 : vector<16xi32>
          tpu.vector_store_idx %arg9[%add3A_745, %add3A_748, %add3A_751], %gather3A_743 : memref<2x64x128xf32, #tpu.memory_space<vmem>>[vector<16xi32>, vector<16xi32>, vector<16xi32>], vector<16xf32>,
          %add3A_752 = arith.constant 14 : i32
          %add3A_753 = vector.broadcast %add3A_752 : i32 to vector<16xi32>
          %add3A_754 = arith.addi %add3A_753, %broadcast_in_dim3A_151 : vector<16xi32>
          %gather3A_755 = tpu.vector_load_idx %arg5[%shift_right_logical3A_575, %add3A_754, %and3A_578] : memref<25x32x128xf32, #tpu.memory_space<vmem>>[vector<16xi32>, vector<16xi32>, vector<16xi32>], vector<16xf32>,
          %add3A_756 = vector.broadcast %rem3A_121 : i32 to vector<16xi32>
          %add3A_757 = arith.addi %add3A_756, %broadcast_in_dim3A_151 : vector<16xi32>
          %add3A_758 = arith.constant 16 : i32
          %add3A_759 = vector.broadcast %add3A_758 : i32 to vector<16xi32>
          %add3A_760 = arith.addi %add3A_759, %iota3A : vector<16xi32>
          %add3A_761 = arith.constant 14 : i32
          %add3A_762 = vector.broadcast %add3A_761 : i32 to vector<16xi32>
          %add3A_763 = arith.addi %add3A_762, %broadcast_in_dim3A_151 : vector<16xi32>
          tpu.vector_store_idx %arg9[%add3A_757, %add3A_760, %add3A_763], %gather3A_755 : memref<2x64x128xf32, #tpu.memory_space<vmem>>[vector<16xi32>, vector<16xi32>, vector<16xi32>], vector<16xf32>,
          %add3A_764 = arith.constant 15 : i32
          %add3A_765 = vector.broadcast %add3A_764 : i32 to vector<16xi32>
          %add3A_766 = arith.addi %add3A_765, %broadcast_in_dim3A_151 : vector<16xi32>
          %gather3A_767 = tpu.vector_load_idx %arg5[%shift_right_logical3A_575, %add3A_766, %and3A_578] : memref<25x32x128xf32, #tpu.memory_space<vmem>>[vector<16xi32>, vector<16xi32>, vector<16xi32>], vector<16xf32>,
          %add3A_768 = vector.broadcast %rem3A_121 : i32 to vector<16xi32>
          %add3A_769 = arith.addi %add3A_768, %broadcast_in_dim3A_151 : vector<16xi32>
          %add3A_770 = arith.constant 16 : i32
          %add3A_771 = vector.broadcast %add3A_770 : i32 to vector<16xi32>
          %add3A_772 = arith.addi %add3A_771, %iota3A : vector<16xi32>
          %add3A_773 = arith.constant 15 : i32
          %add3A_774 = vector.broadcast %add3A_773 : i32 to vector<16xi32>
          %add3A_775 = arith.addi %add3A_774, %broadcast_in_dim3A_151 : vector<16xi32>
          tpu.vector_store_idx %arg9[%add3A_769, %add3A_772, %add3A_775], %gather3A_767 : memref<2x64x128xf32, #tpu.memory_space<vmem>>[vector<16xi32>, vector<16xi32>, vector<16xi32>], vector<16xf32>,
          %add3A_776 = arith.constant 16 : i32
          %add3A_777 = vector.broadcast %add3A_776 : i32 to vector<16xi32>
          %add3A_778 = arith.addi %add3A_777, %broadcast_in_dim3A_151 : vector<16xi32>
          %gather3A_779 = tpu.vector_load_idx %arg5[%shift_right_logical3A_575, %add3A_778, %and3A_578] : memref<25x32x128xf32, #tpu.memory_space<vmem>>[vector<16xi32>, vector<16xi32>, vector<16xi32>], vector<16xf32>,
          %add3A_780 = vector.broadcast %rem3A_121 : i32 to vector<16xi32>
          %add3A_781 = arith.addi %add3A_780, %broadcast_in_dim3A_151 : vector<16xi32>
          %add3A_782 = arith.constant 16 : i32
          %add3A_783 = vector.broadcast %add3A_782 : i32 to vector<16xi32>
          %add3A_784 = arith.addi %add3A_783, %iota3A : vector<16xi32>
          %add3A_785 = arith.constant 16 : i32
          %add3A_786 = vector.broadcast %add3A_785 : i32 to vector<16xi32>
          %add3A_787 = arith.addi %add3A_786, %broadcast_in_dim3A_151 : vector<16xi32>
          tpu.vector_store_idx %arg9[%add3A_781, %add3A_784, %add3A_787], %gather3A_779 : memref<2x64x128xf32, #tpu.memory_space<vmem>>[vector<16xi32>, vector<16xi32>, vector<16xi32>], vector<16xf32>,
          %add3A_788 = arith.constant 17 : i32
          %add3A_789 = vector.broadcast %add3A_788 : i32 to vector<16xi32>
          %add3A_790 = arith.addi %add3A_789, %broadcast_in_dim3A_151 : vector<16xi32>
          %gather3A_791 = tpu.vector_load_idx %arg5[%shift_right_logical3A_575, %add3A_790, %and3A_578] : memref<25x32x128xf32, #tpu.memory_space<vmem>>[vector<16xi32>, vector<16xi32>, vector<16xi32>], vector<16xf32>,
          %add3A_792 = vector.broadcast %rem3A_121 : i32 to vector<16xi32>
          %add3A_793 = arith.addi %add3A_792, %broadcast_in_dim3A_151 : vector<16xi32>
          %add3A_794 = arith.constant 16 : i32
          %add3A_795 = vector.broadcast %add3A_794 : i32 to vector<16xi32>
          %add3A_796 = arith.addi %add3A_795, %iota3A : vector<16xi32>
          %add3A_797 = arith.constant 17 : i32
          %add3A_798 = vector.broadcast %add3A_797 : i32 to vector<16xi32>
          %add3A_799 = arith.addi %add3A_798, %broadcast_in_dim3A_151 : vector<16xi32>
          tpu.vector_store_idx %arg9[%add3A_793, %add3A_796, %add3A_799], %gather3A_791 : memref<2x64x128xf32, #tpu.memory_space<vmem>>[vector<16xi32>, vector<16xi32>, vector<16xi32>], vector<16xf32>,
          %add3A_800 = arith.constant 18 : i32
          %add3A_801 = vector.broadcast %add3A_800 : i32 to vector<16xi32>
          %add3A_802 = arith.addi %add3A_801, %broadcast_in_dim3A_151 : vector<16xi32>
          %gather3A_803 = tpu.vector_load_idx %arg5[%shift_right_logical3A_575, %add3A_802, %and3A_578] : memref<25x32x128xf32, #tpu.memory_space<vmem>>[vector<16xi32>, vector<16xi32>, vector<16xi32>], vector<16xf32>,
          %add3A_804 = vector.broadcast %rem3A_121 : i32 to vector<16xi32>
          %add3A_805 = arith.addi %add3A_804, %broadcast_in_dim3A_151 : vector<16xi32>
          %add3A_806 = arith.constant 16 : i32
          %add3A_807 = vector.broadcast %add3A_806 : i32 to vector<16xi32>
          %add3A_808 = arith.addi %add3A_807, %iota3A : vector<16xi32>
          %add3A_809 = arith.constant 18 : i32
          %add3A_810 = vector.broadcast %add3A_809 : i32 to vector<16xi32>
          %add3A_811 = arith.addi %add3A_810, %broadcast_in_dim3A_151 : vector<16xi32>
          tpu.vector_store_idx %arg9[%add3A_805, %add3A_808, %add3A_811], %gather3A_803 : memref<2x64x128xf32, #tpu.memory_space<vmem>>[vector<16xi32>, vector<16xi32>, vector<16xi32>], vector<16xf32>,
          %add3A_812 = arith.constant 19 : i32
          %add3A_813 = vector.broadcast %add3A_812 : i32 to vector<16xi32>
          %add3A_814 = arith.addi %add3A_813, %broadcast_in_dim3A_151 : vector<16xi32>
          %gather3A_815 = tpu.vector_load_idx %arg5[%shift_right_logical3A_575, %add3A_814, %and3A_578] : memref<25x32x128xf32, #tpu.memory_space<vmem>>[vector<16xi32>, vector<16xi32>, vector<16xi32>], vector<16xf32>,
          %add3A_816 = vector.broadcast %rem3A_121 : i32 to vector<16xi32>
          %add3A_817 = arith.addi %add3A_816, %broadcast_in_dim3A_151 : vector<16xi32>
          %add3A_818 = arith.constant 16 : i32
          %add3A_819 = vector.broadcast %add3A_818 : i32 to vector<16xi32>
          %add3A_820 = arith.addi %add3A_819, %iota3A : vector<16xi32>
          %add3A_821 = arith.constant 19 : i32
          %add3A_822 = vector.broadcast %add3A_821 : i32 to vector<16xi32>
          %add3A_823 = arith.addi %add3A_822, %broadcast_in_dim3A_151 : vector<16xi32>
          tpu.vector_store_idx %arg9[%add3A_817, %add3A_820, %add3A_823], %gather3A_815 : memref<2x64x128xf32, #tpu.memory_space<vmem>>[vector<16xi32>, vector<16xi32>, vector<16xi32>], vector<16xf32>,
          %add3A_824 = arith.constant 20 : i32
          %add3A_825 = vector.broadcast %add3A_824 : i32 to vector<16xi32>
          %add3A_826 = arith.addi %add3A_825, %broadcast_in_dim3A_151 : vector<16xi32>
          %gather3A_827 = tpu.vector_load_idx %arg5[%shift_right_logical3A_575, %add3A_826, %and3A_578] : memref<25x32x128xf32, #tpu.memory_space<vmem>>[vector<16xi32>, vector<16xi32>, vector<16xi32>], vector<16xf32>,
          %add3A_828 = vector.broadcast %rem3A_121 : i32 to vector<16xi32>
          %add3A_829 = arith.addi %add3A_828, %broadcast_in_dim3A_151 : vector<16xi32>
          %add3A_830 = arith.constant 16 : i32
          %add3A_831 = vector.broadcast %add3A_830 : i32 to vector<16xi32>
          %add3A_832 = arith.addi %add3A_831, %iota3A : vector<16xi32>
          %add3A_833 = arith.constant 20 : i32
          %add3A_834 = vector.broadcast %add3A_833 : i32 to vector<16xi32>
          %add3A_835 = arith.addi %add3A_834, %broadcast_in_dim3A_151 : vector<16xi32>
          tpu.vector_store_idx %arg9[%add3A_829, %add3A_832, %add3A_835], %gather3A_827 : memref<2x64x128xf32, #tpu.memory_space<vmem>>[vector<16xi32>, vector<16xi32>, vector<16xi32>], vector<16xf32>,
          %add3A_836 = arith.constant 21 : i32
          %add3A_837 = vector.broadcast %add3A_836 : i32 to vector<16xi32>
          %add3A_838 = arith.addi %add3A_837, %broadcast_in_dim3A_151 : vector<16xi32>
          %gather3A_839 = tpu.vector_load_idx %arg5[%shift_right_logical3A_575, %add3A_838, %and3A_578] : memref<25x32x128xf32, #tpu.memory_space<vmem>>[vector<16xi32>, vector<16xi32>, vector<16xi32>], vector<16xf32>,
          %add3A_840 = vector.broadcast %rem3A_121 : i32 to vector<16xi32>
          %add3A_841 = arith.addi %add3A_840, %broadcast_in_dim3A_151 : vector<16xi32>
          %add3A_842 = arith.constant 16 : i32
          %add3A_843 = vector.broadcast %add3A_842 : i32 to vector<16xi32>
          %add3A_844 = arith.addi %add3A_843, %iota3A : vector<16xi32>
          %add3A_845 = arith.constant 21 : i32
          %add3A_846 = vector.broadcast %add3A_845 : i32 to vector<16xi32>
          %add3A_847 = arith.addi %add3A_846, %broadcast_in_dim3A_151 : vector<16xi32>
          tpu.vector_store_idx %arg9[%add3A_841, %add3A_844, %add3A_847], %gather3A_839 : memref<2x64x128xf32, #tpu.memory_space<vmem>>[vector<16xi32>, vector<16xi32>, vector<16xi32>], vector<16xf32>,
          %add3A_848 = arith.constant 22 : i32
          %add3A_849 = vector.broadcast %add3A_848 : i32 to vector<16xi32>
          %add3A_850 = arith.addi %add3A_849, %broadcast_in_dim3A_151 : vector<16xi32>
          %gather3A_851 = tpu.vector_load_idx %arg5[%shift_right_logical3A_575, %add3A_850, %and3A_578] : memref<25x32x128xf32, #tpu.memory_space<vmem>>[vector<16xi32>, vector<16xi32>, vector<16xi32>], vector<16xf32>,
          %add3A_852 = vector.broadcast %rem3A_121 : i32 to vector<16xi32>
          %add3A_853 = arith.addi %add3A_852, %broadcast_in_dim3A_151 : vector<16xi32>
          %add3A_854 = arith.constant 16 : i32
          %add3A_855 = vector.broadcast %add3A_854 : i32 to vector<16xi32>
          %add3A_856 = arith.addi %add3A_855, %iota3A : vector<16xi32>
          %add3A_857 = arith.constant 22 : i32
          %add3A_858 = vector.broadcast %add3A_857 : i32 to vector<16xi32>
          %add3A_859 = arith.addi %add3A_858, %broadcast_in_dim3A_151 : vector<16xi32>
          tpu.vector_store_idx %arg9[%add3A_853, %add3A_856, %add3A_859], %gather3A_851 : memref<2x64x128xf32, #tpu.memory_space<vmem>>[vector<16xi32>, vector<16xi32>, vector<16xi32>], vector<16xf32>,
          %add3A_860 = arith.constant 23 : i32
          %add3A_861 = vector.broadcast %add3A_860 : i32 to vector<16xi32>
          %add3A_862 = arith.addi %add3A_861, %broadcast_in_dim3A_151 : vector<16xi32>
          %gather3A_863 = tpu.vector_load_idx %arg5[%shift_right_logical3A_575, %add3A_862, %and3A_578] : memref<25x32x128xf32, #tpu.memory_space<vmem>>[vector<16xi32>, vector<16xi32>, vector<16xi32>], vector<16xf32>,
          %add3A_864 = vector.broadcast %rem3A_121 : i32 to vector<16xi32>
          %add3A_865 = arith.addi %add3A_864, %broadcast_in_dim3A_151 : vector<16xi32>
          %add3A_866 = arith.constant 16 : i32
          %add3A_867 = vector.broadcast %add3A_866 : i32 to vector<16xi32>
          %add3A_868 = arith.addi %add3A_867, %iota3A : vector<16xi32>
          %add3A_869 = arith.constant 23 : i32
          %add3A_870 = vector.broadcast %add3A_869 : i32 to vector<16xi32>
          %add3A_871 = arith.addi %add3A_870, %broadcast_in_dim3A_151 : vector<16xi32>
          tpu.vector_store_idx %arg9[%add3A_865, %add3A_868, %add3A_871], %gather3A_863 : memref<2x64x128xf32, #tpu.memory_space<vmem>>[vector<16xi32>, vector<16xi32>, vector<16xi32>], vector<16xf32>,
          %add3A_872 = arith.constant 24 : i32
          %add3A_873 = vector.broadcast %add3A_872 : i32 to vector<16xi32>
          %add3A_874 = arith.addi %add3A_873, %broadcast_in_dim3A_151 : vector<16xi32>
          %gather3A_875 = tpu.vector_load_idx %arg5[%shift_right_logical3A_575, %add3A_874, %and3A_578] : memref<25x32x128xf32, #tpu.memory_space<vmem>>[vector<16xi32>, vector<16xi32>, vector<16xi32>], vector<16xf32>,
          %add3A_876 = vector.broadcast %rem3A_121 : i32 to vector<16xi32>
          %add3A_877 = arith.addi %add3A_876, %broadcast_in_dim3A_151 : vector<16xi32>
          %add3A_878 = arith.constant 16 : i32
          %add3A_879 = vector.broadcast %add3A_878 : i32 to vector<16xi32>
          %add3A_880 = arith.addi %add3A_879, %iota3A : vector<16xi32>
          %add3A_881 = arith.constant 24 : i32
          %add3A_882 = vector.broadcast %add3A_881 : i32 to vector<16xi32>
          %add3A_883 = arith.addi %add3A_882, %broadcast_in_dim3A_151 : vector<16xi32>
          tpu.vector_store_idx %arg9[%add3A_877, %add3A_880, %add3A_883], %gather3A_875 : memref<2x64x128xf32, #tpu.memory_space<vmem>>[vector<16xi32>, vector<16xi32>, vector<16xi32>], vector<16xf32>,
          %add3A_884 = arith.constant 25 : i32
          %add3A_885 = vector.broadcast %add3A_884 : i32 to vector<16xi32>
          %add3A_886 = arith.addi %add3A_885, %broadcast_in_dim3A_151 : vector<16xi32>
          %gather3A_887 = tpu.vector_load_idx %arg5[%shift_right_logical3A_575, %add3A_886, %and3A_578] : memref<25x32x128xf32, #tpu.memory_space<vmem>>[vector<16xi32>, vector<16xi32>, vector<16xi32>], vector<16xf32>,
          %add3A_888 = vector.broadcast %rem3A_121 : i32 to vector<16xi32>
          %add3A_889 = arith.addi %add3A_888, %broadcast_in_dim3A_151 : vector<16xi32>
          %add3A_890 = arith.constant 16 : i32
          %add3A_891 = vector.broadcast %add3A_890 : i32 to vector<16xi32>
          %add3A_892 = arith.addi %add3A_891, %iota3A : vector<16xi32>
          %add3A_893 = arith.constant 25 : i32
          %add3A_894 = vector.broadcast %add3A_893 : i32 to vector<16xi32>
          %add3A_895 = arith.addi %add3A_894, %broadcast_in_dim3A_151 : vector<16xi32>
          tpu.vector_store_idx %arg9[%add3A_889, %add3A_892, %add3A_895], %gather3A_887 : memref<2x64x128xf32, #tpu.memory_space<vmem>>[vector<16xi32>, vector<16xi32>, vector<16xi32>], vector<16xf32>,
          %add3A_896 = arith.constant 26 : i32
          %add3A_897 = vector.broadcast %add3A_896 : i32 to vector<16xi32>
          %add3A_898 = arith.addi %add3A_897, %broadcast_in_dim3A_151 : vector<16xi32>
          %gather3A_899 = tpu.vector_load_idx %arg5[%shift_right_logical3A_575, %add3A_898, %and3A_578] : memref<25x32x128xf32, #tpu.memory_space<vmem>>[vector<16xi32>, vector<16xi32>, vector<16xi32>], vector<16xf32>,
          %add3A_900 = vector.broadcast %rem3A_121 : i32 to vector<16xi32>
          %add3A_901 = arith.addi %add3A_900, %broadcast_in_dim3A_151 : vector<16xi32>
          %add3A_902 = arith.constant 16 : i32
          %add3A_903 = vector.broadcast %add3A_902 : i32 to vector<16xi32>
          %add3A_904 = arith.addi %add3A_903, %iota3A : vector<16xi32>
          %add3A_905 = arith.constant 26 : i32
          %add3A_906 = vector.broadcast %add3A_905 : i32 to vector<16xi32>
          %add3A_907 = arith.addi %add3A_906, %broadcast_in_dim3A_151 : vector<16xi32>
          tpu.vector_store_idx %arg9[%add3A_901, %add3A_904, %add3A_907], %gather3A_899 : memref<2x64x128xf32, #tpu.memory_space<vmem>>[vector<16xi32>, vector<16xi32>, vector<16xi32>], vector<16xf32>,
          %add3A_908 = arith.constant 27 : i32
          %add3A_909 = vector.broadcast %add3A_908 : i32 to vector<16xi32>
          %add3A_910 = arith.addi %add3A_909, %broadcast_in_dim3A_151 : vector<16xi32>
          %gather3A_911 = tpu.vector_load_idx %arg5[%shift_right_logical3A_575, %add3A_910, %and3A_578] : memref<25x32x128xf32, #tpu.memory_space<vmem>>[vector<16xi32>, vector<16xi32>, vector<16xi32>], vector<16xf32>,
          %add3A_912 = vector.broadcast %rem3A_121 : i32 to vector<16xi32>
          %add3A_913 = arith.addi %add3A_912, %broadcast_in_dim3A_151 : vector<16xi32>
          %add3A_914 = arith.constant 16 : i32
          %add3A_915 = vector.broadcast %add3A_914 : i32 to vector<16xi32>
          %add3A_916 = arith.addi %add3A_915, %iota3A : vector<16xi32>
          %add3A_917 = arith.constant 27 : i32
          %add3A_918 = vector.broadcast %add3A_917 : i32 to vector<16xi32>
          %add3A_919 = arith.addi %add3A_918, %broadcast_in_dim3A_151 : vector<16xi32>
          tpu.vector_store_idx %arg9[%add3A_913, %add3A_916, %add3A_919], %gather3A_911 : memref<2x64x128xf32, #tpu.memory_space<vmem>>[vector<16xi32>, vector<16xi32>, vector<16xi32>], vector<16xf32>,
          %add3A_920 = arith.constant 28 : i32
          %add3A_921 = vector.broadcast %add3A_920 : i32 to vector<16xi32>
          %add3A_922 = arith.addi %add3A_921, %broadcast_in_dim3A_151 : vector<16xi32>
          %gather3A_923 = tpu.vector_load_idx %arg5[%shift_right_logical3A_575, %add3A_922, %and3A_578] : memref<25x32x128xf32, #tpu.memory_space<vmem>>[vector<16xi32>, vector<16xi32>, vector<16xi32>], vector<16xf32>,
          %add3A_924 = vector.broadcast %rem3A_121 : i32 to vector<16xi32>
          %add3A_925 = arith.addi %add3A_924, %broadcast_in_dim3A_151 : vector<16xi32>
          %add3A_926 = arith.constant 16 : i32
          %add3A_927 = vector.broadcast %add3A_926 : i32 to vector<16xi32>
          %add3A_928 = arith.addi %add3A_927, %iota3A : vector<16xi32>
          %add3A_929 = arith.constant 28 : i32
          %add3A_930 = vector.broadcast %add3A_929 : i32 to vector<16xi32>
          %add3A_931 = arith.addi %add3A_930, %broadcast_in_dim3A_151 : vector<16xi32>
          tpu.vector_store_idx %arg9[%add3A_925, %add3A_928, %add3A_931], %gather3A_923 : memref<2x64x128xf32, #tpu.memory_space<vmem>>[vector<16xi32>, vector<16xi32>, vector<16xi32>], vector<16xf32>,
          %add3A_932 = arith.constant 29 : i32
          %add3A_933 = vector.broadcast %add3A_932 : i32 to vector<16xi32>
          %add3A_934 = arith.addi %add3A_933, %broadcast_in_dim3A_151 : vector<16xi32>
          %gather3A_935 = tpu.vector_load_idx %arg5[%shift_right_logical3A_575, %add3A_934, %and3A_578] : memref<25x32x128xf32, #tpu.memory_space<vmem>>[vector<16xi32>, vector<16xi32>, vector<16xi32>], vector<16xf32>,
          %add3A_936 = vector.broadcast %rem3A_121 : i32 to vector<16xi32>
          %add3A_937 = arith.addi %add3A_936, %broadcast_in_dim3A_151 : vector<16xi32>
          %add3A_938 = arith.constant 16 : i32
          %add3A_939 = vector.broadcast %add3A_938 : i32 to vector<16xi32>
          %add3A_940 = arith.addi %add3A_939, %iota3A : vector<16xi32>
          %add3A_941 = arith.constant 29 : i32
          %add3A_942 = vector.broadcast %add3A_941 : i32 to vector<16xi32>
          %add3A_943 = arith.addi %add3A_942, %broadcast_in_dim3A_151 : vector<16xi32>
          tpu.vector_store_idx %arg9[%add3A_937, %add3A_940, %add3A_943], %gather3A_935 : memref<2x64x128xf32, #tpu.memory_space<vmem>>[vector<16xi32>, vector<16xi32>, vector<16xi32>], vector<16xf32>,
          %add3A_944 = arith.constant 30 : i32
          %add3A_945 = vector.broadcast %add3A_944 : i32 to vector<16xi32>
          %add3A_946 = arith.addi %add3A_945, %broadcast_in_dim3A_151 : vector<16xi32>
          %gather3A_947 = tpu.vector_load_idx %arg5[%shift_right_logical3A_575, %add3A_946, %and3A_578] : memref<25x32x128xf32, #tpu.memory_space<vmem>>[vector<16xi32>, vector<16xi32>, vector<16xi32>], vector<16xf32>,
          %add3A_948 = vector.broadcast %rem3A_121 : i32 to vector<16xi32>
          %add3A_949 = arith.addi %add3A_948, %broadcast_in_dim3A_151 : vector<16xi32>
          %add3A_950 = arith.constant 16 : i32
          %add3A_951 = vector.broadcast %add3A_950 : i32 to vector<16xi32>
          %add3A_952 = arith.addi %add3A_951, %iota3A : vector<16xi32>
          %add3A_953 = arith.constant 30 : i32
          %add3A_954 = vector.broadcast %add3A_953 : i32 to vector<16xi32>
          %add3A_955 = arith.addi %add3A_954, %broadcast_in_dim3A_151 : vector<16xi32>
          tpu.vector_store_idx %arg9[%add3A_949, %add3A_952, %add3A_955], %gather3A_947 : memref<2x64x128xf32, #tpu.memory_space<vmem>>[vector<16xi32>, vector<16xi32>, vector<16xi32>], vector<16xf32>,
          %add3A_956 = arith.constant 31 : i32
          %add3A_957 = vector.broadcast %add3A_956 : i32 to vector<16xi32>
          %add3A_958 = arith.addi %add3A_957, %broadcast_in_dim3A_151 : vector<16xi32>
          %gather3A_959 = tpu.vector_load_idx %arg5[%shift_right_logical3A_575, %add3A_958, %and3A_578] : memref<25x32x128xf32, #tpu.memory_space<vmem>>[vector<16xi32>, vector<16xi32>, vector<16xi32>], vector<16xf32>,
          %add3A_960 = vector.broadcast %rem3A_121 : i32 to vector<16xi32>
          %add3A_961 = arith.addi %add3A_960, %broadcast_in_dim3A_151 : vector<16xi32>
          %add3A_962 = arith.constant 16 : i32
          %add3A_963 = vector.broadcast %add3A_962 : i32 to vector<16xi32>
          %add3A_964 = arith.addi %add3A_963, %iota3A : vector<16xi32>
          %add3A_965 = arith.constant 31 : i32
          %add3A_966 = vector.broadcast %add3A_965 : i32 to vector<16xi32>
          %add3A_967 = arith.addi %add3A_966, %broadcast_in_dim3A_151 : vector<16xi32>
          tpu.vector_store_idx %arg9[%add3A_961, %add3A_964, %add3A_967], %gather3A_959 : memref<2x64x128xf32, #tpu.memory_space<vmem>>[vector<16xi32>, vector<16xi32>, vector<16xi32>], vector<16xf32>,
          %get3A_968 = arith.constant 32 : index
          %get3A_969 = tpu.vector_load %arg7[%get3A_968] {strides = array<i32>} : memref<80xi32, #tpu.memory_space<vmem>>, vector<16xi32>,
          %get3A_970 = arith.constant 32 : index
          %get3A_971 = tpu.vector_load %arg8[%get3A_970] {strides = array<i32>} : memref<80xi32, #tpu.memory_space<vmem>>, vector<16xi32>,
          %add3A_972 = arith.constant 32 : i32
          %add3A_973 = vector.broadcast %add3A_972 : i32 to vector<16xi32>
          %add3A_974 = arith.addi %add3A_973, %iota3A : vector<16xi32>
          %lt3A_975 = arith.constant 64 : i32
          %lt3A_976 = vector.broadcast %lt3A_975 : i32 to vector<16xi32>
          %lt3A_977 = arith.cmpi slt, %add3A_974, %lt3A_976 : vector<16xi32>
          %broadcast_in_dim3A_978 = vector.broadcast %reduce_sum3A_139 : i32 to vector<16xi32>
          %select_n3A_979 = arith.select %lt3A_977, %get3A_969, %broadcast_in_dim3A_978 : vector<16xi1>, vector<16xi32>
          %broadcast_in_dim3A_980 = vector.broadcast %reduce_sum3A_149 : i32 to vector<16xi32>
          %select_n3A_981 = arith.select %lt3A_977, %get3A_971, %broadcast_in_dim3A_980 : vector<16xi1>, vector<16xi32>
          %shift_right_logical3A_982 = arith.constant 7 : i32
          %shift_right_logical3A_983 = vector.broadcast %shift_right_logical3A_982 : i32 to vector<16xi32>
          %shift_right_logical3A_984 = arith.shrui %select_n3A_979, %shift_right_logical3A_983 : vector<16xi32>
          %and3A_985 = arith.constant 127 : i32
          %and3A_986 = vector.broadcast %and3A_985 : i32 to vector<16xi32>
          %and3A_987 = arith.andi %select_n3A_979, %and3A_986 : vector<16xi32>
          %add3A_988 = vector.broadcast %rem3A_121 : i32 to vector<16xi32>
          %add3A_989 = arith.addi %add3A_988, %broadcast_in_dim3A_151 : vector<16xi32>
          %add3A_990 = arith.constant 32 : i32
          %add3A_991 = vector.broadcast %add3A_990 : i32 to vector<16xi32>
          %add3A_992 = arith.addi %add3A_991, %iota3A : vector<16xi32>
          tpu.vector_store_idx %arg10[%add3A_989, %add3A_992], %select_n3A_981 : memref<2x64xi32, #tpu.memory_space<vmem>>[vector<16xi32>, vector<16xi32>], vector<16xi32>,
          %add3A_993 = arith.constant 0 : i32
          %add3A_994 = vector.broadcast %add3A_993 : i32 to vector<16xi32>
          %add3A_995 = arith.addi %add3A_994, %broadcast_in_dim3A_151 : vector<16xi32>
          %gather3A_996 = tpu.vector_load_idx %arg5[%shift_right_logical3A_984, %add3A_995, %and3A_987] : memref<25x32x128xf32, #tpu.memory_space<vmem>>[vector<16xi32>, vector<16xi32>, vector<16xi32>], vector<16xf32>,
          %add3A_997 = vector.broadcast %rem3A_121 : i32 to vector<16xi32>
          %add3A_998 = arith.addi %add3A_997, %broadcast_in_dim3A_151 : vector<16xi32>
          %add3A_999 = arith.constant 32 : i32
          %add3A_1000 = vector.broadcast %add3A_999 : i32 to vector<16xi32>
          %add3A_1001 = arith.addi %add3A_1000, %iota3A : vector<16xi32>
          %add3A_1002 = arith.constant 0 : i32
          %add3A_1003 = vector.broadcast %add3A_1002 : i32 to vector<16xi32>
          %add3A_1004 = arith.addi %add3A_1003, %broadcast_in_dim3A_151 : vector<16xi32>
          tpu.vector_store_idx %arg9[%add3A_998, %add3A_1001, %add3A_1004], %gather3A_996 : memref<2x64x128xf32, #tpu.memory_space<vmem>>[vector<16xi32>, vector<16xi32>, vector<16xi32>], vector<16xf32>,
          %add3A_1005 = arith.constant 1 : i32
          %add3A_1006 = vector.broadcast %add3A_1005 : i32 to vector<16xi32>
          %add3A_1007 = arith.addi %add3A_1006, %broadcast_in_dim3A_151 : vector<16xi32>
          %gather3A_1008 = tpu.vector_load_idx %arg5[%shift_right_logical3A_984, %add3A_1007, %and3A_987] : memref<25x32x128xf32, #tpu.memory_space<vmem>>[vector<16xi32>, vector<16xi32>, vector<16xi32>], vector<16xf32>,
          %add3A_1009 = vector.broadcast %rem3A_121 : i32 to vector<16xi32>
          %add3A_1010 = arith.addi %add3A_1009, %broadcast_in_dim3A_151 : vector<16xi32>
          %add3A_1011 = arith.constant 32 : i32
          %add3A_1012 = vector.broadcast %add3A_1011 : i32 to vector<16xi32>
          %add3A_1013 = arith.addi %add3A_1012, %iota3A : vector<16xi32>
          %add3A_1014 = arith.constant 1 : i32
          %add3A_1015 = vector.broadcast %add3A_1014 : i32 to vector<16xi32>
          %add3A_1016 = arith.addi %add3A_1015, %broadcast_in_dim3A_151 : vector<16xi32>
          tpu.vector_store_idx %arg9[%add3A_1010, %add3A_1013, %add3A_1016], %gather3A_1008 : memref<2x64x128xf32, #tpu.memory_space<vmem>>[vector<16xi32>, vector<16xi32>, vector<16xi32>], vector<16xf32>,
          %add3A_1017 = arith.constant 2 : i32
          %add3A_1018 = vector.broadcast %add3A_1017 : i32 to vector<16xi32>
          %add3A_1019 = arith.addi %add3A_1018, %broadcast_in_dim3A_151 : vector<16xi32>
          %gather3A_1020 = tpu.vector_load_idx %arg5[%shift_right_logical3A_984, %add3A_1019, %and3A_987] : memref<25x32x128xf32, #tpu.memory_space<vmem>>[vector<16xi32>, vector<16xi32>, vector<16xi32>], vector<16xf32>,
          %add3A_1021 = vector.broadcast %rem3A_121 : i32 to vector<16xi32>
          %add3A_1022 = arith.addi %add3A_1021, %broadcast_in_dim3A_151 : vector<16xi32>
          %add3A_1023 = arith.constant 32 : i32
          %add3A_1024 = vector.broadcast %add3A_1023 : i32 to vector<16xi32>
          %add3A_1025 = arith.addi %add3A_1024, %iota3A : vector<16xi32>
          %add3A_1026 = arith.constant 2 : i32
          %add3A_1027 = vector.broadcast %add3A_1026 : i32 to vector<16xi32>
          %add3A_1028 = arith.addi %add3A_1027, %broadcast_in_dim3A_151 : vector<16xi32>
          tpu.vector_store_idx %arg9[%add3A_1022, %add3A_1025, %add3A_1028], %gather3A_1020 : memref<2x64x128xf32, #tpu.memory_space<vmem>>[vector<16xi32>, vector<16xi32>, vector<16xi32>], vector<16xf32>,
          %add3A_1029 = arith.constant 3 : i32
          %add3A_1030 = vector.broadcast %add3A_1029 : i32 to vector<16xi32>
          %add3A_1031 = arith.addi %add3A_1030, %broadcast_in_dim3A_151 : vector<16xi32>
          %gather3A_1032 = tpu.vector_load_idx %arg5[%shift_right_logical3A_984, %add3A_1031, %and3A_987] : memref<25x32x128xf32, #tpu.memory_space<vmem>>[vector<16xi32>, vector<16xi32>, vector<16xi32>], vector<16xf32>,
          %add3A_1033 = vector.broadcast %rem3A_121 : i32 to vector<16xi32>
          %add3A_1034 = arith.addi %add3A_1033, %broadcast_in_dim3A_151 : vector<16xi32>
          %add3A_1035 = arith.constant 32 : i32
          %add3A_1036 = vector.broadcast %add3A_1035 : i32 to vector<16xi32>
          %add3A_1037 = arith.addi %add3A_1036, %iota3A : vector<16xi32>
          %add3A_1038 = arith.constant 3 : i32
          %add3A_1039 = vector.broadcast %add3A_1038 : i32 to vector<16xi32>
          %add3A_1040 = arith.addi %add3A_1039, %broadcast_in_dim3A_151 : vector<16xi32>
          tpu.vector_store_idx %arg9[%add3A_1034, %add3A_1037, %add3A_1040], %gather3A_1032 : memref<2x64x128xf32, #tpu.memory_space<vmem>>[vector<16xi32>, vector<16xi32>, vector<16xi32>], vector<16xf32>,
          %add3A_1041 = arith.constant 4 : i32
          %add3A_1042 = vector.broadcast %add3A_1041 : i32 to vector<16xi32>
          %add3A_1043 = arith.addi %add3A_1042, %broadcast_in_dim3A_151 : vector<16xi32>
          %gather3A_1044 = tpu.vector_load_idx %arg5[%shift_right_logical3A_984, %add3A_1043, %and3A_987] : memref<25x32x128xf32, #tpu.memory_space<vmem>>[vector<16xi32>, vector<16xi32>, vector<16xi32>], vector<16xf32>,
          %add3A_1045 = vector.broadcast %rem3A_121 : i32 to vector<16xi32>
          %add3A_1046 = arith.addi %add3A_1045, %broadcast_in_dim3A_151 : vector<16xi32>
          %add3A_1047 = arith.constant 32 : i32
          %add3A_1048 = vector.broadcast %add3A_1047 : i32 to vector<16xi32>
          %add3A_1049 = arith.addi %add3A_1048, %iota3A : vector<16xi32>
          %add3A_1050 = arith.constant 4 : i32
          %add3A_1051 = vector.broadcast %add3A_1050 : i32 to vector<16xi32>
          %add3A_1052 = arith.addi %add3A_1051, %broadcast_in_dim3A_151 : vector<16xi32>
          tpu.vector_store_idx %arg9[%add3A_1046, %add3A_1049, %add3A_1052], %gather3A_1044 : memref<2x64x128xf32, #tpu.memory_space<vmem>>[vector<16xi32>, vector<16xi32>, vector<16xi32>], vector<16xf32>,
          %add3A_1053 = arith.constant 5 : i32
          %add3A_1054 = vector.broadcast %add3A_1053 : i32 to vector<16xi32>
          %add3A_1055 = arith.addi %add3A_1054, %broadcast_in_dim3A_151 : vector<16xi32>
          %gather3A_1056 = tpu.vector_load_idx %arg5[%shift_right_logical3A_984, %add3A_1055, %and3A_987] : memref<25x32x128xf32, #tpu.memory_space<vmem>>[vector<16xi32>, vector<16xi32>, vector<16xi32>], vector<16xf32>,
          %add3A_1057 = vector.broadcast %rem3A_121 : i32 to vector<16xi32>
          %add3A_1058 = arith.addi %add3A_1057, %broadcast_in_dim3A_151 : vector<16xi32>
          %add3A_1059 = arith.constant 32 : i32
          %add3A_1060 = vector.broadcast %add3A_1059 : i32 to vector<16xi32>
          %add3A_1061 = arith.addi %add3A_1060, %iota3A : vector<16xi32>
          %add3A_1062 = arith.constant 5 : i32
          %add3A_1063 = vector.broadcast %add3A_1062 : i32 to vector<16xi32>
          %add3A_1064 = arith.addi %add3A_1063, %broadcast_in_dim3A_151 : vector<16xi32>
          tpu.vector_store_idx %arg9[%add3A_1058, %add3A_1061, %add3A_1064], %gather3A_1056 : memref<2x64x128xf32, #tpu.memory_space<vmem>>[vector<16xi32>, vector<16xi32>, vector<16xi32>], vector<16xf32>,
          %add3A_1065 = arith.constant 6 : i32
          %add3A_1066 = vector.broadcast %add3A_1065 : i32 to vector<16xi32>
          %add3A_1067 = arith.addi %add3A_1066, %broadcast_in_dim3A_151 : vector<16xi32>
          %gather3A_1068 = tpu.vector_load_idx %arg5[%shift_right_logical3A_984, %add3A_1067, %and3A_987] : memref<25x32x128xf32, #tpu.memory_space<vmem>>[vector<16xi32>, vector<16xi32>, vector<16xi32>], vector<16xf32>,
          %add3A_1069 = vector.broadcast %rem3A_121 : i32 to vector<16xi32>
          %add3A_1070 = arith.addi %add3A_1069, %broadcast_in_dim3A_151 : vector<16xi32>
          %add3A_1071 = arith.constant 32 : i32
          %add3A_1072 = vector.broadcast %add3A_1071 : i32 to vector<16xi32>
          %add3A_1073 = arith.addi %add3A_1072, %iota3A : vector<16xi32>
          %add3A_1074 = arith.constant 6 : i32
          %add3A_1075 = vector.broadcast %add3A_1074 : i32 to vector<16xi32>
          %add3A_1076 = arith.addi %add3A_1075, %broadcast_in_dim3A_151 : vector<16xi32>
          tpu.vector_store_idx %arg9[%add3A_1070, %add3A_1073, %add3A_1076], %gather3A_1068 : memref<2x64x128xf32, #tpu.memory_space<vmem>>[vector<16xi32>, vector<16xi32>, vector<16xi32>], vector<16xf32>,
          %add3A_1077 = arith.constant 7 : i32
          %add3A_1078 = vector.broadcast %add3A_1077 : i32 to vector<16xi32>
          %add3A_1079 = arith.addi %add3A_1078, %broadcast_in_dim3A_151 : vector<16xi32>
          %gather3A_1080 = tpu.vector_load_idx %arg5[%shift_right_logical3A_984, %add3A_1079, %and3A_987] : memref<25x32x128xf32, #tpu.memory_space<vmem>>[vector<16xi32>, vector<16xi32>, vector<16xi32>], vector<16xf32>,
          %add3A_1081 = vector.broadcast %rem3A_121 : i32 to vector<16xi32>
          %add3A_1082 = arith.addi %add3A_1081, %broadcast_in_dim3A_151 : vector<16xi32>
          %add3A_1083 = arith.constant 32 : i32
          %add3A_1084 = vector.broadcast %add3A_1083 : i32 to vector<16xi32>
          %add3A_1085 = arith.addi %add3A_1084, %iota3A : vector<16xi32>
          %add3A_1086 = arith.constant 7 : i32
          %add3A_1087 = vector.broadcast %add3A_1086 : i32 to vector<16xi32>
          %add3A_1088 = arith.addi %add3A_1087, %broadcast_in_dim3A_151 : vector<16xi32>
          tpu.vector_store_idx %arg9[%add3A_1082, %add3A_1085, %add3A_1088], %gather3A_1080 : memref<2x64x128xf32, #tpu.memory_space<vmem>>[vector<16xi32>, vector<16xi32>, vector<16xi32>], vector<16xf32>,
          %add3A_1089 = arith.constant 8 : i32
          %add3A_1090 = vector.broadcast %add3A_1089 : i32 to vector<16xi32>
          %add3A_1091 = arith.addi %add3A_1090, %broadcast_in_dim3A_151 : vector<16xi32>
          %gather3A_1092 = tpu.vector_load_idx %arg5[%shift_right_logical3A_984, %add3A_1091, %and3A_987] : memref<25x32x128xf32, #tpu.memory_space<vmem>>[vector<16xi32>, vector<16xi32>, vector<16xi32>], vector<16xf32>,
          %add3A_1093 = vector.broadcast %rem3A_121 : i32 to vector<16xi32>
          %add3A_1094 = arith.addi %add3A_1093, %broadcast_in_dim3A_151 : vector<16xi32>
          %add3A_1095 = arith.constant 32 : i32
          %add3A_1096 = vector.broadcast %add3A_1095 : i32 to vector<16xi32>
          %add3A_1097 = arith.addi %add3A_1096, %iota3A : vector<16xi32>
          %add3A_1098 = arith.constant 8 : i32
          %add3A_1099 = vector.broadcast %add3A_1098 : i32 to vector<16xi32>
          %add3A_1100 = arith.addi %add3A_1099, %broadcast_in_dim3A_151 : vector<16xi32>
          tpu.vector_store_idx %arg9[%add3A_1094, %add3A_1097, %add3A_1100], %gather3A_1092 : memref<2x64x128xf32, #tpu.memory_space<vmem>>[vector<16xi32>, vector<16xi32>, vector<16xi32>], vector<16xf32>,
          %add3A_1101 = arith.constant 9 : i32
          %add3A_1102 = vector.broadcast %add3A_1101 : i32 to vector<16xi32>
          %add3A_1103 = arith.addi %add3A_1102, %broadcast_in_dim3A_151 : vector<16xi32>
          %gather3A_1104 = tpu.vector_load_idx %arg5[%shift_right_logical3A_984, %add3A_1103, %and3A_987] : memref<25x32x128xf32, #tpu.memory_space<vmem>>[vector<16xi32>, vector<16xi32>, vector<16xi32>], vector<16xf32>,
          %add3A_1105 = vector.broadcast %rem3A_121 : i32 to vector<16xi32>
          %add3A_1106 = arith.addi %add3A_1105, %broadcast_in_dim3A_151 : vector<16xi32>
          %add3A_1107 = arith.constant 32 : i32
          %add3A_1108 = vector.broadcast %add3A_1107 : i32 to vector<16xi32>
          %add3A_1109 = arith.addi %add3A_1108, %iota3A : vector<16xi32>
          %add3A_1110 = arith.constant 9 : i32
          %add3A_1111 = vector.broadcast %add3A_1110 : i32 to vector<16xi32>
          %add3A_1112 = arith.addi %add3A_1111, %broadcast_in_dim3A_151 : vector<16xi32>
          tpu.vector_store_idx %arg9[%add3A_1106, %add3A_1109, %add3A_1112], %gather3A_1104 : memref<2x64x128xf32, #tpu.memory_space<vmem>>[vector<16xi32>, vector<16xi32>, vector<16xi32>], vector<16xf32>,
          %add3A_1113 = arith.constant 10 : i32
          %add3A_1114 = vector.broadcast %add3A_1113 : i32 to vector<16xi32>
          %add3A_1115 = arith.addi %add3A_1114, %broadcast_in_dim3A_151 : vector<16xi32>
          %gather3A_1116 = tpu.vector_load_idx %arg5[%shift_right_logical3A_984, %add3A_1115, %and3A_987] : memref<25x32x128xf32, #tpu.memory_space<vmem>>[vector<16xi32>, vector<16xi32>, vector<16xi32>], vector<16xf32>,
          %add3A_1117 = vector.broadcast %rem3A_121 : i32 to vector<16xi32>
          %add3A_1118 = arith.addi %add3A_1117, %broadcast_in_dim3A_151 : vector<16xi32>
          %add3A_1119 = arith.constant 32 : i32
          %add3A_1120 = vector.broadcast %add3A_1119 : i32 to vector<16xi32>
          %add3A_1121 = arith.addi %add3A_1120, %iota3A : vector<16xi32>
          %add3A_1122 = arith.constant 10 : i32
          %add3A_1123 = vector.broadcast %add3A_1122 : i32 to vector<16xi32>
          %add3A_1124 = arith.addi %add3A_1123, %broadcast_in_dim3A_151 : vector<16xi32>
          tpu.vector_store_idx %arg9[%add3A_1118, %add3A_1121, %add3A_1124], %gather3A_1116 : memref<2x64x128xf32, #tpu.memory_space<vmem>>[vector<16xi32>, vector<16xi32>, vector<16xi32>], vector<16xf32>,
          %add3A_1125 = arith.constant 11 : i32
          %add3A_1126 = vector.broadcast %add3A_1125 : i32 to vector<16xi32>
          %add3A_1127 = arith.addi %add3A_1126, %broadcast_in_dim3A_151 : vector<16xi32>
          %gather3A_1128 = tpu.vector_load_idx %arg5[%shift_right_logical3A_984, %add3A_1127, %and3A_987] : memref<25x32x128xf32, #tpu.memory_space<vmem>>[vector<16xi32>, vector<16xi32>, vector<16xi32>], vector<16xf32>,
          %add3A_1129 = vector.broadcast %rem3A_121 : i32 to vector<16xi32>
          %add3A_1130 = arith.addi %add3A_1129, %broadcast_in_dim3A_151 : vector<16xi32>
          %add3A_1131 = arith.constant 32 : i32
          %add3A_1132 = vector.broadcast %add3A_1131 : i32 to vector<16xi32>
          %add3A_1133 = arith.addi %add3A_1132, %iota3A : vector<16xi32>
          %add3A_1134 = arith.constant 11 : i32
          %add3A_1135 = vector.broadcast %add3A_1134 : i32 to vector<16xi32>
          %add3A_1136 = arith.addi %add3A_1135, %broadcast_in_dim3A_151 : vector<16xi32>
          tpu.vector_store_idx %arg9[%add3A_1130, %add3A_1133, %add3A_1136], %gather3A_1128 : memref<2x64x128xf32, #tpu.memory_space<vmem>>[vector<16xi32>, vector<16xi32>, vector<16xi32>], vector<16xf32>,
          %add3A_1137 = arith.constant 12 : i32
          %add3A_1138 = vector.broadcast %add3A_1137 : i32 to vector<16xi32>
          %add3A_1139 = arith.addi %add3A_1138, %broadcast_in_dim3A_151 : vector<16xi32>
          %gather3A_1140 = tpu.vector_load_idx %arg5[%shift_right_logical3A_984, %add3A_1139, %and3A_987] : memref<25x32x128xf32, #tpu.memory_space<vmem>>[vector<16xi32>, vector<16xi32>, vector<16xi32>], vector<16xf32>,
          %add3A_1141 = vector.broadcast %rem3A_121 : i32 to vector<16xi32>
          %add3A_1142 = arith.addi %add3A_1141, %broadcast_in_dim3A_151 : vector<16xi32>
          %add3A_1143 = arith.constant 32 : i32
          %add3A_1144 = vector.broadcast %add3A_1143 : i32 to vector<16xi32>
          %add3A_1145 = arith.addi %add3A_1144, %iota3A : vector<16xi32>
          %add3A_1146 = arith.constant 12 : i32
          %add3A_1147 = vector.broadcast %add3A_1146 : i32 to vector<16xi32>
          %add3A_1148 = arith.addi %add3A_1147, %broadcast_in_dim3A_151 : vector<16xi32>
          tpu.vector_store_idx %arg9[%add3A_1142, %add3A_1145, %add3A_1148], %gather3A_1140 : memref<2x64x128xf32, #tpu.memory_space<vmem>>[vector<16xi32>, vector<16xi32>, vector<16xi32>], vector<16xf32>,
          %add3A_1149 = arith.constant 13 : i32
          %add3A_1150 = vector.broadcast %add3A_1149 : i32 to vector<16xi32>
          %add3A_1151 = arith.addi %add3A_1150, %broadcast_in_dim3A_151 : vector<16xi32>
          %gather3A_1152 = tpu.vector_load_idx %arg5[%shift_right_logical3A_984, %add3A_1151, %and3A_987] : memref<25x32x128xf32, #tpu.memory_space<vmem>>[vector<16xi32>, vector<16xi32>, vector<16xi32>], vector<16xf32>,
          %add3A_1153 = vector.broadcast %rem3A_121 : i32 to vector<16xi32>
          %add3A_1154 = arith.addi %add3A_1153, %broadcast_in_dim3A_151 : vector<16xi32>
          %add3A_1155 = arith.constant 32 : i32
          %add3A_1156 = vector.broadcast %add3A_1155 : i32 to vector<16xi32>
          %add3A_1157 = arith.addi %add3A_1156, %iota3A : vector<16xi32>
          %add3A_1158 = arith.constant 13 : i32
          %add3A_1159 = vector.broadcast %add3A_1158 : i32 to vector<16xi32>
          %add3A_1160 = arith.addi %add3A_1159, %broadcast_in_dim3A_151 : vector<16xi32>
          tpu.vector_store_idx %arg9[%add3A_1154, %add3A_1157, %add3A_1160], %gather3A_1152 : memref<2x64x128xf32, #tpu.memory_space<vmem>>[vector<16xi32>, vector<16xi32>, vector<16xi32>], vector<16xf32>,
          %add3A_1161 = arith.constant 14 : i32
          %add3A_1162 = vector.broadcast %add3A_1161 : i32 to vector<16xi32>
          %add3A_1163 = arith.addi %add3A_1162, %broadcast_in_dim3A_151 : vector<16xi32>
          %gather3A_1164 = tpu.vector_load_idx %arg5[%shift_right_logical3A_984, %add3A_1163, %and3A_987] : memref<25x32x128xf32, #tpu.memory_space<vmem>>[vector<16xi32>, vector<16xi32>, vector<16xi32>], vector<16xf32>,
          %add3A_1165 = vector.broadcast %rem3A_121 : i32 to vector<16xi32>
          %add3A_1166 = arith.addi %add3A_1165, %broadcast_in_dim3A_151 : vector<16xi32>
          %add3A_1167 = arith.constant 32 : i32
          %add3A_1168 = vector.broadcast %add3A_1167 : i32 to vector<16xi32>
          %add3A_1169 = arith.addi %add3A_1168, %iota3A : vector<16xi32>
          %add3A_1170 = arith.constant 14 : i32
          %add3A_1171 = vector.broadcast %add3A_1170 : i32 to vector<16xi32>
          %add3A_1172 = arith.addi %add3A_1171, %broadcast_in_dim3A_151 : vector<16xi32>
          tpu.vector_store_idx %arg9[%add3A_1166, %add3A_1169, %add3A_1172], %gather3A_1164 : memref<2x64x128xf32, #tpu.memory_space<vmem>>[vector<16xi32>, vector<16xi32>, vector<16xi32>], vector<16xf32>,
          %add3A_1173 = arith.constant 15 : i32
          %add3A_1174 = vector.broadcast %add3A_1173 : i32 to vector<16xi32>
          %add3A_1175 = arith.addi %add3A_1174, %broadcast_in_dim3A_151 : vector<16xi32>
          %gather3A_1176 = tpu.vector_load_idx %arg5[%shift_right_logical3A_984, %add3A_1175, %and3A_987] : memref<25x32x128xf32, #tpu.memory_space<vmem>>[vector<16xi32>, vector<16xi32>, vector<16xi32>], vector<16xf32>,
          %add3A_1177 = vector.broadcast %rem3A_121 : i32 to vector<16xi32>
          %add3A_1178 = arith.addi %add3A_1177, %broadcast_in_dim3A_151 : vector<16xi32>
          %add3A_1179 = arith.constant 32 : i32
          %add3A_1180 = vector.broadcast %add3A_1179 : i32 to vector<16xi32>
          %add3A_1181 = arith.addi %add3A_1180, %iota3A : vector<16xi32>
          %add3A_1182 = arith.constant 15 : i32
          %add3A_1183 = vector.broadcast %add3A_1182 : i32 to vector<16xi32>
          %add3A_1184 = arith.addi %add3A_1183, %broadcast_in_dim3A_151 : vector<16xi32>
          tpu.vector_store_idx %arg9[%add3A_1178, %add3A_1181, %add3A_1184], %gather3A_1176 : memref<2x64x128xf32, #tpu.memory_space<vmem>>[vector<16xi32>, vector<16xi32>, vector<16xi32>], vector<16xf32>,
          %add3A_1185 = arith.constant 16 : i32
          %add3A_1186 = vector.broadcast %add3A_1185 : i32 to vector<16xi32>
          %add3A_1187 = arith.addi %add3A_1186, %broadcast_in_dim3A_151 : vector<16xi32>
          %gather3A_1188 = tpu.vector_load_idx %arg5[%shift_right_logical3A_984, %add3A_1187, %and3A_987] : memref<25x32x128xf32, #tpu.memory_space<vmem>>[vector<16xi32>, vector<16xi32>, vector<16xi32>], vector<16xf32>,
          %add3A_1189 = vector.broadcast %rem3A_121 : i32 to vector<16xi32>
          %add3A_1190 = arith.addi %add3A_1189, %broadcast_in_dim3A_151 : vector<16xi32>
          %add3A_1191 = arith.constant 32 : i32
          %add3A_1192 = vector.broadcast %add3A_1191 : i32 to vector<16xi32>
          %add3A_1193 = arith.addi %add3A_1192, %iota3A : vector<16xi32>
          %add3A_1194 = arith.constant 16 : i32
          %add3A_1195 = vector.broadcast %add3A_1194 : i32 to vector<16xi32>
          %add3A_1196 = arith.addi %add3A_1195, %broadcast_in_dim3A_151 : vector<16xi32>
          tpu.vector_store_idx %arg9[%add3A_1190, %add3A_1193, %add3A_1196], %gather3A_1188 : memref<2x64x128xf32, #tpu.memory_space<vmem>>[vector<16xi32>, vector<16xi32>, vector<16xi32>], vector<16xf32>,
          %add3A_1197 = arith.constant 17 : i32
          %add3A_1198 = vector.broadcast %add3A_1197 : i32 to vector<16xi32>
          %add3A_1199 = arith.addi %add3A_1198, %broadcast_in_dim3A_151 : vector<16xi32>
          %gather3A_1200 = tpu.vector_load_idx %arg5[%shift_right_logical3A_984, %add3A_1199, %and3A_987] : memref<25x32x128xf32, #tpu.memory_space<vmem>>[vector<16xi32>, vector<16xi32>, vector<16xi32>], vector<16xf32>,
          %add3A_1201 = vector.broadcast %rem3A_121 : i32 to vector<16xi32>
          %add3A_1202 = arith.addi %add3A_1201, %broadcast_in_dim3A_151 : vector<16xi32>
          %add3A_1203 = arith.constant 32 : i32
          %add3A_1204 = vector.broadcast %add3A_1203 : i32 to vector<16xi32>
          %add3A_1205 = arith.addi %add3A_1204, %iota3A : vector<16xi32>
          %add3A_1206 = arith.constant 17 : i32
          %add3A_1207 = vector.broadcast %add3A_1206 : i32 to vector<16xi32>
          %add3A_1208 = arith.addi %add3A_1207, %broadcast_in_dim3A_151 : vector<16xi32>
          tpu.vector_store_idx %arg9[%add3A_1202, %add3A_1205, %add3A_1208], %gather3A_1200 : memref<2x64x128xf32, #tpu.memory_space<vmem>>[vector<16xi32>, vector<16xi32>, vector<16xi32>], vector<16xf32>,
          %add3A_1209 = arith.constant 18 : i32
          %add3A_1210 = vector.broadcast %add3A_1209 : i32 to vector<16xi32>
          %add3A_1211 = arith.addi %add3A_1210, %broadcast_in_dim3A_151 : vector<16xi32>
          %gather3A_1212 = tpu.vector_load_idx %arg5[%shift_right_logical3A_984, %add3A_1211, %and3A_987] : memref<25x32x128xf32, #tpu.memory_space<vmem>>[vector<16xi32>, vector<16xi32>, vector<16xi32>], vector<16xf32>,
          %add3A_1213 = vector.broadcast %rem3A_121 : i32 to vector<16xi32>
          %add3A_1214 = arith.addi %add3A_1213, %broadcast_in_dim3A_151 : vector<16xi32>
          %add3A_1215 = arith.constant 32 : i32
          %add3A_1216 = vector.broadcast %add3A_1215 : i32 to vector<16xi32>
          %add3A_1217 = arith.addi %add3A_1216, %iota3A : vector<16xi32>
          %add3A_1218 = arith.constant 18 : i32
          %add3A_1219 = vector.broadcast %add3A_1218 : i32 to vector<16xi32>
          %add3A_1220 = arith.addi %add3A_1219, %broadcast_in_dim3A_151 : vector<16xi32>
          tpu.vector_store_idx %arg9[%add3A_1214, %add3A_1217, %add3A_1220], %gather3A_1212 : memref<2x64x128xf32, #tpu.memory_space<vmem>>[vector<16xi32>, vector<16xi32>, vector<16xi32>], vector<16xf32>,
          %add3A_1221 = arith.constant 19 : i32
          %add3A_1222 = vector.broadcast %add3A_1221 : i32 to vector<16xi32>
          %add3A_1223 = arith.addi %add3A_1222, %broadcast_in_dim3A_151 : vector<16xi32>
          %gather3A_1224 = tpu.vector_load_idx %arg5[%shift_right_logical3A_984, %add3A_1223, %and3A_987] : memref<25x32x128xf32, #tpu.memory_space<vmem>>[vector<16xi32>, vector<16xi32>, vector<16xi32>], vector<16xf32>,
          %add3A_1225 = vector.broadcast %rem3A_121 : i32 to vector<16xi32>
          %add3A_1226 = arith.addi %add3A_1225, %broadcast_in_dim3A_151 : vector<16xi32>
          %add3A_1227 = arith.constant 32 : i32
          %add3A_1228 = vector.broadcast %add3A_1227 : i32 to vector<16xi32>
          %add3A_1229 = arith.addi %add3A_1228, %iota3A : vector<16xi32>
          %add3A_1230 = arith.constant 19 : i32
          %add3A_1231 = vector.broadcast %add3A_1230 : i32 to vector<16xi32>
          %add3A_1232 = arith.addi %add3A_1231, %broadcast_in_dim3A_151 : vector<16xi32>
          tpu.vector_store_idx %arg9[%add3A_1226, %add3A_1229, %add3A_1232], %gather3A_1224 : memref<2x64x128xf32, #tpu.memory_space<vmem>>[vector<16xi32>, vector<16xi32>, vector<16xi32>], vector<16xf32>,
          %add3A_1233 = arith.constant 20 : i32
          %add3A_1234 = vector.broadcast %add3A_1233 : i32 to vector<16xi32>
          %add3A_1235 = arith.addi %add3A_1234, %broadcast_in_dim3A_151 : vector<16xi32>
          %gather3A_1236 = tpu.vector_load_idx %arg5[%shift_right_logical3A_984, %add3A_1235, %and3A_987] : memref<25x32x128xf32, #tpu.memory_space<vmem>>[vector<16xi32>, vector<16xi32>, vector<16xi32>], vector<16xf32>,
          %add3A_1237 = vector.broadcast %rem3A_121 : i32 to vector<16xi32>
          %add3A_1238 = arith.addi %add3A_1237, %broadcast_in_dim3A_151 : vector<16xi32>
          %add3A_1239 = arith.constant 32 : i32
          %add3A_1240 = vector.broadcast %add3A_1239 : i32 to vector<16xi32>
          %add3A_1241 = arith.addi %add3A_1240, %iota3A : vector<16xi32>
          %add3A_1242 = arith.constant 20 : i32
          %add3A_1243 = vector.broadcast %add3A_1242 : i32 to vector<16xi32>
          %add3A_1244 = arith.addi %add3A_1243, %broadcast_in_dim3A_151 : vector<16xi32>
          tpu.vector_store_idx %arg9[%add3A_1238, %add3A_1241, %add3A_1244], %gather3A_1236 : memref<2x64x128xf32, #tpu.memory_space<vmem>>[vector<16xi32>, vector<16xi32>, vector<16xi32>], vector<16xf32>,
          %add3A_1245 = arith.constant 21 : i32
          %add3A_1246 = vector.broadcast %add3A_1245 : i32 to vector<16xi32>
          %add3A_1247 = arith.addi %add3A_1246, %broadcast_in_dim3A_151 : vector<16xi32>
          %gather3A_1248 = tpu.vector_load_idx %arg5[%shift_right_logical3A_984, %add3A_1247, %and3A_987] : memref<25x32x128xf32, #tpu.memory_space<vmem>>[vector<16xi32>, vector<16xi32>, vector<16xi32>], vector<16xf32>,
          %add3A_1249 = vector.broadcast %rem3A_121 : i32 to vector<16xi32>
          %add3A_1250 = arith.addi %add3A_1249, %broadcast_in_dim3A_151 : vector<16xi32>
          %add3A_1251 = arith.constant 32 : i32
          %add3A_1252 = vector.broadcast %add3A_1251 : i32 to vector<16xi32>
          %add3A_1253 = arith.addi %add3A_1252, %iota3A : vector<16xi32>
          %add3A_1254 = arith.constant 21 : i32
          %add3A_1255 = vector.broadcast %add3A_1254 : i32 to vector<16xi32>
          %add3A_1256 = arith.addi %add3A_1255, %broadcast_in_dim3A_151 : vector<16xi32>
          tpu.vector_store_idx %arg9[%add3A_1250, %add3A_1253, %add3A_1256], %gather3A_1248 : memref<2x64x128xf32, #tpu.memory_space<vmem>>[vector<16xi32>, vector<16xi32>, vector<16xi32>], vector<16xf32>,
          %add3A_1257 = arith.constant 22 : i32
          %add3A_1258 = vector.broadcast %add3A_1257 : i32 to vector<16xi32>
          %add3A_1259 = arith.addi %add3A_1258, %broadcast_in_dim3A_151 : vector<16xi32>
          %gather3A_1260 = tpu.vector_load_idx %arg5[%shift_right_logical3A_984, %add3A_1259, %and3A_987] : memref<25x32x128xf32, #tpu.memory_space<vmem>>[vector<16xi32>, vector<16xi32>, vector<16xi32>], vector<16xf32>,
          %add3A_1261 = vector.broadcast %rem3A_121 : i32 to vector<16xi32>
          %add3A_1262 = arith.addi %add3A_1261, %broadcast_in_dim3A_151 : vector<16xi32>
          %add3A_1263 = arith.constant 32 : i32
          %add3A_1264 = vector.broadcast %add3A_1263 : i32 to vector<16xi32>
          %add3A_1265 = arith.addi %add3A_1264, %iota3A : vector<16xi32>
          %add3A_1266 = arith.constant 22 : i32
          %add3A_1267 = vector.broadcast %add3A_1266 : i32 to vector<16xi32>
          %add3A_1268 = arith.addi %add3A_1267, %broadcast_in_dim3A_151 : vector<16xi32>
          tpu.vector_store_idx %arg9[%add3A_1262, %add3A_1265, %add3A_1268], %gather3A_1260 : memref<2x64x128xf32, #tpu.memory_space<vmem>>[vector<16xi32>, vector<16xi32>, vector<16xi32>], vector<16xf32>,
          %add3A_1269 = arith.constant 23 : i32
          %add3A_1270 = vector.broadcast %add3A_1269 : i32 to vector<16xi32>
          %add3A_1271 = arith.addi %add3A_1270, %broadcast_in_dim3A_151 : vector<16xi32>
          %gather3A_1272 = tpu.vector_load_idx %arg5[%shift_right_logical3A_984, %add3A_1271, %and3A_987] : memref<25x32x128xf32, #tpu.memory_space<vmem>>[vector<16xi32>, vector<16xi32>, vector<16xi32>], vector<16xf32>,
          %add3A_1273 = vector.broadcast %rem3A_121 : i32 to vector<16xi32>
          %add3A_1274 = arith.addi %add3A_1273, %broadcast_in_dim3A_151 : vector<16xi32>
          %add3A_1275 = arith.constant 32 : i32
          %add3A_1276 = vector.broadcast %add3A_1275 : i32 to vector<16xi32>
          %add3A_1277 = arith.addi %add3A_1276, %iota3A : vector<16xi32>
          %add3A_1278 = arith.constant 23 : i32
          %add3A_1279 = vector.broadcast %add3A_1278 : i32 to vector<16xi32>
          %add3A_1280 = arith.addi %add3A_1279, %broadcast_in_dim3A_151 : vector<16xi32>
          tpu.vector_store_idx %arg9[%add3A_1274, %add3A_1277, %add3A_1280], %gather3A_1272 : memref<2x64x128xf32, #tpu.memory_space<vmem>>[vector<16xi32>, vector<16xi32>, vector<16xi32>], vector<16xf32>,
          %add3A_1281 = arith.constant 24 : i32
          %add3A_1282 = vector.broadcast %add3A_1281 : i32 to vector<16xi32>
          %add3A_1283 = arith.addi %add3A_1282, %broadcast_in_dim3A_151 : vector<16xi32>
          %gather3A_1284 = tpu.vector_load_idx %arg5[%shift_right_logical3A_984, %add3A_1283, %and3A_987] : memref<25x32x128xf32, #tpu.memory_space<vmem>>[vector<16xi32>, vector<16xi32>, vector<16xi32>], vector<16xf32>,
          %add3A_1285 = vector.broadcast %rem3A_121 : i32 to vector<16xi32>
          %add3A_1286 = arith.addi %add3A_1285, %broadcast_in_dim3A_151 : vector<16xi32>
          %add3A_1287 = arith.constant 32 : i32
          %add3A_1288 = vector.broadcast %add3A_1287 : i32 to vector<16xi32>
          %add3A_1289 = arith.addi %add3A_1288, %iota3A : vector<16xi32>
          %add3A_1290 = arith.constant 24 : i32
          %add3A_1291 = vector.broadcast %add3A_1290 : i32 to vector<16xi32>
          %add3A_1292 = arith.addi %add3A_1291, %broadcast_in_dim3A_151 : vector<16xi32>
          tpu.vector_store_idx %arg9[%add3A_1286, %add3A_1289, %add3A_1292], %gather3A_1284 : memref<2x64x128xf32, #tpu.memory_space<vmem>>[vector<16xi32>, vector<16xi32>, vector<16xi32>], vector<16xf32>,
          %add3A_1293 = arith.constant 25 : i32
          %add3A_1294 = vector.broadcast %add3A_1293 : i32 to vector<16xi32>
          %add3A_1295 = arith.addi %add3A_1294, %broadcast_in_dim3A_151 : vector<16xi32>
          %gather3A_1296 = tpu.vector_load_idx %arg5[%shift_right_logical3A_984, %add3A_1295, %and3A_987] : memref<25x32x128xf32, #tpu.memory_space<vmem>>[vector<16xi32>, vector<16xi32>, vector<16xi32>], vector<16xf32>,
          %add3A_1297 = vector.broadcast %rem3A_121 : i32 to vector<16xi32>
          %add3A_1298 = arith.addi %add3A_1297, %broadcast_in_dim3A_151 : vector<16xi32>
          %add3A_1299 = arith.constant 32 : i32
          %add3A_1300 = vector.broadcast %add3A_1299 : i32 to vector<16xi32>
          %add3A_1301 = arith.addi %add3A_1300, %iota3A : vector<16xi32>
          %add3A_1302 = arith.constant 25 : i32
          %add3A_1303 = vector.broadcast %add3A_1302 : i32 to vector<16xi32>
          %add3A_1304 = arith.addi %add3A_1303, %broadcast_in_dim3A_151 : vector<16xi32>
          tpu.vector_store_idx %arg9[%add3A_1298, %add3A_1301, %add3A_1304], %gather3A_1296 : memref<2x64x128xf32, #tpu.memory_space<vmem>>[vector<16xi32>, vector<16xi32>, vector<16xi32>], vector<16xf32>,
          %add3A_1305 = arith.constant 26 : i32
          %add3A_1306 = vector.broadcast %add3A_1305 : i32 to vector<16xi32>
          %add3A_1307 = arith.addi %add3A_1306, %broadcast_in_dim3A_151 : vector<16xi32>
          %gather3A_1308 = tpu.vector_load_idx %arg5[%shift_right_logical3A_984, %add3A_1307, %and3A_987] : memref<25x32x128xf32, #tpu.memory_space<vmem>>[vector<16xi32>, vector<16xi32>, vector<16xi32>], vector<16xf32>,
          %add3A_1309 = vector.broadcast %rem3A_121 : i32 to vector<16xi32>
          %add3A_1310 = arith.addi %add3A_1309, %broadcast_in_dim3A_151 : vector<16xi32>
          %add3A_1311 = arith.constant 32 : i32
          %add3A_1312 = vector.broadcast %add3A_1311 : i32 to vector<16xi32>
          %add3A_1313 = arith.addi %add3A_1312, %iota3A : vector<16xi32>
          %add3A_1314 = arith.constant 26 : i32
          %add3A_1315 = vector.broadcast %add3A_1314 : i32 to vector<16xi32>
          %add3A_1316 = arith.addi %add3A_1315, %broadcast_in_dim3A_151 : vector<16xi32>
          tpu.vector_store_idx %arg9[%add3A_1310, %add3A_1313, %add3A_1316], %gather3A_1308 : memref<2x64x128xf32, #tpu.memory_space<vmem>>[vector<16xi32>, vector<16xi32>, vector<16xi32>], vector<16xf32>,
          %add3A_1317 = arith.constant 27 : i32
          %add3A_1318 = vector.broadcast %add3A_1317 : i32 to vector<16xi32>
          %add3A_1319 = arith.addi %add3A_1318, %broadcast_in_dim3A_151 : vector<16xi32>
          %gather3A_1320 = tpu.vector_load_idx %arg5[%shift_right_logical3A_984, %add3A_1319, %and3A_987] : memref<25x32x128xf32, #tpu.memory_space<vmem>>[vector<16xi32>, vector<16xi32>, vector<16xi32>], vector<16xf32>,
          %add3A_1321 = vector.broadcast %rem3A_121 : i32 to vector<16xi32>
          %add3A_1322 = arith.addi %add3A_1321, %broadcast_in_dim3A_151 : vector<16xi32>
          %add3A_1323 = arith.constant 32 : i32
          %add3A_1324 = vector.broadcast %add3A_1323 : i32 to vector<16xi32>
          %add3A_1325 = arith.addi %add3A_1324, %iota3A : vector<16xi32>
          %add3A_1326 = arith.constant 27 : i32
          %add3A_1327 = vector.broadcast %add3A_1326 : i32 to vector<16xi32>
          %add3A_1328 = arith.addi %add3A_1327, %broadcast_in_dim3A_151 : vector<16xi32>
          tpu.vector_store_idx %arg9[%add3A_1322, %add3A_1325, %add3A_1328], %gather3A_1320 : memref<2x64x128xf32, #tpu.memory_space<vmem>>[vector<16xi32>, vector<16xi32>, vector<16xi32>], vector<16xf32>,
          %add3A_1329 = arith.constant 28 : i32
          %add3A_1330 = vector.broadcast %add3A_1329 : i32 to vector<16xi32>
          %add3A_1331 = arith.addi %add3A_1330, %broadcast_in_dim3A_151 : vector<16xi32>
          %gather3A_1332 = tpu.vector_load_idx %arg5[%shift_right_logical3A_984, %add3A_1331, %and3A_987] : memref<25x32x128xf32, #tpu.memory_space<vmem>>[vector<16xi32>, vector<16xi32>, vector<16xi32>], vector<16xf32>,
          %add3A_1333 = vector.broadcast %rem3A_121 : i32 to vector<16xi32>
          %add3A_1334 = arith.addi %add3A_1333, %broadcast_in_dim3A_151 : vector<16xi32>
          %add3A_1335 = arith.constant 32 : i32
          %add3A_1336 = vector.broadcast %add3A_1335 : i32 to vector<16xi32>
          %add3A_1337 = arith.addi %add3A_1336, %iota3A : vector<16xi32>
          %add3A_1338 = arith.constant 28 : i32
          %add3A_1339 = vector.broadcast %add3A_1338 : i32 to vector<16xi32>
          %add3A_1340 = arith.addi %add3A_1339, %broadcast_in_dim3A_151 : vector<16xi32>
          tpu.vector_store_idx %arg9[%add3A_1334, %add3A_1337, %add3A_1340], %gather3A_1332 : memref<2x64x128xf32, #tpu.memory_space<vmem>>[vector<16xi32>, vector<16xi32>, vector<16xi32>], vector<16xf32>,
          %add3A_1341 = arith.constant 29 : i32
          %add3A_1342 = vector.broadcast %add3A_1341 : i32 to vector<16xi32>
          %add3A_1343 = arith.addi %add3A_1342, %broadcast_in_dim3A_151 : vector<16xi32>
          %gather3A_1344 = tpu.vector_load_idx %arg5[%shift_right_logical3A_984, %add3A_1343, %and3A_987] : memref<25x32x128xf32, #tpu.memory_space<vmem>>[vector<16xi32>, vector<16xi32>, vector<16xi32>], vector<16xf32>,
          %add3A_1345 = vector.broadcast %rem3A_121 : i32 to vector<16xi32>
          %add3A_1346 = arith.addi %add3A_1345, %broadcast_in_dim3A_151 : vector<16xi32>
          %add3A_1347 = arith.constant 32 : i32
          %add3A_1348 = vector.broadcast %add3A_1347 : i32 to vector<16xi32>
          %add3A_1349 = arith.addi %add3A_1348, %iota3A : vector<16xi32>
          %add3A_1350 = arith.constant 29 : i32
          %add3A_1351 = vector.broadcast %add3A_1350 : i32 to vector<16xi32>
          %add3A_1352 = arith.addi %add3A_1351, %broadcast_in_dim3A_151 : vector<16xi32>
          tpu.vector_store_idx %arg9[%add3A_1346, %add3A_1349, %add3A_1352], %gather3A_1344 : memref<2x64x128xf32, #tpu.memory_space<vmem>>[vector<16xi32>, vector<16xi32>, vector<16xi32>], vector<16xf32>,
          %add3A_1353 = arith.constant 30 : i32
          %add3A_1354 = vector.broadcast %add3A_1353 : i32 to vector<16xi32>
          %add3A_1355 = arith.addi %add3A_1354, %broadcast_in_dim3A_151 : vector<16xi32>
          %gather3A_1356 = tpu.vector_load_idx %arg5[%shift_right_logical3A_984, %add3A_1355, %and3A_987] : memref<25x32x128xf32, #tpu.memory_space<vmem>>[vector<16xi32>, vector<16xi32>, vector<16xi32>], vector<16xf32>,
          %add3A_1357 = vector.broadcast %rem3A_121 : i32 to vector<16xi32>
          %add3A_1358 = arith.addi %add3A_1357, %broadcast_in_dim3A_151 : vector<16xi32>
          %add3A_1359 = arith.constant 32 : i32
          %add3A_1360 = vector.broadcast %add3A_1359 : i32 to vector<16xi32>
          %add3A_1361 = arith.addi %add3A_1360, %iota3A : vector<16xi32>
          %add3A_1362 = arith.constant 30 : i32
          %add3A_1363 = vector.broadcast %add3A_1362 : i32 to vector<16xi32>
          %add3A_1364 = arith.addi %add3A_1363, %broadcast_in_dim3A_151 : vector<16xi32>
          tpu.vector_store_idx %arg9[%add3A_1358, %add3A_1361, %add3A_1364], %gather3A_1356 : memref<2x64x128xf32, #tpu.memory_space<vmem>>[vector<16xi32>, vector<16xi32>, vector<16xi32>], vector<16xf32>,
          %add3A_1365 = arith.constant 31 : i32
          %add3A_1366 = vector.broadcast %add3A_1365 : i32 to vector<16xi32>
          %add3A_1367 = arith.addi %add3A_1366, %broadcast_in_dim3A_151 : vector<16xi32>
          %gather3A_1368 = tpu.vector_load_idx %arg5[%shift_right_logical3A_984, %add3A_1367, %and3A_987] : memref<25x32x128xf32, #tpu.memory_space<vmem>>[vector<16xi32>, vector<16xi32>, vector<16xi32>], vector<16xf32>,
          %add3A_1369 = vector.broadcast %rem3A_121 : i32 to vector<16xi32>
          %add3A_1370 = arith.addi %add3A_1369, %broadcast_in_dim3A_151 : vector<16xi32>
          %add3A_1371 = arith.constant 32 : i32
          %add3A_1372 = vector.broadcast %add3A_1371 : i32 to vector<16xi32>
          %add3A_1373 = arith.addi %add3A_1372, %iota3A : vector<16xi32>
          %add3A_1374 = arith.constant 31 : i32
          %add3A_1375 = vector.broadcast %add3A_1374 : i32 to vector<16xi32>
          %add3A_1376 = arith.addi %add3A_1375, %broadcast_in_dim3A_151 : vector<16xi32>
          tpu.vector_store_idx %arg9[%add3A_1370, %add3A_1373, %add3A_1376], %gather3A_1368 : memref<2x64x128xf32, #tpu.memory_space<vmem>>[vector<16xi32>, vector<16xi32>, vector<16xi32>], vector<16xf32>,
          %get3A_1377 = arith.constant 48 : index
          %get3A_1378 = tpu.vector_load %arg7[%get3A_1377] {strides = array<i32>} : memref<80xi32, #tpu.memory_space<vmem>>, vector<16xi32>,
          %get3A_1379 = arith.constant 48 : index
          %get3A_1380 = tpu.vector_load %arg8[%get3A_1379] {strides = array<i32>} : memref<80xi32, #tpu.memory_space<vmem>>, vector<16xi32>,
          %add3A_1381 = arith.constant 48 : i32
          %add3A_1382 = vector.broadcast %add3A_1381 : i32 to vector<16xi32>
          %add3A_1383 = arith.addi %add3A_1382, %iota3A : vector<16xi32>
          %lt3A_1384 = arith.constant 64 : i32
          %lt3A_1385 = vector.broadcast %lt3A_1384 : i32 to vector<16xi32>
          %lt3A_1386 = arith.cmpi slt, %add3A_1383, %lt3A_1385 : vector<16xi32>
          %broadcast_in_dim3A_1387 = vector.broadcast %reduce_sum3A_139 : i32 to vector<16xi32>
          %select_n3A_1388 = arith.select %lt3A_1386, %get3A_1378, %broadcast_in_dim3A_1387 : vector<16xi1>, vector<16xi32>
          %broadcast_in_dim3A_1389 = vector.broadcast %reduce_sum3A_149 : i32 to vector<16xi32>
          %select_n3A_1390 = arith.select %lt3A_1386, %get3A_1380, %broadcast_in_dim3A_1389 : vector<16xi1>, vector<16xi32>
          %shift_right_logical3A_1391 = arith.constant 7 : i32
          %shift_right_logical3A_1392 = vector.broadcast %shift_right_logical3A_1391 : i32 to vector<16xi32>
          %shift_right_logical3A_1393 = arith.shrui %select_n3A_1388, %shift_right_logical3A_1392 : vector<16xi32>
          %and3A_1394 = arith.constant 127 : i32
          %and3A_1395 = vector.broadcast %and3A_1394 : i32 to vector<16xi32>
          %and3A_1396 = arith.andi %select_n3A_1388, %and3A_1395 : vector<16xi32>
          %add3A_1397 = vector.broadcast %rem3A_121 : i32 to vector<16xi32>
          %add3A_1398 = arith.addi %add3A_1397, %broadcast_in_dim3A_151 : vector<16xi32>
          %add3A_1399 = arith.constant 48 : i32
          %add3A_1400 = vector.broadcast %add3A_1399 : i32 to vector<16xi32>
          %add3A_1401 = arith.addi %add3A_1400, %iota3A : vector<16xi32>
          tpu.vector_store_idx %arg10[%add3A_1398, %add3A_1401], %select_n3A_1390 : memref<2x64xi32, #tpu.memory_space<vmem>>[vector<16xi32>, vector<16xi32>], vector<16xi32>,
          %add3A_1402 = arith.constant 0 : i32
          %add3A_1403 = vector.broadcast %add3A_1402 : i32 to vector<16xi32>
          %add3A_1404 = arith.addi %add3A_1403, %broadcast_in_dim3A_151 : vector<16xi32>
          %gather3A_1405 = tpu.vector_load_idx %arg5[%shift_right_logical3A_1393, %add3A_1404, %and3A_1396] : memref<25x32x128xf32, #tpu.memory_space<vmem>>[vector<16xi32>, vector<16xi32>, vector<16xi32>], vector<16xf32>,
          %add3A_1406 = vector.broadcast %rem3A_121 : i32 to vector<16xi32>
          %add3A_1407 = arith.addi %add3A_1406, %broadcast_in_dim3A_151 : vector<16xi32>
          %add3A_1408 = arith.constant 48 : i32
          %add3A_1409 = vector.broadcast %add3A_1408 : i32 to vector<16xi32>
          %add3A_1410 = arith.addi %add3A_1409, %iota3A : vector<16xi32>
          %add3A_1411 = arith.constant 0 : i32
          %add3A_1412 = vector.broadcast %add3A_1411 : i32 to vector<16xi32>
          %add3A_1413 = arith.addi %add3A_1412, %broadcast_in_dim3A_151 : vector<16xi32>
          tpu.vector_store_idx %arg9[%add3A_1407, %add3A_1410, %add3A_1413], %gather3A_1405 : memref<2x64x128xf32, #tpu.memory_space<vmem>>[vector<16xi32>, vector<16xi32>, vector<16xi32>], vector<16xf32>,
          %add3A_1414 = arith.constant 1 : i32
          %add3A_1415 = vector.broadcast %add3A_1414 : i32 to vector<16xi32>
          %add3A_1416 = arith.addi %add3A_1415, %broadcast_in_dim3A_151 : vector<16xi32>
          %gather3A_1417 = tpu.vector_load_idx %arg5[%shift_right_logical3A_1393, %add3A_1416, %and3A_1396] : memref<25x32x128xf32, #tpu.memory_space<vmem>>[vector<16xi32>, vector<16xi32>, vector<16xi32>], vector<16xf32>,
          %add3A_1418 = vector.broadcast %rem3A_121 : i32 to vector<16xi32>
          %add3A_1419 = arith.addi %add3A_1418, %broadcast_in_dim3A_151 : vector<16xi32>
          %add3A_1420 = arith.constant 48 : i32
          %add3A_1421 = vector.broadcast %add3A_1420 : i32 to vector<16xi32>
          %add3A_1422 = arith.addi %add3A_1421, %iota3A : vector<16xi32>
          %add3A_1423 = arith.constant 1 : i32
          %add3A_1424 = vector.broadcast %add3A_1423 : i32 to vector<16xi32>
          %add3A_1425 = arith.addi %add3A_1424, %broadcast_in_dim3A_151 : vector<16xi32>
          tpu.vector_store_idx %arg9[%add3A_1419, %add3A_1422, %add3A_1425], %gather3A_1417 : memref<2x64x128xf32, #tpu.memory_space<vmem>>[vector<16xi32>, vector<16xi32>, vector<16xi32>], vector<16xf32>,
          %add3A_1426 = arith.constant 2 : i32
          %add3A_1427 = vector.broadcast %add3A_1426 : i32 to vector<16xi32>
          %add3A_1428 = arith.addi %add3A_1427, %broadcast_in_dim3A_151 : vector<16xi32>
          %gather3A_1429 = tpu.vector_load_idx %arg5[%shift_right_logical3A_1393, %add3A_1428, %and3A_1396] : memref<25x32x128xf32, #tpu.memory_space<vmem>>[vector<16xi32>, vector<16xi32>, vector<16xi32>], vector<16xf32>,
          %add3A_1430 = vector.broadcast %rem3A_121 : i32 to vector<16xi32>
          %add3A_1431 = arith.addi %add3A_1430, %broadcast_in_dim3A_151 : vector<16xi32>
          %add3A_1432 = arith.constant 48 : i32
          %add3A_1433 = vector.broadcast %add3A_1432 : i32 to vector<16xi32>
          %add3A_1434 = arith.addi %add3A_1433, %iota3A : vector<16xi32>
          %add3A_1435 = arith.constant 2 : i32
          %add3A_1436 = vector.broadcast %add3A_1435 : i32 to vector<16xi32>
          %add3A_1437 = arith.addi %add3A_1436, %broadcast_in_dim3A_151 : vector<16xi32>
          tpu.vector_store_idx %arg9[%add3A_1431, %add3A_1434, %add3A_1437], %gather3A_1429 : memref<2x64x128xf32, #tpu.memory_space<vmem>>[vector<16xi32>, vector<16xi32>, vector<16xi32>], vector<16xf32>,
          %add3A_1438 = arith.constant 3 : i32
          %add3A_1439 = vector.broadcast %add3A_1438 : i32 to vector<16xi32>
          %add3A_1440 = arith.addi %add3A_1439, %broadcast_in_dim3A_151 : vector<16xi32>
          %gather3A_1441 = tpu.vector_load_idx %arg5[%shift_right_logical3A_1393, %add3A_1440, %and3A_1396] : memref<25x32x128xf32, #tpu.memory_space<vmem>>[vector<16xi32>, vector<16xi32>, vector<16xi32>], vector<16xf32>,
          %add3A_1442 = vector.broadcast %rem3A_121 : i32 to vector<16xi32>
          %add3A_1443 = arith.addi %add3A_1442, %broadcast_in_dim3A_151 : vector<16xi32>
          %add3A_1444 = arith.constant 48 : i32
          %add3A_1445 = vector.broadcast %add3A_1444 : i32 to vector<16xi32>
          %add3A_1446 = arith.addi %add3A_1445, %iota3A : vector<16xi32>
          %add3A_1447 = arith.constant 3 : i32
          %add3A_1448 = vector.broadcast %add3A_1447 : i32 to vector<16xi32>
          %add3A_1449 = arith.addi %add3A_1448, %broadcast_in_dim3A_151 : vector<16xi32>
          tpu.vector_store_idx %arg9[%add3A_1443, %add3A_1446, %add3A_1449], %gather3A_1441 : memref<2x64x128xf32, #tpu.memory_space<vmem>>[vector<16xi32>, vector<16xi32>, vector<16xi32>], vector<16xf32>,
          %add3A_1450 = arith.constant 4 : i32
          %add3A_1451 = vector.broadcast %add3A_1450 : i32 to vector<16xi32>
          %add3A_1452 = arith.addi %add3A_1451, %broadcast_in_dim3A_151 : vector<16xi32>
          %gather3A_1453 = tpu.vector_load_idx %arg5[%shift_right_logical3A_1393, %add3A_1452, %and3A_1396] : memref<25x32x128xf32, #tpu.memory_space<vmem>>[vector<16xi32>, vector<16xi32>, vector<16xi32>], vector<16xf32>,
          %add3A_1454 = vector.broadcast %rem3A_121 : i32 to vector<16xi32>
          %add3A_1455 = arith.addi %add3A_1454, %broadcast_in_dim3A_151 : vector<16xi32>
          %add3A_1456 = arith.constant 48 : i32
          %add3A_1457 = vector.broadcast %add3A_1456 : i32 to vector<16xi32>
          %add3A_1458 = arith.addi %add3A_1457, %iota3A : vector<16xi32>
          %add3A_1459 = arith.constant 4 : i32
          %add3A_1460 = vector.broadcast %add3A_1459 : i32 to vector<16xi32>
          %add3A_1461 = arith.addi %add3A_1460, %broadcast_in_dim3A_151 : vector<16xi32>
          tpu.vector_store_idx %arg9[%add3A_1455, %add3A_1458, %add3A_1461], %gather3A_1453 : memref<2x64x128xf32, #tpu.memory_space<vmem>>[vector<16xi32>, vector<16xi32>, vector<16xi32>], vector<16xf32>,
          %add3A_1462 = arith.constant 5 : i32
          %add3A_1463 = vector.broadcast %add3A_1462 : i32 to vector<16xi32>
          %add3A_1464 = arith.addi %add3A_1463, %broadcast_in_dim3A_151 : vector<16xi32>
          %gather3A_1465 = tpu.vector_load_idx %arg5[%shift_right_logical3A_1393, %add3A_1464, %and3A_1396] : memref<25x32x128xf32, #tpu.memory_space<vmem>>[vector<16xi32>, vector<16xi32>, vector<16xi32>], vector<16xf32>,
          %add3A_1466 = vector.broadcast %rem3A_121 : i32 to vector<16xi32>
          %add3A_1467 = arith.addi %add3A_1466, %broadcast_in_dim3A_151 : vector<16xi32>
          %add3A_1468 = arith.constant 48 : i32
          %add3A_1469 = vector.broadcast %add3A_1468 : i32 to vector<16xi32>
          %add3A_1470 = arith.addi %add3A_1469, %iota3A : vector<16xi32>
          %add3A_1471 = arith.constant 5 : i32
          %add3A_1472 = vector.broadcast %add3A_1471 : i32 to vector<16xi32>
          %add3A_1473 = arith.addi %add3A_1472, %broadcast_in_dim3A_151 : vector<16xi32>
          tpu.vector_store_idx %arg9[%add3A_1467, %add3A_1470, %add3A_1473], %gather3A_1465 : memref<2x64x128xf32, #tpu.memory_space<vmem>>[vector<16xi32>, vector<16xi32>, vector<16xi32>], vector<16xf32>,
          %add3A_1474 = arith.constant 6 : i32
          %add3A_1475 = vector.broadcast %add3A_1474 : i32 to vector<16xi32>
          %add3A_1476 = arith.addi %add3A_1475, %broadcast_in_dim3A_151 : vector<16xi32>
          %gather3A_1477 = tpu.vector_load_idx %arg5[%shift_right_logical3A_1393, %add3A_1476, %and3A_1396] : memref<25x32x128xf32, #tpu.memory_space<vmem>>[vector<16xi32>, vector<16xi32>, vector<16xi32>], vector<16xf32>,
          %add3A_1478 = vector.broadcast %rem3A_121 : i32 to vector<16xi32>
          %add3A_1479 = arith.addi %add3A_1478, %broadcast_in_dim3A_151 : vector<16xi32>
          %add3A_1480 = arith.constant 48 : i32
          %add3A_1481 = vector.broadcast %add3A_1480 : i32 to vector<16xi32>
          %add3A_1482 = arith.addi %add3A_1481, %iota3A : vector<16xi32>
          %add3A_1483 = arith.constant 6 : i32
          %add3A_1484 = vector.broadcast %add3A_1483 : i32 to vector<16xi32>
          %add3A_1485 = arith.addi %add3A_1484, %broadcast_in_dim3A_151 : vector<16xi32>
          tpu.vector_store_idx %arg9[%add3A_1479, %add3A_1482, %add3A_1485], %gather3A_1477 : memref<2x64x128xf32, #tpu.memory_space<vmem>>[vector<16xi32>, vector<16xi32>, vector<16xi32>], vector<16xf32>,
          %add3A_1486 = arith.constant 7 : i32
          %add3A_1487 = vector.broadcast %add3A_1486 : i32 to vector<16xi32>
          %add3A_1488 = arith.addi %add3A_1487, %broadcast_in_dim3A_151 : vector<16xi32>
          %gather3A_1489 = tpu.vector_load_idx %arg5[%shift_right_logical3A_1393, %add3A_1488, %and3A_1396] : memref<25x32x128xf32, #tpu.memory_space<vmem>>[vector<16xi32>, vector<16xi32>, vector<16xi32>], vector<16xf32>,
          %add3A_1490 = vector.broadcast %rem3A_121 : i32 to vector<16xi32>
          %add3A_1491 = arith.addi %add3A_1490, %broadcast_in_dim3A_151 : vector<16xi32>
          %add3A_1492 = arith.constant 48 : i32
          %add3A_1493 = vector.broadcast %add3A_1492 : i32 to vector<16xi32>
          %add3A_1494 = arith.addi %add3A_1493, %iota3A : vector<16xi32>
          %add3A_1495 = arith.constant 7 : i32
          %add3A_1496 = vector.broadcast %add3A_1495 : i32 to vector<16xi32>
          %add3A_1497 = arith.addi %add3A_1496, %broadcast_in_dim3A_151 : vector<16xi32>
          tpu.vector_store_idx %arg9[%add3A_1491, %add3A_1494, %add3A_1497], %gather3A_1489 : memref<2x64x128xf32, #tpu.memory_space<vmem>>[vector<16xi32>, vector<16xi32>, vector<16xi32>], vector<16xf32>,
          %add3A_1498 = arith.constant 8 : i32
          %add3A_1499 = vector.broadcast %add3A_1498 : i32 to vector<16xi32>
          %add3A_1500 = arith.addi %add3A_1499, %broadcast_in_dim3A_151 : vector<16xi32>
          %gather3A_1501 = tpu.vector_load_idx %arg5[%shift_right_logical3A_1393, %add3A_1500, %and3A_1396] : memref<25x32x128xf32, #tpu.memory_space<vmem>>[vector<16xi32>, vector<16xi32>, vector<16xi32>], vector<16xf32>,
          %add3A_1502 = vector.broadcast %rem3A_121 : i32 to vector<16xi32>
          %add3A_1503 = arith.addi %add3A_1502, %broadcast_in_dim3A_151 : vector<16xi32>
          %add3A_1504 = arith.constant 48 : i32
          %add3A_1505 = vector.broadcast %add3A_1504 : i32 to vector<16xi32>
          %add3A_1506 = arith.addi %add3A_1505, %iota3A : vector<16xi32>
          %add3A_1507 = arith.constant 8 : i32
          %add3A_1508 = vector.broadcast %add3A_1507 : i32 to vector<16xi32>
          %add3A_1509 = arith.addi %add3A_1508, %broadcast_in_dim3A_151 : vector<16xi32>
          tpu.vector_store_idx %arg9[%add3A_1503, %add3A_1506, %add3A_1509], %gather3A_1501 : memref<2x64x128xf32, #tpu.memory_space<vmem>>[vector<16xi32>, vector<16xi32>, vector<16xi32>], vector<16xf32>,
          %add3A_1510 = arith.constant 9 : i32
          %add3A_1511 = vector.broadcast %add3A_1510 : i32 to vector<16xi32>
          %add3A_1512 = arith.addi %add3A_1511, %broadcast_in_dim3A_151 : vector<16xi32>
          %gather3A_1513 = tpu.vector_load_idx %arg5[%shift_right_logical3A_1393, %add3A_1512, %and3A_1396] : memref<25x32x128xf32, #tpu.memory_space<vmem>>[vector<16xi32>, vector<16xi32>, vector<16xi32>], vector<16xf32>,
          %add3A_1514 = vector.broadcast %rem3A_121 : i32 to vector<16xi32>
          %add3A_1515 = arith.addi %add3A_1514, %broadcast_in_dim3A_151 : vector<16xi32>
          %add3A_1516 = arith.constant 48 : i32
          %add3A_1517 = vector.broadcast %add3A_1516 : i32 to vector<16xi32>
          %add3A_1518 = arith.addi %add3A_1517, %iota3A : vector<16xi32>
          %add3A_1519 = arith.constant 9 : i32
          %add3A_1520 = vector.broadcast %add3A_1519 : i32 to vector<16xi32>
          %add3A_1521 = arith.addi %add3A_1520, %broadcast_in_dim3A_151 : vector<16xi32>
          tpu.vector_store_idx %arg9[%add3A_1515, %add3A_1518, %add3A_1521], %gather3A_1513 : memref<2x64x128xf32, #tpu.memory_space<vmem>>[vector<16xi32>, vector<16xi32>, vector<16xi32>], vector<16xf32>,
          %add3A_1522 = arith.constant 10 : i32
          %add3A_1523 = vector.broadcast %add3A_1522 : i32 to vector<16xi32>
          %add3A_1524 = arith.addi %add3A_1523, %broadcast_in_dim3A_151 : vector<16xi32>
          %gather3A_1525 = tpu.vector_load_idx %arg5[%shift_right_logical3A_1393, %add3A_1524, %and3A_1396] : memref<25x32x128xf32, #tpu.memory_space<vmem>>[vector<16xi32>, vector<16xi32>, vector<16xi32>], vector<16xf32>,
          %add3A_1526 = vector.broadcast %rem3A_121 : i32 to vector<16xi32>
          %add3A_1527 = arith.addi %add3A_1526, %broadcast_in_dim3A_151 : vector<16xi32>
          %add3A_1528 = arith.constant 48 : i32
          %add3A_1529 = vector.broadcast %add3A_1528 : i32 to vector<16xi32>
          %add3A_1530 = arith.addi %add3A_1529, %iota3A : vector<16xi32>
          %add3A_1531 = arith.constant 10 : i32
          %add3A_1532 = vector.broadcast %add3A_1531 : i32 to vector<16xi32>
          %add3A_1533 = arith.addi %add3A_1532, %broadcast_in_dim3A_151 : vector<16xi32>
          tpu.vector_store_idx %arg9[%add3A_1527, %add3A_1530, %add3A_1533], %gather3A_1525 : memref<2x64x128xf32, #tpu.memory_space<vmem>>[vector<16xi32>, vector<16xi32>, vector<16xi32>], vector<16xf32>,
          %add3A_1534 = arith.constant 11 : i32
          %add3A_1535 = vector.broadcast %add3A_1534 : i32 to vector<16xi32>
          %add3A_1536 = arith.addi %add3A_1535, %broadcast_in_dim3A_151 : vector<16xi32>
          %gather3A_1537 = tpu.vector_load_idx %arg5[%shift_right_logical3A_1393, %add3A_1536, %and3A_1396] : memref<25x32x128xf32, #tpu.memory_space<vmem>>[vector<16xi32>, vector<16xi32>, vector<16xi32>], vector<16xf32>,
          %add3A_1538 = vector.broadcast %rem3A_121 : i32 to vector<16xi32>
          %add3A_1539 = arith.addi %add3A_1538, %broadcast_in_dim3A_151 : vector<16xi32>
          %add3A_1540 = arith.constant 48 : i32
          %add3A_1541 = vector.broadcast %add3A_1540 : i32 to vector<16xi32>
          %add3A_1542 = arith.addi %add3A_1541, %iota3A : vector<16xi32>
          %add3A_1543 = arith.constant 11 : i32
          %add3A_1544 = vector.broadcast %add3A_1543 : i32 to vector<16xi32>
          %add3A_1545 = arith.addi %add3A_1544, %broadcast_in_dim3A_151 : vector<16xi32>
          tpu.vector_store_idx %arg9[%add3A_1539, %add3A_1542, %add3A_1545], %gather3A_1537 : memref<2x64x128xf32, #tpu.memory_space<vmem>>[vector<16xi32>, vector<16xi32>, vector<16xi32>], vector<16xf32>,
          %add3A_1546 = arith.constant 12 : i32
          %add3A_1547 = vector.broadcast %add3A_1546 : i32 to vector<16xi32>
          %add3A_1548 = arith.addi %add3A_1547, %broadcast_in_dim3A_151 : vector<16xi32>
          %gather3A_1549 = tpu.vector_load_idx %arg5[%shift_right_logical3A_1393, %add3A_1548, %and3A_1396] : memref<25x32x128xf32, #tpu.memory_space<vmem>>[vector<16xi32>, vector<16xi32>, vector<16xi32>], vector<16xf32>,
          %add3A_1550 = vector.broadcast %rem3A_121 : i32 to vector<16xi32>
          %add3A_1551 = arith.addi %add3A_1550, %broadcast_in_dim3A_151 : vector<16xi32>
          %add3A_1552 = arith.constant 48 : i32
          %add3A_1553 = vector.broadcast %add3A_1552 : i32 to vector<16xi32>
          %add3A_1554 = arith.addi %add3A_1553, %iota3A : vector<16xi32>
          %add3A_1555 = arith.constant 12 : i32
          %add3A_1556 = vector.broadcast %add3A_1555 : i32 to vector<16xi32>
          %add3A_1557 = arith.addi %add3A_1556, %broadcast_in_dim3A_151 : vector<16xi32>
          tpu.vector_store_idx %arg9[%add3A_1551, %add3A_1554, %add3A_1557], %gather3A_1549 : memref<2x64x128xf32, #tpu.memory_space<vmem>>[vector<16xi32>, vector<16xi32>, vector<16xi32>], vector<16xf32>,
          %add3A_1558 = arith.constant 13 : i32
          %add3A_1559 = vector.broadcast %add3A_1558 : i32 to vector<16xi32>
          %add3A_1560 = arith.addi %add3A_1559, %broadcast_in_dim3A_151 : vector<16xi32>
          %gather3A_1561 = tpu.vector_load_idx %arg5[%shift_right_logical3A_1393, %add3A_1560, %and3A_1396] : memref<25x32x128xf32, #tpu.memory_space<vmem>>[vector<16xi32>, vector<16xi32>, vector<16xi32>], vector<16xf32>,
          %add3A_1562 = vector.broadcast %rem3A_121 : i32 to vector<16xi32>
          %add3A_1563 = arith.addi %add3A_1562, %broadcast_in_dim3A_151 : vector<16xi32>
          %add3A_1564 = arith.constant 48 : i32
          %add3A_1565 = vector.broadcast %add3A_1564 : i32 to vector<16xi32>
          %add3A_1566 = arith.addi %add3A_1565, %iota3A : vector<16xi32>
          %add3A_1567 = arith.constant 13 : i32
          %add3A_1568 = vector.broadcast %add3A_1567 : i32 to vector<16xi32>
          %add3A_1569 = arith.addi %add3A_1568, %broadcast_in_dim3A_151 : vector<16xi32>
          tpu.vector_store_idx %arg9[%add3A_1563, %add3A_1566, %add3A_1569], %gather3A_1561 : memref<2x64x128xf32, #tpu.memory_space<vmem>>[vector<16xi32>, vector<16xi32>, vector<16xi32>], vector<16xf32>,
          %add3A_1570 = arith.constant 14 : i32
          %add3A_1571 = vector.broadcast %add3A_1570 : i32 to vector<16xi32>
          %add3A_1572 = arith.addi %add3A_1571, %broadcast_in_dim3A_151 : vector<16xi32>
          %gather3A_1573 = tpu.vector_load_idx %arg5[%shift_right_logical3A_1393, %add3A_1572, %and3A_1396] : memref<25x32x128xf32, #tpu.memory_space<vmem>>[vector<16xi32>, vector<16xi32>, vector<16xi32>], vector<16xf32>,
          %add3A_1574 = vector.broadcast %rem3A_121 : i32 to vector<16xi32>
          %add3A_1575 = arith.addi %add3A_1574, %broadcast_in_dim3A_151 : vector<16xi32>
          %add3A_1576 = arith.constant 48 : i32
          %add3A_1577 = vector.broadcast %add3A_1576 : i32 to vector<16xi32>
          %add3A_1578 = arith.addi %add3A_1577, %iota3A : vector<16xi32>
          %add3A_1579 = arith.constant 14 : i32
          %add3A_1580 = vector.broadcast %add3A_1579 : i32 to vector<16xi32>
          %add3A_1581 = arith.addi %add3A_1580, %broadcast_in_dim3A_151 : vector<16xi32>
          tpu.vector_store_idx %arg9[%add3A_1575, %add3A_1578, %add3A_1581], %gather3A_1573 : memref<2x64x128xf32, #tpu.memory_space<vmem>>[vector<16xi32>, vector<16xi32>, vector<16xi32>], vector<16xf32>,
          %add3A_1582 = arith.constant 15 : i32
          %add3A_1583 = vector.broadcast %add3A_1582 : i32 to vector<16xi32>
          %add3A_1584 = arith.addi %add3A_1583, %broadcast_in_dim3A_151 : vector<16xi32>
          %gather3A_1585 = tpu.vector_load_idx %arg5[%shift_right_logical3A_1393, %add3A_1584, %and3A_1396] : memref<25x32x128xf32, #tpu.memory_space<vmem>>[vector<16xi32>, vector<16xi32>, vector<16xi32>], vector<16xf32>,
          %add3A_1586 = vector.broadcast %rem3A_121 : i32 to vector<16xi32>
          %add3A_1587 = arith.addi %add3A_1586, %broadcast_in_dim3A_151 : vector<16xi32>
          %add3A_1588 = arith.constant 48 : i32
          %add3A_1589 = vector.broadcast %add3A_1588 : i32 to vector<16xi32>
          %add3A_1590 = arith.addi %add3A_1589, %iota3A : vector<16xi32>
          %add3A_1591 = arith.constant 15 : i32
          %add3A_1592 = vector.broadcast %add3A_1591 : i32 to vector<16xi32>
          %add3A_1593 = arith.addi %add3A_1592, %broadcast_in_dim3A_151 : vector<16xi32>
          tpu.vector_store_idx %arg9[%add3A_1587, %add3A_1590, %add3A_1593], %gather3A_1585 : memref<2x64x128xf32, #tpu.memory_space<vmem>>[vector<16xi32>, vector<16xi32>, vector<16xi32>], vector<16xf32>,
          %add3A_1594 = arith.constant 16 : i32
          %add3A_1595 = vector.broadcast %add3A_1594 : i32 to vector<16xi32>
          %add3A_1596 = arith.addi %add3A_1595, %broadcast_in_dim3A_151 : vector<16xi32>
          %gather3A_1597 = tpu.vector_load_idx %arg5[%shift_right_logical3A_1393, %add3A_1596, %and3A_1396] : memref<25x32x128xf32, #tpu.memory_space<vmem>>[vector<16xi32>, vector<16xi32>, vector<16xi32>], vector<16xf32>,
          %add3A_1598 = vector.broadcast %rem3A_121 : i32 to vector<16xi32>
          %add3A_1599 = arith.addi %add3A_1598, %broadcast_in_dim3A_151 : vector<16xi32>
          %add3A_1600 = arith.constant 48 : i32
          %add3A_1601 = vector.broadcast %add3A_1600 : i32 to vector<16xi32>
          %add3A_1602 = arith.addi %add3A_1601, %iota3A : vector<16xi32>
          %add3A_1603 = arith.constant 16 : i32
          %add3A_1604 = vector.broadcast %add3A_1603 : i32 to vector<16xi32>
          %add3A_1605 = arith.addi %add3A_1604, %broadcast_in_dim3A_151 : vector<16xi32>
          tpu.vector_store_idx %arg9[%add3A_1599, %add3A_1602, %add3A_1605], %gather3A_1597 : memref<2x64x128xf32, #tpu.memory_space<vmem>>[vector<16xi32>, vector<16xi32>, vector<16xi32>], vector<16xf32>,
          %add3A_1606 = arith.constant 17 : i32
          %add3A_1607 = vector.broadcast %add3A_1606 : i32 to vector<16xi32>
          %add3A_1608 = arith.addi %add3A_1607, %broadcast_in_dim3A_151 : vector<16xi32>
          %gather3A_1609 = tpu.vector_load_idx %arg5[%shift_right_logical3A_1393, %add3A_1608, %and3A_1396] : memref<25x32x128xf32, #tpu.memory_space<vmem>>[vector<16xi32>, vector<16xi32>, vector<16xi32>], vector<16xf32>,
          %add3A_1610 = vector.broadcast %rem3A_121 : i32 to vector<16xi32>
          %add3A_1611 = arith.addi %add3A_1610, %broadcast_in_dim3A_151 : vector<16xi32>
          %add3A_1612 = arith.constant 48 : i32
          %add3A_1613 = vector.broadcast %add3A_1612 : i32 to vector<16xi32>
          %add3A_1614 = arith.addi %add3A_1613, %iota3A : vector<16xi32>
          %add3A_1615 = arith.constant 17 : i32
          %add3A_1616 = vector.broadcast %add3A_1615 : i32 to vector<16xi32>
          %add3A_1617 = arith.addi %add3A_1616, %broadcast_in_dim3A_151 : vector<16xi32>
          tpu.vector_store_idx %arg9[%add3A_1611, %add3A_1614, %add3A_1617], %gather3A_1609 : memref<2x64x128xf32, #tpu.memory_space<vmem>>[vector<16xi32>, vector<16xi32>, vector<16xi32>], vector<16xf32>,
          %add3A_1618 = arith.constant 18 : i32
          %add3A_1619 = vector.broadcast %add3A_1618 : i32 to vector<16xi32>
          %add3A_1620 = arith.addi %add3A_1619, %broadcast_in_dim3A_151 : vector<16xi32>
          %gather3A_1621 = tpu.vector_load_idx %arg5[%shift_right_logical3A_1393, %add3A_1620, %and3A_1396] : memref<25x32x128xf32, #tpu.memory_space<vmem>>[vector<16xi32>, vector<16xi32>, vector<16xi32>], vector<16xf32>,
          %add3A_1622 = vector.broadcast %rem3A_121 : i32 to vector<16xi32>
          %add3A_1623 = arith.addi %add3A_1622, %broadcast_in_dim3A_151 : vector<16xi32>
          %add3A_1624 = arith.constant 48 : i32
          %add3A_1625 = vector.broadcast %add3A_1624 : i32 to vector<16xi32>
          %add3A_1626 = arith.addi %add3A_1625, %iota3A : vector<16xi32>
          %add3A_1627 = arith.constant 18 : i32
          %add3A_1628 = vector.broadcast %add3A_1627 : i32 to vector<16xi32>
          %add3A_1629 = arith.addi %add3A_1628, %broadcast_in_dim3A_151 : vector<16xi32>
          tpu.vector_store_idx %arg9[%add3A_1623, %add3A_1626, %add3A_1629], %gather3A_1621 : memref<2x64x128xf32, #tpu.memory_space<vmem>>[vector<16xi32>, vector<16xi32>, vector<16xi32>], vector<16xf32>,
          %add3A_1630 = arith.constant 19 : i32
          %add3A_1631 = vector.broadcast %add3A_1630 : i32 to vector<16xi32>
          %add3A_1632 = arith.addi %add3A_1631, %broadcast_in_dim3A_151 : vector<16xi32>
          %gather3A_1633 = tpu.vector_load_idx %arg5[%shift_right_logical3A_1393, %add3A_1632, %and3A_1396] : memref<25x32x128xf32, #tpu.memory_space<vmem>>[vector<16xi32>, vector<16xi32>, vector<16xi32>], vector<16xf32>,
          %add3A_1634 = vector.broadcast %rem3A_121 : i32 to vector<16xi32>
          %add3A_1635 = arith.addi %add3A_1634, %broadcast_in_dim3A_151 : vector<16xi32>
          %add3A_1636 = arith.constant 48 : i32
          %add3A_1637 = vector.broadcast %add3A_1636 : i32 to vector<16xi32>
          %add3A_1638 = arith.addi %add3A_1637, %iota3A : vector<16xi32>
          %add3A_1639 = arith.constant 19 : i32
          %add3A_1640 = vector.broadcast %add3A_1639 : i32 to vector<16xi32>
          %add3A_1641 = arith.addi %add3A_1640, %broadcast_in_dim3A_151 : vector<16xi32>
          tpu.vector_store_idx %arg9[%add3A_1635, %add3A_1638, %add3A_1641], %gather3A_1633 : memref<2x64x128xf32, #tpu.memory_space<vmem>>[vector<16xi32>, vector<16xi32>, vector<16xi32>], vector<16xf32>,
          %add3A_1642 = arith.constant 20 : i32
          %add3A_1643 = vector.broadcast %add3A_1642 : i32 to vector<16xi32>
          %add3A_1644 = arith.addi %add3A_1643, %broadcast_in_dim3A_151 : vector<16xi32>
          %gather3A_1645 = tpu.vector_load_idx %arg5[%shift_right_logical3A_1393, %add3A_1644, %and3A_1396] : memref<25x32x128xf32, #tpu.memory_space<vmem>>[vector<16xi32>, vector<16xi32>, vector<16xi32>], vector<16xf32>,
          %add3A_1646 = vector.broadcast %rem3A_121 : i32 to vector<16xi32>
          %add3A_1647 = arith.addi %add3A_1646, %broadcast_in_dim3A_151 : vector<16xi32>
          %add3A_1648 = arith.constant 48 : i32
          %add3A_1649 = vector.broadcast %add3A_1648 : i32 to vector<16xi32>
          %add3A_1650 = arith.addi %add3A_1649, %iota3A : vector<16xi32>
          %add3A_1651 = arith.constant 20 : i32
          %add3A_1652 = vector.broadcast %add3A_1651 : i32 to vector<16xi32>
          %add3A_1653 = arith.addi %add3A_1652, %broadcast_in_dim3A_151 : vector<16xi32>
          tpu.vector_store_idx %arg9[%add3A_1647, %add3A_1650, %add3A_1653], %gather3A_1645 : memref<2x64x128xf32, #tpu.memory_space<vmem>>[vector<16xi32>, vector<16xi32>, vector<16xi32>], vector<16xf32>,
          %add3A_1654 = arith.constant 21 : i32
          %add3A_1655 = vector.broadcast %add3A_1654 : i32 to vector<16xi32>
          %add3A_1656 = arith.addi %add3A_1655, %broadcast_in_dim3A_151 : vector<16xi32>
          %gather3A_1657 = tpu.vector_load_idx %arg5[%shift_right_logical3A_1393, %add3A_1656, %and3A_1396] : memref<25x32x128xf32, #tpu.memory_space<vmem>>[vector<16xi32>, vector<16xi32>, vector<16xi32>], vector<16xf32>,
          %add3A_1658 = vector.broadcast %rem3A_121 : i32 to vector<16xi32>
          %add3A_1659 = arith.addi %add3A_1658, %broadcast_in_dim3A_151 : vector<16xi32>
          %add3A_1660 = arith.constant 48 : i32
          %add3A_1661 = vector.broadcast %add3A_1660 : i32 to vector<16xi32>
          %add3A_1662 = arith.addi %add3A_1661, %iota3A : vector<16xi32>
          %add3A_1663 = arith.constant 21 : i32
          %add3A_1664 = vector.broadcast %add3A_1663 : i32 to vector<16xi32>
          %add3A_1665 = arith.addi %add3A_1664, %broadcast_in_dim3A_151 : vector<16xi32>
          tpu.vector_store_idx %arg9[%add3A_1659, %add3A_1662, %add3A_1665], %gather3A_1657 : memref<2x64x128xf32, #tpu.memory_space<vmem>>[vector<16xi32>, vector<16xi32>, vector<16xi32>], vector<16xf32>,
          %add3A_1666 = arith.constant 22 : i32
          %add3A_1667 = vector.broadcast %add3A_1666 : i32 to vector<16xi32>
          %add3A_1668 = arith.addi %add3A_1667, %broadcast_in_dim3A_151 : vector<16xi32>
          %gather3A_1669 = tpu.vector_load_idx %arg5[%shift_right_logical3A_1393, %add3A_1668, %and3A_1396] : memref<25x32x128xf32, #tpu.memory_space<vmem>>[vector<16xi32>, vector<16xi32>, vector<16xi32>], vector<16xf32>,
          %add3A_1670 = vector.broadcast %rem3A_121 : i32 to vector<16xi32>
          %add3A_1671 = arith.addi %add3A_1670, %broadcast_in_dim3A_151 : vector<16xi32>
          %add3A_1672 = arith.constant 48 : i32
          %add3A_1673 = vector.broadcast %add3A_1672 : i32 to vector<16xi32>
          %add3A_1674 = arith.addi %add3A_1673, %iota3A : vector<16xi32>
          %add3A_1675 = arith.constant 22 : i32
          %add3A_1676 = vector.broadcast %add3A_1675 : i32 to vector<16xi32>
          %add3A_1677 = arith.addi %add3A_1676, %broadcast_in_dim3A_151 : vector<16xi32>
          tpu.vector_store_idx %arg9[%add3A_1671, %add3A_1674, %add3A_1677], %gather3A_1669 : memref<2x64x128xf32, #tpu.memory_space<vmem>>[vector<16xi32>, vector<16xi32>, vector<16xi32>], vector<16xf32>,
          %add3A_1678 = arith.constant 23 : i32
          %add3A_1679 = vector.broadcast %add3A_1678 : i32 to vector<16xi32>
          %add3A_1680 = arith.addi %add3A_1679, %broadcast_in_dim3A_151 : vector<16xi32>
          %gather3A_1681 = tpu.vector_load_idx %arg5[%shift_right_logical3A_1393, %add3A_1680, %and3A_1396] : memref<25x32x128xf32, #tpu.memory_space<vmem>>[vector<16xi32>, vector<16xi32>, vector<16xi32>], vector<16xf32>,
          %add3A_1682 = vector.broadcast %rem3A_121 : i32 to vector<16xi32>
          %add3A_1683 = arith.addi %add3A_1682, %broadcast_in_dim3A_151 : vector<16xi32>
          %add3A_1684 = arith.constant 48 : i32
          %add3A_1685 = vector.broadcast %add3A_1684 : i32 to vector<16xi32>
          %add3A_1686 = arith.addi %add3A_1685, %iota3A : vector<16xi32>
          %add3A_1687 = arith.constant 23 : i32
          %add3A_1688 = vector.broadcast %add3A_1687 : i32 to vector<16xi32>
          %add3A_1689 = arith.addi %add3A_1688, %broadcast_in_dim3A_151 : vector<16xi32>
          tpu.vector_store_idx %arg9[%add3A_1683, %add3A_1686, %add3A_1689], %gather3A_1681 : memref<2x64x128xf32, #tpu.memory_space<vmem>>[vector<16xi32>, vector<16xi32>, vector<16xi32>], vector<16xf32>,
          %add3A_1690 = arith.constant 24 : i32
          %add3A_1691 = vector.broadcast %add3A_1690 : i32 to vector<16xi32>
          %add3A_1692 = arith.addi %add3A_1691, %broadcast_in_dim3A_151 : vector<16xi32>
          %gather3A_1693 = tpu.vector_load_idx %arg5[%shift_right_logical3A_1393, %add3A_1692, %and3A_1396] : memref<25x32x128xf32, #tpu.memory_space<vmem>>[vector<16xi32>, vector<16xi32>, vector<16xi32>], vector<16xf32>,
          %add3A_1694 = vector.broadcast %rem3A_121 : i32 to vector<16xi32>
          %add3A_1695 = arith.addi %add3A_1694, %broadcast_in_dim3A_151 : vector<16xi32>
          %add3A_1696 = arith.constant 48 : i32
          %add3A_1697 = vector.broadcast %add3A_1696 : i32 to vector<16xi32>
          %add3A_1698 = arith.addi %add3A_1697, %iota3A : vector<16xi32>
          %add3A_1699 = arith.constant 24 : i32
          %add3A_1700 = vector.broadcast %add3A_1699 : i32 to vector<16xi32>
          %add3A_1701 = arith.addi %add3A_1700, %broadcast_in_dim3A_151 : vector<16xi32>
          tpu.vector_store_idx %arg9[%add3A_1695, %add3A_1698, %add3A_1701], %gather3A_1693 : memref<2x64x128xf32, #tpu.memory_space<vmem>>[vector<16xi32>, vector<16xi32>, vector<16xi32>], vector<16xf32>,
          %add3A_1702 = arith.constant 25 : i32
          %add3A_1703 = vector.broadcast %add3A_1702 : i32 to vector<16xi32>
          %add3A_1704 = arith.addi %add3A_1703, %broadcast_in_dim3A_151 : vector<16xi32>
          %gather3A_1705 = tpu.vector_load_idx %arg5[%shift_right_logical3A_1393, %add3A_1704, %and3A_1396] : memref<25x32x128xf32, #tpu.memory_space<vmem>>[vector<16xi32>, vector<16xi32>, vector<16xi32>], vector<16xf32>,
          %add3A_1706 = vector.broadcast %rem3A_121 : i32 to vector<16xi32>
          %add3A_1707 = arith.addi %add3A_1706, %broadcast_in_dim3A_151 : vector<16xi32>
          %add3A_1708 = arith.constant 48 : i32
          %add3A_1709 = vector.broadcast %add3A_1708 : i32 to vector<16xi32>
          %add3A_1710 = arith.addi %add3A_1709, %iota3A : vector<16xi32>
          %add3A_1711 = arith.constant 25 : i32
          %add3A_1712 = vector.broadcast %add3A_1711 : i32 to vector<16xi32>
          %add3A_1713 = arith.addi %add3A_1712, %broadcast_in_dim3A_151 : vector<16xi32>
          tpu.vector_store_idx %arg9[%add3A_1707, %add3A_1710, %add3A_1713], %gather3A_1705 : memref<2x64x128xf32, #tpu.memory_space<vmem>>[vector<16xi32>, vector<16xi32>, vector<16xi32>], vector<16xf32>,
          %add3A_1714 = arith.constant 26 : i32
          %add3A_1715 = vector.broadcast %add3A_1714 : i32 to vector<16xi32>
          %add3A_1716 = arith.addi %add3A_1715, %broadcast_in_dim3A_151 : vector<16xi32>
          %gather3A_1717 = tpu.vector_load_idx %arg5[%shift_right_logical3A_1393, %add3A_1716, %and3A_1396] : memref<25x32x128xf32, #tpu.memory_space<vmem>>[vector<16xi32>, vector<16xi32>, vector<16xi32>], vector<16xf32>,
          %add3A_1718 = vector.broadcast %rem3A_121 : i32 to vector<16xi32>
          %add3A_1719 = arith.addi %add3A_1718, %broadcast_in_dim3A_151 : vector<16xi32>
          %add3A_1720 = arith.constant 48 : i32
          %add3A_1721 = vector.broadcast %add3A_1720 : i32 to vector<16xi32>
          %add3A_1722 = arith.addi %add3A_1721, %iota3A : vector<16xi32>
          %add3A_1723 = arith.constant 26 : i32
          %add3A_1724 = vector.broadcast %add3A_1723 : i32 to vector<16xi32>
          %add3A_1725 = arith.addi %add3A_1724, %broadcast_in_dim3A_151 : vector<16xi32>
          tpu.vector_store_idx %arg9[%add3A_1719, %add3A_1722, %add3A_1725], %gather3A_1717 : memref<2x64x128xf32, #tpu.memory_space<vmem>>[vector<16xi32>, vector<16xi32>, vector<16xi32>], vector<16xf32>,
          %add3A_1726 = arith.constant 27 : i32
          %add3A_1727 = vector.broadcast %add3A_1726 : i32 to vector<16xi32>
          %add3A_1728 = arith.addi %add3A_1727, %broadcast_in_dim3A_151 : vector<16xi32>
          %gather3A_1729 = tpu.vector_load_idx %arg5[%shift_right_logical3A_1393, %add3A_1728, %and3A_1396] : memref<25x32x128xf32, #tpu.memory_space<vmem>>[vector<16xi32>, vector<16xi32>, vector<16xi32>], vector<16xf32>,
          %add3A_1730 = vector.broadcast %rem3A_121 : i32 to vector<16xi32>
          %add3A_1731 = arith.addi %add3A_1730, %broadcast_in_dim3A_151 : vector<16xi32>
          %add3A_1732 = arith.constant 48 : i32
          %add3A_1733 = vector.broadcast %add3A_1732 : i32 to vector<16xi32>
          %add3A_1734 = arith.addi %add3A_1733, %iota3A : vector<16xi32>
          %add3A_1735 = arith.constant 27 : i32
          %add3A_1736 = vector.broadcast %add3A_1735 : i32 to vector<16xi32>
          %add3A_1737 = arith.addi %add3A_1736, %broadcast_in_dim3A_151 : vector<16xi32>
          tpu.vector_store_idx %arg9[%add3A_1731, %add3A_1734, %add3A_1737], %gather3A_1729 : memref<2x64x128xf32, #tpu.memory_space<vmem>>[vector<16xi32>, vector<16xi32>, vector<16xi32>], vector<16xf32>,
          %add3A_1738 = arith.constant 28 : i32
          %add3A_1739 = vector.broadcast %add3A_1738 : i32 to vector<16xi32>
          %add3A_1740 = arith.addi %add3A_1739, %broadcast_in_dim3A_151 : vector<16xi32>
          %gather3A_1741 = tpu.vector_load_idx %arg5[%shift_right_logical3A_1393, %add3A_1740, %and3A_1396] : memref<25x32x128xf32, #tpu.memory_space<vmem>>[vector<16xi32>, vector<16xi32>, vector<16xi32>], vector<16xf32>,
          %add3A_1742 = vector.broadcast %rem3A_121 : i32 to vector<16xi32>
          %add3A_1743 = arith.addi %add3A_1742, %broadcast_in_dim3A_151 : vector<16xi32>
          %add3A_1744 = arith.constant 48 : i32
          %add3A_1745 = vector.broadcast %add3A_1744 : i32 to vector<16xi32>
          %add3A_1746 = arith.addi %add3A_1745, %iota3A : vector<16xi32>
          %add3A_1747 = arith.constant 28 : i32
          %add3A_1748 = vector.broadcast %add3A_1747 : i32 to vector<16xi32>
          %add3A_1749 = arith.addi %add3A_1748, %broadcast_in_dim3A_151 : vector<16xi32>
          tpu.vector_store_idx %arg9[%add3A_1743, %add3A_1746, %add3A_1749], %gather3A_1741 : memref<2x64x128xf32, #tpu.memory_space<vmem>>[vector<16xi32>, vector<16xi32>, vector<16xi32>], vector<16xf32>,
          %add3A_1750 = arith.constant 29 : i32
          %add3A_1751 = vector.broadcast %add3A_1750 : i32 to vector<16xi32>
          %add3A_1752 = arith.addi %add3A_1751, %broadcast_in_dim3A_151 : vector<16xi32>
          %gather3A_1753 = tpu.vector_load_idx %arg5[%shift_right_logical3A_1393, %add3A_1752, %and3A_1396] : memref<25x32x128xf32, #tpu.memory_space<vmem>>[vector<16xi32>, vector<16xi32>, vector<16xi32>], vector<16xf32>,
          %add3A_1754 = vector.broadcast %rem3A_121 : i32 to vector<16xi32>
          %add3A_1755 = arith.addi %add3A_1754, %broadcast_in_dim3A_151 : vector<16xi32>
          %add3A_1756 = arith.constant 48 : i32
          %add3A_1757 = vector.broadcast %add3A_1756 : i32 to vector<16xi32>
          %add3A_1758 = arith.addi %add3A_1757, %iota3A : vector<16xi32>
          %add3A_1759 = arith.constant 29 : i32
          %add3A_1760 = vector.broadcast %add3A_1759 : i32 to vector<16xi32>
          %add3A_1761 = arith.addi %add3A_1760, %broadcast_in_dim3A_151 : vector<16xi32>
          tpu.vector_store_idx %arg9[%add3A_1755, %add3A_1758, %add3A_1761], %gather3A_1753 : memref<2x64x128xf32, #tpu.memory_space<vmem>>[vector<16xi32>, vector<16xi32>, vector<16xi32>], vector<16xf32>,
          %add3A_1762 = arith.constant 30 : i32
          %add3A_1763 = vector.broadcast %add3A_1762 : i32 to vector<16xi32>
          %add3A_1764 = arith.addi %add3A_1763, %broadcast_in_dim3A_151 : vector<16xi32>
          %gather3A_1765 = tpu.vector_load_idx %arg5[%shift_right_logical3A_1393, %add3A_1764, %and3A_1396] : memref<25x32x128xf32, #tpu.memory_space<vmem>>[vector<16xi32>, vector<16xi32>, vector<16xi32>], vector<16xf32>,
          %add3A_1766 = vector.broadcast %rem3A_121 : i32 to vector<16xi32>
          %add3A_1767 = arith.addi %add3A_1766, %broadcast_in_dim3A_151 : vector<16xi32>
          %add3A_1768 = arith.constant 48 : i32
          %add3A_1769 = vector.broadcast %add3A_1768 : i32 to vector<16xi32>
          %add3A_1770 = arith.addi %add3A_1769, %iota3A : vector<16xi32>
          %add3A_1771 = arith.constant 30 : i32
          %add3A_1772 = vector.broadcast %add3A_1771 : i32 to vector<16xi32>
          %add3A_1773 = arith.addi %add3A_1772, %broadcast_in_dim3A_151 : vector<16xi32>
          tpu.vector_store_idx %arg9[%add3A_1767, %add3A_1770, %add3A_1773], %gather3A_1765 : memref<2x64x128xf32, #tpu.memory_space<vmem>>[vector<16xi32>, vector<16xi32>, vector<16xi32>], vector<16xf32>,
          %add3A_1774 = arith.constant 31 : i32
          %add3A_1775 = vector.broadcast %add3A_1774 : i32 to vector<16xi32>
          %add3A_1776 = arith.addi %add3A_1775, %broadcast_in_dim3A_151 : vector<16xi32>
          %gather3A_1777 = tpu.vector_load_idx %arg5[%shift_right_logical3A_1393, %add3A_1776, %and3A_1396] : memref<25x32x128xf32, #tpu.memory_space<vmem>>[vector<16xi32>, vector<16xi32>, vector<16xi32>], vector<16xf32>,
          %add3A_1778 = vector.broadcast %rem3A_121 : i32 to vector<16xi32>
          %add3A_1779 = arith.addi %add3A_1778, %broadcast_in_dim3A_151 : vector<16xi32>
          %add3A_1780 = arith.constant 48 : i32
          %add3A_1781 = vector.broadcast %add3A_1780 : i32 to vector<16xi32>
          %add3A_1782 = arith.addi %add3A_1781, %iota3A : vector<16xi32>
          %add3A_1783 = arith.constant 31 : i32
          %add3A_1784 = vector.broadcast %add3A_1783 : i32 to vector<16xi32>
          %add3A_1785 = arith.addi %add3A_1784, %broadcast_in_dim3A_151 : vector<16xi32>
          tpu.vector_store_idx %arg9[%add3A_1779, %add3A_1782, %add3A_1785], %gather3A_1777 : memref<2x64x128xf32, #tpu.memory_space<vmem>>[vector<16xi32>, vector<16xi32>, vector<16xi32>], vector<16xf32>,
          %dma_start3A = arith.constant 0 : i32
          %dma_start3A_1786 = arith.constant 0 : i32
          %dma_start3A_1787 = tpu.memref_slice %arg9[%rem3A_121, %dma_start3A, %dma_start3A_1786] : memref<2x64x128xf32, #tpu.memory_space<vmem>> -> memref<1x64x128xf32, #tpu.memory_space<vmem>>
          %dma_start3A_1788 = tpu.memref_squeeze %dma_start3A_1787 : memref<1x64x128xf32, #tpu.memory_space<vmem>> -> memref<64x128xf32, #tpu.memory_space<vmem>>
          %dma_start3A_1789 = arith.constant 0 : i32
          %dma_start3A_1790 = tpu.memref_slice %arg10[%rem3A_121, %dma_start3A_1789] : memref<2x64xi32, #tpu.memory_space<vmem>> -> memref<1x64xi32, #tpu.memory_space<vmem>>
          %dma_start3A_1791 = tpu.memref_squeeze %dma_start3A_1790 : memref<1x64xi32, #tpu.memory_space<vmem>> -> memref<64xi32, #tpu.memory_space<vmem>>
          %dma_start3A_1792 = arith.constant 0 : i32
          %dma_start3A_1793 = arith.constant 0 : i32
          %dma_start3A_1794 = tpu.memref_slice %arg4[%dma_start3A_1792, %dma_start3A_1793] : memref<16384x128xf32, #tpu.memory_space<hbm>> -> memref<16384x128xf32, #tpu.memory_space<hbm>>
          tpu.enqueue_indirect_dma source(%dma_start3A_1788 : memref<64x128xf32, #tpu.memory_space<vmem>>) target(%dma_start3A_1794 : memref<16384x128xf32, #tpu.memory_space<hbm>>) offsets(%dma_start3A_1791 : memref<64xi32, #tpu.memory_space<vmem>>) semaphore(%arg12 : memref<!tpu.dma_semaphore, #tpu.memory_space<semaphore_mem>>)
          %get3A_1795 = arith.constant 64 : index
          %get3A_1796 = tpu.vector_load %arg7[%get3A_1795] {strides = array<i32>} : memref<80xi32, #tpu.memory_space<vmem>>, vector<16xi32>,
          %get3A_1797 = arith.constant 64 : index
          %get3A_1798 = tpu.vector_load %arg8[%get3A_1797] {strides = array<i32>} : memref<80xi32, #tpu.memory_space<vmem>>, vector<16xi32>,
          %swap3A = arith.constant 0 : index
          %swap3A_1799 = tpu.vector_load %arg7[%swap3A] {strides = array<i32>} : memref<80xi32, #tpu.memory_space<vmem>>, vector<16xi32>,
          tpu.vector_store %arg7[%swap3A], %get3A_1796 {strides = array<i32>} : memref<80xi32, #tpu.memory_space<vmem>>, vector<16xi32>,
          %swap3A_1800 = arith.constant 0 : index
          %swap3A_1801 = tpu.vector_load %arg8[%swap3A_1800] {strides = array<i32>} : memref<80xi32, #tpu.memory_space<vmem>>, vector<16xi32>,
          tpu.vector_store %arg8[%swap3A_1800], %get3A_1798 {strides = array<i32>} : memref<80xi32, #tpu.memory_space<vmem>>, vector<16xi32>,
        } else {
        }
        %ge3A_109 = arith.constant 64 : i32
        %ge3A_110 = arith.cmpi sge, %add3A_103, %ge3A_109 : i32
        %jit3A_111 = arith.constant 1 : i32
        %jit3A_112 = arith.constant 0 : i32
        %select_n3A_113 = arith.select %ge3A_110, %jit3A_111, %jit3A_112 : i32
        %add3A_114 = arith.addi %scan3A_81, %select_n3A_113 : i32
        %ge3A_115 = arith.constant 64 : i32
        %ge3A_116 = arith.cmpi sge, %add3A_103, %ge3A_115 : i32
        %sub3A_117 = arith.constant 64 : i32
        %sub3A_118 = arith.subi %add3A_103, %sub3A_117 : i32
        %select_n3A_119 = arith.select %ge3A_116, %sub3A_118, %add3A_103 : i32
        scf.yield %select_n3A_119, %add3A_114 : i32, i32
      }
      %scan3A_78 = arith.constant 256 : i32
      scf.yield %scan3A_77#0, %scan3A_77#1 : i32, i32
    }
    %scan3A_50 = arith.constant 4 : i32
    %gt3A = arith.constant 0 : i32
    %gt3A_51 = arith.cmpi sgt, %scan3A_49#0, %gt3A : i32
    %convert_element_type3A = arith.extui %gt3A_51 : i1 to i32
    %cond3A = arith.constant 0 : i32
    %cond3A_52 = arith.cmpi ne, %convert_element_type3A, %cond3A : i32
    scf.if %cond3A_52 {
      %rem3A_68 = arith.constant 2 : i32
      %rem3A_69 = arith.remsi %scan3A_49#1, %rem3A_68 : i32
      %ge3A_70 = arith.constant 2 : i32
      %ge3A_71 = arith.cmpi sge, %scan3A_49#1, %ge3A_70 : i32
      %convert_element_type3A_72 = arith.extui %ge3A_71 : i1 to i32
      %cond3A_73 = arith.constant 0 : i32
      %cond3A_74 = arith.cmpi ne, %convert_element_type3A_72, %cond3A_73 : i32
      scf.if %cond3A_74 {
        %dma_wait3A = arith.constant 0 : i32
        %dma_wait3A_1735 = arith.constant 0 : i32
        %dma_wait3A_1736 = arith.constant 0 : i32
        %dma_wait3A_1737 = tpu.memref_slice %arg9[%dma_wait3A, %dma_wait3A_1735, %dma_wait3A_1736] : memref<2x64x128xf32, #tpu.memory_space<vmem>> -> memref<1x64x128xf32, #tpu.memory_space<vmem>>
        %dma_wait3A_1738 = tpu.memref_squeeze %dma_wait3A_1737 : memref<1x64x128xf32, #tpu.memory_space<vmem>> -> memref<64x128xf32, #tpu.memory_space<vmem>>
        %dma_wait3A_1739 = arith.constant 0 : i32
        %dma_wait3A_1740 = arith.constant 0 : i32
        %dma_wait3A_1741 = tpu.memref_slice %arg4[%dma_wait3A_1739, %dma_wait3A_1740] : memref<16384x128xf32, #tpu.memory_space<hbm>> -> memref<64x128xf32, #tpu.memory_space<hbm>>
        %dma_wait3A_1742 = arith.constant 0 : i32
        %dma_wait3A_1743 = arith.constant 0 : i32
        %dma_wait3A_1744 = tpu.memref_slice %arg4[%dma_wait3A_1742, %dma_wait3A_1743] : memref<16384x128xf32, #tpu.memory_space<hbm>> -> memref<64x128xf32, #tpu.memory_space<hbm>>
        %dma_wait3A_1745 = arith.constant 0 : i32
        %dma_wait3A_1746 = arith.constant 0 : i32
        %dma_wait3A_1747 = tpu.memref_slice %arg9[%dma_wait3A, %dma_wait3A_1745, %dma_wait3A_1746] : memref<2x64x128xf32, #tpu.memory_space<vmem>> -> memref<1x64x128xf32, #tpu.memory_space<vmem>>
        %dma_wait3A_1748 = tpu.memref_squeeze %dma_wait3A_1747 : memref<1x64x128xf32, #tpu.memory_space<vmem>> -> memref<64x128xf32, #tpu.memory_space<vmem>>
        tpu.wait_dma2 semaphore(%arg12 : memref<!tpu.dma_semaphore, #tpu.memory_space<semaphore_mem>>) src(%dma_wait3A_1748 : memref<64x128xf32, #tpu.memory_space<vmem>>) dst(%dma_wait3A_1744 : memref<64x128xf32, #tpu.memory_space<hbm>>)
      } else {
      }
      %get3A = arith.constant 0 : index
      %get3A_75 = tpu.vector_load %arg7[%get3A] {strides = array<i32>} : memref<80xi32, #tpu.memory_space<vmem>>, vector<16xi32>,
      %get3A_76 = arith.constant 0 : index
      %get3A_77 = tpu.vector_load %arg8[%get3A_76] {strides = array<i32>} : memref<80xi32, #tpu.memory_space<vmem>>, vector<16xi32>,
      %eq3A = arith.constant 0 : i32
      %eq3A_78 = vector.broadcast %eq3A : i32 to vector<16xi32>
      %eq3A_79 = arith.cmpi eq, %iota3A, %eq3A_78 : vector<16xi32>
      %jit3A_80 = arith.constant 0 : i32
      %broadcast_in_dim3A = vector.broadcast %jit3A_80 : i32 to vector<16xi32>
      %select_n3A_81 = arith.select %eq3A_79, %get3A_75, %broadcast_in_dim3A : vector<16xi1>, vector<16xi32>
      %reduce_sum3A = arith.constant true
      %reduce_sum3A_82 = vector.broadcast %reduce_sum3A : i1 to vector<16xi1>
      %reduce_sum3A_83 = tpu.scan <sum>, %select_n3A_81 masked %reduce_sum3A_82 : vector<16xi32>, vector<16xi1> -> vector<16xi32>
      %reduce_sum3A_84 = vector.extract %reduce_sum3A_83[15] : i32 from vector<16xi32>
      %eq3A_85 = arith.constant 0 : i32
      %eq3A_86 = vector.broadcast %eq3A_85 : i32 to vector<16xi32>
      %eq3A_87 = arith.cmpi eq, %iota3A, %eq3A_86 : vector<16xi32>
      %jit3A_88 = arith.constant 0 : i32
      %broadcast_in_dim3A_89 = vector.broadcast %jit3A_88 : i32 to vector<16xi32>
      %select_n3A_90 = arith.select %eq3A_87, %get3A_77, %broadcast_in_dim3A_89 : vector<16xi1>, vector<16xi32>
      %reduce_sum3A_91 = arith.constant true
      %reduce_sum3A_92 = vector.broadcast %reduce_sum3A_91 : i1 to vector<16xi1>
      %reduce_sum3A_93 = tpu.scan <sum>, %select_n3A_90 masked %reduce_sum3A_92 : vector<16xi32>, vector<16xi1> -> vector<16xi32>
      %reduce_sum3A_94 = vector.extract %reduce_sum3A_93[15] : i32 from vector<16xi32>
      %broadcast_in_dim3A_95 = arith.constant 0 : i32
      %broadcast_in_dim3A_96 = vector.broadcast %broadcast_in_dim3A_95 : i32 to vector<16xi32>
      %get3A_97 = arith.constant 0 : index
      %get3A_98 = tpu.vector_load %arg7[%get3A_97] {strides = array<i32>} : memref<80xi32, #tpu.memory_space<vmem>>, vector<16xi32>,
      %get3A_99 = arith.constant 0 : index
      %get3A_100 = tpu.vector_load %arg8[%get3A_99] {strides = array<i32>} : memref<80xi32, #tpu.memory_space<vmem>>, vector<16xi32>,
      %add3A_101 = arith.constant 0 : i32
      %add3A_102 = vector.broadcast %add3A_101 : i32 to vector<16xi32>
      %add3A_103 = arith.addi %add3A_102, %iota3A : vector<16xi32>
      %lt3A = vector.broadcast %scan3A_49#0 : i32 to vector<16xi32>
      %lt3A_104 = arith.cmpi slt, %add3A_103, %lt3A : vector<16xi32>
      %broadcast_in_dim3A_105 = vector.broadcast %reduce_sum3A_84 : i32 to vector<16xi32>
      %select_n3A_106 = arith.select %lt3A_104, %get3A_98, %broadcast_in_dim3A_105 : vector<16xi1>, vector<16xi32>
      %broadcast_in_dim3A_107 = vector.broadcast %reduce_sum3A_94 : i32 to vector<16xi32>
      %select_n3A_108 = arith.select %lt3A_104, %get3A_100, %broadcast_in_dim3A_107 : vector<16xi1>, vector<16xi32>
      %shift_right_logical3A = arith.constant 7 : i32
      %shift_right_logical3A_109 = vector.broadcast %shift_right_logical3A : i32 to vector<16xi32>
      %shift_right_logical3A_110 = arith.shrui %select_n3A_106, %shift_right_logical3A_109 : vector<16xi32>
      %and3A_111 = arith.constant 127 : i32
      %and3A_112 = vector.broadcast %and3A_111 : i32 to vector<16xi32>
      %and3A_113 = arith.andi %select_n3A_106, %and3A_112 : vector<16xi32>
      %add3A_114 = vector.broadcast %rem3A_69 : i32 to vector<16xi32>
      %add3A_115 = arith.addi %add3A_114, %broadcast_in_dim3A_96 : vector<16xi32>
      %add3A_116 = arith.constant 0 : i32
      %add3A_117 = vector.broadcast %add3A_116 : i32 to vector<16xi32>
      %add3A_118 = arith.addi %add3A_117, %iota3A : vector<16xi32>
      tpu.vector_store_idx %arg10[%add3A_115, %add3A_118], %select_n3A_108 : memref<2x64xi32, #tpu.memory_space<vmem>>[vector<16xi32>, vector<16xi32>], vector<16xi32>,
      %add3A_119 = arith.constant 0 : i32
      %add3A_120 = vector.broadcast %add3A_119 : i32 to vector<16xi32>
      %add3A_121 = arith.addi %add3A_120, %broadcast_in_dim3A_96 : vector<16xi32>
      %gather3A = tpu.vector_load_idx %arg5[%shift_right_logical3A_110, %add3A_121, %and3A_113] : memref<25x32x128xf32, #tpu.memory_space<vmem>>[vector<16xi32>, vector<16xi32>, vector<16xi32>], vector<16xf32>,
      %add3A_122 = vector.broadcast %rem3A_69 : i32 to vector<16xi32>
      %add3A_123 = arith.addi %add3A_122, %broadcast_in_dim3A_96 : vector<16xi32>
      %add3A_124 = arith.constant 0 : i32
      %add3A_125 = vector.broadcast %add3A_124 : i32 to vector<16xi32>
      %add3A_126 = arith.addi %add3A_125, %iota3A : vector<16xi32>
      %add3A_127 = arith.constant 0 : i32
      %add3A_128 = vector.broadcast %add3A_127 : i32 to vector<16xi32>
      %add3A_129 = arith.addi %add3A_128, %broadcast_in_dim3A_96 : vector<16xi32>
      tpu.vector_store_idx %arg9[%add3A_123, %add3A_126, %add3A_129], %gather3A : memref<2x64x128xf32, #tpu.memory_space<vmem>>[vector<16xi32>, vector<16xi32>, vector<16xi32>], vector<16xf32>,
      %add3A_130 = arith.constant 1 : i32
      %add3A_131 = vector.broadcast %add3A_130 : i32 to vector<16xi32>
      %add3A_132 = arith.addi %add3A_131, %broadcast_in_dim3A_96 : vector<16xi32>
      %gather3A_133 = tpu.vector_load_idx %arg5[%shift_right_logical3A_110, %add3A_132, %and3A_113] : memref<25x32x128xf32, #tpu.memory_space<vmem>>[vector<16xi32>, vector<16xi32>, vector<16xi32>], vector<16xf32>,
      %add3A_134 = vector.broadcast %rem3A_69 : i32 to vector<16xi32>
      %add3A_135 = arith.addi %add3A_134, %broadcast_in_dim3A_96 : vector<16xi32>
      %add3A_136 = arith.constant 0 : i32
      %add3A_137 = vector.broadcast %add3A_136 : i32 to vector<16xi32>
      %add3A_138 = arith.addi %add3A_137, %iota3A : vector<16xi32>
      %add3A_139 = arith.constant 1 : i32
      %add3A_140 = vector.broadcast %add3A_139 : i32 to vector<16xi32>
      %add3A_141 = arith.addi %add3A_140, %broadcast_in_dim3A_96 : vector<16xi32>
      tpu.vector_store_idx %arg9[%add3A_135, %add3A_138, %add3A_141], %gather3A_133 : memref<2x64x128xf32, #tpu.memory_space<vmem>>[vector<16xi32>, vector<16xi32>, vector<16xi32>], vector<16xf32>,
      %add3A_142 = arith.constant 2 : i32
      %add3A_143 = vector.broadcast %add3A_142 : i32 to vector<16xi32>
      %add3A_144 = arith.addi %add3A_143, %broadcast_in_dim3A_96 : vector<16xi32>
      %gather3A_145 = tpu.vector_load_idx %arg5[%shift_right_logical3A_110, %add3A_144, %and3A_113] : memref<25x32x128xf32, #tpu.memory_space<vmem>>[vector<16xi32>, vector<16xi32>, vector<16xi32>], vector<16xf32>,
      %add3A_146 = vector.broadcast %rem3A_69 : i32 to vector<16xi32>
      %add3A_147 = arith.addi %add3A_146, %broadcast_in_dim3A_96 : vector<16xi32>
      %add3A_148 = arith.constant 0 : i32
      %add3A_149 = vector.broadcast %add3A_148 : i32 to vector<16xi32>
      %add3A_150 = arith.addi %add3A_149, %iota3A : vector<16xi32>
      %add3A_151 = arith.constant 2 : i32
      %add3A_152 = vector.broadcast %add3A_151 : i32 to vector<16xi32>
      %add3A_153 = arith.addi %add3A_152, %broadcast_in_dim3A_96 : vector<16xi32>
      tpu.vector_store_idx %arg9[%add3A_147, %add3A_150, %add3A_153], %gather3A_145 : memref<2x64x128xf32, #tpu.memory_space<vmem>>[vector<16xi32>, vector<16xi32>, vector<16xi32>], vector<16xf32>,
      %add3A_154 = arith.constant 3 : i32
      %add3A_155 = vector.broadcast %add3A_154 : i32 to vector<16xi32>
      %add3A_156 = arith.addi %add3A_155, %broadcast_in_dim3A_96 : vector<16xi32>
      %gather3A_157 = tpu.vector_load_idx %arg5[%shift_right_logical3A_110, %add3A_156, %and3A_113] : memref<25x32x128xf32, #tpu.memory_space<vmem>>[vector<16xi32>, vector<16xi32>, vector<16xi32>], vector<16xf32>,
      %add3A_158 = vector.broadcast %rem3A_69 : i32 to vector<16xi32>
      %add3A_159 = arith.addi %add3A_158, %broadcast_in_dim3A_96 : vector<16xi32>
      %add3A_160 = arith.constant 0 : i32
      %add3A_161 = vector.broadcast %add3A_160 : i32 to vector<16xi32>
      %add3A_162 = arith.addi %add3A_161, %iota3A : vector<16xi32>
      %add3A_163 = arith.constant 3 : i32
      %add3A_164 = vector.broadcast %add3A_163 : i32 to vector<16xi32>
      %add3A_165 = arith.addi %add3A_164, %broadcast_in_dim3A_96 : vector<16xi32>
      tpu.vector_store_idx %arg9[%add3A_159, %add3A_162, %add3A_165], %gather3A_157 : memref<2x64x128xf32, #tpu.memory_space<vmem>>[vector<16xi32>, vector<16xi32>, vector<16xi32>], vector<16xf32>,
      %add3A_166 = arith.constant 4 : i32
      %add3A_167 = vector.broadcast %add3A_166 : i32 to vector<16xi32>
      %add3A_168 = arith.addi %add3A_167, %broadcast_in_dim3A_96 : vector<16xi32>
      %gather3A_169 = tpu.vector_load_idx %arg5[%shift_right_logical3A_110, %add3A_168, %and3A_113] : memref<25x32x128xf32, #tpu.memory_space<vmem>>[vector<16xi32>, vector<16xi32>, vector<16xi32>], vector<16xf32>,
      %add3A_170 = vector.broadcast %rem3A_69 : i32 to vector<16xi32>
      %add3A_171 = arith.addi %add3A_170, %broadcast_in_dim3A_96 : vector<16xi32>
      %add3A_172 = arith.constant 0 : i32
      %add3A_173 = vector.broadcast %add3A_172 : i32 to vector<16xi32>
      %add3A_174 = arith.addi %add3A_173, %iota3A : vector<16xi32>
      %add3A_175 = arith.constant 4 : i32
      %add3A_176 = vector.broadcast %add3A_175 : i32 to vector<16xi32>
      %add3A_177 = arith.addi %add3A_176, %broadcast_in_dim3A_96 : vector<16xi32>
      tpu.vector_store_idx %arg9[%add3A_171, %add3A_174, %add3A_177], %gather3A_169 : memref<2x64x128xf32, #tpu.memory_space<vmem>>[vector<16xi32>, vector<16xi32>, vector<16xi32>], vector<16xf32>,
      %add3A_178 = arith.constant 5 : i32
      %add3A_179 = vector.broadcast %add3A_178 : i32 to vector<16xi32>
      %add3A_180 = arith.addi %add3A_179, %broadcast_in_dim3A_96 : vector<16xi32>
      %gather3A_181 = tpu.vector_load_idx %arg5[%shift_right_logical3A_110, %add3A_180, %and3A_113] : memref<25x32x128xf32, #tpu.memory_space<vmem>>[vector<16xi32>, vector<16xi32>, vector<16xi32>], vector<16xf32>,
      %add3A_182 = vector.broadcast %rem3A_69 : i32 to vector<16xi32>
      %add3A_183 = arith.addi %add3A_182, %broadcast_in_dim3A_96 : vector<16xi32>
      %add3A_184 = arith.constant 0 : i32
      %add3A_185 = vector.broadcast %add3A_184 : i32 to vector<16xi32>
      %add3A_186 = arith.addi %add3A_185, %iota3A : vector<16xi32>
      %add3A_187 = arith.constant 5 : i32
      %add3A_188 = vector.broadcast %add3A_187 : i32 to vector<16xi32>
      %add3A_189 = arith.addi %add3A_188, %broadcast_in_dim3A_96 : vector<16xi32>
      tpu.vector_store_idx %arg9[%add3A_183, %add3A_186, %add3A_189], %gather3A_181 : memref<2x64x128xf32, #tpu.memory_space<vmem>>[vector<16xi32>, vector<16xi32>, vector<16xi32>], vector<16xf32>,
      %add3A_190 = arith.constant 6 : i32
      %add3A_191 = vector.broadcast %add3A_190 : i32 to vector<16xi32>
      %add3A_192 = arith.addi %add3A_191, %broadcast_in_dim3A_96 : vector<16xi32>
      %gather3A_193 = tpu.vector_load_idx %arg5[%shift_right_logical3A_110, %add3A_192, %and3A_113] : memref<25x32x128xf32, #tpu.memory_space<vmem>>[vector<16xi32>, vector<16xi32>, vector<16xi32>], vector<16xf32>,
      %add3A_194 = vector.broadcast %rem3A_69 : i32 to vector<16xi32>
      %add3A_195 = arith.addi %add3A_194, %broadcast_in_dim3A_96 : vector<16xi32>
      %add3A_196 = arith.constant 0 : i32
      %add3A_197 = vector.broadcast %add3A_196 : i32 to vector<16xi32>
      %add3A_198 = arith.addi %add3A_197, %iota3A : vector<16xi32>
      %add3A_199 = arith.constant 6 : i32
      %add3A_200 = vector.broadcast %add3A_199 : i32 to vector<16xi32>
      %add3A_201 = arith.addi %add3A_200, %broadcast_in_dim3A_96 : vector<16xi32>
      tpu.vector_store_idx %arg9[%add3A_195, %add3A_198, %add3A_201], %gather3A_193 : memref<2x64x128xf32, #tpu.memory_space<vmem>>[vector<16xi32>, vector<16xi32>, vector<16xi32>], vector<16xf32>,
      %add3A_202 = arith.constant 7 : i32
      %add3A_203 = vector.broadcast %add3A_202 : i32 to vector<16xi32>
      %add3A_204 = arith.addi %add3A_203, %broadcast_in_dim3A_96 : vector<16xi32>
      %gather3A_205 = tpu.vector_load_idx %arg5[%shift_right_logical3A_110, %add3A_204, %and3A_113] : memref<25x32x128xf32, #tpu.memory_space<vmem>>[vector<16xi32>, vector<16xi32>, vector<16xi32>], vector<16xf32>,
      %add3A_206 = vector.broadcast %rem3A_69 : i32 to vector<16xi32>
      %add3A_207 = arith.addi %add3A_206, %broadcast_in_dim3A_96 : vector<16xi32>
      %add3A_208 = arith.constant 0 : i32
      %add3A_209 = vector.broadcast %add3A_208 : i32 to vector<16xi32>
      %add3A_210 = arith.addi %add3A_209, %iota3A : vector<16xi32>
      %add3A_211 = arith.constant 7 : i32
      %add3A_212 = vector.broadcast %add3A_211 : i32 to vector<16xi32>
      %add3A_213 = arith.addi %add3A_212, %broadcast_in_dim3A_96 : vector<16xi32>
      tpu.vector_store_idx %arg9[%add3A_207, %add3A_210, %add3A_213], %gather3A_205 : memref<2x64x128xf32, #tpu.memory_space<vmem>>[vector<16xi32>, vector<16xi32>, vector<16xi32>], vector<16xf32>,
      %add3A_214 = arith.constant 8 : i32
      %add3A_215 = vector.broadcast %add3A_214 : i32 to vector<16xi32>
      %add3A_216 = arith.addi %add3A_215, %broadcast_in_dim3A_96 : vector<16xi32>
      %gather3A_217 = tpu.vector_load_idx %arg5[%shift_right_logical3A_110, %add3A_216, %and3A_113] : memref<25x32x128xf32, #tpu.memory_space<vmem>>[vector<16xi32>, vector<16xi32>, vector<16xi32>], vector<16xf32>,
      %add3A_218 = vector.broadcast %rem3A_69 : i32 to vector<16xi32>
      %add3A_219 = arith.addi %add3A_218, %broadcast_in_dim3A_96 : vector<16xi32>
      %add3A_220 = arith.constant 0 : i32
      %add3A_221 = vector.broadcast %add3A_220 : i32 to vector<16xi32>
      %add3A_222 = arith.addi %add3A_221, %iota3A : vector<16xi32>
      %add3A_223 = arith.constant 8 : i32
      %add3A_224 = vector.broadcast %add3A_223 : i32 to vector<16xi32>
      %add3A_225 = arith.addi %add3A_224, %broadcast_in_dim3A_96 : vector<16xi32>
      tpu.vector_store_idx %arg9[%add3A_219, %add3A_222, %add3A_225], %gather3A_217 : memref<2x64x128xf32, #tpu.memory_space<vmem>>[vector<16xi32>, vector<16xi32>, vector<16xi32>], vector<16xf32>,
      %add3A_226 = arith.constant 9 : i32
      %add3A_227 = vector.broadcast %add3A_226 : i32 to vector<16xi32>
      %add3A_228 = arith.addi %add3A_227, %broadcast_in_dim3A_96 : vector<16xi32>
      %gather3A_229 = tpu.vector_load_idx %arg5[%shift_right_logical3A_110, %add3A_228, %and3A_113] : memref<25x32x128xf32, #tpu.memory_space<vmem>>[vector<16xi32>, vector<16xi32>, vector<16xi32>], vector<16xf32>,
      %add3A_230 = vector.broadcast %rem3A_69 : i32 to vector<16xi32>
      %add3A_231 = arith.addi %add3A_230, %broadcast_in_dim3A_96 : vector<16xi32>
      %add3A_232 = arith.constant 0 : i32
      %add3A_233 = vector.broadcast %add3A_232 : i32 to vector<16xi32>
      %add3A_234 = arith.addi %add3A_233, %iota3A : vector<16xi32>
      %add3A_235 = arith.constant 9 : i32
      %add3A_236 = vector.broadcast %add3A_235 : i32 to vector<16xi32>
      %add3A_237 = arith.addi %add3A_236, %broadcast_in_dim3A_96 : vector<16xi32>
      tpu.vector_store_idx %arg9[%add3A_231, %add3A_234, %add3A_237], %gather3A_229 : memref<2x64x128xf32, #tpu.memory_space<vmem>>[vector<16xi32>, vector<16xi32>, vector<16xi32>], vector<16xf32>,
      %add3A_238 = arith.constant 10 : i32
      %add3A_239 = vector.broadcast %add3A_238 : i32 to vector<16xi32>
      %add3A_240 = arith.addi %add3A_239, %broadcast_in_dim3A_96 : vector<16xi32>
      %gather3A_241 = tpu.vector_load_idx %arg5[%shift_right_logical3A_110, %add3A_240, %and3A_113] : memref<25x32x128xf32, #tpu.memory_space<vmem>>[vector<16xi32>, vector<16xi32>, vector<16xi32>], vector<16xf32>,
      %add3A_242 = vector.broadcast %rem3A_69 : i32 to vector<16xi32>
      %add3A_243 = arith.addi %add3A_242, %broadcast_in_dim3A_96 : vector<16xi32>
      %add3A_244 = arith.constant 0 : i32
      %add3A_245 = vector.broadcast %add3A_244 : i32 to vector<16xi32>
      %add3A_246 = arith.addi %add3A_245, %iota3A : vector<16xi32>
      %add3A_247 = arith.constant 10 : i32
      %add3A_248 = vector.broadcast %add3A_247 : i32 to vector<16xi32>
      %add3A_249 = arith.addi %add3A_248, %broadcast_in_dim3A_96 : vector<16xi32>
      tpu.vector_store_idx %arg9[%add3A_243, %add3A_246, %add3A_249], %gather3A_241 : memref<2x64x128xf32, #tpu.memory_space<vmem>>[vector<16xi32>, vector<16xi32>, vector<16xi32>], vector<16xf32>,
      %add3A_250 = arith.constant 11 : i32
      %add3A_251 = vector.broadcast %add3A_250 : i32 to vector<16xi32>
      %add3A_252 = arith.addi %add3A_251, %broadcast_in_dim3A_96 : vector<16xi32>
      %gather3A_253 = tpu.vector_load_idx %arg5[%shift_right_logical3A_110, %add3A_252, %and3A_113] : memref<25x32x128xf32, #tpu.memory_space<vmem>>[vector<16xi32>, vector<16xi32>, vector<16xi32>], vector<16xf32>,
      %add3A_254 = vector.broadcast %rem3A_69 : i32 to vector<16xi32>
      %add3A_255 = arith.addi %add3A_254, %broadcast_in_dim3A_96 : vector<16xi32>
      %add3A_256 = arith.constant 0 : i32
      %add3A_257 = vector.broadcast %add3A_256 : i32 to vector<16xi32>
      %add3A_258 = arith.addi %add3A_257, %iota3A : vector<16xi32>
      %add3A_259 = arith.constant 11 : i32
      %add3A_260 = vector.broadcast %add3A_259 : i32 to vector<16xi32>
      %add3A_261 = arith.addi %add3A_260, %broadcast_in_dim3A_96 : vector<16xi32>
      tpu.vector_store_idx %arg9[%add3A_255, %add3A_258, %add3A_261], %gather3A_253 : memref<2x64x128xf32, #tpu.memory_space<vmem>>[vector<16xi32>, vector<16xi32>, vector<16xi32>], vector<16xf32>,
      %add3A_262 = arith.constant 12 : i32
      %add3A_263 = vector.broadcast %add3A_262 : i32 to vector<16xi32>
      %add3A_264 = arith.addi %add3A_263, %broadcast_in_dim3A_96 : vector<16xi32>
      %gather3A_265 = tpu.vector_load_idx %arg5[%shift_right_logical3A_110, %add3A_264, %and3A_113] : memref<25x32x128xf32, #tpu.memory_space<vmem>>[vector<16xi32>, vector<16xi32>, vector<16xi32>], vector<16xf32>,
      %add3A_266 = vector.broadcast %rem3A_69 : i32 to vector<16xi32>
      %add3A_267 = arith.addi %add3A_266, %broadcast_in_dim3A_96 : vector<16xi32>
      %add3A_268 = arith.constant 0 : i32
      %add3A_269 = vector.broadcast %add3A_268 : i32 to vector<16xi32>
      %add3A_270 = arith.addi %add3A_269, %iota3A : vector<16xi32>
      %add3A_271 = arith.constant 12 : i32
      %add3A_272 = vector.broadcast %add3A_271 : i32 to vector<16xi32>
      %add3A_273 = arith.addi %add3A_272, %broadcast_in_dim3A_96 : vector<16xi32>
      tpu.vector_store_idx %arg9[%add3A_267, %add3A_270, %add3A_273], %gather3A_265 : memref<2x64x128xf32, #tpu.memory_space<vmem>>[vector<16xi32>, vector<16xi32>, vector<16xi32>], vector<16xf32>,
      %add3A_274 = arith.constant 13 : i32
      %add3A_275 = vector.broadcast %add3A_274 : i32 to vector<16xi32>
      %add3A_276 = arith.addi %add3A_275, %broadcast_in_dim3A_96 : vector<16xi32>
      %gather3A_277 = tpu.vector_load_idx %arg5[%shift_right_logical3A_110, %add3A_276, %and3A_113] : memref<25x32x128xf32, #tpu.memory_space<vmem>>[vector<16xi32>, vector<16xi32>, vector<16xi32>], vector<16xf32>,
      %add3A_278 = vector.broadcast %rem3A_69 : i32 to vector<16xi32>
      %add3A_279 = arith.addi %add3A_278, %broadcast_in_dim3A_96 : vector<16xi32>
      %add3A_280 = arith.constant 0 : i32
      %add3A_281 = vector.broadcast %add3A_280 : i32 to vector<16xi32>
      %add3A_282 = arith.addi %add3A_281, %iota3A : vector<16xi32>
      %add3A_283 = arith.constant 13 : i32
      %add3A_284 = vector.broadcast %add3A_283 : i32 to vector<16xi32>
      %add3A_285 = arith.addi %add3A_284, %broadcast_in_dim3A_96 : vector<16xi32>
      tpu.vector_store_idx %arg9[%add3A_279, %add3A_282, %add3A_285], %gather3A_277 : memref<2x64x128xf32, #tpu.memory_space<vmem>>[vector<16xi32>, vector<16xi32>, vector<16xi32>], vector<16xf32>,
      %add3A_286 = arith.constant 14 : i32
      %add3A_287 = vector.broadcast %add3A_286 : i32 to vector<16xi32>
      %add3A_288 = arith.addi %add3A_287, %broadcast_in_dim3A_96 : vector<16xi32>
      %gather3A_289 = tpu.vector_load_idx %arg5[%shift_right_logical3A_110, %add3A_288, %and3A_113] : memref<25x32x128xf32, #tpu.memory_space<vmem>>[vector<16xi32>, vector<16xi32>, vector<16xi32>], vector<16xf32>,
      %add3A_290 = vector.broadcast %rem3A_69 : i32 to vector<16xi32>
      %add3A_291 = arith.addi %add3A_290, %broadcast_in_dim3A_96 : vector<16xi32>
      %add3A_292 = arith.constant 0 : i32
      %add3A_293 = vector.broadcast %add3A_292 : i32 to vector<16xi32>
      %add3A_294 = arith.addi %add3A_293, %iota3A : vector<16xi32>
      %add3A_295 = arith.constant 14 : i32
      %add3A_296 = vector.broadcast %add3A_295 : i32 to vector<16xi32>
      %add3A_297 = arith.addi %add3A_296, %broadcast_in_dim3A_96 : vector<16xi32>
      tpu.vector_store_idx %arg9[%add3A_291, %add3A_294, %add3A_297], %gather3A_289 : memref<2x64x128xf32, #tpu.memory_space<vmem>>[vector<16xi32>, vector<16xi32>, vector<16xi32>], vector<16xf32>,
      %add3A_298 = arith.constant 15 : i32
      %add3A_299 = vector.broadcast %add3A_298 : i32 to vector<16xi32>
      %add3A_300 = arith.addi %add3A_299, %broadcast_in_dim3A_96 : vector<16xi32>
      %gather3A_301 = tpu.vector_load_idx %arg5[%shift_right_logical3A_110, %add3A_300, %and3A_113] : memref<25x32x128xf32, #tpu.memory_space<vmem>>[vector<16xi32>, vector<16xi32>, vector<16xi32>], vector<16xf32>,
      %add3A_302 = vector.broadcast %rem3A_69 : i32 to vector<16xi32>
      %add3A_303 = arith.addi %add3A_302, %broadcast_in_dim3A_96 : vector<16xi32>
      %add3A_304 = arith.constant 0 : i32
      %add3A_305 = vector.broadcast %add3A_304 : i32 to vector<16xi32>
      %add3A_306 = arith.addi %add3A_305, %iota3A : vector<16xi32>
      %add3A_307 = arith.constant 15 : i32
      %add3A_308 = vector.broadcast %add3A_307 : i32 to vector<16xi32>
      %add3A_309 = arith.addi %add3A_308, %broadcast_in_dim3A_96 : vector<16xi32>
      tpu.vector_store_idx %arg9[%add3A_303, %add3A_306, %add3A_309], %gather3A_301 : memref<2x64x128xf32, #tpu.memory_space<vmem>>[vector<16xi32>, vector<16xi32>, vector<16xi32>], vector<16xf32>,
      %add3A_310 = arith.constant 16 : i32
      %add3A_311 = vector.broadcast %add3A_310 : i32 to vector<16xi32>
      %add3A_312 = arith.addi %add3A_311, %broadcast_in_dim3A_96 : vector<16xi32>
      %gather3A_313 = tpu.vector_load_idx %arg5[%shift_right_logical3A_110, %add3A_312, %and3A_113] : memref<25x32x128xf32, #tpu.memory_space<vmem>>[vector<16xi32>, vector<16xi32>, vector<16xi32>], vector<16xf32>,
      %add3A_314 = vector.broadcast %rem3A_69 : i32 to vector<16xi32>
      %add3A_315 = arith.addi %add3A_314, %broadcast_in_dim3A_96 : vector<16xi32>
      %add3A_316 = arith.constant 0 : i32
      %add3A_317 = vector.broadcast %add3A_316 : i32 to vector<16xi32>
      %add3A_318 = arith.addi %add3A_317, %iota3A : vector<16xi32>
      %add3A_319 = arith.constant 16 : i32
      %add3A_320 = vector.broadcast %add3A_319 : i32 to vector<16xi32>
      %add3A_321 = arith.addi %add3A_320, %broadcast_in_dim3A_96 : vector<16xi32>
      tpu.vector_store_idx %arg9[%add3A_315, %add3A_318, %add3A_321], %gather3A_313 : memref<2x64x128xf32, #tpu.memory_space<vmem>>[vector<16xi32>, vector<16xi32>, vector<16xi32>], vector<16xf32>,
      %add3A_322 = arith.constant 17 : i32
      %add3A_323 = vector.broadcast %add3A_322 : i32 to vector<16xi32>
      %add3A_324 = arith.addi %add3A_323, %broadcast_in_dim3A_96 : vector<16xi32>
      %gather3A_325 = tpu.vector_load_idx %arg5[%shift_right_logical3A_110, %add3A_324, %and3A_113] : memref<25x32x128xf32, #tpu.memory_space<vmem>>[vector<16xi32>, vector<16xi32>, vector<16xi32>], vector<16xf32>,
      %add3A_326 = vector.broadcast %rem3A_69 : i32 to vector<16xi32>
      %add3A_327 = arith.addi %add3A_326, %broadcast_in_dim3A_96 : vector<16xi32>
      %add3A_328 = arith.constant 0 : i32
      %add3A_329 = vector.broadcast %add3A_328 : i32 to vector<16xi32>
      %add3A_330 = arith.addi %add3A_329, %iota3A : vector<16xi32>
      %add3A_331 = arith.constant 17 : i32
      %add3A_332 = vector.broadcast %add3A_331 : i32 to vector<16xi32>
      %add3A_333 = arith.addi %add3A_332, %broadcast_in_dim3A_96 : vector<16xi32>
      tpu.vector_store_idx %arg9[%add3A_327, %add3A_330, %add3A_333], %gather3A_325 : memref<2x64x128xf32, #tpu.memory_space<vmem>>[vector<16xi32>, vector<16xi32>, vector<16xi32>], vector<16xf32>,
      %add3A_334 = arith.constant 18 : i32
      %add3A_335 = vector.broadcast %add3A_334 : i32 to vector<16xi32>
      %add3A_336 = arith.addi %add3A_335, %broadcast_in_dim3A_96 : vector<16xi32>
      %gather3A_337 = tpu.vector_load_idx %arg5[%shift_right_logical3A_110, %add3A_336, %and3A_113] : memref<25x32x128xf32, #tpu.memory_space<vmem>>[vector<16xi32>, vector<16xi32>, vector<16xi32>], vector<16xf32>,
      %add3A_338 = vector.broadcast %rem3A_69 : i32 to vector<16xi32>
      %add3A_339 = arith.addi %add3A_338, %broadcast_in_dim3A_96 : vector<16xi32>
      %add3A_340 = arith.constant 0 : i32
      %add3A_341 = vector.broadcast %add3A_340 : i32 to vector<16xi32>
      %add3A_342 = arith.addi %add3A_341, %iota3A : vector<16xi32>
      %add3A_343 = arith.constant 18 : i32
      %add3A_344 = vector.broadcast %add3A_343 : i32 to vector<16xi32>
      %add3A_345 = arith.addi %add3A_344, %broadcast_in_dim3A_96 : vector<16xi32>
      tpu.vector_store_idx %arg9[%add3A_339, %add3A_342, %add3A_345], %gather3A_337 : memref<2x64x128xf32, #tpu.memory_space<vmem>>[vector<16xi32>, vector<16xi32>, vector<16xi32>], vector<16xf32>,
      %add3A_346 = arith.constant 19 : i32
      %add3A_347 = vector.broadcast %add3A_346 : i32 to vector<16xi32>
      %add3A_348 = arith.addi %add3A_347, %broadcast_in_dim3A_96 : vector<16xi32>
      %gather3A_349 = tpu.vector_load_idx %arg5[%shift_right_logical3A_110, %add3A_348, %and3A_113] : memref<25x32x128xf32, #tpu.memory_space<vmem>>[vector<16xi32>, vector<16xi32>, vector<16xi32>], vector<16xf32>,
      %add3A_350 = vector.broadcast %rem3A_69 : i32 to vector<16xi32>
      %add3A_351 = arith.addi %add3A_350, %broadcast_in_dim3A_96 : vector<16xi32>
      %add3A_352 = arith.constant 0 : i32
      %add3A_353 = vector.broadcast %add3A_352 : i32 to vector<16xi32>
      %add3A_354 = arith.addi %add3A_353, %iota3A : vector<16xi32>
      %add3A_355 = arith.constant 19 : i32
      %add3A_356 = vector.broadcast %add3A_355 : i32 to vector<16xi32>
      %add3A_357 = arith.addi %add3A_356, %broadcast_in_dim3A_96 : vector<16xi32>
      tpu.vector_store_idx %arg9[%add3A_351, %add3A_354, %add3A_357], %gather3A_349 : memref<2x64x128xf32, #tpu.memory_space<vmem>>[vector<16xi32>, vector<16xi32>, vector<16xi32>], vector<16xf32>,
      %add3A_358 = arith.constant 20 : i32
      %add3A_359 = vector.broadcast %add3A_358 : i32 to vector<16xi32>
      %add3A_360 = arith.addi %add3A_359, %broadcast_in_dim3A_96 : vector<16xi32>
      %gather3A_361 = tpu.vector_load_idx %arg5[%shift_right_logical3A_110, %add3A_360, %and3A_113] : memref<25x32x128xf32, #tpu.memory_space<vmem>>[vector<16xi32>, vector<16xi32>, vector<16xi32>], vector<16xf32>,
      %add3A_362 = vector.broadcast %rem3A_69 : i32 to vector<16xi32>
      %add3A_363 = arith.addi %add3A_362, %broadcast_in_dim3A_96 : vector<16xi32>
      %add3A_364 = arith.constant 0 : i32
      %add3A_365 = vector.broadcast %add3A_364 : i32 to vector<16xi32>
      %add3A_366 = arith.addi %add3A_365, %iota3A : vector<16xi32>
      %add3A_367 = arith.constant 20 : i32
      %add3A_368 = vector.broadcast %add3A_367 : i32 to vector<16xi32>
      %add3A_369 = arith.addi %add3A_368, %broadcast_in_dim3A_96 : vector<16xi32>
      tpu.vector_store_idx %arg9[%add3A_363, %add3A_366, %add3A_369], %gather3A_361 : memref<2x64x128xf32, #tpu.memory_space<vmem>>[vector<16xi32>, vector<16xi32>, vector<16xi32>], vector<16xf32>,
      %add3A_370 = arith.constant 21 : i32
      %add3A_371 = vector.broadcast %add3A_370 : i32 to vector<16xi32>
      %add3A_372 = arith.addi %add3A_371, %broadcast_in_dim3A_96 : vector<16xi32>
      %gather3A_373 = tpu.vector_load_idx %arg5[%shift_right_logical3A_110, %add3A_372, %and3A_113] : memref<25x32x128xf32, #tpu.memory_space<vmem>>[vector<16xi32>, vector<16xi32>, vector<16xi32>], vector<16xf32>,
      %add3A_374 = vector.broadcast %rem3A_69 : i32 to vector<16xi32>
      %add3A_375 = arith.addi %add3A_374, %broadcast_in_dim3A_96 : vector<16xi32>
      %add3A_376 = arith.constant 0 : i32
      %add3A_377 = vector.broadcast %add3A_376 : i32 to vector<16xi32>
      %add3A_378 = arith.addi %add3A_377, %iota3A : vector<16xi32>
      %add3A_379 = arith.constant 21 : i32
      %add3A_380 = vector.broadcast %add3A_379 : i32 to vector<16xi32>
      %add3A_381 = arith.addi %add3A_380, %broadcast_in_dim3A_96 : vector<16xi32>
      tpu.vector_store_idx %arg9[%add3A_375, %add3A_378, %add3A_381], %gather3A_373 : memref<2x64x128xf32, #tpu.memory_space<vmem>>[vector<16xi32>, vector<16xi32>, vector<16xi32>], vector<16xf32>,
      %add3A_382 = arith.constant 22 : i32
      %add3A_383 = vector.broadcast %add3A_382 : i32 to vector<16xi32>
      %add3A_384 = arith.addi %add3A_383, %broadcast_in_dim3A_96 : vector<16xi32>
      %gather3A_385 = tpu.vector_load_idx %arg5[%shift_right_logical3A_110, %add3A_384, %and3A_113] : memref<25x32x128xf32, #tpu.memory_space<vmem>>[vector<16xi32>, vector<16xi32>, vector<16xi32>], vector<16xf32>,
      %add3A_386 = vector.broadcast %rem3A_69 : i32 to vector<16xi32>
      %add3A_387 = arith.addi %add3A_386, %broadcast_in_dim3A_96 : vector<16xi32>
      %add3A_388 = arith.constant 0 : i32
      %add3A_389 = vector.broadcast %add3A_388 : i32 to vector<16xi32>
      %add3A_390 = arith.addi %add3A_389, %iota3A : vector<16xi32>
      %add3A_391 = arith.constant 22 : i32
      %add3A_392 = vector.broadcast %add3A_391 : i32 to vector<16xi32>
      %add3A_393 = arith.addi %add3A_392, %broadcast_in_dim3A_96 : vector<16xi32>
      tpu.vector_store_idx %arg9[%add3A_387, %add3A_390, %add3A_393], %gather3A_385 : memref<2x64x128xf32, #tpu.memory_space<vmem>>[vector<16xi32>, vector<16xi32>, vector<16xi32>], vector<16xf32>,
      %add3A_394 = arith.constant 23 : i32
      %add3A_395 = vector.broadcast %add3A_394 : i32 to vector<16xi32>
      %add3A_396 = arith.addi %add3A_395, %broadcast_in_dim3A_96 : vector<16xi32>
      %gather3A_397 = tpu.vector_load_idx %arg5[%shift_right_logical3A_110, %add3A_396, %and3A_113] : memref<25x32x128xf32, #tpu.memory_space<vmem>>[vector<16xi32>, vector<16xi32>, vector<16xi32>], vector<16xf32>,
      %add3A_398 = vector.broadcast %rem3A_69 : i32 to vector<16xi32>
      %add3A_399 = arith.addi %add3A_398, %broadcast_in_dim3A_96 : vector<16xi32>
      %add3A_400 = arith.constant 0 : i32
      %add3A_401 = vector.broadcast %add3A_400 : i32 to vector<16xi32>
      %add3A_402 = arith.addi %add3A_401, %iota3A : vector<16xi32>
      %add3A_403 = arith.constant 23 : i32
      %add3A_404 = vector.broadcast %add3A_403 : i32 to vector<16xi32>
      %add3A_405 = arith.addi %add3A_404, %broadcast_in_dim3A_96 : vector<16xi32>
      tpu.vector_store_idx %arg9[%add3A_399, %add3A_402, %add3A_405], %gather3A_397 : memref<2x64x128xf32, #tpu.memory_space<vmem>>[vector<16xi32>, vector<16xi32>, vector<16xi32>], vector<16xf32>,
      %add3A_406 = arith.constant 24 : i32
      %add3A_407 = vector.broadcast %add3A_406 : i32 to vector<16xi32>
      %add3A_408 = arith.addi %add3A_407, %broadcast_in_dim3A_96 : vector<16xi32>
      %gather3A_409 = tpu.vector_load_idx %arg5[%shift_right_logical3A_110, %add3A_408, %and3A_113] : memref<25x32x128xf32, #tpu.memory_space<vmem>>[vector<16xi32>, vector<16xi32>, vector<16xi32>], vector<16xf32>,
      %add3A_410 = vector.broadcast %rem3A_69 : i32 to vector<16xi32>
      %add3A_411 = arith.addi %add3A_410, %broadcast_in_dim3A_96 : vector<16xi32>
      %add3A_412 = arith.constant 0 : i32
      %add3A_413 = vector.broadcast %add3A_412 : i32 to vector<16xi32>
      %add3A_414 = arith.addi %add3A_413, %iota3A : vector<16xi32>
      %add3A_415 = arith.constant 24 : i32
      %add3A_416 = vector.broadcast %add3A_415 : i32 to vector<16xi32>
      %add3A_417 = arith.addi %add3A_416, %broadcast_in_dim3A_96 : vector<16xi32>
      tpu.vector_store_idx %arg9[%add3A_411, %add3A_414, %add3A_417], %gather3A_409 : memref<2x64x128xf32, #tpu.memory_space<vmem>>[vector<16xi32>, vector<16xi32>, vector<16xi32>], vector<16xf32>,
      %add3A_418 = arith.constant 25 : i32
      %add3A_419 = vector.broadcast %add3A_418 : i32 to vector<16xi32>
      %add3A_420 = arith.addi %add3A_419, %broadcast_in_dim3A_96 : vector<16xi32>
      %gather3A_421 = tpu.vector_load_idx %arg5[%shift_right_logical3A_110, %add3A_420, %and3A_113] : memref<25x32x128xf32, #tpu.memory_space<vmem>>[vector<16xi32>, vector<16xi32>, vector<16xi32>], vector<16xf32>,
      %add3A_422 = vector.broadcast %rem3A_69 : i32 to vector<16xi32>
      %add3A_423 = arith.addi %add3A_422, %broadcast_in_dim3A_96 : vector<16xi32>
      %add3A_424 = arith.constant 0 : i32
      %add3A_425 = vector.broadcast %add3A_424 : i32 to vector<16xi32>
      %add3A_426 = arith.addi %add3A_425, %iota3A : vector<16xi32>
      %add3A_427 = arith.constant 25 : i32
      %add3A_428 = vector.broadcast %add3A_427 : i32 to vector<16xi32>
      %add3A_429 = arith.addi %add3A_428, %broadcast_in_dim3A_96 : vector<16xi32>
      tpu.vector_store_idx %arg9[%add3A_423, %add3A_426, %add3A_429], %gather3A_421 : memref<2x64x128xf32, #tpu.memory_space<vmem>>[vector<16xi32>, vector<16xi32>, vector<16xi32>], vector<16xf32>,
      %add3A_430 = arith.constant 26 : i32
      %add3A_431 = vector.broadcast %add3A_430 : i32 to vector<16xi32>
      %add3A_432 = arith.addi %add3A_431, %broadcast_in_dim3A_96 : vector<16xi32>
      %gather3A_433 = tpu.vector_load_idx %arg5[%shift_right_logical3A_110, %add3A_432, %and3A_113] : memref<25x32x128xf32, #tpu.memory_space<vmem>>[vector<16xi32>, vector<16xi32>, vector<16xi32>], vector<16xf32>,
      %add3A_434 = vector.broadcast %rem3A_69 : i32 to vector<16xi32>
      %add3A_435 = arith.addi %add3A_434, %broadcast_in_dim3A_96 : vector<16xi32>
      %add3A_436 = arith.constant 0 : i32
      %add3A_437 = vector.broadcast %add3A_436 : i32 to vector<16xi32>
      %add3A_438 = arith.addi %add3A_437, %iota3A : vector<16xi32>
      %add3A_439 = arith.constant 26 : i32
      %add3A_440 = vector.broadcast %add3A_439 : i32 to vector<16xi32>
      %add3A_441 = arith.addi %add3A_440, %broadcast_in_dim3A_96 : vector<16xi32>
      tpu.vector_store_idx %arg9[%add3A_435, %add3A_438, %add3A_441], %gather3A_433 : memref<2x64x128xf32, #tpu.memory_space<vmem>>[vector<16xi32>, vector<16xi32>, vector<16xi32>], vector<16xf32>,
      %add3A_442 = arith.constant 27 : i32
      %add3A_443 = vector.broadcast %add3A_442 : i32 to vector<16xi32>
      %add3A_444 = arith.addi %add3A_443, %broadcast_in_dim3A_96 : vector<16xi32>
      %gather3A_445 = tpu.vector_load_idx %arg5[%shift_right_logical3A_110, %add3A_444, %and3A_113] : memref<25x32x128xf32, #tpu.memory_space<vmem>>[vector<16xi32>, vector<16xi32>, vector<16xi32>], vector<16xf32>,
      %add3A_446 = vector.broadcast %rem3A_69 : i32 to vector<16xi32>
      %add3A_447 = arith.addi %add3A_446, %broadcast_in_dim3A_96 : vector<16xi32>
      %add3A_448 = arith.constant 0 : i32
      %add3A_449 = vector.broadcast %add3A_448 : i32 to vector<16xi32>
      %add3A_450 = arith.addi %add3A_449, %iota3A : vector<16xi32>
      %add3A_451 = arith.constant 27 : i32
      %add3A_452 = vector.broadcast %add3A_451 : i32 to vector<16xi32>
      %add3A_453 = arith.addi %add3A_452, %broadcast_in_dim3A_96 : vector<16xi32>
      tpu.vector_store_idx %arg9[%add3A_447, %add3A_450, %add3A_453], %gather3A_445 : memref<2x64x128xf32, #tpu.memory_space<vmem>>[vector<16xi32>, vector<16xi32>, vector<16xi32>], vector<16xf32>,
      %add3A_454 = arith.constant 28 : i32
      %add3A_455 = vector.broadcast %add3A_454 : i32 to vector<16xi32>
      %add3A_456 = arith.addi %add3A_455, %broadcast_in_dim3A_96 : vector<16xi32>
      %gather3A_457 = tpu.vector_load_idx %arg5[%shift_right_logical3A_110, %add3A_456, %and3A_113] : memref<25x32x128xf32, #tpu.memory_space<vmem>>[vector<16xi32>, vector<16xi32>, vector<16xi32>], vector<16xf32>,
      %add3A_458 = vector.broadcast %rem3A_69 : i32 to vector<16xi32>
      %add3A_459 = arith.addi %add3A_458, %broadcast_in_dim3A_96 : vector<16xi32>
      %add3A_460 = arith.constant 0 : i32
      %add3A_461 = vector.broadcast %add3A_460 : i32 to vector<16xi32>
      %add3A_462 = arith.addi %add3A_461, %iota3A : vector<16xi32>
      %add3A_463 = arith.constant 28 : i32
      %add3A_464 = vector.broadcast %add3A_463 : i32 to vector<16xi32>
      %add3A_465 = arith.addi %add3A_464, %broadcast_in_dim3A_96 : vector<16xi32>
      tpu.vector_store_idx %arg9[%add3A_459, %add3A_462, %add3A_465], %gather3A_457 : memref<2x64x128xf32, #tpu.memory_space<vmem>>[vector<16xi32>, vector<16xi32>, vector<16xi32>], vector<16xf32>,
      %add3A_466 = arith.constant 29 : i32
      %add3A_467 = vector.broadcast %add3A_466 : i32 to vector<16xi32>
      %add3A_468 = arith.addi %add3A_467, %broadcast_in_dim3A_96 : vector<16xi32>
      %gather3A_469 = tpu.vector_load_idx %arg5[%shift_right_logical3A_110, %add3A_468, %and3A_113] : memref<25x32x128xf32, #tpu.memory_space<vmem>>[vector<16xi32>, vector<16xi32>, vector<16xi32>], vector<16xf32>,
      %add3A_470 = vector.broadcast %rem3A_69 : i32 to vector<16xi32>
      %add3A_471 = arith.addi %add3A_470, %broadcast_in_dim3A_96 : vector<16xi32>
      %add3A_472 = arith.constant 0 : i32
      %add3A_473 = vector.broadcast %add3A_472 : i32 to vector<16xi32>
      %add3A_474 = arith.addi %add3A_473, %iota3A : vector<16xi32>
      %add3A_475 = arith.constant 29 : i32
      %add3A_476 = vector.broadcast %add3A_475 : i32 to vector<16xi32>
      %add3A_477 = arith.addi %add3A_476, %broadcast_in_dim3A_96 : vector<16xi32>
      tpu.vector_store_idx %arg9[%add3A_471, %add3A_474, %add3A_477], %gather3A_469 : memref<2x64x128xf32, #tpu.memory_space<vmem>>[vector<16xi32>, vector<16xi32>, vector<16xi32>], vector<16xf32>,
      %add3A_478 = arith.constant 30 : i32
      %add3A_479 = vector.broadcast %add3A_478 : i32 to vector<16xi32>
      %add3A_480 = arith.addi %add3A_479, %broadcast_in_dim3A_96 : vector<16xi32>
      %gather3A_481 = tpu.vector_load_idx %arg5[%shift_right_logical3A_110, %add3A_480, %and3A_113] : memref<25x32x128xf32, #tpu.memory_space<vmem>>[vector<16xi32>, vector<16xi32>, vector<16xi32>], vector<16xf32>,
      %add3A_482 = vector.broadcast %rem3A_69 : i32 to vector<16xi32>
      %add3A_483 = arith.addi %add3A_482, %broadcast_in_dim3A_96 : vector<16xi32>
      %add3A_484 = arith.constant 0 : i32
      %add3A_485 = vector.broadcast %add3A_484 : i32 to vector<16xi32>
      %add3A_486 = arith.addi %add3A_485, %iota3A : vector<16xi32>
      %add3A_487 = arith.constant 30 : i32
      %add3A_488 = vector.broadcast %add3A_487 : i32 to vector<16xi32>
      %add3A_489 = arith.addi %add3A_488, %broadcast_in_dim3A_96 : vector<16xi32>
      tpu.vector_store_idx %arg9[%add3A_483, %add3A_486, %add3A_489], %gather3A_481 : memref<2x64x128xf32, #tpu.memory_space<vmem>>[vector<16xi32>, vector<16xi32>, vector<16xi32>], vector<16xf32>,
      %add3A_490 = arith.constant 31 : i32
      %add3A_491 = vector.broadcast %add3A_490 : i32 to vector<16xi32>
      %add3A_492 = arith.addi %add3A_491, %broadcast_in_dim3A_96 : vector<16xi32>
      %gather3A_493 = tpu.vector_load_idx %arg5[%shift_right_logical3A_110, %add3A_492, %and3A_113] : memref<25x32x128xf32, #tpu.memory_space<vmem>>[vector<16xi32>, vector<16xi32>, vector<16xi32>], vector<16xf32>,
      %add3A_494 = vector.broadcast %rem3A_69 : i32 to vector<16xi32>
      %add3A_495 = arith.addi %add3A_494, %broadcast_in_dim3A_96 : vector<16xi32>
      %add3A_496 = arith.constant 0 : i32
      %add3A_497 = vector.broadcast %add3A_496 : i32 to vector<16xi32>
      %add3A_498 = arith.addi %add3A_497, %iota3A : vector<16xi32>
      %add3A_499 = arith.constant 31 : i32
      %add3A_500 = vector.broadcast %add3A_499 : i32 to vector<16xi32>
      %add3A_501 = arith.addi %add3A_500, %broadcast_in_dim3A_96 : vector<16xi32>
      tpu.vector_store_idx %arg9[%add3A_495, %add3A_498, %add3A_501], %gather3A_493 : memref<2x64x128xf32, #tpu.memory_space<vmem>>[vector<16xi32>, vector<16xi32>, vector<16xi32>], vector<16xf32>,
      %get3A_502 = arith.constant 16 : index
      %get3A_503 = tpu.vector_load %arg7[%get3A_502] {strides = array<i32>} : memref<80xi32, #tpu.memory_space<vmem>>, vector<16xi32>,
      %get3A_504 = arith.constant 16 : index
      %get3A_505 = tpu.vector_load %arg8[%get3A_504] {strides = array<i32>} : memref<80xi32, #tpu.memory_space<vmem>>, vector<16xi32>,
      %add3A_506 = arith.constant 16 : i32
      %add3A_507 = vector.broadcast %add3A_506 : i32 to vector<16xi32>
      %add3A_508 = arith.addi %add3A_507, %iota3A : vector<16xi32>
      %lt3A_509 = vector.broadcast %scan3A_49#0 : i32 to vector<16xi32>
      %lt3A_510 = arith.cmpi slt, %add3A_508, %lt3A_509 : vector<16xi32>
      %broadcast_in_dim3A_511 = vector.broadcast %reduce_sum3A_84 : i32 to vector<16xi32>
      %select_n3A_512 = arith.select %lt3A_510, %get3A_503, %broadcast_in_dim3A_511 : vector<16xi1>, vector<16xi32>
      %broadcast_in_dim3A_513 = vector.broadcast %reduce_sum3A_94 : i32 to vector<16xi32>
      %select_n3A_514 = arith.select %lt3A_510, %get3A_505, %broadcast_in_dim3A_513 : vector<16xi1>, vector<16xi32>
      %shift_right_logical3A_515 = arith.constant 7 : i32
      %shift_right_logical3A_516 = vector.broadcast %shift_right_logical3A_515 : i32 to vector<16xi32>
      %shift_right_logical3A_517 = arith.shrui %select_n3A_512, %shift_right_logical3A_516 : vector<16xi32>
      %and3A_518 = arith.constant 127 : i32
      %and3A_519 = vector.broadcast %and3A_518 : i32 to vector<16xi32>
      %and3A_520 = arith.andi %select_n3A_512, %and3A_519 : vector<16xi32>
      %add3A_521 = vector.broadcast %rem3A_69 : i32 to vector<16xi32>
      %add3A_522 = arith.addi %add3A_521, %broadcast_in_dim3A_96 : vector<16xi32>
      %add3A_523 = arith.constant 16 : i32
      %add3A_524 = vector.broadcast %add3A_523 : i32 to vector<16xi32>
      %add3A_525 = arith.addi %add3A_524, %iota3A : vector<16xi32>
      tpu.vector_store_idx %arg10[%add3A_522, %add3A_525], %select_n3A_514 : memref<2x64xi32, #tpu.memory_space<vmem>>[vector<16xi32>, vector<16xi32>], vector<16xi32>,
      %add3A_526 = arith.constant 0 : i32
      %add3A_527 = vector.broadcast %add3A_526 : i32 to vector<16xi32>
      %add3A_528 = arith.addi %add3A_527, %broadcast_in_dim3A_96 : vector<16xi32>
      %gather3A_529 = tpu.vector_load_idx %arg5[%shift_right_logical3A_517, %add3A_528, %and3A_520] : memref<25x32x128xf32, #tpu.memory_space<vmem>>[vector<16xi32>, vector<16xi32>, vector<16xi32>], vector<16xf32>,
      %add3A_530 = vector.broadcast %rem3A_69 : i32 to vector<16xi32>
      %add3A_531 = arith.addi %add3A_530, %broadcast_in_dim3A_96 : vector<16xi32>
      %add3A_532 = arith.constant 16 : i32
      %add3A_533 = vector.broadcast %add3A_532 : i32 to vector<16xi32>
      %add3A_534 = arith.addi %add3A_533, %iota3A : vector<16xi32>
      %add3A_535 = arith.constant 0 : i32
      %add3A_536 = vector.broadcast %add3A_535 : i32 to vector<16xi32>
      %add3A_537 = arith.addi %add3A_536, %broadcast_in_dim3A_96 : vector<16xi32>
      tpu.vector_store_idx %arg9[%add3A_531, %add3A_534, %add3A_537], %gather3A_529 : memref<2x64x128xf32, #tpu.memory_space<vmem>>[vector<16xi32>, vector<16xi32>, vector<16xi32>], vector<16xf32>,
      %add3A_538 = arith.constant 1 : i32
      %add3A_539 = vector.broadcast %add3A_538 : i32 to vector<16xi32>
      %add3A_540 = arith.addi %add3A_539, %broadcast_in_dim3A_96 : vector<16xi32>
      %gather3A_541 = tpu.vector_load_idx %arg5[%shift_right_logical3A_517, %add3A_540, %and3A_520] : memref<25x32x128xf32, #tpu.memory_space<vmem>>[vector<16xi32>, vector<16xi32>, vector<16xi32>], vector<16xf32>,
      %add3A_542 = vector.broadcast %rem3A_69 : i32 to vector<16xi32>
      %add3A_543 = arith.addi %add3A_542, %broadcast_in_dim3A_96 : vector<16xi32>
      %add3A_544 = arith.constant 16 : i32
      %add3A_545 = vector.broadcast %add3A_544 : i32 to vector<16xi32>
      %add3A_546 = arith.addi %add3A_545, %iota3A : vector<16xi32>
      %add3A_547 = arith.constant 1 : i32
      %add3A_548 = vector.broadcast %add3A_547 : i32 to vector<16xi32>
      %add3A_549 = arith.addi %add3A_548, %broadcast_in_dim3A_96 : vector<16xi32>
      tpu.vector_store_idx %arg9[%add3A_543, %add3A_546, %add3A_549], %gather3A_541 : memref<2x64x128xf32, #tpu.memory_space<vmem>>[vector<16xi32>, vector<16xi32>, vector<16xi32>], vector<16xf32>,
      %add3A_550 = arith.constant 2 : i32
      %add3A_551 = vector.broadcast %add3A_550 : i32 to vector<16xi32>
      %add3A_552 = arith.addi %add3A_551, %broadcast_in_dim3A_96 : vector<16xi32>
      %gather3A_553 = tpu.vector_load_idx %arg5[%shift_right_logical3A_517, %add3A_552, %and3A_520] : memref<25x32x128xf32, #tpu.memory_space<vmem>>[vector<16xi32>, vector<16xi32>, vector<16xi32>], vector<16xf32>,
      %add3A_554 = vector.broadcast %rem3A_69 : i32 to vector<16xi32>
      %add3A_555 = arith.addi %add3A_554, %broadcast_in_dim3A_96 : vector<16xi32>
      %add3A_556 = arith.constant 16 : i32
      %add3A_557 = vector.broadcast %add3A_556 : i32 to vector<16xi32>
      %add3A_558 = arith.addi %add3A_557, %iota3A : vector<16xi32>
      %add3A_559 = arith.constant 2 : i32
      %add3A_560 = vector.broadcast %add3A_559 : i32 to vector<16xi32>
      %add3A_561 = arith.addi %add3A_560, %broadcast_in_dim3A_96 : vector<16xi32>
      tpu.vector_store_idx %arg9[%add3A_555, %add3A_558, %add3A_561], %gather3A_553 : memref<2x64x128xf32, #tpu.memory_space<vmem>>[vector<16xi32>, vector<16xi32>, vector<16xi32>], vector<16xf32>,
      %add3A_562 = arith.constant 3 : i32
      %add3A_563 = vector.broadcast %add3A_562 : i32 to vector<16xi32>
      %add3A_564 = arith.addi %add3A_563, %broadcast_in_dim3A_96 : vector<16xi32>
      %gather3A_565 = tpu.vector_load_idx %arg5[%shift_right_logical3A_517, %add3A_564, %and3A_520] : memref<25x32x128xf32, #tpu.memory_space<vmem>>[vector<16xi32>, vector<16xi32>, vector<16xi32>], vector<16xf32>,
      %add3A_566 = vector.broadcast %rem3A_69 : i32 to vector<16xi32>
      %add3A_567 = arith.addi %add3A_566, %broadcast_in_dim3A_96 : vector<16xi32>
      %add3A_568 = arith.constant 16 : i32
      %add3A_569 = vector.broadcast %add3A_568 : i32 to vector<16xi32>
      %add3A_570 = arith.addi %add3A_569, %iota3A : vector<16xi32>
      %add3A_571 = arith.constant 3 : i32
      %add3A_572 = vector.broadcast %add3A_571 : i32 to vector<16xi32>
      %add3A_573 = arith.addi %add3A_572, %broadcast_in_dim3A_96 : vector<16xi32>
      tpu.vector_store_idx %arg9[%add3A_567, %add3A_570, %add3A_573], %gather3A_565 : memref<2x64x128xf32, #tpu.memory_space<vmem>>[vector<16xi32>, vector<16xi32>, vector<16xi32>], vector<16xf32>,
      %add3A_574 = arith.constant 4 : i32
      %add3A_575 = vector.broadcast %add3A_574 : i32 to vector<16xi32>
      %add3A_576 = arith.addi %add3A_575, %broadcast_in_dim3A_96 : vector<16xi32>
      %gather3A_577 = tpu.vector_load_idx %arg5[%shift_right_logical3A_517, %add3A_576, %and3A_520] : memref<25x32x128xf32, #tpu.memory_space<vmem>>[vector<16xi32>, vector<16xi32>, vector<16xi32>], vector<16xf32>,
      %add3A_578 = vector.broadcast %rem3A_69 : i32 to vector<16xi32>
      %add3A_579 = arith.addi %add3A_578, %broadcast_in_dim3A_96 : vector<16xi32>
      %add3A_580 = arith.constant 16 : i32
      %add3A_581 = vector.broadcast %add3A_580 : i32 to vector<16xi32>
      %add3A_582 = arith.addi %add3A_581, %iota3A : vector<16xi32>
      %add3A_583 = arith.constant 4 : i32
      %add3A_584 = vector.broadcast %add3A_583 : i32 to vector<16xi32>
      %add3A_585 = arith.addi %add3A_584, %broadcast_in_dim3A_96 : vector<16xi32>
      tpu.vector_store_idx %arg9[%add3A_579, %add3A_582, %add3A_585], %gather3A_577 : memref<2x64x128xf32, #tpu.memory_space<vmem>>[vector<16xi32>, vector<16xi32>, vector<16xi32>], vector<16xf32>,
      %add3A_586 = arith.constant 5 : i32
      %add3A_587 = vector.broadcast %add3A_586 : i32 to vector<16xi32>
      %add3A_588 = arith.addi %add3A_587, %broadcast_in_dim3A_96 : vector<16xi32>
      %gather3A_589 = tpu.vector_load_idx %arg5[%shift_right_logical3A_517, %add3A_588, %and3A_520] : memref<25x32x128xf32, #tpu.memory_space<vmem>>[vector<16xi32>, vector<16xi32>, vector<16xi32>], vector<16xf32>,
      %add3A_590 = vector.broadcast %rem3A_69 : i32 to vector<16xi32>
      %add3A_591 = arith.addi %add3A_590, %broadcast_in_dim3A_96 : vector<16xi32>
      %add3A_592 = arith.constant 16 : i32
      %add3A_593 = vector.broadcast %add3A_592 : i32 to vector<16xi32>
      %add3A_594 = arith.addi %add3A_593, %iota3A : vector<16xi32>
      %add3A_595 = arith.constant 5 : i32
      %add3A_596 = vector.broadcast %add3A_595 : i32 to vector<16xi32>
      %add3A_597 = arith.addi %add3A_596, %broadcast_in_dim3A_96 : vector<16xi32>
      tpu.vector_store_idx %arg9[%add3A_591, %add3A_594, %add3A_597], %gather3A_589 : memref<2x64x128xf32, #tpu.memory_space<vmem>>[vector<16xi32>, vector<16xi32>, vector<16xi32>], vector<16xf32>,
      %add3A_598 = arith.constant 6 : i32
      %add3A_599 = vector.broadcast %add3A_598 : i32 to vector<16xi32>
      %add3A_600 = arith.addi %add3A_599, %broadcast_in_dim3A_96 : vector<16xi32>
      %gather3A_601 = tpu.vector_load_idx %arg5[%shift_right_logical3A_517, %add3A_600, %and3A_520] : memref<25x32x128xf32, #tpu.memory_space<vmem>>[vector<16xi32>, vector<16xi32>, vector<16xi32>], vector<16xf32>,
      %add3A_602 = vector.broadcast %rem3A_69 : i32 to vector<16xi32>
      %add3A_603 = arith.addi %add3A_602, %broadcast_in_dim3A_96 : vector<16xi32>
      %add3A_604 = arith.constant 16 : i32
      %add3A_605 = vector.broadcast %add3A_604 : i32 to vector<16xi32>
      %add3A_606 = arith.addi %add3A_605, %iota3A : vector<16xi32>
      %add3A_607 = arith.constant 6 : i32
      %add3A_608 = vector.broadcast %add3A_607 : i32 to vector<16xi32>
      %add3A_609 = arith.addi %add3A_608, %broadcast_in_dim3A_96 : vector<16xi32>
      tpu.vector_store_idx %arg9[%add3A_603, %add3A_606, %add3A_609], %gather3A_601 : memref<2x64x128xf32, #tpu.memory_space<vmem>>[vector<16xi32>, vector<16xi32>, vector<16xi32>], vector<16xf32>,
      %add3A_610 = arith.constant 7 : i32
      %add3A_611 = vector.broadcast %add3A_610 : i32 to vector<16xi32>
      %add3A_612 = arith.addi %add3A_611, %broadcast_in_dim3A_96 : vector<16xi32>
      %gather3A_613 = tpu.vector_load_idx %arg5[%shift_right_logical3A_517, %add3A_612, %and3A_520] : memref<25x32x128xf32, #tpu.memory_space<vmem>>[vector<16xi32>, vector<16xi32>, vector<16xi32>], vector<16xf32>,
      %add3A_614 = vector.broadcast %rem3A_69 : i32 to vector<16xi32>
      %add3A_615 = arith.addi %add3A_614, %broadcast_in_dim3A_96 : vector<16xi32>
      %add3A_616 = arith.constant 16 : i32
      %add3A_617 = vector.broadcast %add3A_616 : i32 to vector<16xi32>
      %add3A_618 = arith.addi %add3A_617, %iota3A : vector<16xi32>
      %add3A_619 = arith.constant 7 : i32
      %add3A_620 = vector.broadcast %add3A_619 : i32 to vector<16xi32>
      %add3A_621 = arith.addi %add3A_620, %broadcast_in_dim3A_96 : vector<16xi32>
      tpu.vector_store_idx %arg9[%add3A_615, %add3A_618, %add3A_621], %gather3A_613 : memref<2x64x128xf32, #tpu.memory_space<vmem>>[vector<16xi32>, vector<16xi32>, vector<16xi32>], vector<16xf32>,
      %add3A_622 = arith.constant 8 : i32
      %add3A_623 = vector.broadcast %add3A_622 : i32 to vector<16xi32>
      %add3A_624 = arith.addi %add3A_623, %broadcast_in_dim3A_96 : vector<16xi32>
      %gather3A_625 = tpu.vector_load_idx %arg5[%shift_right_logical3A_517, %add3A_624, %and3A_520] : memref<25x32x128xf32, #tpu.memory_space<vmem>>[vector<16xi32>, vector<16xi32>, vector<16xi32>], vector<16xf32>,
      %add3A_626 = vector.broadcast %rem3A_69 : i32 to vector<16xi32>
      %add3A_627 = arith.addi %add3A_626, %broadcast_in_dim3A_96 : vector<16xi32>
      %add3A_628 = arith.constant 16 : i32
      %add3A_629 = vector.broadcast %add3A_628 : i32 to vector<16xi32>
      %add3A_630 = arith.addi %add3A_629, %iota3A : vector<16xi32>
      %add3A_631 = arith.constant 8 : i32
      %add3A_632 = vector.broadcast %add3A_631 : i32 to vector<16xi32>
      %add3A_633 = arith.addi %add3A_632, %broadcast_in_dim3A_96 : vector<16xi32>
      tpu.vector_store_idx %arg9[%add3A_627, %add3A_630, %add3A_633], %gather3A_625 : memref<2x64x128xf32, #tpu.memory_space<vmem>>[vector<16xi32>, vector<16xi32>, vector<16xi32>], vector<16xf32>,
      %add3A_634 = arith.constant 9 : i32
      %add3A_635 = vector.broadcast %add3A_634 : i32 to vector<16xi32>
      %add3A_636 = arith.addi %add3A_635, %broadcast_in_dim3A_96 : vector<16xi32>
      %gather3A_637 = tpu.vector_load_idx %arg5[%shift_right_logical3A_517, %add3A_636, %and3A_520] : memref<25x32x128xf32, #tpu.memory_space<vmem>>[vector<16xi32>, vector<16xi32>, vector<16xi32>], vector<16xf32>,
      %add3A_638 = vector.broadcast %rem3A_69 : i32 to vector<16xi32>
      %add3A_639 = arith.addi %add3A_638, %broadcast_in_dim3A_96 : vector<16xi32>
      %add3A_640 = arith.constant 16 : i32
      %add3A_641 = vector.broadcast %add3A_640 : i32 to vector<16xi32>
      %add3A_642 = arith.addi %add3A_641, %iota3A : vector<16xi32>
      %add3A_643 = arith.constant 9 : i32
      %add3A_644 = vector.broadcast %add3A_643 : i32 to vector<16xi32>
      %add3A_645 = arith.addi %add3A_644, %broadcast_in_dim3A_96 : vector<16xi32>
      tpu.vector_store_idx %arg9[%add3A_639, %add3A_642, %add3A_645], %gather3A_637 : memref<2x64x128xf32, #tpu.memory_space<vmem>>[vector<16xi32>, vector<16xi32>, vector<16xi32>], vector<16xf32>,
      %add3A_646 = arith.constant 10 : i32
      %add3A_647 = vector.broadcast %add3A_646 : i32 to vector<16xi32>
      %add3A_648 = arith.addi %add3A_647, %broadcast_in_dim3A_96 : vector<16xi32>
      %gather3A_649 = tpu.vector_load_idx %arg5[%shift_right_logical3A_517, %add3A_648, %and3A_520] : memref<25x32x128xf32, #tpu.memory_space<vmem>>[vector<16xi32>, vector<16xi32>, vector<16xi32>], vector<16xf32>,
      %add3A_650 = vector.broadcast %rem3A_69 : i32 to vector<16xi32>
      %add3A_651 = arith.addi %add3A_650, %broadcast_in_dim3A_96 : vector<16xi32>
      %add3A_652 = arith.constant 16 : i32
      %add3A_653 = vector.broadcast %add3A_652 : i32 to vector<16xi32>
      %add3A_654 = arith.addi %add3A_653, %iota3A : vector<16xi32>
      %add3A_655 = arith.constant 10 : i32
      %add3A_656 = vector.broadcast %add3A_655 : i32 to vector<16xi32>
      %add3A_657 = arith.addi %add3A_656, %broadcast_in_dim3A_96 : vector<16xi32>
      tpu.vector_store_idx %arg9[%add3A_651, %add3A_654, %add3A_657], %gather3A_649 : memref<2x64x128xf32, #tpu.memory_space<vmem>>[vector<16xi32>, vector<16xi32>, vector<16xi32>], vector<16xf32>,
      %add3A_658 = arith.constant 11 : i32
      %add3A_659 = vector.broadcast %add3A_658 : i32 to vector<16xi32>
      %add3A_660 = arith.addi %add3A_659, %broadcast_in_dim3A_96 : vector<16xi32>
      %gather3A_661 = tpu.vector_load_idx %arg5[%shift_right_logical3A_517, %add3A_660, %and3A_520] : memref<25x32x128xf32, #tpu.memory_space<vmem>>[vector<16xi32>, vector<16xi32>, vector<16xi32>], vector<16xf32>,
      %add3A_662 = vector.broadcast %rem3A_69 : i32 to vector<16xi32>
      %add3A_663 = arith.addi %add3A_662, %broadcast_in_dim3A_96 : vector<16xi32>
      %add3A_664 = arith.constant 16 : i32
      %add3A_665 = vector.broadcast %add3A_664 : i32 to vector<16xi32>
      %add3A_666 = arith.addi %add3A_665, %iota3A : vector<16xi32>
      %add3A_667 = arith.constant 11 : i32
      %add3A_668 = vector.broadcast %add3A_667 : i32 to vector<16xi32>
      %add3A_669 = arith.addi %add3A_668, %broadcast_in_dim3A_96 : vector<16xi32>
      tpu.vector_store_idx %arg9[%add3A_663, %add3A_666, %add3A_669], %gather3A_661 : memref<2x64x128xf32, #tpu.memory_space<vmem>>[vector<16xi32>, vector<16xi32>, vector<16xi32>], vector<16xf32>,
      %add3A_670 = arith.constant 12 : i32
      %add3A_671 = vector.broadcast %add3A_670 : i32 to vector<16xi32>
      %add3A_672 = arith.addi %add3A_671, %broadcast_in_dim3A_96 : vector<16xi32>
      %gather3A_673 = tpu.vector_load_idx %arg5[%shift_right_logical3A_517, %add3A_672, %and3A_520] : memref<25x32x128xf32, #tpu.memory_space<vmem>>[vector<16xi32>, vector<16xi32>, vector<16xi32>], vector<16xf32>,
      %add3A_674 = vector.broadcast %rem3A_69 : i32 to vector<16xi32>
      %add3A_675 = arith.addi %add3A_674, %broadcast_in_dim3A_96 : vector<16xi32>
      %add3A_676 = arith.constant 16 : i32
      %add3A_677 = vector.broadcast %add3A_676 : i32 to vector<16xi32>
      %add3A_678 = arith.addi %add3A_677, %iota3A : vector<16xi32>
      %add3A_679 = arith.constant 12 : i32
      %add3A_680 = vector.broadcast %add3A_679 : i32 to vector<16xi32>
      %add3A_681 = arith.addi %add3A_680, %broadcast_in_dim3A_96 : vector<16xi32>
      tpu.vector_store_idx %arg9[%add3A_675, %add3A_678, %add3A_681], %gather3A_673 : memref<2x64x128xf32, #tpu.memory_space<vmem>>[vector<16xi32>, vector<16xi32>, vector<16xi32>], vector<16xf32>,
      %add3A_682 = arith.constant 13 : i32
      %add3A_683 = vector.broadcast %add3A_682 : i32 to vector<16xi32>
      %add3A_684 = arith.addi %add3A_683, %broadcast_in_dim3A_96 : vector<16xi32>
      %gather3A_685 = tpu.vector_load_idx %arg5[%shift_right_logical3A_517, %add3A_684, %and3A_520] : memref<25x32x128xf32, #tpu.memory_space<vmem>>[vector<16xi32>, vector<16xi32>, vector<16xi32>], vector<16xf32>,
      %add3A_686 = vector.broadcast %rem3A_69 : i32 to vector<16xi32>
      %add3A_687 = arith.addi %add3A_686, %broadcast_in_dim3A_96 : vector<16xi32>
      %add3A_688 = arith.constant 16 : i32
      %add3A_689 = vector.broadcast %add3A_688 : i32 to vector<16xi32>
      %add3A_690 = arith.addi %add3A_689, %iota3A : vector<16xi32>
      %add3A_691 = arith.constant 13 : i32
      %add3A_692 = vector.broadcast %add3A_691 : i32 to vector<16xi32>
      %add3A_693 = arith.addi %add3A_692, %broadcast_in_dim3A_96 : vector<16xi32>
      tpu.vector_store_idx %arg9[%add3A_687, %add3A_690, %add3A_693], %gather3A_685 : memref<2x64x128xf32, #tpu.memory_space<vmem>>[vector<16xi32>, vector<16xi32>, vector<16xi32>], vector<16xf32>,
      %add3A_694 = arith.constant 14 : i32
      %add3A_695 = vector.broadcast %add3A_694 : i32 to vector<16xi32>
      %add3A_696 = arith.addi %add3A_695, %broadcast_in_dim3A_96 : vector<16xi32>
      %gather3A_697 = tpu.vector_load_idx %arg5[%shift_right_logical3A_517, %add3A_696, %and3A_520] : memref<25x32x128xf32, #tpu.memory_space<vmem>>[vector<16xi32>, vector<16xi32>, vector<16xi32>], vector<16xf32>,
      %add3A_698 = vector.broadcast %rem3A_69 : i32 to vector<16xi32>
      %add3A_699 = arith.addi %add3A_698, %broadcast_in_dim3A_96 : vector<16xi32>
      %add3A_700 = arith.constant 16 : i32
      %add3A_701 = vector.broadcast %add3A_700 : i32 to vector<16xi32>
      %add3A_702 = arith.addi %add3A_701, %iota3A : vector<16xi32>
      %add3A_703 = arith.constant 14 : i32
      %add3A_704 = vector.broadcast %add3A_703 : i32 to vector<16xi32>
      %add3A_705 = arith.addi %add3A_704, %broadcast_in_dim3A_96 : vector<16xi32>
      tpu.vector_store_idx %arg9[%add3A_699, %add3A_702, %add3A_705], %gather3A_697 : memref<2x64x128xf32, #tpu.memory_space<vmem>>[vector<16xi32>, vector<16xi32>, vector<16xi32>], vector<16xf32>,
      %add3A_706 = arith.constant 15 : i32
      %add3A_707 = vector.broadcast %add3A_706 : i32 to vector<16xi32>
      %add3A_708 = arith.addi %add3A_707, %broadcast_in_dim3A_96 : vector<16xi32>
      %gather3A_709 = tpu.vector_load_idx %arg5[%shift_right_logical3A_517, %add3A_708, %and3A_520] : memref<25x32x128xf32, #tpu.memory_space<vmem>>[vector<16xi32>, vector<16xi32>, vector<16xi32>], vector<16xf32>,
      %add3A_710 = vector.broadcast %rem3A_69 : i32 to vector<16xi32>
      %add3A_711 = arith.addi %add3A_710, %broadcast_in_dim3A_96 : vector<16xi32>
      %add3A_712 = arith.constant 16 : i32
      %add3A_713 = vector.broadcast %add3A_712 : i32 to vector<16xi32>
      %add3A_714 = arith.addi %add3A_713, %iota3A : vector<16xi32>
      %add3A_715 = arith.constant 15 : i32
      %add3A_716 = vector.broadcast %add3A_715 : i32 to vector<16xi32>
      %add3A_717 = arith.addi %add3A_716, %broadcast_in_dim3A_96 : vector<16xi32>
      tpu.vector_store_idx %arg9[%add3A_711, %add3A_714, %add3A_717], %gather3A_709 : memref<2x64x128xf32, #tpu.memory_space<vmem>>[vector<16xi32>, vector<16xi32>, vector<16xi32>], vector<16xf32>,
      %add3A_718 = arith.constant 16 : i32
      %add3A_719 = vector.broadcast %add3A_718 : i32 to vector<16xi32>
      %add3A_720 = arith.addi %add3A_719, %broadcast_in_dim3A_96 : vector<16xi32>
      %gather3A_721 = tpu.vector_load_idx %arg5[%shift_right_logical3A_517, %add3A_720, %and3A_520] : memref<25x32x128xf32, #tpu.memory_space<vmem>>[vector<16xi32>, vector<16xi32>, vector<16xi32>], vector<16xf32>,
      %add3A_722 = vector.broadcast %rem3A_69 : i32 to vector<16xi32>
      %add3A_723 = arith.addi %add3A_722, %broadcast_in_dim3A_96 : vector<16xi32>
      %add3A_724 = arith.constant 16 : i32
      %add3A_725 = vector.broadcast %add3A_724 : i32 to vector<16xi32>
      %add3A_726 = arith.addi %add3A_725, %iota3A : vector<16xi32>
      %add3A_727 = arith.constant 16 : i32
      %add3A_728 = vector.broadcast %add3A_727 : i32 to vector<16xi32>
      %add3A_729 = arith.addi %add3A_728, %broadcast_in_dim3A_96 : vector<16xi32>
      tpu.vector_store_idx %arg9[%add3A_723, %add3A_726, %add3A_729], %gather3A_721 : memref<2x64x128xf32, #tpu.memory_space<vmem>>[vector<16xi32>, vector<16xi32>, vector<16xi32>], vector<16xf32>,
      %add3A_730 = arith.constant 17 : i32
      %add3A_731 = vector.broadcast %add3A_730 : i32 to vector<16xi32>
      %add3A_732 = arith.addi %add3A_731, %broadcast_in_dim3A_96 : vector<16xi32>
      %gather3A_733 = tpu.vector_load_idx %arg5[%shift_right_logical3A_517, %add3A_732, %and3A_520] : memref<25x32x128xf32, #tpu.memory_space<vmem>>[vector<16xi32>, vector<16xi32>, vector<16xi32>], vector<16xf32>,
      %add3A_734 = vector.broadcast %rem3A_69 : i32 to vector<16xi32>
      %add3A_735 = arith.addi %add3A_734, %broadcast_in_dim3A_96 : vector<16xi32>
      %add3A_736 = arith.constant 16 : i32
      %add3A_737 = vector.broadcast %add3A_736 : i32 to vector<16xi32>
      %add3A_738 = arith.addi %add3A_737, %iota3A : vector<16xi32>
      %add3A_739 = arith.constant 17 : i32
      %add3A_740 = vector.broadcast %add3A_739 : i32 to vector<16xi32>
      %add3A_741 = arith.addi %add3A_740, %broadcast_in_dim3A_96 : vector<16xi32>
      tpu.vector_store_idx %arg9[%add3A_735, %add3A_738, %add3A_741], %gather3A_733 : memref<2x64x128xf32, #tpu.memory_space<vmem>>[vector<16xi32>, vector<16xi32>, vector<16xi32>], vector<16xf32>,
      %add3A_742 = arith.constant 18 : i32
      %add3A_743 = vector.broadcast %add3A_742 : i32 to vector<16xi32>
      %add3A_744 = arith.addi %add3A_743, %broadcast_in_dim3A_96 : vector<16xi32>
      %gather3A_745 = tpu.vector_load_idx %arg5[%shift_right_logical3A_517, %add3A_744, %and3A_520] : memref<25x32x128xf32, #tpu.memory_space<vmem>>[vector<16xi32>, vector<16xi32>, vector<16xi32>], vector<16xf32>,
      %add3A_746 = vector.broadcast %rem3A_69 : i32 to vector<16xi32>
      %add3A_747 = arith.addi %add3A_746, %broadcast_in_dim3A_96 : vector<16xi32>
      %add3A_748 = arith.constant 16 : i32
      %add3A_749 = vector.broadcast %add3A_748 : i32 to vector<16xi32>
      %add3A_750 = arith.addi %add3A_749, %iota3A : vector<16xi32>
      %add3A_751 = arith.constant 18 : i32
      %add3A_752 = vector.broadcast %add3A_751 : i32 to vector<16xi32>
      %add3A_753 = arith.addi %add3A_752, %broadcast_in_dim3A_96 : vector<16xi32>
      tpu.vector_store_idx %arg9[%add3A_747, %add3A_750, %add3A_753], %gather3A_745 : memref<2x64x128xf32, #tpu.memory_space<vmem>>[vector<16xi32>, vector<16xi32>, vector<16xi32>], vector<16xf32>,
      %add3A_754 = arith.constant 19 : i32
      %add3A_755 = vector.broadcast %add3A_754 : i32 to vector<16xi32>
      %add3A_756 = arith.addi %add3A_755, %broadcast_in_dim3A_96 : vector<16xi32>
      %gather3A_757 = tpu.vector_load_idx %arg5[%shift_right_logical3A_517, %add3A_756, %and3A_520] : memref<25x32x128xf32, #tpu.memory_space<vmem>>[vector<16xi32>, vector<16xi32>, vector<16xi32>], vector<16xf32>,
      %add3A_758 = vector.broadcast %rem3A_69 : i32 to vector<16xi32>
      %add3A_759 = arith.addi %add3A_758, %broadcast_in_dim3A_96 : vector<16xi32>
      %add3A_760 = arith.constant 16 : i32
      %add3A_761 = vector.broadcast %add3A_760 : i32 to vector<16xi32>
      %add3A_762 = arith.addi %add3A_761, %iota3A : vector<16xi32>
      %add3A_763 = arith.constant 19 : i32
      %add3A_764 = vector.broadcast %add3A_763 : i32 to vector<16xi32>
      %add3A_765 = arith.addi %add3A_764, %broadcast_in_dim3A_96 : vector<16xi32>
      tpu.vector_store_idx %arg9[%add3A_759, %add3A_762, %add3A_765], %gather3A_757 : memref<2x64x128xf32, #tpu.memory_space<vmem>>[vector<16xi32>, vector<16xi32>, vector<16xi32>], vector<16xf32>,
      %add3A_766 = arith.constant 20 : i32
      %add3A_767 = vector.broadcast %add3A_766 : i32 to vector<16xi32>
      %add3A_768 = arith.addi %add3A_767, %broadcast_in_dim3A_96 : vector<16xi32>
      %gather3A_769 = tpu.vector_load_idx %arg5[%shift_right_logical3A_517, %add3A_768, %and3A_520] : memref<25x32x128xf32, #tpu.memory_space<vmem>>[vector<16xi32>, vector<16xi32>, vector<16xi32>], vector<16xf32>,
      %add3A_770 = vector.broadcast %rem3A_69 : i32 to vector<16xi32>
      %add3A_771 = arith.addi %add3A_770, %broadcast_in_dim3A_96 : vector<16xi32>
      %add3A_772 = arith.constant 16 : i32
      %add3A_773 = vector.broadcast %add3A_772 : i32 to vector<16xi32>
      %add3A_774 = arith.addi %add3A_773, %iota3A : vector<16xi32>
      %add3A_775 = arith.constant 20 : i32
      %add3A_776 = vector.broadcast %add3A_775 : i32 to vector<16xi32>
      %add3A_777 = arith.addi %add3A_776, %broadcast_in_dim3A_96 : vector<16xi32>
      tpu.vector_store_idx %arg9[%add3A_771, %add3A_774, %add3A_777], %gather3A_769 : memref<2x64x128xf32, #tpu.memory_space<vmem>>[vector<16xi32>, vector<16xi32>, vector<16xi32>], vector<16xf32>,
      %add3A_778 = arith.constant 21 : i32
      %add3A_779 = vector.broadcast %add3A_778 : i32 to vector<16xi32>
      %add3A_780 = arith.addi %add3A_779, %broadcast_in_dim3A_96 : vector<16xi32>
      %gather3A_781 = tpu.vector_load_idx %arg5[%shift_right_logical3A_517, %add3A_780, %and3A_520] : memref<25x32x128xf32, #tpu.memory_space<vmem>>[vector<16xi32>, vector<16xi32>, vector<16xi32>], vector<16xf32>,
      %add3A_782 = vector.broadcast %rem3A_69 : i32 to vector<16xi32>
      %add3A_783 = arith.addi %add3A_782, %broadcast_in_dim3A_96 : vector<16xi32>
      %add3A_784 = arith.constant 16 : i32
      %add3A_785 = vector.broadcast %add3A_784 : i32 to vector<16xi32>
      %add3A_786 = arith.addi %add3A_785, %iota3A : vector<16xi32>
      %add3A_787 = arith.constant 21 : i32
      %add3A_788 = vector.broadcast %add3A_787 : i32 to vector<16xi32>
      %add3A_789 = arith.addi %add3A_788, %broadcast_in_dim3A_96 : vector<16xi32>
      tpu.vector_store_idx %arg9[%add3A_783, %add3A_786, %add3A_789], %gather3A_781 : memref<2x64x128xf32, #tpu.memory_space<vmem>>[vector<16xi32>, vector<16xi32>, vector<16xi32>], vector<16xf32>,
      %add3A_790 = arith.constant 22 : i32
      %add3A_791 = vector.broadcast %add3A_790 : i32 to vector<16xi32>
      %add3A_792 = arith.addi %add3A_791, %broadcast_in_dim3A_96 : vector<16xi32>
      %gather3A_793 = tpu.vector_load_idx %arg5[%shift_right_logical3A_517, %add3A_792, %and3A_520] : memref<25x32x128xf32, #tpu.memory_space<vmem>>[vector<16xi32>, vector<16xi32>, vector<16xi32>], vector<16xf32>,
      %add3A_794 = vector.broadcast %rem3A_69 : i32 to vector<16xi32>
      %add3A_795 = arith.addi %add3A_794, %broadcast_in_dim3A_96 : vector<16xi32>
      %add3A_796 = arith.constant 16 : i32
      %add3A_797 = vector.broadcast %add3A_796 : i32 to vector<16xi32>
      %add3A_798 = arith.addi %add3A_797, %iota3A : vector<16xi32>
      %add3A_799 = arith.constant 22 : i32
      %add3A_800 = vector.broadcast %add3A_799 : i32 to vector<16xi32>
      %add3A_801 = arith.addi %add3A_800, %broadcast_in_dim3A_96 : vector<16xi32>
      tpu.vector_store_idx %arg9[%add3A_795, %add3A_798, %add3A_801], %gather3A_793 : memref<2x64x128xf32, #tpu.memory_space<vmem>>[vector<16xi32>, vector<16xi32>, vector<16xi32>], vector<16xf32>,
      %add3A_802 = arith.constant 23 : i32
      %add3A_803 = vector.broadcast %add3A_802 : i32 to vector<16xi32>
      %add3A_804 = arith.addi %add3A_803, %broadcast_in_dim3A_96 : vector<16xi32>
      %gather3A_805 = tpu.vector_load_idx %arg5[%shift_right_logical3A_517, %add3A_804, %and3A_520] : memref<25x32x128xf32, #tpu.memory_space<vmem>>[vector<16xi32>, vector<16xi32>, vector<16xi32>], vector<16xf32>,
      %add3A_806 = vector.broadcast %rem3A_69 : i32 to vector<16xi32>
      %add3A_807 = arith.addi %add3A_806, %broadcast_in_dim3A_96 : vector<16xi32>
      %add3A_808 = arith.constant 16 : i32
      %add3A_809 = vector.broadcast %add3A_808 : i32 to vector<16xi32>
      %add3A_810 = arith.addi %add3A_809, %iota3A : vector<16xi32>
      %add3A_811 = arith.constant 23 : i32
      %add3A_812 = vector.broadcast %add3A_811 : i32 to vector<16xi32>
      %add3A_813 = arith.addi %add3A_812, %broadcast_in_dim3A_96 : vector<16xi32>
      tpu.vector_store_idx %arg9[%add3A_807, %add3A_810, %add3A_813], %gather3A_805 : memref<2x64x128xf32, #tpu.memory_space<vmem>>[vector<16xi32>, vector<16xi32>, vector<16xi32>], vector<16xf32>,
      %add3A_814 = arith.constant 24 : i32
      %add3A_815 = vector.broadcast %add3A_814 : i32 to vector<16xi32>
      %add3A_816 = arith.addi %add3A_815, %broadcast_in_dim3A_96 : vector<16xi32>
      %gather3A_817 = tpu.vector_load_idx %arg5[%shift_right_logical3A_517, %add3A_816, %and3A_520] : memref<25x32x128xf32, #tpu.memory_space<vmem>>[vector<16xi32>, vector<16xi32>, vector<16xi32>], vector<16xf32>,
      %add3A_818 = vector.broadcast %rem3A_69 : i32 to vector<16xi32>
      %add3A_819 = arith.addi %add3A_818, %broadcast_in_dim3A_96 : vector<16xi32>
      %add3A_820 = arith.constant 16 : i32
      %add3A_821 = vector.broadcast %add3A_820 : i32 to vector<16xi32>
      %add3A_822 = arith.addi %add3A_821, %iota3A : vector<16xi32>
      %add3A_823 = arith.constant 24 : i32
      %add3A_824 = vector.broadcast %add3A_823 : i32 to vector<16xi32>
      %add3A_825 = arith.addi %add3A_824, %broadcast_in_dim3A_96 : vector<16xi32>
      tpu.vector_store_idx %arg9[%add3A_819, %add3A_822, %add3A_825], %gather3A_817 : memref<2x64x128xf32, #tpu.memory_space<vmem>>[vector<16xi32>, vector<16xi32>, vector<16xi32>], vector<16xf32>,
      %add3A_826 = arith.constant 25 : i32
      %add3A_827 = vector.broadcast %add3A_826 : i32 to vector<16xi32>
      %add3A_828 = arith.addi %add3A_827, %broadcast_in_dim3A_96 : vector<16xi32>
      %gather3A_829 = tpu.vector_load_idx %arg5[%shift_right_logical3A_517, %add3A_828, %and3A_520] : memref<25x32x128xf32, #tpu.memory_space<vmem>>[vector<16xi32>, vector<16xi32>, vector<16xi32>], vector<16xf32>,
      %add3A_830 = vector.broadcast %rem3A_69 : i32 to vector<16xi32>
      %add3A_831 = arith.addi %add3A_830, %broadcast_in_dim3A_96 : vector<16xi32>
      %add3A_832 = arith.constant 16 : i32
      %add3A_833 = vector.broadcast %add3A_832 : i32 to vector<16xi32>
      %add3A_834 = arith.addi %add3A_833, %iota3A : vector<16xi32>
      %add3A_835 = arith.constant 25 : i32
      %add3A_836 = vector.broadcast %add3A_835 : i32 to vector<16xi32>
      %add3A_837 = arith.addi %add3A_836, %broadcast_in_dim3A_96 : vector<16xi32>
      tpu.vector_store_idx %arg9[%add3A_831, %add3A_834, %add3A_837], %gather3A_829 : memref<2x64x128xf32, #tpu.memory_space<vmem>>[vector<16xi32>, vector<16xi32>, vector<16xi32>], vector<16xf32>,
      %add3A_838 = arith.constant 26 : i32
      %add3A_839 = vector.broadcast %add3A_838 : i32 to vector<16xi32>
      %add3A_840 = arith.addi %add3A_839, %broadcast_in_dim3A_96 : vector<16xi32>
      %gather3A_841 = tpu.vector_load_idx %arg5[%shift_right_logical3A_517, %add3A_840, %and3A_520] : memref<25x32x128xf32, #tpu.memory_space<vmem>>[vector<16xi32>, vector<16xi32>, vector<16xi32>], vector<16xf32>,
      %add3A_842 = vector.broadcast %rem3A_69 : i32 to vector<16xi32>
      %add3A_843 = arith.addi %add3A_842, %broadcast_in_dim3A_96 : vector<16xi32>
      %add3A_844 = arith.constant 16 : i32
      %add3A_845 = vector.broadcast %add3A_844 : i32 to vector<16xi32>
      %add3A_846 = arith.addi %add3A_845, %iota3A : vector<16xi32>
      %add3A_847 = arith.constant 26 : i32
      %add3A_848 = vector.broadcast %add3A_847 : i32 to vector<16xi32>
      %add3A_849 = arith.addi %add3A_848, %broadcast_in_dim3A_96 : vector<16xi32>
      tpu.vector_store_idx %arg9[%add3A_843, %add3A_846, %add3A_849], %gather3A_841 : memref<2x64x128xf32, #tpu.memory_space<vmem>>[vector<16xi32>, vector<16xi32>, vector<16xi32>], vector<16xf32>,
      %add3A_850 = arith.constant 27 : i32
      %add3A_851 = vector.broadcast %add3A_850 : i32 to vector<16xi32>
      %add3A_852 = arith.addi %add3A_851, %broadcast_in_dim3A_96 : vector<16xi32>
      %gather3A_853 = tpu.vector_load_idx %arg5[%shift_right_logical3A_517, %add3A_852, %and3A_520] : memref<25x32x128xf32, #tpu.memory_space<vmem>>[vector<16xi32>, vector<16xi32>, vector<16xi32>], vector<16xf32>,
      %add3A_854 = vector.broadcast %rem3A_69 : i32 to vector<16xi32>
      %add3A_855 = arith.addi %add3A_854, %broadcast_in_dim3A_96 : vector<16xi32>
      %add3A_856 = arith.constant 16 : i32
      %add3A_857 = vector.broadcast %add3A_856 : i32 to vector<16xi32>
      %add3A_858 = arith.addi %add3A_857, %iota3A : vector<16xi32>
      %add3A_859 = arith.constant 27 : i32
      %add3A_860 = vector.broadcast %add3A_859 : i32 to vector<16xi32>
      %add3A_861 = arith.addi %add3A_860, %broadcast_in_dim3A_96 : vector<16xi32>
      tpu.vector_store_idx %arg9[%add3A_855, %add3A_858, %add3A_861], %gather3A_853 : memref<2x64x128xf32, #tpu.memory_space<vmem>>[vector<16xi32>, vector<16xi32>, vector<16xi32>], vector<16xf32>,
      %add3A_862 = arith.constant 28 : i32
      %add3A_863 = vector.broadcast %add3A_862 : i32 to vector<16xi32>
      %add3A_864 = arith.addi %add3A_863, %broadcast_in_dim3A_96 : vector<16xi32>
      %gather3A_865 = tpu.vector_load_idx %arg5[%shift_right_logical3A_517, %add3A_864, %and3A_520] : memref<25x32x128xf32, #tpu.memory_space<vmem>>[vector<16xi32>, vector<16xi32>, vector<16xi32>], vector<16xf32>,
      %add3A_866 = vector.broadcast %rem3A_69 : i32 to vector<16xi32>
      %add3A_867 = arith.addi %add3A_866, %broadcast_in_dim3A_96 : vector<16xi32>
      %add3A_868 = arith.constant 16 : i32
      %add3A_869 = vector.broadcast %add3A_868 : i32 to vector<16xi32>
      %add3A_870 = arith.addi %add3A_869, %iota3A : vector<16xi32>
      %add3A_871 = arith.constant 28 : i32
      %add3A_872 = vector.broadcast %add3A_871 : i32 to vector<16xi32>
      %add3A_873 = arith.addi %add3A_872, %broadcast_in_dim3A_96 : vector<16xi32>
      tpu.vector_store_idx %arg9[%add3A_867, %add3A_870, %add3A_873], %gather3A_865 : memref<2x64x128xf32, #tpu.memory_space<vmem>>[vector<16xi32>, vector<16xi32>, vector<16xi32>], vector<16xf32>,
      %add3A_874 = arith.constant 29 : i32
      %add3A_875 = vector.broadcast %add3A_874 : i32 to vector<16xi32>
      %add3A_876 = arith.addi %add3A_875, %broadcast_in_dim3A_96 : vector<16xi32>
      %gather3A_877 = tpu.vector_load_idx %arg5[%shift_right_logical3A_517, %add3A_876, %and3A_520] : memref<25x32x128xf32, #tpu.memory_space<vmem>>[vector<16xi32>, vector<16xi32>, vector<16xi32>], vector<16xf32>,
      %add3A_878 = vector.broadcast %rem3A_69 : i32 to vector<16xi32>
      %add3A_879 = arith.addi %add3A_878, %broadcast_in_dim3A_96 : vector<16xi32>
      %add3A_880 = arith.constant 16 : i32
      %add3A_881 = vector.broadcast %add3A_880 : i32 to vector<16xi32>
      %add3A_882 = arith.addi %add3A_881, %iota3A : vector<16xi32>
      %add3A_883 = arith.constant 29 : i32
      %add3A_884 = vector.broadcast %add3A_883 : i32 to vector<16xi32>
      %add3A_885 = arith.addi %add3A_884, %broadcast_in_dim3A_96 : vector<16xi32>
      tpu.vector_store_idx %arg9[%add3A_879, %add3A_882, %add3A_885], %gather3A_877 : memref<2x64x128xf32, #tpu.memory_space<vmem>>[vector<16xi32>, vector<16xi32>, vector<16xi32>], vector<16xf32>,
      %add3A_886 = arith.constant 30 : i32
      %add3A_887 = vector.broadcast %add3A_886 : i32 to vector<16xi32>
      %add3A_888 = arith.addi %add3A_887, %broadcast_in_dim3A_96 : vector<16xi32>
      %gather3A_889 = tpu.vector_load_idx %arg5[%shift_right_logical3A_517, %add3A_888, %and3A_520] : memref<25x32x128xf32, #tpu.memory_space<vmem>>[vector<16xi32>, vector<16xi32>, vector<16xi32>], vector<16xf32>,
      %add3A_890 = vector.broadcast %rem3A_69 : i32 to vector<16xi32>
      %add3A_891 = arith.addi %add3A_890, %broadcast_in_dim3A_96 : vector<16xi32>
      %add3A_892 = arith.constant 16 : i32
      %add3A_893 = vector.broadcast %add3A_892 : i32 to vector<16xi32>
      %add3A_894 = arith.addi %add3A_893, %iota3A : vector<16xi32>
      %add3A_895 = arith.constant 30 : i32
      %add3A_896 = vector.broadcast %add3A_895 : i32 to vector<16xi32>
      %add3A_897 = arith.addi %add3A_896, %broadcast_in_dim3A_96 : vector<16xi32>
      tpu.vector_store_idx %arg9[%add3A_891, %add3A_894, %add3A_897], %gather3A_889 : memref<2x64x128xf32, #tpu.memory_space<vmem>>[vector<16xi32>, vector<16xi32>, vector<16xi32>], vector<16xf32>,
      %add3A_898 = arith.constant 31 : i32
      %add3A_899 = vector.broadcast %add3A_898 : i32 to vector<16xi32>
      %add3A_900 = arith.addi %add3A_899, %broadcast_in_dim3A_96 : vector<16xi32>
      %gather3A_901 = tpu.vector_load_idx %arg5[%shift_right_logical3A_517, %add3A_900, %and3A_520] : memref<25x32x128xf32, #tpu.memory_space<vmem>>[vector<16xi32>, vector<16xi32>, vector<16xi32>], vector<16xf32>,
      %add3A_902 = vector.broadcast %rem3A_69 : i32 to vector<16xi32>
      %add3A_903 = arith.addi %add3A_902, %broadcast_in_dim3A_96 : vector<16xi32>
      %add3A_904 = arith.constant 16 : i32
      %add3A_905 = vector.broadcast %add3A_904 : i32 to vector<16xi32>
      %add3A_906 = arith.addi %add3A_905, %iota3A : vector<16xi32>
      %add3A_907 = arith.constant 31 : i32
      %add3A_908 = vector.broadcast %add3A_907 : i32 to vector<16xi32>
      %add3A_909 = arith.addi %add3A_908, %broadcast_in_dim3A_96 : vector<16xi32>
      tpu.vector_store_idx %arg9[%add3A_903, %add3A_906, %add3A_909], %gather3A_901 : memref<2x64x128xf32, #tpu.memory_space<vmem>>[vector<16xi32>, vector<16xi32>, vector<16xi32>], vector<16xf32>,
      %get3A_910 = arith.constant 32 : index
      %get3A_911 = tpu.vector_load %arg7[%get3A_910] {strides = array<i32>} : memref<80xi32, #tpu.memory_space<vmem>>, vector<16xi32>,
      %get3A_912 = arith.constant 32 : index
      %get3A_913 = tpu.vector_load %arg8[%get3A_912] {strides = array<i32>} : memref<80xi32, #tpu.memory_space<vmem>>, vector<16xi32>,
      %add3A_914 = arith.constant 32 : i32
      %add3A_915 = vector.broadcast %add3A_914 : i32 to vector<16xi32>
      %add3A_916 = arith.addi %add3A_915, %iota3A : vector<16xi32>
      %lt3A_917 = vector.broadcast %scan3A_49#0 : i32 to vector<16xi32>
      %lt3A_918 = arith.cmpi slt, %add3A_916, %lt3A_917 : vector<16xi32>
      %broadcast_in_dim3A_919 = vector.broadcast %reduce_sum3A_84 : i32 to vector<16xi32>
      %select_n3A_920 = arith.select %lt3A_918, %get3A_911, %broadcast_in_dim3A_919 : vector<16xi1>, vector<16xi32>
      %broadcast_in_dim3A_921 = vector.broadcast %reduce_sum3A_94 : i32 to vector<16xi32>
      %select_n3A_922 = arith.select %lt3A_918, %get3A_913, %broadcast_in_dim3A_921 : vector<16xi1>, vector<16xi32>
      %shift_right_logical3A_923 = arith.constant 7 : i32
      %shift_right_logical3A_924 = vector.broadcast %shift_right_logical3A_923 : i32 to vector<16xi32>
      %shift_right_logical3A_925 = arith.shrui %select_n3A_920, %shift_right_logical3A_924 : vector<16xi32>
      %and3A_926 = arith.constant 127 : i32
      %and3A_927 = vector.broadcast %and3A_926 : i32 to vector<16xi32>
      %and3A_928 = arith.andi %select_n3A_920, %and3A_927 : vector<16xi32>
      %add3A_929 = vector.broadcast %rem3A_69 : i32 to vector<16xi32>
      %add3A_930 = arith.addi %add3A_929, %broadcast_in_dim3A_96 : vector<16xi32>
      %add3A_931 = arith.constant 32 : i32
      %add3A_932 = vector.broadcast %add3A_931 : i32 to vector<16xi32>
      %add3A_933 = arith.addi %add3A_932, %iota3A : vector<16xi32>
      tpu.vector_store_idx %arg10[%add3A_930, %add3A_933], %select_n3A_922 : memref<2x64xi32, #tpu.memory_space<vmem>>[vector<16xi32>, vector<16xi32>], vector<16xi32>,
      %add3A_934 = arith.constant 0 : i32
      %add3A_935 = vector.broadcast %add3A_934 : i32 to vector<16xi32>
      %add3A_936 = arith.addi %add3A_935, %broadcast_in_dim3A_96 : vector<16xi32>
      %gather3A_937 = tpu.vector_load_idx %arg5[%shift_right_logical3A_925, %add3A_936, %and3A_928] : memref<25x32x128xf32, #tpu.memory_space<vmem>>[vector<16xi32>, vector<16xi32>, vector<16xi32>], vector<16xf32>,
      %add3A_938 = vector.broadcast %rem3A_69 : i32 to vector<16xi32>
      %add3A_939 = arith.addi %add3A_938, %broadcast_in_dim3A_96 : vector<16xi32>
      %add3A_940 = arith.constant 32 : i32
      %add3A_941 = vector.broadcast %add3A_940 : i32 to vector<16xi32>
      %add3A_942 = arith.addi %add3A_941, %iota3A : vector<16xi32>
      %add3A_943 = arith.constant 0 : i32
      %add3A_944 = vector.broadcast %add3A_943 : i32 to vector<16xi32>
      %add3A_945 = arith.addi %add3A_944, %broadcast_in_dim3A_96 : vector<16xi32>
      tpu.vector_store_idx %arg9[%add3A_939, %add3A_942, %add3A_945], %gather3A_937 : memref<2x64x128xf32, #tpu.memory_space<vmem>>[vector<16xi32>, vector<16xi32>, vector<16xi32>], vector<16xf32>,
      %add3A_946 = arith.constant 1 : i32
      %add3A_947 = vector.broadcast %add3A_946 : i32 to vector<16xi32>
      %add3A_948 = arith.addi %add3A_947, %broadcast_in_dim3A_96 : vector<16xi32>
      %gather3A_949 = tpu.vector_load_idx %arg5[%shift_right_logical3A_925, %add3A_948, %and3A_928] : memref<25x32x128xf32, #tpu.memory_space<vmem>>[vector<16xi32>, vector<16xi32>, vector<16xi32>], vector<16xf32>,
      %add3A_950 = vector.broadcast %rem3A_69 : i32 to vector<16xi32>
      %add3A_951 = arith.addi %add3A_950, %broadcast_in_dim3A_96 : vector<16xi32>
      %add3A_952 = arith.constant 32 : i32
      %add3A_953 = vector.broadcast %add3A_952 : i32 to vector<16xi32>
      %add3A_954 = arith.addi %add3A_953, %iota3A : vector<16xi32>
      %add3A_955 = arith.constant 1 : i32
      %add3A_956 = vector.broadcast %add3A_955 : i32 to vector<16xi32>
      %add3A_957 = arith.addi %add3A_956, %broadcast_in_dim3A_96 : vector<16xi32>
      tpu.vector_store_idx %arg9[%add3A_951, %add3A_954, %add3A_957], %gather3A_949 : memref<2x64x128xf32, #tpu.memory_space<vmem>>[vector<16xi32>, vector<16xi32>, vector<16xi32>], vector<16xf32>,
      %add3A_958 = arith.constant 2 : i32
      %add3A_959 = vector.broadcast %add3A_958 : i32 to vector<16xi32>
      %add3A_960 = arith.addi %add3A_959, %broadcast_in_dim3A_96 : vector<16xi32>
      %gather3A_961 = tpu.vector_load_idx %arg5[%shift_right_logical3A_925, %add3A_960, %and3A_928] : memref<25x32x128xf32, #tpu.memory_space<vmem>>[vector<16xi32>, vector<16xi32>, vector<16xi32>], vector<16xf32>,
      %add3A_962 = vector.broadcast %rem3A_69 : i32 to vector<16xi32>
      %add3A_963 = arith.addi %add3A_962, %broadcast_in_dim3A_96 : vector<16xi32>
      %add3A_964 = arith.constant 32 : i32
      %add3A_965 = vector.broadcast %add3A_964 : i32 to vector<16xi32>
      %add3A_966 = arith.addi %add3A_965, %iota3A : vector<16xi32>
      %add3A_967 = arith.constant 2 : i32
      %add3A_968 = vector.broadcast %add3A_967 : i32 to vector<16xi32>
      %add3A_969 = arith.addi %add3A_968, %broadcast_in_dim3A_96 : vector<16xi32>
      tpu.vector_store_idx %arg9[%add3A_963, %add3A_966, %add3A_969], %gather3A_961 : memref<2x64x128xf32, #tpu.memory_space<vmem>>[vector<16xi32>, vector<16xi32>, vector<16xi32>], vector<16xf32>,
      %add3A_970 = arith.constant 3 : i32
      %add3A_971 = vector.broadcast %add3A_970 : i32 to vector<16xi32>
      %add3A_972 = arith.addi %add3A_971, %broadcast_in_dim3A_96 : vector<16xi32>
      %gather3A_973 = tpu.vector_load_idx %arg5[%shift_right_logical3A_925, %add3A_972, %and3A_928] : memref<25x32x128xf32, #tpu.memory_space<vmem>>[vector<16xi32>, vector<16xi32>, vector<16xi32>], vector<16xf32>,
      %add3A_974 = vector.broadcast %rem3A_69 : i32 to vector<16xi32>
      %add3A_975 = arith.addi %add3A_974, %broadcast_in_dim3A_96 : vector<16xi32>
      %add3A_976 = arith.constant 32 : i32
      %add3A_977 = vector.broadcast %add3A_976 : i32 to vector<16xi32>
      %add3A_978 = arith.addi %add3A_977, %iota3A : vector<16xi32>
      %add3A_979 = arith.constant 3 : i32
      %add3A_980 = vector.broadcast %add3A_979 : i32 to vector<16xi32>
      %add3A_981 = arith.addi %add3A_980, %broadcast_in_dim3A_96 : vector<16xi32>
      tpu.vector_store_idx %arg9[%add3A_975, %add3A_978, %add3A_981], %gather3A_973 : memref<2x64x128xf32, #tpu.memory_space<vmem>>[vector<16xi32>, vector<16xi32>, vector<16xi32>], vector<16xf32>,
      %add3A_982 = arith.constant 4 : i32
      %add3A_983 = vector.broadcast %add3A_982 : i32 to vector<16xi32>
      %add3A_984 = arith.addi %add3A_983, %broadcast_in_dim3A_96 : vector<16xi32>
      %gather3A_985 = tpu.vector_load_idx %arg5[%shift_right_logical3A_925, %add3A_984, %and3A_928] : memref<25x32x128xf32, #tpu.memory_space<vmem>>[vector<16xi32>, vector<16xi32>, vector<16xi32>], vector<16xf32>,
      %add3A_986 = vector.broadcast %rem3A_69 : i32 to vector<16xi32>
      %add3A_987 = arith.addi %add3A_986, %broadcast_in_dim3A_96 : vector<16xi32>
      %add3A_988 = arith.constant 32 : i32
      %add3A_989 = vector.broadcast %add3A_988 : i32 to vector<16xi32>
      %add3A_990 = arith.addi %add3A_989, %iota3A : vector<16xi32>
      %add3A_991 = arith.constant 4 : i32
      %add3A_992 = vector.broadcast %add3A_991 : i32 to vector<16xi32>
      %add3A_993 = arith.addi %add3A_992, %broadcast_in_dim3A_96 : vector<16xi32>
      tpu.vector_store_idx %arg9[%add3A_987, %add3A_990, %add3A_993], %gather3A_985 : memref<2x64x128xf32, #tpu.memory_space<vmem>>[vector<16xi32>, vector<16xi32>, vector<16xi32>], vector<16xf32>,
      %add3A_994 = arith.constant 5 : i32
      %add3A_995 = vector.broadcast %add3A_994 : i32 to vector<16xi32>
      %add3A_996 = arith.addi %add3A_995, %broadcast_in_dim3A_96 : vector<16xi32>
      %gather3A_997 = tpu.vector_load_idx %arg5[%shift_right_logical3A_925, %add3A_996, %and3A_928] : memref<25x32x128xf32, #tpu.memory_space<vmem>>[vector<16xi32>, vector<16xi32>, vector<16xi32>], vector<16xf32>,
      %add3A_998 = vector.broadcast %rem3A_69 : i32 to vector<16xi32>
      %add3A_999 = arith.addi %add3A_998, %broadcast_in_dim3A_96 : vector<16xi32>
      %add3A_1000 = arith.constant 32 : i32
      %add3A_1001 = vector.broadcast %add3A_1000 : i32 to vector<16xi32>
      %add3A_1002 = arith.addi %add3A_1001, %iota3A : vector<16xi32>
      %add3A_1003 = arith.constant 5 : i32
      %add3A_1004 = vector.broadcast %add3A_1003 : i32 to vector<16xi32>
      %add3A_1005 = arith.addi %add3A_1004, %broadcast_in_dim3A_96 : vector<16xi32>
      tpu.vector_store_idx %arg9[%add3A_999, %add3A_1002, %add3A_1005], %gather3A_997 : memref<2x64x128xf32, #tpu.memory_space<vmem>>[vector<16xi32>, vector<16xi32>, vector<16xi32>], vector<16xf32>,
      %add3A_1006 = arith.constant 6 : i32
      %add3A_1007 = vector.broadcast %add3A_1006 : i32 to vector<16xi32>
      %add3A_1008 = arith.addi %add3A_1007, %broadcast_in_dim3A_96 : vector<16xi32>
      %gather3A_1009 = tpu.vector_load_idx %arg5[%shift_right_logical3A_925, %add3A_1008, %and3A_928] : memref<25x32x128xf32, #tpu.memory_space<vmem>>[vector<16xi32>, vector<16xi32>, vector<16xi32>], vector<16xf32>,
      %add3A_1010 = vector.broadcast %rem3A_69 : i32 to vector<16xi32>
      %add3A_1011 = arith.addi %add3A_1010, %broadcast_in_dim3A_96 : vector<16xi32>
      %add3A_1012 = arith.constant 32 : i32
      %add3A_1013 = vector.broadcast %add3A_1012 : i32 to vector<16xi32>
      %add3A_1014 = arith.addi %add3A_1013, %iota3A : vector<16xi32>
      %add3A_1015 = arith.constant 6 : i32
      %add3A_1016 = vector.broadcast %add3A_1015 : i32 to vector<16xi32>
      %add3A_1017 = arith.addi %add3A_1016, %broadcast_in_dim3A_96 : vector<16xi32>
      tpu.vector_store_idx %arg9[%add3A_1011, %add3A_1014, %add3A_1017], %gather3A_1009 : memref<2x64x128xf32, #tpu.memory_space<vmem>>[vector<16xi32>, vector<16xi32>, vector<16xi32>], vector<16xf32>,
      %add3A_1018 = arith.constant 7 : i32
      %add3A_1019 = vector.broadcast %add3A_1018 : i32 to vector<16xi32>
      %add3A_1020 = arith.addi %add3A_1019, %broadcast_in_dim3A_96 : vector<16xi32>
      %gather3A_1021 = tpu.vector_load_idx %arg5[%shift_right_logical3A_925, %add3A_1020, %and3A_928] : memref<25x32x128xf32, #tpu.memory_space<vmem>>[vector<16xi32>, vector<16xi32>, vector<16xi32>], vector<16xf32>,
      %add3A_1022 = vector.broadcast %rem3A_69 : i32 to vector<16xi32>
      %add3A_1023 = arith.addi %add3A_1022, %broadcast_in_dim3A_96 : vector<16xi32>
      %add3A_1024 = arith.constant 32 : i32
      %add3A_1025 = vector.broadcast %add3A_1024 : i32 to vector<16xi32>
      %add3A_1026 = arith.addi %add3A_1025, %iota3A : vector<16xi32>
      %add3A_1027 = arith.constant 7 : i32
      %add3A_1028 = vector.broadcast %add3A_1027 : i32 to vector<16xi32>
      %add3A_1029 = arith.addi %add3A_1028, %broadcast_in_dim3A_96 : vector<16xi32>
      tpu.vector_store_idx %arg9[%add3A_1023, %add3A_1026, %add3A_1029], %gather3A_1021 : memref<2x64x128xf32, #tpu.memory_space<vmem>>[vector<16xi32>, vector<16xi32>, vector<16xi32>], vector<16xf32>,
      %add3A_1030 = arith.constant 8 : i32
      %add3A_1031 = vector.broadcast %add3A_1030 : i32 to vector<16xi32>
      %add3A_1032 = arith.addi %add3A_1031, %broadcast_in_dim3A_96 : vector<16xi32>
      %gather3A_1033 = tpu.vector_load_idx %arg5[%shift_right_logical3A_925, %add3A_1032, %and3A_928] : memref<25x32x128xf32, #tpu.memory_space<vmem>>[vector<16xi32>, vector<16xi32>, vector<16xi32>], vector<16xf32>,
      %add3A_1034 = vector.broadcast %rem3A_69 : i32 to vector<16xi32>
      %add3A_1035 = arith.addi %add3A_1034, %broadcast_in_dim3A_96 : vector<16xi32>
      %add3A_1036 = arith.constant 32 : i32
      %add3A_1037 = vector.broadcast %add3A_1036 : i32 to vector<16xi32>
      %add3A_1038 = arith.addi %add3A_1037, %iota3A : vector<16xi32>
      %add3A_1039 = arith.constant 8 : i32
      %add3A_1040 = vector.broadcast %add3A_1039 : i32 to vector<16xi32>
      %add3A_1041 = arith.addi %add3A_1040, %broadcast_in_dim3A_96 : vector<16xi32>
      tpu.vector_store_idx %arg9[%add3A_1035, %add3A_1038, %add3A_1041], %gather3A_1033 : memref<2x64x128xf32, #tpu.memory_space<vmem>>[vector<16xi32>, vector<16xi32>, vector<16xi32>], vector<16xf32>,
      %add3A_1042 = arith.constant 9 : i32
      %add3A_1043 = vector.broadcast %add3A_1042 : i32 to vector<16xi32>
      %add3A_1044 = arith.addi %add3A_1043, %broadcast_in_dim3A_96 : vector<16xi32>
      %gather3A_1045 = tpu.vector_load_idx %arg5[%shift_right_logical3A_925, %add3A_1044, %and3A_928] : memref<25x32x128xf32, #tpu.memory_space<vmem>>[vector<16xi32>, vector<16xi32>, vector<16xi32>], vector<16xf32>,
      %add3A_1046 = vector.broadcast %rem3A_69 : i32 to vector<16xi32>
      %add3A_1047 = arith.addi %add3A_1046, %broadcast_in_dim3A_96 : vector<16xi32>
      %add3A_1048 = arith.constant 32 : i32
      %add3A_1049 = vector.broadcast %add3A_1048 : i32 to vector<16xi32>
      %add3A_1050 = arith.addi %add3A_1049, %iota3A : vector<16xi32>
      %add3A_1051 = arith.constant 9 : i32
      %add3A_1052 = vector.broadcast %add3A_1051 : i32 to vector<16xi32>
      %add3A_1053 = arith.addi %add3A_1052, %broadcast_in_dim3A_96 : vector<16xi32>
      tpu.vector_store_idx %arg9[%add3A_1047, %add3A_1050, %add3A_1053], %gather3A_1045 : memref<2x64x128xf32, #tpu.memory_space<vmem>>[vector<16xi32>, vector<16xi32>, vector<16xi32>], vector<16xf32>,
      %add3A_1054 = arith.constant 10 : i32
      %add3A_1055 = vector.broadcast %add3A_1054 : i32 to vector<16xi32>
      %add3A_1056 = arith.addi %add3A_1055, %broadcast_in_dim3A_96 : vector<16xi32>
      %gather3A_1057 = tpu.vector_load_idx %arg5[%shift_right_logical3A_925, %add3A_1056, %and3A_928] : memref<25x32x128xf32, #tpu.memory_space<vmem>>[vector<16xi32>, vector<16xi32>, vector<16xi32>], vector<16xf32>,
      %add3A_1058 = vector.broadcast %rem3A_69 : i32 to vector<16xi32>
      %add3A_1059 = arith.addi %add3A_1058, %broadcast_in_dim3A_96 : vector<16xi32>
      %add3A_1060 = arith.constant 32 : i32
      %add3A_1061 = vector.broadcast %add3A_1060 : i32 to vector<16xi32>
      %add3A_1062 = arith.addi %add3A_1061, %iota3A : vector<16xi32>
      %add3A_1063 = arith.constant 10 : i32
      %add3A_1064 = vector.broadcast %add3A_1063 : i32 to vector<16xi32>
      %add3A_1065 = arith.addi %add3A_1064, %broadcast_in_dim3A_96 : vector<16xi32>
      tpu.vector_store_idx %arg9[%add3A_1059, %add3A_1062, %add3A_1065], %gather3A_1057 : memref<2x64x128xf32, #tpu.memory_space<vmem>>[vector<16xi32>, vector<16xi32>, vector<16xi32>], vector<16xf32>,
      %add3A_1066 = arith.constant 11 : i32
      %add3A_1067 = vector.broadcast %add3A_1066 : i32 to vector<16xi32>
      %add3A_1068 = arith.addi %add3A_1067, %broadcast_in_dim3A_96 : vector<16xi32>
      %gather3A_1069 = tpu.vector_load_idx %arg5[%shift_right_logical3A_925, %add3A_1068, %and3A_928] : memref<25x32x128xf32, #tpu.memory_space<vmem>>[vector<16xi32>, vector<16xi32>, vector<16xi32>], vector<16xf32>,
      %add3A_1070 = vector.broadcast %rem3A_69 : i32 to vector<16xi32>
      %add3A_1071 = arith.addi %add3A_1070, %broadcast_in_dim3A_96 : vector<16xi32>
      %add3A_1072 = arith.constant 32 : i32
      %add3A_1073 = vector.broadcast %add3A_1072 : i32 to vector<16xi32>
      %add3A_1074 = arith.addi %add3A_1073, %iota3A : vector<16xi32>
      %add3A_1075 = arith.constant 11 : i32
      %add3A_1076 = vector.broadcast %add3A_1075 : i32 to vector<16xi32>
      %add3A_1077 = arith.addi %add3A_1076, %broadcast_in_dim3A_96 : vector<16xi32>
      tpu.vector_store_idx %arg9[%add3A_1071, %add3A_1074, %add3A_1077], %gather3A_1069 : memref<2x64x128xf32, #tpu.memory_space<vmem>>[vector<16xi32>, vector<16xi32>, vector<16xi32>], vector<16xf32>,
      %add3A_1078 = arith.constant 12 : i32
      %add3A_1079 = vector.broadcast %add3A_1078 : i32 to vector<16xi32>
      %add3A_1080 = arith.addi %add3A_1079, %broadcast_in_dim3A_96 : vector<16xi32>
      %gather3A_1081 = tpu.vector_load_idx %arg5[%shift_right_logical3A_925, %add3A_1080, %and3A_928] : memref<25x32x128xf32, #tpu.memory_space<vmem>>[vector<16xi32>, vector<16xi32>, vector<16xi32>], vector<16xf32>,
      %add3A_1082 = vector.broadcast %rem3A_69 : i32 to vector<16xi32>
      %add3A_1083 = arith.addi %add3A_1082, %broadcast_in_dim3A_96 : vector<16xi32>
      %add3A_1084 = arith.constant 32 : i32
      %add3A_1085 = vector.broadcast %add3A_1084 : i32 to vector<16xi32>
      %add3A_1086 = arith.addi %add3A_1085, %iota3A : vector<16xi32>
      %add3A_1087 = arith.constant 12 : i32
      %add3A_1088 = vector.broadcast %add3A_1087 : i32 to vector<16xi32>
      %add3A_1089 = arith.addi %add3A_1088, %broadcast_in_dim3A_96 : vector<16xi32>
      tpu.vector_store_idx %arg9[%add3A_1083, %add3A_1086, %add3A_1089], %gather3A_1081 : memref<2x64x128xf32, #tpu.memory_space<vmem>>[vector<16xi32>, vector<16xi32>, vector<16xi32>], vector<16xf32>,
      %add3A_1090 = arith.constant 13 : i32
      %add3A_1091 = vector.broadcast %add3A_1090 : i32 to vector<16xi32>
      %add3A_1092 = arith.addi %add3A_1091, %broadcast_in_dim3A_96 : vector<16xi32>
      %gather3A_1093 = tpu.vector_load_idx %arg5[%shift_right_logical3A_925, %add3A_1092, %and3A_928] : memref<25x32x128xf32, #tpu.memory_space<vmem>>[vector<16xi32>, vector<16xi32>, vector<16xi32>], vector<16xf32>,
      %add3A_1094 = vector.broadcast %rem3A_69 : i32 to vector<16xi32>
      %add3A_1095 = arith.addi %add3A_1094, %broadcast_in_dim3A_96 : vector<16xi32>
      %add3A_1096 = arith.constant 32 : i32
      %add3A_1097 = vector.broadcast %add3A_1096 : i32 to vector<16xi32>
      %add3A_1098 = arith.addi %add3A_1097, %iota3A : vector<16xi32>
      %add3A_1099 = arith.constant 13 : i32
      %add3A_1100 = vector.broadcast %add3A_1099 : i32 to vector<16xi32>
      %add3A_1101 = arith.addi %add3A_1100, %broadcast_in_dim3A_96 : vector<16xi32>
      tpu.vector_store_idx %arg9[%add3A_1095, %add3A_1098, %add3A_1101], %gather3A_1093 : memref<2x64x128xf32, #tpu.memory_space<vmem>>[vector<16xi32>, vector<16xi32>, vector<16xi32>], vector<16xf32>,
      %add3A_1102 = arith.constant 14 : i32
      %add3A_1103 = vector.broadcast %add3A_1102 : i32 to vector<16xi32>
      %add3A_1104 = arith.addi %add3A_1103, %broadcast_in_dim3A_96 : vector<16xi32>
      %gather3A_1105 = tpu.vector_load_idx %arg5[%shift_right_logical3A_925, %add3A_1104, %and3A_928] : memref<25x32x128xf32, #tpu.memory_space<vmem>>[vector<16xi32>, vector<16xi32>, vector<16xi32>], vector<16xf32>,
      %add3A_1106 = vector.broadcast %rem3A_69 : i32 to vector<16xi32>
      %add3A_1107 = arith.addi %add3A_1106, %broadcast_in_dim3A_96 : vector<16xi32>
      %add3A_1108 = arith.constant 32 : i32
      %add3A_1109 = vector.broadcast %add3A_1108 : i32 to vector<16xi32>
      %add3A_1110 = arith.addi %add3A_1109, %iota3A : vector<16xi32>
      %add3A_1111 = arith.constant 14 : i32
      %add3A_1112 = vector.broadcast %add3A_1111 : i32 to vector<16xi32>
      %add3A_1113 = arith.addi %add3A_1112, %broadcast_in_dim3A_96 : vector<16xi32>
      tpu.vector_store_idx %arg9[%add3A_1107, %add3A_1110, %add3A_1113], %gather3A_1105 : memref<2x64x128xf32, #tpu.memory_space<vmem>>[vector<16xi32>, vector<16xi32>, vector<16xi32>], vector<16xf32>,
      %add3A_1114 = arith.constant 15 : i32
      %add3A_1115 = vector.broadcast %add3A_1114 : i32 to vector<16xi32>
      %add3A_1116 = arith.addi %add3A_1115, %broadcast_in_dim3A_96 : vector<16xi32>
      %gather3A_1117 = tpu.vector_load_idx %arg5[%shift_right_logical3A_925, %add3A_1116, %and3A_928] : memref<25x32x128xf32, #tpu.memory_space<vmem>>[vector<16xi32>, vector<16xi32>, vector<16xi32>], vector<16xf32>,
      %add3A_1118 = vector.broadcast %rem3A_69 : i32 to vector<16xi32>
      %add3A_1119 = arith.addi %add3A_1118, %broadcast_in_dim3A_96 : vector<16xi32>
      %add3A_1120 = arith.constant 32 : i32
      %add3A_1121 = vector.broadcast %add3A_1120 : i32 to vector<16xi32>
      %add3A_1122 = arith.addi %add3A_1121, %iota3A : vector<16xi32>
      %add3A_1123 = arith.constant 15 : i32
      %add3A_1124 = vector.broadcast %add3A_1123 : i32 to vector<16xi32>
      %add3A_1125 = arith.addi %add3A_1124, %broadcast_in_dim3A_96 : vector<16xi32>
      tpu.vector_store_idx %arg9[%add3A_1119, %add3A_1122, %add3A_1125], %gather3A_1117 : memref<2x64x128xf32, #tpu.memory_space<vmem>>[vector<16xi32>, vector<16xi32>, vector<16xi32>], vector<16xf32>,
      %add3A_1126 = arith.constant 16 : i32
      %add3A_1127 = vector.broadcast %add3A_1126 : i32 to vector<16xi32>
      %add3A_1128 = arith.addi %add3A_1127, %broadcast_in_dim3A_96 : vector<16xi32>
      %gather3A_1129 = tpu.vector_load_idx %arg5[%shift_right_logical3A_925, %add3A_1128, %and3A_928] : memref<25x32x128xf32, #tpu.memory_space<vmem>>[vector<16xi32>, vector<16xi32>, vector<16xi32>], vector<16xf32>,
      %add3A_1130 = vector.broadcast %rem3A_69 : i32 to vector<16xi32>
      %add3A_1131 = arith.addi %add3A_1130, %broadcast_in_dim3A_96 : vector<16xi32>
      %add3A_1132 = arith.constant 32 : i32
      %add3A_1133 = vector.broadcast %add3A_1132 : i32 to vector<16xi32>
      %add3A_1134 = arith.addi %add3A_1133, %iota3A : vector<16xi32>
      %add3A_1135 = arith.constant 16 : i32
      %add3A_1136 = vector.broadcast %add3A_1135 : i32 to vector<16xi32>
      %add3A_1137 = arith.addi %add3A_1136, %broadcast_in_dim3A_96 : vector<16xi32>
      tpu.vector_store_idx %arg9[%add3A_1131, %add3A_1134, %add3A_1137], %gather3A_1129 : memref<2x64x128xf32, #tpu.memory_space<vmem>>[vector<16xi32>, vector<16xi32>, vector<16xi32>], vector<16xf32>,
      %add3A_1138 = arith.constant 17 : i32
      %add3A_1139 = vector.broadcast %add3A_1138 : i32 to vector<16xi32>
      %add3A_1140 = arith.addi %add3A_1139, %broadcast_in_dim3A_96 : vector<16xi32>
      %gather3A_1141 = tpu.vector_load_idx %arg5[%shift_right_logical3A_925, %add3A_1140, %and3A_928] : memref<25x32x128xf32, #tpu.memory_space<vmem>>[vector<16xi32>, vector<16xi32>, vector<16xi32>], vector<16xf32>,
      %add3A_1142 = vector.broadcast %rem3A_69 : i32 to vector<16xi32>
      %add3A_1143 = arith.addi %add3A_1142, %broadcast_in_dim3A_96 : vector<16xi32>
      %add3A_1144 = arith.constant 32 : i32
      %add3A_1145 = vector.broadcast %add3A_1144 : i32 to vector<16xi32>
      %add3A_1146 = arith.addi %add3A_1145, %iota3A : vector<16xi32>
      %add3A_1147 = arith.constant 17 : i32
      %add3A_1148 = vector.broadcast %add3A_1147 : i32 to vector<16xi32>
      %add3A_1149 = arith.addi %add3A_1148, %broadcast_in_dim3A_96 : vector<16xi32>
      tpu.vector_store_idx %arg9[%add3A_1143, %add3A_1146, %add3A_1149], %gather3A_1141 : memref<2x64x128xf32, #tpu.memory_space<vmem>>[vector<16xi32>, vector<16xi32>, vector<16xi32>], vector<16xf32>,
      %add3A_1150 = arith.constant 18 : i32
      %add3A_1151 = vector.broadcast %add3A_1150 : i32 to vector<16xi32>
      %add3A_1152 = arith.addi %add3A_1151, %broadcast_in_dim3A_96 : vector<16xi32>
      %gather3A_1153 = tpu.vector_load_idx %arg5[%shift_right_logical3A_925, %add3A_1152, %and3A_928] : memref<25x32x128xf32, #tpu.memory_space<vmem>>[vector<16xi32>, vector<16xi32>, vector<16xi32>], vector<16xf32>,
      %add3A_1154 = vector.broadcast %rem3A_69 : i32 to vector<16xi32>
      %add3A_1155 = arith.addi %add3A_1154, %broadcast_in_dim3A_96 : vector<16xi32>
      %add3A_1156 = arith.constant 32 : i32
      %add3A_1157 = vector.broadcast %add3A_1156 : i32 to vector<16xi32>
      %add3A_1158 = arith.addi %add3A_1157, %iota3A : vector<16xi32>
      %add3A_1159 = arith.constant 18 : i32
      %add3A_1160 = vector.broadcast %add3A_1159 : i32 to vector<16xi32>
      %add3A_1161 = arith.addi %add3A_1160, %broadcast_in_dim3A_96 : vector<16xi32>
      tpu.vector_store_idx %arg9[%add3A_1155, %add3A_1158, %add3A_1161], %gather3A_1153 : memref<2x64x128xf32, #tpu.memory_space<vmem>>[vector<16xi32>, vector<16xi32>, vector<16xi32>], vector<16xf32>,
      %add3A_1162 = arith.constant 19 : i32
      %add3A_1163 = vector.broadcast %add3A_1162 : i32 to vector<16xi32>
      %add3A_1164 = arith.addi %add3A_1163, %broadcast_in_dim3A_96 : vector<16xi32>
      %gather3A_1165 = tpu.vector_load_idx %arg5[%shift_right_logical3A_925, %add3A_1164, %and3A_928] : memref<25x32x128xf32, #tpu.memory_space<vmem>>[vector<16xi32>, vector<16xi32>, vector<16xi32>], vector<16xf32>,
      %add3A_1166 = vector.broadcast %rem3A_69 : i32 to vector<16xi32>
      %add3A_1167 = arith.addi %add3A_1166, %broadcast_in_dim3A_96 : vector<16xi32>
      %add3A_1168 = arith.constant 32 : i32
      %add3A_1169 = vector.broadcast %add3A_1168 : i32 to vector<16xi32>
      %add3A_1170 = arith.addi %add3A_1169, %iota3A : vector<16xi32>
      %add3A_1171 = arith.constant 19 : i32
      %add3A_1172 = vector.broadcast %add3A_1171 : i32 to vector<16xi32>
      %add3A_1173 = arith.addi %add3A_1172, %broadcast_in_dim3A_96 : vector<16xi32>
      tpu.vector_store_idx %arg9[%add3A_1167, %add3A_1170, %add3A_1173], %gather3A_1165 : memref<2x64x128xf32, #tpu.memory_space<vmem>>[vector<16xi32>, vector<16xi32>, vector<16xi32>], vector<16xf32>,
      %add3A_1174 = arith.constant 20 : i32
      %add3A_1175 = vector.broadcast %add3A_1174 : i32 to vector<16xi32>
      %add3A_1176 = arith.addi %add3A_1175, %broadcast_in_dim3A_96 : vector<16xi32>
      %gather3A_1177 = tpu.vector_load_idx %arg5[%shift_right_logical3A_925, %add3A_1176, %and3A_928] : memref<25x32x128xf32, #tpu.memory_space<vmem>>[vector<16xi32>, vector<16xi32>, vector<16xi32>], vector<16xf32>,
      %add3A_1178 = vector.broadcast %rem3A_69 : i32 to vector<16xi32>
      %add3A_1179 = arith.addi %add3A_1178, %broadcast_in_dim3A_96 : vector<16xi32>
      %add3A_1180 = arith.constant 32 : i32
      %add3A_1181 = vector.broadcast %add3A_1180 : i32 to vector<16xi32>
      %add3A_1182 = arith.addi %add3A_1181, %iota3A : vector<16xi32>
      %add3A_1183 = arith.constant 20 : i32
      %add3A_1184 = vector.broadcast %add3A_1183 : i32 to vector<16xi32>
      %add3A_1185 = arith.addi %add3A_1184, %broadcast_in_dim3A_96 : vector<16xi32>
      tpu.vector_store_idx %arg9[%add3A_1179, %add3A_1182, %add3A_1185], %gather3A_1177 : memref<2x64x128xf32, #tpu.memory_space<vmem>>[vector<16xi32>, vector<16xi32>, vector<16xi32>], vector<16xf32>,
      %add3A_1186 = arith.constant 21 : i32
      %add3A_1187 = vector.broadcast %add3A_1186 : i32 to vector<16xi32>
      %add3A_1188 = arith.addi %add3A_1187, %broadcast_in_dim3A_96 : vector<16xi32>
      %gather3A_1189 = tpu.vector_load_idx %arg5[%shift_right_logical3A_925, %add3A_1188, %and3A_928] : memref<25x32x128xf32, #tpu.memory_space<vmem>>[vector<16xi32>, vector<16xi32>, vector<16xi32>], vector<16xf32>,
      %add3A_1190 = vector.broadcast %rem3A_69 : i32 to vector<16xi32>
      %add3A_1191 = arith.addi %add3A_1190, %broadcast_in_dim3A_96 : vector<16xi32>
      %add3A_1192 = arith.constant 32 : i32
      %add3A_1193 = vector.broadcast %add3A_1192 : i32 to vector<16xi32>
      %add3A_1194 = arith.addi %add3A_1193, %iota3A : vector<16xi32>
      %add3A_1195 = arith.constant 21 : i32
      %add3A_1196 = vector.broadcast %add3A_1195 : i32 to vector<16xi32>
      %add3A_1197 = arith.addi %add3A_1196, %broadcast_in_dim3A_96 : vector<16xi32>
      tpu.vector_store_idx %arg9[%add3A_1191, %add3A_1194, %add3A_1197], %gather3A_1189 : memref<2x64x128xf32, #tpu.memory_space<vmem>>[vector<16xi32>, vector<16xi32>, vector<16xi32>], vector<16xf32>,
      %add3A_1198 = arith.constant 22 : i32
      %add3A_1199 = vector.broadcast %add3A_1198 : i32 to vector<16xi32>
      %add3A_1200 = arith.addi %add3A_1199, %broadcast_in_dim3A_96 : vector<16xi32>
      %gather3A_1201 = tpu.vector_load_idx %arg5[%shift_right_logical3A_925, %add3A_1200, %and3A_928] : memref<25x32x128xf32, #tpu.memory_space<vmem>>[vector<16xi32>, vector<16xi32>, vector<16xi32>], vector<16xf32>,
      %add3A_1202 = vector.broadcast %rem3A_69 : i32 to vector<16xi32>
      %add3A_1203 = arith.addi %add3A_1202, %broadcast_in_dim3A_96 : vector<16xi32>
      %add3A_1204 = arith.constant 32 : i32
      %add3A_1205 = vector.broadcast %add3A_1204 : i32 to vector<16xi32>
      %add3A_1206 = arith.addi %add3A_1205, %iota3A : vector<16xi32>
      %add3A_1207 = arith.constant 22 : i32
      %add3A_1208 = vector.broadcast %add3A_1207 : i32 to vector<16xi32>
      %add3A_1209 = arith.addi %add3A_1208, %broadcast_in_dim3A_96 : vector<16xi32>
      tpu.vector_store_idx %arg9[%add3A_1203, %add3A_1206, %add3A_1209], %gather3A_1201 : memref<2x64x128xf32, #tpu.memory_space<vmem>>[vector<16xi32>, vector<16xi32>, vector<16xi32>], vector<16xf32>,
      %add3A_1210 = arith.constant 23 : i32
      %add3A_1211 = vector.broadcast %add3A_1210 : i32 to vector<16xi32>
      %add3A_1212 = arith.addi %add3A_1211, %broadcast_in_dim3A_96 : vector<16xi32>
      %gather3A_1213 = tpu.vector_load_idx %arg5[%shift_right_logical3A_925, %add3A_1212, %and3A_928] : memref<25x32x128xf32, #tpu.memory_space<vmem>>[vector<16xi32>, vector<16xi32>, vector<16xi32>], vector<16xf32>,
      %add3A_1214 = vector.broadcast %rem3A_69 : i32 to vector<16xi32>
      %add3A_1215 = arith.addi %add3A_1214, %broadcast_in_dim3A_96 : vector<16xi32>
      %add3A_1216 = arith.constant 32 : i32
      %add3A_1217 = vector.broadcast %add3A_1216 : i32 to vector<16xi32>
      %add3A_1218 = arith.addi %add3A_1217, %iota3A : vector<16xi32>
      %add3A_1219 = arith.constant 23 : i32
      %add3A_1220 = vector.broadcast %add3A_1219 : i32 to vector<16xi32>
      %add3A_1221 = arith.addi %add3A_1220, %broadcast_in_dim3A_96 : vector<16xi32>
      tpu.vector_store_idx %arg9[%add3A_1215, %add3A_1218, %add3A_1221], %gather3A_1213 : memref<2x64x128xf32, #tpu.memory_space<vmem>>[vector<16xi32>, vector<16xi32>, vector<16xi32>], vector<16xf32>,
      %add3A_1222 = arith.constant 24 : i32
      %add3A_1223 = vector.broadcast %add3A_1222 : i32 to vector<16xi32>
      %add3A_1224 = arith.addi %add3A_1223, %broadcast_in_dim3A_96 : vector<16xi32>
      %gather3A_1225 = tpu.vector_load_idx %arg5[%shift_right_logical3A_925, %add3A_1224, %and3A_928] : memref<25x32x128xf32, #tpu.memory_space<vmem>>[vector<16xi32>, vector<16xi32>, vector<16xi32>], vector<16xf32>,
      %add3A_1226 = vector.broadcast %rem3A_69 : i32 to vector<16xi32>
      %add3A_1227 = arith.addi %add3A_1226, %broadcast_in_dim3A_96 : vector<16xi32>
      %add3A_1228 = arith.constant 32 : i32
      %add3A_1229 = vector.broadcast %add3A_1228 : i32 to vector<16xi32>
      %add3A_1230 = arith.addi %add3A_1229, %iota3A : vector<16xi32>
      %add3A_1231 = arith.constant 24 : i32
      %add3A_1232 = vector.broadcast %add3A_1231 : i32 to vector<16xi32>
      %add3A_1233 = arith.addi %add3A_1232, %broadcast_in_dim3A_96 : vector<16xi32>
      tpu.vector_store_idx %arg9[%add3A_1227, %add3A_1230, %add3A_1233], %gather3A_1225 : memref<2x64x128xf32, #tpu.memory_space<vmem>>[vector<16xi32>, vector<16xi32>, vector<16xi32>], vector<16xf32>,
      %add3A_1234 = arith.constant 25 : i32
      %add3A_1235 = vector.broadcast %add3A_1234 : i32 to vector<16xi32>
      %add3A_1236 = arith.addi %add3A_1235, %broadcast_in_dim3A_96 : vector<16xi32>
      %gather3A_1237 = tpu.vector_load_idx %arg5[%shift_right_logical3A_925, %add3A_1236, %and3A_928] : memref<25x32x128xf32, #tpu.memory_space<vmem>>[vector<16xi32>, vector<16xi32>, vector<16xi32>], vector<16xf32>,
      %add3A_1238 = vector.broadcast %rem3A_69 : i32 to vector<16xi32>
      %add3A_1239 = arith.addi %add3A_1238, %broadcast_in_dim3A_96 : vector<16xi32>
      %add3A_1240 = arith.constant 32 : i32
      %add3A_1241 = vector.broadcast %add3A_1240 : i32 to vector<16xi32>
      %add3A_1242 = arith.addi %add3A_1241, %iota3A : vector<16xi32>
      %add3A_1243 = arith.constant 25 : i32
      %add3A_1244 = vector.broadcast %add3A_1243 : i32 to vector<16xi32>
      %add3A_1245 = arith.addi %add3A_1244, %broadcast_in_dim3A_96 : vector<16xi32>
      tpu.vector_store_idx %arg9[%add3A_1239, %add3A_1242, %add3A_1245], %gather3A_1237 : memref<2x64x128xf32, #tpu.memory_space<vmem>>[vector<16xi32>, vector<16xi32>, vector<16xi32>], vector<16xf32>,
      %add3A_1246 = arith.constant 26 : i32
      %add3A_1247 = vector.broadcast %add3A_1246 : i32 to vector<16xi32>
      %add3A_1248 = arith.addi %add3A_1247, %broadcast_in_dim3A_96 : vector<16xi32>
      %gather3A_1249 = tpu.vector_load_idx %arg5[%shift_right_logical3A_925, %add3A_1248, %and3A_928] : memref<25x32x128xf32, #tpu.memory_space<vmem>>[vector<16xi32>, vector<16xi32>, vector<16xi32>], vector<16xf32>,
      %add3A_1250 = vector.broadcast %rem3A_69 : i32 to vector<16xi32>
      %add3A_1251 = arith.addi %add3A_1250, %broadcast_in_dim3A_96 : vector<16xi32>
      %add3A_1252 = arith.constant 32 : i32
      %add3A_1253 = vector.broadcast %add3A_1252 : i32 to vector<16xi32>
      %add3A_1254 = arith.addi %add3A_1253, %iota3A : vector<16xi32>
      %add3A_1255 = arith.constant 26 : i32
      %add3A_1256 = vector.broadcast %add3A_1255 : i32 to vector<16xi32>
      %add3A_1257 = arith.addi %add3A_1256, %broadcast_in_dim3A_96 : vector<16xi32>
      tpu.vector_store_idx %arg9[%add3A_1251, %add3A_1254, %add3A_1257], %gather3A_1249 : memref<2x64x128xf32, #tpu.memory_space<vmem>>[vector<16xi32>, vector<16xi32>, vector<16xi32>], vector<16xf32>,
      %add3A_1258 = arith.constant 27 : i32
      %add3A_1259 = vector.broadcast %add3A_1258 : i32 to vector<16xi32>
      %add3A_1260 = arith.addi %add3A_1259, %broadcast_in_dim3A_96 : vector<16xi32>
      %gather3A_1261 = tpu.vector_load_idx %arg5[%shift_right_logical3A_925, %add3A_1260, %and3A_928] : memref<25x32x128xf32, #tpu.memory_space<vmem>>[vector<16xi32>, vector<16xi32>, vector<16xi32>], vector<16xf32>,
      %add3A_1262 = vector.broadcast %rem3A_69 : i32 to vector<16xi32>
      %add3A_1263 = arith.addi %add3A_1262, %broadcast_in_dim3A_96 : vector<16xi32>
      %add3A_1264 = arith.constant 32 : i32
      %add3A_1265 = vector.broadcast %add3A_1264 : i32 to vector<16xi32>
      %add3A_1266 = arith.addi %add3A_1265, %iota3A : vector<16xi32>
      %add3A_1267 = arith.constant 27 : i32
      %add3A_1268 = vector.broadcast %add3A_1267 : i32 to vector<16xi32>
      %add3A_1269 = arith.addi %add3A_1268, %broadcast_in_dim3A_96 : vector<16xi32>
      tpu.vector_store_idx %arg9[%add3A_1263, %add3A_1266, %add3A_1269], %gather3A_1261 : memref<2x64x128xf32, #tpu.memory_space<vmem>>[vector<16xi32>, vector<16xi32>, vector<16xi32>], vector<16xf32>,
      %add3A_1270 = arith.constant 28 : i32
      %add3A_1271 = vector.broadcast %add3A_1270 : i32 to vector<16xi32>
      %add3A_1272 = arith.addi %add3A_1271, %broadcast_in_dim3A_96 : vector<16xi32>
      %gather3A_1273 = tpu.vector_load_idx %arg5[%shift_right_logical3A_925, %add3A_1272, %and3A_928] : memref<25x32x128xf32, #tpu.memory_space<vmem>>[vector<16xi32>, vector<16xi32>, vector<16xi32>], vector<16xf32>,
      %add3A_1274 = vector.broadcast %rem3A_69 : i32 to vector<16xi32>
      %add3A_1275 = arith.addi %add3A_1274, %broadcast_in_dim3A_96 : vector<16xi32>
      %add3A_1276 = arith.constant 32 : i32
      %add3A_1277 = vector.broadcast %add3A_1276 : i32 to vector<16xi32>
      %add3A_1278 = arith.addi %add3A_1277, %iota3A : vector<16xi32>
      %add3A_1279 = arith.constant 28 : i32
      %add3A_1280 = vector.broadcast %add3A_1279 : i32 to vector<16xi32>
      %add3A_1281 = arith.addi %add3A_1280, %broadcast_in_dim3A_96 : vector<16xi32>
      tpu.vector_store_idx %arg9[%add3A_1275, %add3A_1278, %add3A_1281], %gather3A_1273 : memref<2x64x128xf32, #tpu.memory_space<vmem>>[vector<16xi32>, vector<16xi32>, vector<16xi32>], vector<16xf32>,
      %add3A_1282 = arith.constant 29 : i32
      %add3A_1283 = vector.broadcast %add3A_1282 : i32 to vector<16xi32>
      %add3A_1284 = arith.addi %add3A_1283, %broadcast_in_dim3A_96 : vector<16xi32>
      %gather3A_1285 = tpu.vector_load_idx %arg5[%shift_right_logical3A_925, %add3A_1284, %and3A_928] : memref<25x32x128xf32, #tpu.memory_space<vmem>>[vector<16xi32>, vector<16xi32>, vector<16xi32>], vector<16xf32>,
      %add3A_1286 = vector.broadcast %rem3A_69 : i32 to vector<16xi32>
      %add3A_1287 = arith.addi %add3A_1286, %broadcast_in_dim3A_96 : vector<16xi32>
      %add3A_1288 = arith.constant 32 : i32
      %add3A_1289 = vector.broadcast %add3A_1288 : i32 to vector<16xi32>
      %add3A_1290 = arith.addi %add3A_1289, %iota3A : vector<16xi32>
      %add3A_1291 = arith.constant 29 : i32
      %add3A_1292 = vector.broadcast %add3A_1291 : i32 to vector<16xi32>
      %add3A_1293 = arith.addi %add3A_1292, %broadcast_in_dim3A_96 : vector<16xi32>
      tpu.vector_store_idx %arg9[%add3A_1287, %add3A_1290, %add3A_1293], %gather3A_1285 : memref<2x64x128xf32, #tpu.memory_space<vmem>>[vector<16xi32>, vector<16xi32>, vector<16xi32>], vector<16xf32>,
      %add3A_1294 = arith.constant 30 : i32
      %add3A_1295 = vector.broadcast %add3A_1294 : i32 to vector<16xi32>
      %add3A_1296 = arith.addi %add3A_1295, %broadcast_in_dim3A_96 : vector<16xi32>
      %gather3A_1297 = tpu.vector_load_idx %arg5[%shift_right_logical3A_925, %add3A_1296, %and3A_928] : memref<25x32x128xf32, #tpu.memory_space<vmem>>[vector<16xi32>, vector<16xi32>, vector<16xi32>], vector<16xf32>,
      %add3A_1298 = vector.broadcast %rem3A_69 : i32 to vector<16xi32>
      %add3A_1299 = arith.addi %add3A_1298, %broadcast_in_dim3A_96 : vector<16xi32>
      %add3A_1300 = arith.constant 32 : i32
      %add3A_1301 = vector.broadcast %add3A_1300 : i32 to vector<16xi32>
      %add3A_1302 = arith.addi %add3A_1301, %iota3A : vector<16xi32>
      %add3A_1303 = arith.constant 30 : i32
      %add3A_1304 = vector.broadcast %add3A_1303 : i32 to vector<16xi32>
      %add3A_1305 = arith.addi %add3A_1304, %broadcast_in_dim3A_96 : vector<16xi32>
      tpu.vector_store_idx %arg9[%add3A_1299, %add3A_1302, %add3A_1305], %gather3A_1297 : memref<2x64x128xf32, #tpu.memory_space<vmem>>[vector<16xi32>, vector<16xi32>, vector<16xi32>], vector<16xf32>,
      %add3A_1306 = arith.constant 31 : i32
      %add3A_1307 = vector.broadcast %add3A_1306 : i32 to vector<16xi32>
      %add3A_1308 = arith.addi %add3A_1307, %broadcast_in_dim3A_96 : vector<16xi32>
      %gather3A_1309 = tpu.vector_load_idx %arg5[%shift_right_logical3A_925, %add3A_1308, %and3A_928] : memref<25x32x128xf32, #tpu.memory_space<vmem>>[vector<16xi32>, vector<16xi32>, vector<16xi32>], vector<16xf32>,
      %add3A_1310 = vector.broadcast %rem3A_69 : i32 to vector<16xi32>
      %add3A_1311 = arith.addi %add3A_1310, %broadcast_in_dim3A_96 : vector<16xi32>
      %add3A_1312 = arith.constant 32 : i32
      %add3A_1313 = vector.broadcast %add3A_1312 : i32 to vector<16xi32>
      %add3A_1314 = arith.addi %add3A_1313, %iota3A : vector<16xi32>
      %add3A_1315 = arith.constant 31 : i32
      %add3A_1316 = vector.broadcast %add3A_1315 : i32 to vector<16xi32>
      %add3A_1317 = arith.addi %add3A_1316, %broadcast_in_dim3A_96 : vector<16xi32>
      tpu.vector_store_idx %arg9[%add3A_1311, %add3A_1314, %add3A_1317], %gather3A_1309 : memref<2x64x128xf32, #tpu.memory_space<vmem>>[vector<16xi32>, vector<16xi32>, vector<16xi32>], vector<16xf32>,
      %get3A_1318 = arith.constant 48 : index
      %get3A_1319 = tpu.vector_load %arg7[%get3A_1318] {strides = array<i32>} : memref<80xi32, #tpu.memory_space<vmem>>, vector<16xi32>,
      %get3A_1320 = arith.constant 48 : index
      %get3A_1321 = tpu.vector_load %arg8[%get3A_1320] {strides = array<i32>} : memref<80xi32, #tpu.memory_space<vmem>>, vector<16xi32>,
      %add3A_1322 = arith.constant 48 : i32
      %add3A_1323 = vector.broadcast %add3A_1322 : i32 to vector<16xi32>
      %add3A_1324 = arith.addi %add3A_1323, %iota3A : vector<16xi32>
      %lt3A_1325 = vector.broadcast %scan3A_49#0 : i32 to vector<16xi32>
      %lt3A_1326 = arith.cmpi slt, %add3A_1324, %lt3A_1325 : vector<16xi32>
      %broadcast_in_dim3A_1327 = vector.broadcast %reduce_sum3A_84 : i32 to vector<16xi32>
      %select_n3A_1328 = arith.select %lt3A_1326, %get3A_1319, %broadcast_in_dim3A_1327 : vector<16xi1>, vector<16xi32>
      %broadcast_in_dim3A_1329 = vector.broadcast %reduce_sum3A_94 : i32 to vector<16xi32>
      %select_n3A_1330 = arith.select %lt3A_1326, %get3A_1321, %broadcast_in_dim3A_1329 : vector<16xi1>, vector<16xi32>
      %shift_right_logical3A_1331 = arith.constant 7 : i32
      %shift_right_logical3A_1332 = vector.broadcast %shift_right_logical3A_1331 : i32 to vector<16xi32>
      %shift_right_logical3A_1333 = arith.shrui %select_n3A_1328, %shift_right_logical3A_1332 : vector<16xi32>
      %and3A_1334 = arith.constant 127 : i32
      %and3A_1335 = vector.broadcast %and3A_1334 : i32 to vector<16xi32>
      %and3A_1336 = arith.andi %select_n3A_1328, %and3A_1335 : vector<16xi32>
      %add3A_1337 = vector.broadcast %rem3A_69 : i32 to vector<16xi32>
      %add3A_1338 = arith.addi %add3A_1337, %broadcast_in_dim3A_96 : vector<16xi32>
      %add3A_1339 = arith.constant 48 : i32
      %add3A_1340 = vector.broadcast %add3A_1339 : i32 to vector<16xi32>
      %add3A_1341 = arith.addi %add3A_1340, %iota3A : vector<16xi32>
      tpu.vector_store_idx %arg10[%add3A_1338, %add3A_1341], %select_n3A_1330 : memref<2x64xi32, #tpu.memory_space<vmem>>[vector<16xi32>, vector<16xi32>], vector<16xi32>,
      %add3A_1342 = arith.constant 0 : i32
      %add3A_1343 = vector.broadcast %add3A_1342 : i32 to vector<16xi32>
      %add3A_1344 = arith.addi %add3A_1343, %broadcast_in_dim3A_96 : vector<16xi32>
      %gather3A_1345 = tpu.vector_load_idx %arg5[%shift_right_logical3A_1333, %add3A_1344, %and3A_1336] : memref<25x32x128xf32, #tpu.memory_space<vmem>>[vector<16xi32>, vector<16xi32>, vector<16xi32>], vector<16xf32>,
      %add3A_1346 = vector.broadcast %rem3A_69 : i32 to vector<16xi32>
      %add3A_1347 = arith.addi %add3A_1346, %broadcast_in_dim3A_96 : vector<16xi32>
      %add3A_1348 = arith.constant 48 : i32
      %add3A_1349 = vector.broadcast %add3A_1348 : i32 to vector<16xi32>
      %add3A_1350 = arith.addi %add3A_1349, %iota3A : vector<16xi32>
      %add3A_1351 = arith.constant 0 : i32
      %add3A_1352 = vector.broadcast %add3A_1351 : i32 to vector<16xi32>
      %add3A_1353 = arith.addi %add3A_1352, %broadcast_in_dim3A_96 : vector<16xi32>
      tpu.vector_store_idx %arg9[%add3A_1347, %add3A_1350, %add3A_1353], %gather3A_1345 : memref<2x64x128xf32, #tpu.memory_space<vmem>>[vector<16xi32>, vector<16xi32>, vector<16xi32>], vector<16xf32>,
      %add3A_1354 = arith.constant 1 : i32
      %add3A_1355 = vector.broadcast %add3A_1354 : i32 to vector<16xi32>
      %add3A_1356 = arith.addi %add3A_1355, %broadcast_in_dim3A_96 : vector<16xi32>
      %gather3A_1357 = tpu.vector_load_idx %arg5[%shift_right_logical3A_1333, %add3A_1356, %and3A_1336] : memref<25x32x128xf32, #tpu.memory_space<vmem>>[vector<16xi32>, vector<16xi32>, vector<16xi32>], vector<16xf32>,
      %add3A_1358 = vector.broadcast %rem3A_69 : i32 to vector<16xi32>
      %add3A_1359 = arith.addi %add3A_1358, %broadcast_in_dim3A_96 : vector<16xi32>
      %add3A_1360 = arith.constant 48 : i32
      %add3A_1361 = vector.broadcast %add3A_1360 : i32 to vector<16xi32>
      %add3A_1362 = arith.addi %add3A_1361, %iota3A : vector<16xi32>
      %add3A_1363 = arith.constant 1 : i32
      %add3A_1364 = vector.broadcast %add3A_1363 : i32 to vector<16xi32>
      %add3A_1365 = arith.addi %add3A_1364, %broadcast_in_dim3A_96 : vector<16xi32>
      tpu.vector_store_idx %arg9[%add3A_1359, %add3A_1362, %add3A_1365], %gather3A_1357 : memref<2x64x128xf32, #tpu.memory_space<vmem>>[vector<16xi32>, vector<16xi32>, vector<16xi32>], vector<16xf32>,
      %add3A_1366 = arith.constant 2 : i32
      %add3A_1367 = vector.broadcast %add3A_1366 : i32 to vector<16xi32>
      %add3A_1368 = arith.addi %add3A_1367, %broadcast_in_dim3A_96 : vector<16xi32>
      %gather3A_1369 = tpu.vector_load_idx %arg5[%shift_right_logical3A_1333, %add3A_1368, %and3A_1336] : memref<25x32x128xf32, #tpu.memory_space<vmem>>[vector<16xi32>, vector<16xi32>, vector<16xi32>], vector<16xf32>,
      %add3A_1370 = vector.broadcast %rem3A_69 : i32 to vector<16xi32>
      %add3A_1371 = arith.addi %add3A_1370, %broadcast_in_dim3A_96 : vector<16xi32>
      %add3A_1372 = arith.constant 48 : i32
      %add3A_1373 = vector.broadcast %add3A_1372 : i32 to vector<16xi32>
      %add3A_1374 = arith.addi %add3A_1373, %iota3A : vector<16xi32>
      %add3A_1375 = arith.constant 2 : i32
      %add3A_1376 = vector.broadcast %add3A_1375 : i32 to vector<16xi32>
      %add3A_1377 = arith.addi %add3A_1376, %broadcast_in_dim3A_96 : vector<16xi32>
      tpu.vector_store_idx %arg9[%add3A_1371, %add3A_1374, %add3A_1377], %gather3A_1369 : memref<2x64x128xf32, #tpu.memory_space<vmem>>[vector<16xi32>, vector<16xi32>, vector<16xi32>], vector<16xf32>,
      %add3A_1378 = arith.constant 3 : i32
      %add3A_1379 = vector.broadcast %add3A_1378 : i32 to vector<16xi32>
      %add3A_1380 = arith.addi %add3A_1379, %broadcast_in_dim3A_96 : vector<16xi32>
      %gather3A_1381 = tpu.vector_load_idx %arg5[%shift_right_logical3A_1333, %add3A_1380, %and3A_1336] : memref<25x32x128xf32, #tpu.memory_space<vmem>>[vector<16xi32>, vector<16xi32>, vector<16xi32>], vector<16xf32>,
      %add3A_1382 = vector.broadcast %rem3A_69 : i32 to vector<16xi32>
      %add3A_1383 = arith.addi %add3A_1382, %broadcast_in_dim3A_96 : vector<16xi32>
      %add3A_1384 = arith.constant 48 : i32
      %add3A_1385 = vector.broadcast %add3A_1384 : i32 to vector<16xi32>
      %add3A_1386 = arith.addi %add3A_1385, %iota3A : vector<16xi32>
      %add3A_1387 = arith.constant 3 : i32
      %add3A_1388 = vector.broadcast %add3A_1387 : i32 to vector<16xi32>
      %add3A_1389 = arith.addi %add3A_1388, %broadcast_in_dim3A_96 : vector<16xi32>
      tpu.vector_store_idx %arg9[%add3A_1383, %add3A_1386, %add3A_1389], %gather3A_1381 : memref<2x64x128xf32, #tpu.memory_space<vmem>>[vector<16xi32>, vector<16xi32>, vector<16xi32>], vector<16xf32>,
      %add3A_1390 = arith.constant 4 : i32
      %add3A_1391 = vector.broadcast %add3A_1390 : i32 to vector<16xi32>
      %add3A_1392 = arith.addi %add3A_1391, %broadcast_in_dim3A_96 : vector<16xi32>
      %gather3A_1393 = tpu.vector_load_idx %arg5[%shift_right_logical3A_1333, %add3A_1392, %and3A_1336] : memref<25x32x128xf32, #tpu.memory_space<vmem>>[vector<16xi32>, vector<16xi32>, vector<16xi32>], vector<16xf32>,
      %add3A_1394 = vector.broadcast %rem3A_69 : i32 to vector<16xi32>
      %add3A_1395 = arith.addi %add3A_1394, %broadcast_in_dim3A_96 : vector<16xi32>
      %add3A_1396 = arith.constant 48 : i32
      %add3A_1397 = vector.broadcast %add3A_1396 : i32 to vector<16xi32>
      %add3A_1398 = arith.addi %add3A_1397, %iota3A : vector<16xi32>
      %add3A_1399 = arith.constant 4 : i32
      %add3A_1400 = vector.broadcast %add3A_1399 : i32 to vector<16xi32>
      %add3A_1401 = arith.addi %add3A_1400, %broadcast_in_dim3A_96 : vector<16xi32>
      tpu.vector_store_idx %arg9[%add3A_1395, %add3A_1398, %add3A_1401], %gather3A_1393 : memref<2x64x128xf32, #tpu.memory_space<vmem>>[vector<16xi32>, vector<16xi32>, vector<16xi32>], vector<16xf32>,
      %add3A_1402 = arith.constant 5 : i32
      %add3A_1403 = vector.broadcast %add3A_1402 : i32 to vector<16xi32>
      %add3A_1404 = arith.addi %add3A_1403, %broadcast_in_dim3A_96 : vector<16xi32>
      %gather3A_1405 = tpu.vector_load_idx %arg5[%shift_right_logical3A_1333, %add3A_1404, %and3A_1336] : memref<25x32x128xf32, #tpu.memory_space<vmem>>[vector<16xi32>, vector<16xi32>, vector<16xi32>], vector<16xf32>,
      %add3A_1406 = vector.broadcast %rem3A_69 : i32 to vector<16xi32>
      %add3A_1407 = arith.addi %add3A_1406, %broadcast_in_dim3A_96 : vector<16xi32>
      %add3A_1408 = arith.constant 48 : i32
      %add3A_1409 = vector.broadcast %add3A_1408 : i32 to vector<16xi32>
      %add3A_1410 = arith.addi %add3A_1409, %iota3A : vector<16xi32>
      %add3A_1411 = arith.constant 5 : i32
      %add3A_1412 = vector.broadcast %add3A_1411 : i32 to vector<16xi32>
      %add3A_1413 = arith.addi %add3A_1412, %broadcast_in_dim3A_96 : vector<16xi32>
      tpu.vector_store_idx %arg9[%add3A_1407, %add3A_1410, %add3A_1413], %gather3A_1405 : memref<2x64x128xf32, #tpu.memory_space<vmem>>[vector<16xi32>, vector<16xi32>, vector<16xi32>], vector<16xf32>,
      %add3A_1414 = arith.constant 6 : i32
      %add3A_1415 = vector.broadcast %add3A_1414 : i32 to vector<16xi32>
      %add3A_1416 = arith.addi %add3A_1415, %broadcast_in_dim3A_96 : vector<16xi32>
      %gather3A_1417 = tpu.vector_load_idx %arg5[%shift_right_logical3A_1333, %add3A_1416, %and3A_1336] : memref<25x32x128xf32, #tpu.memory_space<vmem>>[vector<16xi32>, vector<16xi32>, vector<16xi32>], vector<16xf32>,
      %add3A_1418 = vector.broadcast %rem3A_69 : i32 to vector<16xi32>
      %add3A_1419 = arith.addi %add3A_1418, %broadcast_in_dim3A_96 : vector<16xi32>
      %add3A_1420 = arith.constant 48 : i32
      %add3A_1421 = vector.broadcast %add3A_1420 : i32 to vector<16xi32>
      %add3A_1422 = arith.addi %add3A_1421, %iota3A : vector<16xi32>
      %add3A_1423 = arith.constant 6 : i32
      %add3A_1424 = vector.broadcast %add3A_1423 : i32 to vector<16xi32>
      %add3A_1425 = arith.addi %add3A_1424, %broadcast_in_dim3A_96 : vector<16xi32>
      tpu.vector_store_idx %arg9[%add3A_1419, %add3A_1422, %add3A_1425], %gather3A_1417 : memref<2x64x128xf32, #tpu.memory_space<vmem>>[vector<16xi32>, vector<16xi32>, vector<16xi32>], vector<16xf32>,
      %add3A_1426 = arith.constant 7 : i32
      %add3A_1427 = vector.broadcast %add3A_1426 : i32 to vector<16xi32>
      %add3A_1428 = arith.addi %add3A_1427, %broadcast_in_dim3A_96 : vector<16xi32>
      %gather3A_1429 = tpu.vector_load_idx %arg5[%shift_right_logical3A_1333, %add3A_1428, %and3A_1336] : memref<25x32x128xf32, #tpu.memory_space<vmem>>[vector<16xi32>, vector<16xi32>, vector<16xi32>], vector<16xf32>,
      %add3A_1430 = vector.broadcast %rem3A_69 : i32 to vector<16xi32>
      %add3A_1431 = arith.addi %add3A_1430, %broadcast_in_dim3A_96 : vector<16xi32>
      %add3A_1432 = arith.constant 48 : i32
      %add3A_1433 = vector.broadcast %add3A_1432 : i32 to vector<16xi32>
      %add3A_1434 = arith.addi %add3A_1433, %iota3A : vector<16xi32>
      %add3A_1435 = arith.constant 7 : i32
      %add3A_1436 = vector.broadcast %add3A_1435 : i32 to vector<16xi32>
      %add3A_1437 = arith.addi %add3A_1436, %broadcast_in_dim3A_96 : vector<16xi32>
      tpu.vector_store_idx %arg9[%add3A_1431, %add3A_1434, %add3A_1437], %gather3A_1429 : memref<2x64x128xf32, #tpu.memory_space<vmem>>[vector<16xi32>, vector<16xi32>, vector<16xi32>], vector<16xf32>,
      %add3A_1438 = arith.constant 8 : i32
      %add3A_1439 = vector.broadcast %add3A_1438 : i32 to vector<16xi32>
      %add3A_1440 = arith.addi %add3A_1439, %broadcast_in_dim3A_96 : vector<16xi32>
      %gather3A_1441 = tpu.vector_load_idx %arg5[%shift_right_logical3A_1333, %add3A_1440, %and3A_1336] : memref<25x32x128xf32, #tpu.memory_space<vmem>>[vector<16xi32>, vector<16xi32>, vector<16xi32>], vector<16xf32>,
      %add3A_1442 = vector.broadcast %rem3A_69 : i32 to vector<16xi32>
      %add3A_1443 = arith.addi %add3A_1442, %broadcast_in_dim3A_96 : vector<16xi32>
      %add3A_1444 = arith.constant 48 : i32
      %add3A_1445 = vector.broadcast %add3A_1444 : i32 to vector<16xi32>
      %add3A_1446 = arith.addi %add3A_1445, %iota3A : vector<16xi32>
      %add3A_1447 = arith.constant 8 : i32
      %add3A_1448 = vector.broadcast %add3A_1447 : i32 to vector<16xi32>
      %add3A_1449 = arith.addi %add3A_1448, %broadcast_in_dim3A_96 : vector<16xi32>
      tpu.vector_store_idx %arg9[%add3A_1443, %add3A_1446, %add3A_1449], %gather3A_1441 : memref<2x64x128xf32, #tpu.memory_space<vmem>>[vector<16xi32>, vector<16xi32>, vector<16xi32>], vector<16xf32>,
      %add3A_1450 = arith.constant 9 : i32
      %add3A_1451 = vector.broadcast %add3A_1450 : i32 to vector<16xi32>
      %add3A_1452 = arith.addi %add3A_1451, %broadcast_in_dim3A_96 : vector<16xi32>
      %gather3A_1453 = tpu.vector_load_idx %arg5[%shift_right_logical3A_1333, %add3A_1452, %and3A_1336] : memref<25x32x128xf32, #tpu.memory_space<vmem>>[vector<16xi32>, vector<16xi32>, vector<16xi32>], vector<16xf32>,
      %add3A_1454 = vector.broadcast %rem3A_69 : i32 to vector<16xi32>
      %add3A_1455 = arith.addi %add3A_1454, %broadcast_in_dim3A_96 : vector<16xi32>
      %add3A_1456 = arith.constant 48 : i32
      %add3A_1457 = vector.broadcast %add3A_1456 : i32 to vector<16xi32>
      %add3A_1458 = arith.addi %add3A_1457, %iota3A : vector<16xi32>
      %add3A_1459 = arith.constant 9 : i32
      %add3A_1460 = vector.broadcast %add3A_1459 : i32 to vector<16xi32>
      %add3A_1461 = arith.addi %add3A_1460, %broadcast_in_dim3A_96 : vector<16xi32>
      tpu.vector_store_idx %arg9[%add3A_1455, %add3A_1458, %add3A_1461], %gather3A_1453 : memref<2x64x128xf32, #tpu.memory_space<vmem>>[vector<16xi32>, vector<16xi32>, vector<16xi32>], vector<16xf32>,
      %add3A_1462 = arith.constant 10 : i32
      %add3A_1463 = vector.broadcast %add3A_1462 : i32 to vector<16xi32>
      %add3A_1464 = arith.addi %add3A_1463, %broadcast_in_dim3A_96 : vector<16xi32>
      %gather3A_1465 = tpu.vector_load_idx %arg5[%shift_right_logical3A_1333, %add3A_1464, %and3A_1336] : memref<25x32x128xf32, #tpu.memory_space<vmem>>[vector<16xi32>, vector<16xi32>, vector<16xi32>], vector<16xf32>,
      %add3A_1466 = vector.broadcast %rem3A_69 : i32 to vector<16xi32>
      %add3A_1467 = arith.addi %add3A_1466, %broadcast_in_dim3A_96 : vector<16xi32>
      %add3A_1468 = arith.constant 48 : i32
      %add3A_1469 = vector.broadcast %add3A_1468 : i32 to vector<16xi32>
      %add3A_1470 = arith.addi %add3A_1469, %iota3A : vector<16xi32>
      %add3A_1471 = arith.constant 10 : i32
      %add3A_1472 = vector.broadcast %add3A_1471 : i32 to vector<16xi32>
      %add3A_1473 = arith.addi %add3A_1472, %broadcast_in_dim3A_96 : vector<16xi32>
      tpu.vector_store_idx %arg9[%add3A_1467, %add3A_1470, %add3A_1473], %gather3A_1465 : memref<2x64x128xf32, #tpu.memory_space<vmem>>[vector<16xi32>, vector<16xi32>, vector<16xi32>], vector<16xf32>,
      %add3A_1474 = arith.constant 11 : i32
      %add3A_1475 = vector.broadcast %add3A_1474 : i32 to vector<16xi32>
      %add3A_1476 = arith.addi %add3A_1475, %broadcast_in_dim3A_96 : vector<16xi32>
      %gather3A_1477 = tpu.vector_load_idx %arg5[%shift_right_logical3A_1333, %add3A_1476, %and3A_1336] : memref<25x32x128xf32, #tpu.memory_space<vmem>>[vector<16xi32>, vector<16xi32>, vector<16xi32>], vector<16xf32>,
      %add3A_1478 = vector.broadcast %rem3A_69 : i32 to vector<16xi32>
      %add3A_1479 = arith.addi %add3A_1478, %broadcast_in_dim3A_96 : vector<16xi32>
      %add3A_1480 = arith.constant 48 : i32
      %add3A_1481 = vector.broadcast %add3A_1480 : i32 to vector<16xi32>
      %add3A_1482 = arith.addi %add3A_1481, %iota3A : vector<16xi32>
      %add3A_1483 = arith.constant 11 : i32
      %add3A_1484 = vector.broadcast %add3A_1483 : i32 to vector<16xi32>
      %add3A_1485 = arith.addi %add3A_1484, %broadcast_in_dim3A_96 : vector<16xi32>
      tpu.vector_store_idx %arg9[%add3A_1479, %add3A_1482, %add3A_1485], %gather3A_1477 : memref<2x64x128xf32, #tpu.memory_space<vmem>>[vector<16xi32>, vector<16xi32>, vector<16xi32>], vector<16xf32>,
      %add3A_1486 = arith.constant 12 : i32
      %add3A_1487 = vector.broadcast %add3A_1486 : i32 to vector<16xi32>
      %add3A_1488 = arith.addi %add3A_1487, %broadcast_in_dim3A_96 : vector<16xi32>
      %gather3A_1489 = tpu.vector_load_idx %arg5[%shift_right_logical3A_1333, %add3A_1488, %and3A_1336] : memref<25x32x128xf32, #tpu.memory_space<vmem>>[vector<16xi32>, vector<16xi32>, vector<16xi32>], vector<16xf32>,
      %add3A_1490 = vector.broadcast %rem3A_69 : i32 to vector<16xi32>
      %add3A_1491 = arith.addi %add3A_1490, %broadcast_in_dim3A_96 : vector<16xi32>
      %add3A_1492 = arith.constant 48 : i32
      %add3A_1493 = vector.broadcast %add3A_1492 : i32 to vector<16xi32>
      %add3A_1494 = arith.addi %add3A_1493, %iota3A : vector<16xi32>
      %add3A_1495 = arith.constant 12 : i32
      %add3A_1496 = vector.broadcast %add3A_1495 : i32 to vector<16xi32>
      %add3A_1497 = arith.addi %add3A_1496, %broadcast_in_dim3A_96 : vector<16xi32>
      tpu.vector_store_idx %arg9[%add3A_1491, %add3A_1494, %add3A_1497], %gather3A_1489 : memref<2x64x128xf32, #tpu.memory_space<vmem>>[vector<16xi32>, vector<16xi32>, vector<16xi32>], vector<16xf32>,
      %add3A_1498 = arith.constant 13 : i32
      %add3A_1499 = vector.broadcast %add3A_1498 : i32 to vector<16xi32>
      %add3A_1500 = arith.addi %add3A_1499, %broadcast_in_dim3A_96 : vector<16xi32>
      %gather3A_1501 = tpu.vector_load_idx %arg5[%shift_right_logical3A_1333, %add3A_1500, %and3A_1336] : memref<25x32x128xf32, #tpu.memory_space<vmem>>[vector<16xi32>, vector<16xi32>, vector<16xi32>], vector<16xf32>,
      %add3A_1502 = vector.broadcast %rem3A_69 : i32 to vector<16xi32>
      %add3A_1503 = arith.addi %add3A_1502, %broadcast_in_dim3A_96 : vector<16xi32>
      %add3A_1504 = arith.constant 48 : i32
      %add3A_1505 = vector.broadcast %add3A_1504 : i32 to vector<16xi32>
      %add3A_1506 = arith.addi %add3A_1505, %iota3A : vector<16xi32>
      %add3A_1507 = arith.constant 13 : i32
      %add3A_1508 = vector.broadcast %add3A_1507 : i32 to vector<16xi32>
      %add3A_1509 = arith.addi %add3A_1508, %broadcast_in_dim3A_96 : vector<16xi32>
      tpu.vector_store_idx %arg9[%add3A_1503, %add3A_1506, %add3A_1509], %gather3A_1501 : memref<2x64x128xf32, #tpu.memory_space<vmem>>[vector<16xi32>, vector<16xi32>, vector<16xi32>], vector<16xf32>,
      %add3A_1510 = arith.constant 14 : i32
      %add3A_1511 = vector.broadcast %add3A_1510 : i32 to vector<16xi32>
      %add3A_1512 = arith.addi %add3A_1511, %broadcast_in_dim3A_96 : vector<16xi32>
      %gather3A_1513 = tpu.vector_load_idx %arg5[%shift_right_logical3A_1333, %add3A_1512, %and3A_1336] : memref<25x32x128xf32, #tpu.memory_space<vmem>>[vector<16xi32>, vector<16xi32>, vector<16xi32>], vector<16xf32>,
      %add3A_1514 = vector.broadcast %rem3A_69 : i32 to vector<16xi32>
      %add3A_1515 = arith.addi %add3A_1514, %broadcast_in_dim3A_96 : vector<16xi32>
      %add3A_1516 = arith.constant 48 : i32
      %add3A_1517 = vector.broadcast %add3A_1516 : i32 to vector<16xi32>
      %add3A_1518 = arith.addi %add3A_1517, %iota3A : vector<16xi32>
      %add3A_1519 = arith.constant 14 : i32
      %add3A_1520 = vector.broadcast %add3A_1519 : i32 to vector<16xi32>
      %add3A_1521 = arith.addi %add3A_1520, %broadcast_in_dim3A_96 : vector<16xi32>
      tpu.vector_store_idx %arg9[%add3A_1515, %add3A_1518, %add3A_1521], %gather3A_1513 : memref<2x64x128xf32, #tpu.memory_space<vmem>>[vector<16xi32>, vector<16xi32>, vector<16xi32>], vector<16xf32>,
      %add3A_1522 = arith.constant 15 : i32
      %add3A_1523 = vector.broadcast %add3A_1522 : i32 to vector<16xi32>
      %add3A_1524 = arith.addi %add3A_1523, %broadcast_in_dim3A_96 : vector<16xi32>
      %gather3A_1525 = tpu.vector_load_idx %arg5[%shift_right_logical3A_1333, %add3A_1524, %and3A_1336] : memref<25x32x128xf32, #tpu.memory_space<vmem>>[vector<16xi32>, vector<16xi32>, vector<16xi32>], vector<16xf32>,
      %add3A_1526 = vector.broadcast %rem3A_69 : i32 to vector<16xi32>
      %add3A_1527 = arith.addi %add3A_1526, %broadcast_in_dim3A_96 : vector<16xi32>
      %add3A_1528 = arith.constant 48 : i32
      %add3A_1529 = vector.broadcast %add3A_1528 : i32 to vector<16xi32>
      %add3A_1530 = arith.addi %add3A_1529, %iota3A : vector<16xi32>
      %add3A_1531 = arith.constant 15 : i32
      %add3A_1532 = vector.broadcast %add3A_1531 : i32 to vector<16xi32>
      %add3A_1533 = arith.addi %add3A_1532, %broadcast_in_dim3A_96 : vector<16xi32>
      tpu.vector_store_idx %arg9[%add3A_1527, %add3A_1530, %add3A_1533], %gather3A_1525 : memref<2x64x128xf32, #tpu.memory_space<vmem>>[vector<16xi32>, vector<16xi32>, vector<16xi32>], vector<16xf32>,
      %add3A_1534 = arith.constant 16 : i32
      %add3A_1535 = vector.broadcast %add3A_1534 : i32 to vector<16xi32>
      %add3A_1536 = arith.addi %add3A_1535, %broadcast_in_dim3A_96 : vector<16xi32>
      %gather3A_1537 = tpu.vector_load_idx %arg5[%shift_right_logical3A_1333, %add3A_1536, %and3A_1336] : memref<25x32x128xf32, #tpu.memory_space<vmem>>[vector<16xi32>, vector<16xi32>, vector<16xi32>], vector<16xf32>,
      %add3A_1538 = vector.broadcast %rem3A_69 : i32 to vector<16xi32>
      %add3A_1539 = arith.addi %add3A_1538, %broadcast_in_dim3A_96 : vector<16xi32>
      %add3A_1540 = arith.constant 48 : i32
      %add3A_1541 = vector.broadcast %add3A_1540 : i32 to vector<16xi32>
      %add3A_1542 = arith.addi %add3A_1541, %iota3A : vector<16xi32>
      %add3A_1543 = arith.constant 16 : i32
      %add3A_1544 = vector.broadcast %add3A_1543 : i32 to vector<16xi32>
      %add3A_1545 = arith.addi %add3A_1544, %broadcast_in_dim3A_96 : vector<16xi32>
      tpu.vector_store_idx %arg9[%add3A_1539, %add3A_1542, %add3A_1545], %gather3A_1537 : memref<2x64x128xf32, #tpu.memory_space<vmem>>[vector<16xi32>, vector<16xi32>, vector<16xi32>], vector<16xf32>,
      %add3A_1546 = arith.constant 17 : i32
      %add3A_1547 = vector.broadcast %add3A_1546 : i32 to vector<16xi32>
      %add3A_1548 = arith.addi %add3A_1547, %broadcast_in_dim3A_96 : vector<16xi32>
      %gather3A_1549 = tpu.vector_load_idx %arg5[%shift_right_logical3A_1333, %add3A_1548, %and3A_1336] : memref<25x32x128xf32, #tpu.memory_space<vmem>>[vector<16xi32>, vector<16xi32>, vector<16xi32>], vector<16xf32>,
      %add3A_1550 = vector.broadcast %rem3A_69 : i32 to vector<16xi32>
      %add3A_1551 = arith.addi %add3A_1550, %broadcast_in_dim3A_96 : vector<16xi32>
      %add3A_1552 = arith.constant 48 : i32
      %add3A_1553 = vector.broadcast %add3A_1552 : i32 to vector<16xi32>
      %add3A_1554 = arith.addi %add3A_1553, %iota3A : vector<16xi32>
      %add3A_1555 = arith.constant 17 : i32
      %add3A_1556 = vector.broadcast %add3A_1555 : i32 to vector<16xi32>
      %add3A_1557 = arith.addi %add3A_1556, %broadcast_in_dim3A_96 : vector<16xi32>
      tpu.vector_store_idx %arg9[%add3A_1551, %add3A_1554, %add3A_1557], %gather3A_1549 : memref<2x64x128xf32, #tpu.memory_space<vmem>>[vector<16xi32>, vector<16xi32>, vector<16xi32>], vector<16xf32>,
      %add3A_1558 = arith.constant 18 : i32
      %add3A_1559 = vector.broadcast %add3A_1558 : i32 to vector<16xi32>
      %add3A_1560 = arith.addi %add3A_1559, %broadcast_in_dim3A_96 : vector<16xi32>
      %gather3A_1561 = tpu.vector_load_idx %arg5[%shift_right_logical3A_1333, %add3A_1560, %and3A_1336] : memref<25x32x128xf32, #tpu.memory_space<vmem>>[vector<16xi32>, vector<16xi32>, vector<16xi32>], vector<16xf32>,
      %add3A_1562 = vector.broadcast %rem3A_69 : i32 to vector<16xi32>
      %add3A_1563 = arith.addi %add3A_1562, %broadcast_in_dim3A_96 : vector<16xi32>
      %add3A_1564 = arith.constant 48 : i32
      %add3A_1565 = vector.broadcast %add3A_1564 : i32 to vector<16xi32>
      %add3A_1566 = arith.addi %add3A_1565, %iota3A : vector<16xi32>
      %add3A_1567 = arith.constant 18 : i32
      %add3A_1568 = vector.broadcast %add3A_1567 : i32 to vector<16xi32>
      %add3A_1569 = arith.addi %add3A_1568, %broadcast_in_dim3A_96 : vector<16xi32>
      tpu.vector_store_idx %arg9[%add3A_1563, %add3A_1566, %add3A_1569], %gather3A_1561 : memref<2x64x128xf32, #tpu.memory_space<vmem>>[vector<16xi32>, vector<16xi32>, vector<16xi32>], vector<16xf32>,
      %add3A_1570 = arith.constant 19 : i32
      %add3A_1571 = vector.broadcast %add3A_1570 : i32 to vector<16xi32>
      %add3A_1572 = arith.addi %add3A_1571, %broadcast_in_dim3A_96 : vector<16xi32>
      %gather3A_1573 = tpu.vector_load_idx %arg5[%shift_right_logical3A_1333, %add3A_1572, %and3A_1336] : memref<25x32x128xf32, #tpu.memory_space<vmem>>[vector<16xi32>, vector<16xi32>, vector<16xi32>], vector<16xf32>,
      %add3A_1574 = vector.broadcast %rem3A_69 : i32 to vector<16xi32>
      %add3A_1575 = arith.addi %add3A_1574, %broadcast_in_dim3A_96 : vector<16xi32>
      %add3A_1576 = arith.constant 48 : i32
      %add3A_1577 = vector.broadcast %add3A_1576 : i32 to vector<16xi32>
      %add3A_1578 = arith.addi %add3A_1577, %iota3A : vector<16xi32>
      %add3A_1579 = arith.constant 19 : i32
      %add3A_1580 = vector.broadcast %add3A_1579 : i32 to vector<16xi32>
      %add3A_1581 = arith.addi %add3A_1580, %broadcast_in_dim3A_96 : vector<16xi32>
      tpu.vector_store_idx %arg9[%add3A_1575, %add3A_1578, %add3A_1581], %gather3A_1573 : memref<2x64x128xf32, #tpu.memory_space<vmem>>[vector<16xi32>, vector<16xi32>, vector<16xi32>], vector<16xf32>,
      %add3A_1582 = arith.constant 20 : i32
      %add3A_1583 = vector.broadcast %add3A_1582 : i32 to vector<16xi32>
      %add3A_1584 = arith.addi %add3A_1583, %broadcast_in_dim3A_96 : vector<16xi32>
      %gather3A_1585 = tpu.vector_load_idx %arg5[%shift_right_logical3A_1333, %add3A_1584, %and3A_1336] : memref<25x32x128xf32, #tpu.memory_space<vmem>>[vector<16xi32>, vector<16xi32>, vector<16xi32>], vector<16xf32>,
      %add3A_1586 = vector.broadcast %rem3A_69 : i32 to vector<16xi32>
      %add3A_1587 = arith.addi %add3A_1586, %broadcast_in_dim3A_96 : vector<16xi32>
      %add3A_1588 = arith.constant 48 : i32
      %add3A_1589 = vector.broadcast %add3A_1588 : i32 to vector<16xi32>
      %add3A_1590 = arith.addi %add3A_1589, %iota3A : vector<16xi32>
      %add3A_1591 = arith.constant 20 : i32
      %add3A_1592 = vector.broadcast %add3A_1591 : i32 to vector<16xi32>
      %add3A_1593 = arith.addi %add3A_1592, %broadcast_in_dim3A_96 : vector<16xi32>
      tpu.vector_store_idx %arg9[%add3A_1587, %add3A_1590, %add3A_1593], %gather3A_1585 : memref<2x64x128xf32, #tpu.memory_space<vmem>>[vector<16xi32>, vector<16xi32>, vector<16xi32>], vector<16xf32>,
      %add3A_1594 = arith.constant 21 : i32
      %add3A_1595 = vector.broadcast %add3A_1594 : i32 to vector<16xi32>
      %add3A_1596 = arith.addi %add3A_1595, %broadcast_in_dim3A_96 : vector<16xi32>
      %gather3A_1597 = tpu.vector_load_idx %arg5[%shift_right_logical3A_1333, %add3A_1596, %and3A_1336] : memref<25x32x128xf32, #tpu.memory_space<vmem>>[vector<16xi32>, vector<16xi32>, vector<16xi32>], vector<16xf32>,
      %add3A_1598 = vector.broadcast %rem3A_69 : i32 to vector<16xi32>
      %add3A_1599 = arith.addi %add3A_1598, %broadcast_in_dim3A_96 : vector<16xi32>
      %add3A_1600 = arith.constant 48 : i32
      %add3A_1601 = vector.broadcast %add3A_1600 : i32 to vector<16xi32>
      %add3A_1602 = arith.addi %add3A_1601, %iota3A : vector<16xi32>
      %add3A_1603 = arith.constant 21 : i32
      %add3A_1604 = vector.broadcast %add3A_1603 : i32 to vector<16xi32>
      %add3A_1605 = arith.addi %add3A_1604, %broadcast_in_dim3A_96 : vector<16xi32>
      tpu.vector_store_idx %arg9[%add3A_1599, %add3A_1602, %add3A_1605], %gather3A_1597 : memref<2x64x128xf32, #tpu.memory_space<vmem>>[vector<16xi32>, vector<16xi32>, vector<16xi32>], vector<16xf32>,
      %add3A_1606 = arith.constant 22 : i32
      %add3A_1607 = vector.broadcast %add3A_1606 : i32 to vector<16xi32>
      %add3A_1608 = arith.addi %add3A_1607, %broadcast_in_dim3A_96 : vector<16xi32>
      %gather3A_1609 = tpu.vector_load_idx %arg5[%shift_right_logical3A_1333, %add3A_1608, %and3A_1336] : memref<25x32x128xf32, #tpu.memory_space<vmem>>[vector<16xi32>, vector<16xi32>, vector<16xi32>], vector<16xf32>,
      %add3A_1610 = vector.broadcast %rem3A_69 : i32 to vector<16xi32>
      %add3A_1611 = arith.addi %add3A_1610, %broadcast_in_dim3A_96 : vector<16xi32>
      %add3A_1612 = arith.constant 48 : i32
      %add3A_1613 = vector.broadcast %add3A_1612 : i32 to vector<16xi32>
      %add3A_1614 = arith.addi %add3A_1613, %iota3A : vector<16xi32>
      %add3A_1615 = arith.constant 22 : i32
      %add3A_1616 = vector.broadcast %add3A_1615 : i32 to vector<16xi32>
      %add3A_1617 = arith.addi %add3A_1616, %broadcast_in_dim3A_96 : vector<16xi32>
      tpu.vector_store_idx %arg9[%add3A_1611, %add3A_1614, %add3A_1617], %gather3A_1609 : memref<2x64x128xf32, #tpu.memory_space<vmem>>[vector<16xi32>, vector<16xi32>, vector<16xi32>], vector<16xf32>,
      %add3A_1618 = arith.constant 23 : i32
      %add3A_1619 = vector.broadcast %add3A_1618 : i32 to vector<16xi32>
      %add3A_1620 = arith.addi %add3A_1619, %broadcast_in_dim3A_96 : vector<16xi32>
      %gather3A_1621 = tpu.vector_load_idx %arg5[%shift_right_logical3A_1333, %add3A_1620, %and3A_1336] : memref<25x32x128xf32, #tpu.memory_space<vmem>>[vector<16xi32>, vector<16xi32>, vector<16xi32>], vector<16xf32>,
      %add3A_1622 = vector.broadcast %rem3A_69 : i32 to vector<16xi32>
      %add3A_1623 = arith.addi %add3A_1622, %broadcast_in_dim3A_96 : vector<16xi32>
      %add3A_1624 = arith.constant 48 : i32
      %add3A_1625 = vector.broadcast %add3A_1624 : i32 to vector<16xi32>
      %add3A_1626 = arith.addi %add3A_1625, %iota3A : vector<16xi32>
      %add3A_1627 = arith.constant 23 : i32
      %add3A_1628 = vector.broadcast %add3A_1627 : i32 to vector<16xi32>
      %add3A_1629 = arith.addi %add3A_1628, %broadcast_in_dim3A_96 : vector<16xi32>
      tpu.vector_store_idx %arg9[%add3A_1623, %add3A_1626, %add3A_1629], %gather3A_1621 : memref<2x64x128xf32, #tpu.memory_space<vmem>>[vector<16xi32>, vector<16xi32>, vector<16xi32>], vector<16xf32>,
      %add3A_1630 = arith.constant 24 : i32
      %add3A_1631 = vector.broadcast %add3A_1630 : i32 to vector<16xi32>
      %add3A_1632 = arith.addi %add3A_1631, %broadcast_in_dim3A_96 : vector<16xi32>
      %gather3A_1633 = tpu.vector_load_idx %arg5[%shift_right_logical3A_1333, %add3A_1632, %and3A_1336] : memref<25x32x128xf32, #tpu.memory_space<vmem>>[vector<16xi32>, vector<16xi32>, vector<16xi32>], vector<16xf32>,
      %add3A_1634 = vector.broadcast %rem3A_69 : i32 to vector<16xi32>
      %add3A_1635 = arith.addi %add3A_1634, %broadcast_in_dim3A_96 : vector<16xi32>
      %add3A_1636 = arith.constant 48 : i32
      %add3A_1637 = vector.broadcast %add3A_1636 : i32 to vector<16xi32>
      %add3A_1638 = arith.addi %add3A_1637, %iota3A : vector<16xi32>
      %add3A_1639 = arith.constant 24 : i32
      %add3A_1640 = vector.broadcast %add3A_1639 : i32 to vector<16xi32>
      %add3A_1641 = arith.addi %add3A_1640, %broadcast_in_dim3A_96 : vector<16xi32>
      tpu.vector_store_idx %arg9[%add3A_1635, %add3A_1638, %add3A_1641], %gather3A_1633 : memref<2x64x128xf32, #tpu.memory_space<vmem>>[vector<16xi32>, vector<16xi32>, vector<16xi32>], vector<16xf32>,
      %add3A_1642 = arith.constant 25 : i32
      %add3A_1643 = vector.broadcast %add3A_1642 : i32 to vector<16xi32>
      %add3A_1644 = arith.addi %add3A_1643, %broadcast_in_dim3A_96 : vector<16xi32>
      %gather3A_1645 = tpu.vector_load_idx %arg5[%shift_right_logical3A_1333, %add3A_1644, %and3A_1336] : memref<25x32x128xf32, #tpu.memory_space<vmem>>[vector<16xi32>, vector<16xi32>, vector<16xi32>], vector<16xf32>,
      %add3A_1646 = vector.broadcast %rem3A_69 : i32 to vector<16xi32>
      %add3A_1647 = arith.addi %add3A_1646, %broadcast_in_dim3A_96 : vector<16xi32>
      %add3A_1648 = arith.constant 48 : i32
      %add3A_1649 = vector.broadcast %add3A_1648 : i32 to vector<16xi32>
      %add3A_1650 = arith.addi %add3A_1649, %iota3A : vector<16xi32>
      %add3A_1651 = arith.constant 25 : i32
      %add3A_1652 = vector.broadcast %add3A_1651 : i32 to vector<16xi32>
      %add3A_1653 = arith.addi %add3A_1652, %broadcast_in_dim3A_96 : vector<16xi32>
      tpu.vector_store_idx %arg9[%add3A_1647, %add3A_1650, %add3A_1653], %gather3A_1645 : memref<2x64x128xf32, #tpu.memory_space<vmem>>[vector<16xi32>, vector<16xi32>, vector<16xi32>], vector<16xf32>,
      %add3A_1654 = arith.constant 26 : i32
      %add3A_1655 = vector.broadcast %add3A_1654 : i32 to vector<16xi32>
      %add3A_1656 = arith.addi %add3A_1655, %broadcast_in_dim3A_96 : vector<16xi32>
      %gather3A_1657 = tpu.vector_load_idx %arg5[%shift_right_logical3A_1333, %add3A_1656, %and3A_1336] : memref<25x32x128xf32, #tpu.memory_space<vmem>>[vector<16xi32>, vector<16xi32>, vector<16xi32>], vector<16xf32>,
      %add3A_1658 = vector.broadcast %rem3A_69 : i32 to vector<16xi32>
      %add3A_1659 = arith.addi %add3A_1658, %broadcast_in_dim3A_96 : vector<16xi32>
      %add3A_1660 = arith.constant 48 : i32
      %add3A_1661 = vector.broadcast %add3A_1660 : i32 to vector<16xi32>
      %add3A_1662 = arith.addi %add3A_1661, %iota3A : vector<16xi32>
      %add3A_1663 = arith.constant 26 : i32
      %add3A_1664 = vector.broadcast %add3A_1663 : i32 to vector<16xi32>
      %add3A_1665 = arith.addi %add3A_1664, %broadcast_in_dim3A_96 : vector<16xi32>
      tpu.vector_store_idx %arg9[%add3A_1659, %add3A_1662, %add3A_1665], %gather3A_1657 : memref<2x64x128xf32, #tpu.memory_space<vmem>>[vector<16xi32>, vector<16xi32>, vector<16xi32>], vector<16xf32>,
      %add3A_1666 = arith.constant 27 : i32
      %add3A_1667 = vector.broadcast %add3A_1666 : i32 to vector<16xi32>
      %add3A_1668 = arith.addi %add3A_1667, %broadcast_in_dim3A_96 : vector<16xi32>
      %gather3A_1669 = tpu.vector_load_idx %arg5[%shift_right_logical3A_1333, %add3A_1668, %and3A_1336] : memref<25x32x128xf32, #tpu.memory_space<vmem>>[vector<16xi32>, vector<16xi32>, vector<16xi32>], vector<16xf32>,
      %add3A_1670 = vector.broadcast %rem3A_69 : i32 to vector<16xi32>
      %add3A_1671 = arith.addi %add3A_1670, %broadcast_in_dim3A_96 : vector<16xi32>
      %add3A_1672 = arith.constant 48 : i32
      %add3A_1673 = vector.broadcast %add3A_1672 : i32 to vector<16xi32>
      %add3A_1674 = arith.addi %add3A_1673, %iota3A : vector<16xi32>
      %add3A_1675 = arith.constant 27 : i32
      %add3A_1676 = vector.broadcast %add3A_1675 : i32 to vector<16xi32>
      %add3A_1677 = arith.addi %add3A_1676, %broadcast_in_dim3A_96 : vector<16xi32>
      tpu.vector_store_idx %arg9[%add3A_1671, %add3A_1674, %add3A_1677], %gather3A_1669 : memref<2x64x128xf32, #tpu.memory_space<vmem>>[vector<16xi32>, vector<16xi32>, vector<16xi32>], vector<16xf32>,
      %add3A_1678 = arith.constant 28 : i32
      %add3A_1679 = vector.broadcast %add3A_1678 : i32 to vector<16xi32>
      %add3A_1680 = arith.addi %add3A_1679, %broadcast_in_dim3A_96 : vector<16xi32>
      %gather3A_1681 = tpu.vector_load_idx %arg5[%shift_right_logical3A_1333, %add3A_1680, %and3A_1336] : memref<25x32x128xf32, #tpu.memory_space<vmem>>[vector<16xi32>, vector<16xi32>, vector<16xi32>], vector<16xf32>,
      %add3A_1682 = vector.broadcast %rem3A_69 : i32 to vector<16xi32>
      %add3A_1683 = arith.addi %add3A_1682, %broadcast_in_dim3A_96 : vector<16xi32>
      %add3A_1684 = arith.constant 48 : i32
      %add3A_1685 = vector.broadcast %add3A_1684 : i32 to vector<16xi32>
      %add3A_1686 = arith.addi %add3A_1685, %iota3A : vector<16xi32>
      %add3A_1687 = arith.constant 28 : i32
      %add3A_1688 = vector.broadcast %add3A_1687 : i32 to vector<16xi32>
      %add3A_1689 = arith.addi %add3A_1688, %broadcast_in_dim3A_96 : vector<16xi32>
      tpu.vector_store_idx %arg9[%add3A_1683, %add3A_1686, %add3A_1689], %gather3A_1681 : memref<2x64x128xf32, #tpu.memory_space<vmem>>[vector<16xi32>, vector<16xi32>, vector<16xi32>], vector<16xf32>,
      %add3A_1690 = arith.constant 29 : i32
      %add3A_1691 = vector.broadcast %add3A_1690 : i32 to vector<16xi32>
      %add3A_1692 = arith.addi %add3A_1691, %broadcast_in_dim3A_96 : vector<16xi32>
      %gather3A_1693 = tpu.vector_load_idx %arg5[%shift_right_logical3A_1333, %add3A_1692, %and3A_1336] : memref<25x32x128xf32, #tpu.memory_space<vmem>>[vector<16xi32>, vector<16xi32>, vector<16xi32>], vector<16xf32>,
      %add3A_1694 = vector.broadcast %rem3A_69 : i32 to vector<16xi32>
      %add3A_1695 = arith.addi %add3A_1694, %broadcast_in_dim3A_96 : vector<16xi32>
      %add3A_1696 = arith.constant 48 : i32
      %add3A_1697 = vector.broadcast %add3A_1696 : i32 to vector<16xi32>
      %add3A_1698 = arith.addi %add3A_1697, %iota3A : vector<16xi32>
      %add3A_1699 = arith.constant 29 : i32
      %add3A_1700 = vector.broadcast %add3A_1699 : i32 to vector<16xi32>
      %add3A_1701 = arith.addi %add3A_1700, %broadcast_in_dim3A_96 : vector<16xi32>
      tpu.vector_store_idx %arg9[%add3A_1695, %add3A_1698, %add3A_1701], %gather3A_1693 : memref<2x64x128xf32, #tpu.memory_space<vmem>>[vector<16xi32>, vector<16xi32>, vector<16xi32>], vector<16xf32>,
      %add3A_1702 = arith.constant 30 : i32
      %add3A_1703 = vector.broadcast %add3A_1702 : i32 to vector<16xi32>
      %add3A_1704 = arith.addi %add3A_1703, %broadcast_in_dim3A_96 : vector<16xi32>
      %gather3A_1705 = tpu.vector_load_idx %arg5[%shift_right_logical3A_1333, %add3A_1704, %and3A_1336] : memref<25x32x128xf32, #tpu.memory_space<vmem>>[vector<16xi32>, vector<16xi32>, vector<16xi32>], vector<16xf32>,
      %add3A_1706 = vector.broadcast %rem3A_69 : i32 to vector<16xi32>
      %add3A_1707 = arith.addi %add3A_1706, %broadcast_in_dim3A_96 : vector<16xi32>
      %add3A_1708 = arith.constant 48 : i32
      %add3A_1709 = vector.broadcast %add3A_1708 : i32 to vector<16xi32>
      %add3A_1710 = arith.addi %add3A_1709, %iota3A : vector<16xi32>
      %add3A_1711 = arith.constant 30 : i32
      %add3A_1712 = vector.broadcast %add3A_1711 : i32 to vector<16xi32>
      %add3A_1713 = arith.addi %add3A_1712, %broadcast_in_dim3A_96 : vector<16xi32>
      tpu.vector_store_idx %arg9[%add3A_1707, %add3A_1710, %add3A_1713], %gather3A_1705 : memref<2x64x128xf32, #tpu.memory_space<vmem>>[vector<16xi32>, vector<16xi32>, vector<16xi32>], vector<16xf32>,
      %add3A_1714 = arith.constant 31 : i32
      %add3A_1715 = vector.broadcast %add3A_1714 : i32 to vector<16xi32>
      %add3A_1716 = arith.addi %add3A_1715, %broadcast_in_dim3A_96 : vector<16xi32>
      %gather3A_1717 = tpu.vector_load_idx %arg5[%shift_right_logical3A_1333, %add3A_1716, %and3A_1336] : memref<25x32x128xf32, #tpu.memory_space<vmem>>[vector<16xi32>, vector<16xi32>, vector<16xi32>], vector<16xf32>,
      %add3A_1718 = vector.broadcast %rem3A_69 : i32 to vector<16xi32>
      %add3A_1719 = arith.addi %add3A_1718, %broadcast_in_dim3A_96 : vector<16xi32>
      %add3A_1720 = arith.constant 48 : i32
      %add3A_1721 = vector.broadcast %add3A_1720 : i32 to vector<16xi32>
      %add3A_1722 = arith.addi %add3A_1721, %iota3A : vector<16xi32>
      %add3A_1723 = arith.constant 31 : i32
      %add3A_1724 = vector.broadcast %add3A_1723 : i32 to vector<16xi32>
      %add3A_1725 = arith.addi %add3A_1724, %broadcast_in_dim3A_96 : vector<16xi32>
      tpu.vector_store_idx %arg9[%add3A_1719, %add3A_1722, %add3A_1725], %gather3A_1717 : memref<2x64x128xf32, #tpu.memory_space<vmem>>[vector<16xi32>, vector<16xi32>, vector<16xi32>], vector<16xf32>,
      %dma_start3A = arith.constant 0 : i32
      %dma_start3A_1726 = arith.constant 0 : i32
      %dma_start3A_1727 = tpu.memref_slice %arg9[%rem3A_69, %dma_start3A, %dma_start3A_1726] : memref<2x64x128xf32, #tpu.memory_space<vmem>> -> memref<1x64x128xf32, #tpu.memory_space<vmem>>
      %dma_start3A_1728 = tpu.memref_squeeze %dma_start3A_1727 : memref<1x64x128xf32, #tpu.memory_space<vmem>> -> memref<64x128xf32, #tpu.memory_space<vmem>>
      %dma_start3A_1729 = arith.constant 0 : i32
      %dma_start3A_1730 = tpu.memref_slice %arg10[%rem3A_69, %dma_start3A_1729] : memref<2x64xi32, #tpu.memory_space<vmem>> -> memref<1x64xi32, #tpu.memory_space<vmem>>
      %dma_start3A_1731 = tpu.memref_squeeze %dma_start3A_1730 : memref<1x64xi32, #tpu.memory_space<vmem>> -> memref<64xi32, #tpu.memory_space<vmem>>
      %dma_start3A_1732 = arith.constant 0 : i32
      %dma_start3A_1733 = arith.constant 0 : i32
      %dma_start3A_1734 = tpu.memref_slice %arg4[%dma_start3A_1732, %dma_start3A_1733] : memref<16384x128xf32, #tpu.memory_space<hbm>> -> memref<16384x128xf32, #tpu.memory_space<hbm>>
      tpu.enqueue_indirect_dma source(%dma_start3A_1728 : memref<64x128xf32, #tpu.memory_space<vmem>>) target(%dma_start3A_1734 : memref<16384x128xf32, #tpu.memory_space<hbm>>) offsets(%dma_start3A_1731 : memref<64xi32, #tpu.memory_space<vmem>>) semaphore(%arg12 : memref<!tpu.dma_semaphore, #tpu.memory_space<semaphore_mem>>)
    } else {
    }
    %gt3A_53 = arith.constant 0 : i32
    %gt3A_54 = arith.cmpi sgt, %scan3A_49#0, %gt3A_53 : i32
    %jit3A_55 = arith.constant 1 : i32
    %jit3A_56 = arith.constant 0 : i32
    %select_n3A_57 = arith.select %gt3A_54, %jit3A_55, %jit3A_56 : i32
    %add3A_58 = arith.addi %scan3A_49#1, %select_n3A_57 : i32
    %ge3A = arith.constant 2 : i32
    %ge3A_59 = arith.cmpi sge, %add3A_58, %ge3A : i32
    %convert_element_type3A_60 = arith.extui %ge3A_59 : i1 to i32
    %cond3A_61 = arith.constant 0 : i32
    %cond3A_62 = arith.cmpi ne, %convert_element_type3A_60, %cond3A_61 : i32
    scf.if %cond3A_62 {
      %dma_wait3A = arith.constant 0 : i32
      %dma_wait3A_68 = arith.constant 0 : i32
      %dma_wait3A_69 = arith.constant 0 : i32
      %dma_wait3A_70 = tpu.memref_slice %arg9[%dma_wait3A, %dma_wait3A_68, %dma_wait3A_69] : memref<2x64x128xf32, #tpu.memory_space<vmem>> -> memref<1x64x128xf32, #tpu.memory_space<vmem>>
      %dma_wait3A_71 = tpu.memref_squeeze %dma_wait3A_70 : memref<1x64x128xf32, #tpu.memory_space<vmem>> -> memref<64x128xf32, #tpu.memory_space<vmem>>
      %dma_wait3A_72 = arith.constant 0 : i32
      %dma_wait3A_73 = arith.constant 0 : i32
      %dma_wait3A_74 = tpu.memref_slice %arg4[%dma_wait3A_72, %dma_wait3A_73] : memref<16384x128xf32, #tpu.memory_space<hbm>> -> memref<64x128xf32, #tpu.memory_space<hbm>>
      %dma_wait3A_75 = arith.constant 0 : i32
      %dma_wait3A_76 = arith.constant 0 : i32
      %dma_wait3A_77 = tpu.memref_slice %arg4[%dma_wait3A_75, %dma_wait3A_76] : memref<16384x128xf32, #tpu.memory_space<hbm>> -> memref<64x128xf32, #tpu.memory_space<hbm>>
      %dma_wait3A_78 = arith.constant 0 : i32
      %dma_wait3A_79 = arith.constant 0 : i32
      %dma_wait3A_80 = tpu.memref_slice %arg9[%dma_wait3A, %dma_wait3A_78, %dma_wait3A_79] : memref<2x64x128xf32, #tpu.memory_space<vmem>> -> memref<1x64x128xf32, #tpu.memory_space<vmem>>
      %dma_wait3A_81 = tpu.memref_squeeze %dma_wait3A_80 : memref<1x64x128xf32, #tpu.memory_space<vmem>> -> memref<64x128xf32, #tpu.memory_space<vmem>>
      tpu.wait_dma2 semaphore(%arg12 : memref<!tpu.dma_semaphore, #tpu.memory_space<semaphore_mem>>) src(%dma_wait3A_81 : memref<64x128xf32, #tpu.memory_space<vmem>>) dst(%dma_wait3A_77 : memref<64x128xf32, #tpu.memory_space<hbm>>)
    } else {
    }
    %ge3A_63 = arith.constant 1 : i32
    %ge3A_64 = arith.cmpi sge, %add3A_58, %ge3A_63 : i32
    %convert_element_type3A_65 = arith.extui %ge3A_64 : i1 to i32
    %cond3A_66 = arith.constant 0 : i32
    %cond3A_67 = arith.cmpi ne, %convert_element_type3A_65, %cond3A_66 : i32
    scf.if %cond3A_67 {
      %dma_wait3A = arith.constant 0 : i32
      %dma_wait3A_68 = arith.constant 0 : i32
      %dma_wait3A_69 = arith.constant 0 : i32
      %dma_wait3A_70 = tpu.memref_slice %arg9[%dma_wait3A, %dma_wait3A_68, %dma_wait3A_69] : memref<2x64x128xf32, #tpu.memory_space<vmem>> -> memref<1x64x128xf32, #tpu.memory_space<vmem>>
      %dma_wait3A_71 = tpu.memref_squeeze %dma_wait3A_70 : memref<1x64x128xf32, #tpu.memory_space<vmem>> -> memref<64x128xf32, #tpu.memory_space<vmem>>
      %dma_wait3A_72 = arith.constant 0 : i32
      %dma_wait3A_73 = arith.constant 0 : i32
      %dma_wait3A_74 = tpu.memref_slice %arg4[%dma_wait3A_72, %dma_wait3A_73] : memref<16384x128xf32, #tpu.memory_space<hbm>> -> memref<64x128xf32, #tpu.memory_space<hbm>>
      %dma_wait3A_75 = arith.constant 0 : i32
      %dma_wait3A_76 = arith.constant 0 : i32
      %dma_wait3A_77 = tpu.memref_slice %arg4[%dma_wait3A_75, %dma_wait3A_76] : memref<16384x128xf32, #tpu.memory_space<hbm>> -> memref<64x128xf32, #tpu.memory_space<hbm>>
      %dma_wait3A_78 = arith.constant 0 : i32
      %dma_wait3A_79 = arith.constant 0 : i32
      %dma_wait3A_80 = tpu.memref_slice %arg9[%dma_wait3A, %dma_wait3A_78, %dma_wait3A_79] : memref<2x64x128xf32, #tpu.memory_space<vmem>> -> memref<1x64x128xf32, #tpu.memory_space<vmem>>
      %dma_wait3A_81 = tpu.memref_squeeze %dma_wait3A_80 : memref<1x64x128xf32, #tpu.memory_space<vmem>> -> memref<64x128xf32, #tpu.memory_space<vmem>>
      tpu.wait_dma2 semaphore(%arg12 : memref<!tpu.dma_semaphore, #tpu.memory_space<semaphore_mem>>) src(%dma_wait3A_81 : memref<64x128xf32, #tpu.memory_space<vmem>>) dst(%dma_wait3A_77 : memref<64x128xf32, #tpu.memory_space<hbm>>)
    } else {
    }
    return
  }
}

</mosaic_0001>

<sc_bundles>
// kernel: kernel.3.cloned.1.call-start
scs
__scs_entry_jumppad:
0x0: {  	(pc) =	sbr.rel $0x88, $3  }
0x1: {  	(tag) =	ssettag $0x0;
	lr =	simm.s32 $0x1  }
0x2: {  	[smem:$0x3F9F] =	sst lr;
	_ =	strace $0xD0000000  }
0x3: {  	_ = 	snop  }
0x4: {  	_ = 	snop  }
0x5: {  	_ = 	snop  }
0x6: {  	_ = 	snop  }
0x7: {  	_ = 	snop  }
__scs_overlays_trampoline_lowered:
0x8: {  	[smem:$0x3FAE] =	sst s0  }
0x9: {  	[smem:$0x3FAF] =	sst s1  }
0xa: {  	[smem:$0x3FB0] =	sst s2  }
0xb: {  	[smem:$0x3FB1] =	sst s3  }
0xc: {  	[smem:$0x3FB2] =	sst s4  }
0xd: {  	[smem:$0x3FB3] =	sst s5  }
0xe: {  	[smem:$0x3FB4] =	sst s6  }
0xf: {  	[smem:$0x3FB5] =	sst s7  }
0x10: {  	[smem:$0x3FB6] =	sst s8  }
0x11: {  	[smem:$0x3FB7] =	sst s9;
	s0 =	simm.s32 @!p0 $0x0  }
0x12: {  	s1 =	sld [smem:$0x3F9D];
	s0 =	simm.s32 @p0 $0x1  }
0x13: {  	[smem:$0x3FB8] =	sst s0;
	s0 =	simm.s32 @!p1 $0x0  }
0x14: {  	s2 =	sld [smem:$0x3F9C];
	s0 =	simm.s32 @p1 $0x1  }
0x15: {  	[smem:$0x3FB9] =	sst s0;
	s0 =	simm.s32 @!p2 $0x0  }
0x16: {  	s3 =	sld [smem:$0x3FDB];
	s0 =	simm.s32 @p2 $0x1  }
0x17: {  	s4 =	simm.s32 $0x1BF5;
	[smem:$0x3FBB] =	sst s0  }
0x18: {  	s0 =	sld [smem:$0x3F9E];
	_ =	swait.ge [sflag:s4], $0x0  }
0x19: {  	s7 =	sld [smem:$0x3F9F]  }
0x1a: {  	s8 =	sadd.s32 $0xFFFFE003, lr  }
0x1b: {  	s9 =	sadd.s32 $0xFFFFFEF7, lr;
	s5 =	simm.s32 $0xFFFFFFFF;
	p2 =	slt.u32 s8, $0xFFFFF086  }
0x1c: {  	p1 =	slt.u32 s9, $0xF7A;
	s5 =	simm.s32 @!p2 $0x0  }
0x1d: {  	s5 =	simm.s32 @p1 $0x1;
	p0 =	seq.s32 s7, s2  }
0x1e: {  	s7 =	smul.u32 @!p0 $0xF7A, s2;
	p2 =	seq.s32 @!p0 s5, $0x0  }
0x1f: {  	s9 =	smul.u32 $0xF7A, s1;
	s8 =	simm.s32 @!p0 $0x1BF5;
	p2 =	por !p2, p0  }
0x20: {  	[sflag:s8] =	ssyncset.s32 @!p0 $0xFFFFF086;
	s6 =	sadd.s32 @!p0 s3, s7;
	s7 =	simm.s32 @!p0 $0x108  }
0x21: {  	s3 =	sadd.s32 s3, s9;
	s6 =	sadd.s32 @!p0 $0x88, s6;
	s7 =	simm.s32 @p2 $0x1082  }
0x22: {  	[simem:s7], [sflag:s8] =	dma.local @!p0 [hbm:s6], $0xF7A  }
0x23: {  	s9 =	sor.u32 $0xD0000000, s2;
	s6 =	simm.s32 $0x108;
	_ =	swait.ge @!p0 [sflag:s8], $0x0  }
0x24: {  	s3 =	sadd.s32 $0x88, s3;
	s6 =	simm.s32 @!p1 $0x1082;
	[sflag:s4] =	ssyncset.s32 $0xFFFFF086  }
0x25: {  	[simem:s6], [sflag:s4] =	dma.local [hbm:s3], $0xF7A  }
0x26: {  	[smem:$0x3F9F] =	sst s1;
	(tag) =	ssettag s2;
	_ =	strace s9  }
0x27: {  	s1 =	sld [smem:$0x3FAF]  }
0x28: {  	s2 =	sld [smem:$0x3FB0]  }
0x29: {  	s4 =	sld [smem:$0x3FB2]  }
0x2a: {  	p0 =	seq.s32 s5, $0x0;
	s5 =	sld [smem:$0x3FB3]  }
0x2b: {  	s6 =	sld [smem:$0x3FB4]  }
0x2c: {  	s7 =	sld [smem:$0x3FB5]  }
0x2d: {  	s3 =	simm.s32 $0x108;
	s8 =	sld [smem:$0x3FB6]  }
0x2e: {  	s3 =	simm.s32 @!p0 $0x1082;
	s9 =	sld [smem:$0x3FB7]  }
0x2f: {  	lr =	sadd.s32 s0, s3;
	s0 =	sld [smem:$0x3FAE]  }
0x30: {  	s3 =	sld [smem:$0x3FB1]  }
0x31: {  	[smem:$0x3FBA] =	sst s10  }
0x32: {  	s10 =	sld [smem:$0x3FB8];
	_ =	sdelay $0x3  }
0x33: {  	p0 =	seq.s32 s10, $0x1;
	s10 =	sld [smem:$0x3FBA];
	_ =	sdelay $0x3  }
0x34: {  	[smem:$0x3FBA] =	sst s10  }
0x35: {  	s10 =	sld [smem:$0x3FB9];
	_ =	sdelay $0x3  }
0x36: {  	p1 =	seq.s32 s10, $0x1;
	s10 =	sld [smem:$0x3FBA];
	_ =	sdelay $0x3  }
0x37: {  	[smem:$0x3FBA] =	sst s10  }
0x38: {  	s10 =	sld [smem:$0x3FBB]  }
0x39: {  	_ = 	snop;
	(pc) =	sbr.ind lr, $3  }
0x3a: {  	_ = 	snop  }
0x3b: {  	_ = 	snop  }
0x3c: {  	p2 =	seq.s32 s10, $0x1;
	s10 =	sld [smem:$0x3FBA]  }
0x3d: {  	_ =	shalt  }
0x3e: {  	_ =	shalt  }
0x3f: {  	_ =	shalt  }
0x40: {  	_ =	shalt  }
0x41: {  	_ =	shalt  }
0x42: {  	_ =	shalt  }
0x43: {  	_ =	shalt  }
0x44: {  	_ =	shalt  }
0x45: {  	_ =	shalt  }
0x46: {  	_ =	shalt  }
0x47: {  	_ =	shalt  }
0x48: {  	_ =	shalt  }
0x49: {  	_ =	shalt  }
0x4a: {  	_ =	shalt  }
0x4b: {  	_ =	shalt  }
0x4c: {  	_ =	shalt  }
0x4d: {  	_ =	shalt  }
0x4e: {  	_ =	shalt  }
0x4f: {  	_ =	shalt  }
0x50: {  	_ =	shalt  }
0x51: {  	_ =	shalt  }
0x52: {  	_ =	shalt  }
0x53: {  	_ =	shalt  }
0x54: {  	_ =	shalt  }
0x55: {  	_ =	shalt  }
0x56: {  	_ =	shalt  }
0x57: {  	_ =	shalt  }
0x58: {  	_ =	shalt  }
0x59: {  	_ =	shalt  }
0x5a: {  	_ =	shalt  }
0x5b: {  	_ =	shalt  }
0x5c: {  	_ =	shalt  }
0x5d: {  	_ =	shalt  }
0x5e: {  	_ =	shalt  }
0x5f: {  	_ =	shalt  }
0x60: {  	_ =	shalt  }
0x61: {  	_ =	shalt  }
0x62: {  	_ =	shalt  }
0x63: {  	_ =	shalt  }
0x64: {  	_ =	shalt  }
0x65: {  	_ =	shalt  }
0x66: {  	_ =	shalt  }
0x67: {  	_ =	shalt  }
0x68: {  	_ =	shalt  }
0x69: {  	_ =	shalt  }
0x6a: {  	_ =	shalt  }
0x6b: {  	_ =	shalt  }
0x6c: {  	_ =	shalt  }
0x6d: {  	_ =	shalt  }
0x6e: {  	_ =	shalt  }
0x6f: {  	_ =	shalt  }
0x70: {  	_ =	shalt  }
0x71: {  	_ =	shalt  }
0x72: {  	_ =	shalt  }
0x73: {  	_ =	shalt  }
0x74: {  	_ =	shalt  }
0x75: {  	_ =	shalt  }
0x76: {  	_ =	shalt  }
0x77: {  	_ =	shalt  }
0x78: {  	_ =	shalt  }
0x79: {  	_ =	shalt  }
0x7a: {  	_ =	shalt  }
0x7b: {  	_ =	shalt  }
0x7c: {  	_ =	shalt  }
0x7d: {  	_ =	shalt  }
0x7e: {  	_ =	shalt  }
0x7f: {  	_ =	shalt  }
0x80: {  	_ =	shalt  }
0x81: {  	_ =	shalt  }
0x82: {  	_ =	shalt  }
0x83: {  	_ =	shalt  }
0x84: {  	_ =	shalt  }
0x85: {  	_ =	shalt  }
0x86: {  	_ =	shalt  }
0x87: {  	_ =	shalt  }
.Lfunc_end0:
.L_simem_size_0:
called_computation_lowered:
.L_overlay_start_0:
0x88: {  	s2 =	sld [smem:$0x3FD9]  }
0x89: {  	s3 =	sld [smem:$0x3FFE];
	_ =	sdelay $0x1  }
0x8a: {  	s1 =	srdreg.scid  }
0x8b: {  	s0 =	sand.u32 $0x1, s1  }
0x8c: {  	s17 =	sshll.u32 s0, $0xA;
	s2 =	sadd.s32 s3, s2  }
0x8d: {  	s2 =	sadd.s32 s2, s17  }
0x8e: {  	[smem:$0x3FC6] =	sst s2  }
0x8f: {  	_ = 	snop  }
0x90: {  	s2 =	sld [smem:$0x3FC9]  }
0x91: {  	s18 =	sld [smem:$0x3FC8];
	(tm) =	ssettm $0x1  }
0x92: {  	s4 =	sld [smem:$0x3FFB];
	_ =	sdelay $0x3  }
0x93: {  	_ =	strace s4  }
0x94: {  	s4 =	sld [smem:$0x3FFC];
	_ =	sdelay $0x3  }
0x95: {  	_ =	strace s4  }
0x96: {  	s4 =	sld [smem:$0x3FFD];
	_ =	sdelay $0x3  }
0x97: {  	_ =	strace s4  }
0x98: {  	_ =	strace $0x8FFFFFFF  }
0x99: {  	s19 =	sld [smem:$0x3FDB];
	_ =	sdelay $0x1  }
0x9a: {  	s5 =	simm.s32 $_scs_section_size  }
0x9b: {  	s6 =	simm.s32 $_size__tile_overlayer_lowered;
	s7 =	simm.s32 $_tile_overlayer_lowered  }
0x9c: {  	s22 =	simm.s32 $0x1BFF;
	s21 =	sshll.u32 s7, $0x1;
	s4 =	sadd.s32 s5, s19  }
0x9d: {  	s8 =	simm.s32 $0x0;
	s20 =	sshll.u32 s6, $0x1;
	s6 =	sadd.s32 s21, s4  }
0x9e: {  	[timem:s8], [sflag:s22] =	dma.local [hbm:s6], s20  }
0x9f: {  	_ =	swait.ge [sflag:s22], s20  }
0xa0: {  	s5 =	ssub.s32 $0x0, s20;
	[sflag:s22] =	ssyncset.done $0x0  }
0xa1: {  	[sflag:s22] =	ssyncadd.s32 s5;
	_ =	sdelay $0x1  }
0xa2: {  	s23 =	simm.s32 $0x1B8B  }
0xa3: {  	_ =	swait.ge [sflag:s23], $0x1  }
0xa4: {  	[sflag:s23] =	ssyncset.done $0x0  }
0xa5: {  	s25 =	simm.s32 $0x1B8E;
	s24 =	sld [smem:$0x3FFE];
	[sflag:s23] =	ssyncadd.s32 $0xFFFFFFFF  }
0xa6: {  	s26 =	simm.s32 $execute0_lowered;
	[smem:$0x3FD2] =	sst s25  }
0xa7: {  	s6 =	sshll.u32 s26, $0x1;
	_ =	strace $0x80000046;
	[dreg:$0x1] =	wrdreg $0xFFFFFFFF  }
0xa8: {  	s28 =	simm.s32 $_size_execute0_lowered;
	s4 =	sadd.s32 s4, s6;
	[dreg:$0x0] =	wrdreg $0x0  }
0xa9: {  	s6 =	sshll.u32 s28, $0x1;
	[dreg:$0x2] =	wrdreg s4  }
0xaa: {  	[dreg:$0x3] =	wrdreg s6  }
0xab: {  	[dreg:$0x4] =	wrdreg $0xC0  }
0xac: {  	_ =	task [dreg:s8], $0x5FFFF  }
0xad: {  	[dreg:$0x1] =	wrdreg $0xFFFFFFFF  }
0xae: {  	[dreg:$0x0] =	wrdreg $0x60  }
0xaf: {  	[dreg:$0x2] =	wrdreg s2  }
0xb0: {  	[dreg:$0x3] =	wrdreg s18  }
0xb1: {  	[dreg:$0x4] =	wrdreg s24  }
0xb2: {  	[dreg:$0x5] =	wrdreg $0x9  }
0xb3: {  	_ =	task.clear_ibuf [dreg:s8], $0x6FFFF;
	_ =	strace $0x90000046  }
0xb4: {  	s29 =	simm.s32 $0x9;
	_ =	strace $0x80000048  }
0xb5: {  	_ =	swait.ge [sflag:s29], $0x1  }
0xb6: {  	[sflag:s29] =	ssyncadd.s32 $0xFFFFFFFF  }
0xb7: {  	_ =	strace $0x90000048  }
0xb8: {  	_ =	sfence  }
0xb9: {  	s30 =	sld [smem:$0x0];
	_ =	sdelay $0x2  }
0xba: {  	s31 =	sshll.u32 s1, $0xD;
	s1 =	sshrl.u32 s1, $0x2  }
0xbb: {  	s3 =	sand.u32 $0x4000, s31;
	s1 =	sadd.s32 s1, s30  }
0xbc: {  	s0 =	sor.u32 s3, s0;
	s1 =	sshll.u32 s1, $0x11  }
0xbd: {  	s0 =	sor.u32 s1, s0  }
0xbe: {  	s0 =	sadd.s32 $0x8F2B, s0  }
0xbf: {  	[sflag:s0] =	ssyncadd.remote.s32 $0x1  }
0xc0: {  	_ =	sfence.sel $0xFFFF  }
0xc1: {  	[dreg:$0x0] =	wrdreg $0xFFFFFFFF;
	(pc) =	sbr.abs _section_cstart, $3  }
0xc2: {  	[dreg:$0x1] =	wrdreg $0xFFFFFFFF  }
0xc3: {  	_ =	task.clear_ibuf [dreg:s8], $0x2FFFF;
	_ =	strace $0x9FFFFFFF  }
0xc4: {  	(tm) =	ssettm $0x7FFFFFFF  }
0xc5: {  	_ =	shalt  }
tec
execute0_lowered:
.L_overlay_start_1:
0x0: {  	(tag) =	ssettag $0x1  }
0x1: {  	v0 =	vlaneseq.u32  }
0x2: {  	v1 =	vmul.u32 $0x80, v0  }
0x3: {  	vm0 =	vmmov $0x1;
	v36 =	vor.u32 $0x10, v0  }
0x4: {  	v4 =	vor.u32 $0x1, v1;
	v10 =	vor.u32 $0x6, v1;
	v11 =	vor.u32 $0x7, v1  }
0x5: {  	v12 =	vor.u32 $0x8, v1;
	v13 =	vor.u32 $0x9, v1;
	v14 =	vor.u32 $0xA, v1  }
0x6: {  	v15 =	vor.u32 $0xB, v1;
	v16 =	vor.u32 $0xC, v1;
	v17 =	vor.u32 $0xD, v1  }
0x7: {  	v18 =	vor.u32 $0xE, v1;
	v19 =	vor.u32 $0xF, v1;
	v20 =	vor.u32 $0x10, v1  }
0x8: {  	v21 =	vor.u32 $0x11, v1;
	v22 =	vor.u32 $0x12, v1;
	v23 =	vor.u32 $0x13, v1  }
0x9: {  	s1 =	srdreg.scid;
	s0 =	stileid.u32;
	v24 =	vor.u32 $0x14, v1;
	v25 =	vor.u32 $0x15, v1;
	v26 =	vor.u32 $0x16, v1  }
0xa: {  	s6 =	sand.u32 $0x1, s1;
	s28 =	sshll.u32 s0, $0x1;
	v27 =	vor.u32 $0x17, v1;
	v28 =	vor.u32 $0x18, v1;
	v29 =	vor.u32 $0x19, v1  }
0xb: {  	s1 =	sor.u32 s6, s28;
	v30 =	vor.u32 $0x1A, v1;
	v31 =	vor.u32 $0x1B, v1;
	v32 =	vor.u32 $0x1C, v1  }
0xc: {  	s1 =	smul.u32 $0xC80, s1;
	v33 =	vor.u32 $0x1D, v1;
	v34 =	vor.u32 $0x1E, v1;
	v35 =	vor.u32 $0x1F, v1  }
0xd: {  	s8 =	rddreg [dreg:$0x2];
	s5 =	simm.s32 $0x0;
	s12 =	simm.s32 $0x19000;
	v37 =	vor.u32 $0x800, v1;
	v38 =	vor.u32 $0x801, v1;
	v39 =	vor.u32 $0x802, v1  }
0xe: {  	s13 =	simm.s32 $0x3;
	s14 =	simm.s32 $0x1E100;
	v40 =	vor.u32 $0x803, v1;
	v41 =	vor.u32 $0x804, v1;
	v42 =	vor.u32 $0x805, v1;
	s2 =	smin.u32 s1, $0x17A20  }
0xf: {  	s15 =	simm.s32 $0x1A100;
	s16 =	simm.s32 $0x40;
	v43 =	vor.u32 $0x806, v1;
	v44 =	vor.u32 $0x807, v1;
	v45 =	vor.u32 $0x808, v1;
	s3 =	sadd.s32 $0xC80, s2  }
0x10: {  	s17 =	simm.s32 $0x2;
	s18 =	simm.s32 $0x0;
	v46 =	vor.u32 $0x809, v1;
	v47 =	vor.u32 $0x80A, v1;
	v48 =	vor.u32 $0x80B, v1;
	s4 =	ssub.s32 s3, s1  }
0x11: {  	[smem:$0x7FF] =	sst s5;
	s11 =	ssub.s32 $0x2, s6;
	v49 =	vor.u32 $0x80C, v1;
	v50 =	vor.u32 $0x80D, v1;
	[tilespmem:$0x1FFB0] =	vst v4;
	v4 =	vor.u32 $0x2, v1;
	s7 =	sadd.s32 $0x7F, s4  }
0x12: {  	s6 =	sadd.s32 $0x400, s8;
	s30 =	sshrl.u32 s11, $0x1;
	v51 =	vor.u32 $0x80E, v1;
	v52 =	vor.u32 $0x80F, v1;
	[tilespmem:$0x1FFC0] =	vst v4;
	v4 =	vor.u32 $0x3, v1;
	s9 =	sshra.s32 s7, $0x1F  }
.Ltmp0:
0x13: {  	v53 =	vor.u32 $0x810, v1;
	v54 =	vor.u32 $0x811, v1;
	s31 =	ssub.s32 s11, s30;
	[tilespmem:$0x1FFD0] =	vst v4;
	v4 =	vor.u32 $0x4, v1;
	s10 =	sshrl.u32 s9, $0x19;
	(pc) =	sbr.rel .LBB2_1-.Ltmp0, $4  }
0x14: {  	v55 =	vor.u32 $0x812, v1;
	v56 =	vor.u32 $0x813, v1;
	s11 =	simm.s32 $0x1;
	s2 =	rddreg [dreg:$0x0];
	[tilespmem:$0x1FFE0] =	vst v4;
	v4 =	vor.u32 $0x5, v1;
	s29 =	sadd.s32 s10, s7  }
0x15: {  	v57 =	vor.u32 $0x814, v1;
	v58 =	vor.u32 $0x815, v1;
	s8 =	smax.u32 s31, $0x1;
	v3 =	vmov s3;
	s3 =	rddreg [dreg:$0x1];
	[tilespmem:$0x1FFF0] =	vst v4;
	s10 =	sshra.s32 s29, $0x7  }
0x16: {  	v59 =	vor.u32 $0x816, v1;
	v60 =	vor.u32 $0x817, v1;
	v61 =	vor.u32 $0x818, v1;
	s4 =	rddreg [dreg:$0x3];
	_ =	strace $0x80000047;
	s7 =	sadd.s32 s9, s10  }
0x17: {  	v62 =	vor.u32 $0x819, v1;
	v63 =	vor.u32 $0x81A, v1;
	v2 =	vmov s1;
	s9 =	simm.s32 $0x400;
	s10 =	simm.s32 $0xC3800;
	p0 =	slt.s32 s7, $0x1  }
.LBB2_16:
0x18: {  	_ =	swait.ge [sflag:s17], $0x2000  }
0x19: {  	[sflag:s17] =	ssyncset.done $0x0  }
0x1a: {  	[sflag:s17] =	ssyncadd.s32 $0xFFFFE000  }
.LBB2_18:
0x1b: {  	_ =	swait.ge [sflag:s17], $0x2000  }
0x1c: {  	[sflag:s17] =	ssyncset.done $0x0  }
0x1d: {  	[sflag:s17] =	ssyncadd.s32 $0xFFFFE000  }
.LBB2_19:
0x1e: {  	s18 =	sadd.s32 $0x1, s18  }
0x1f: {  	p1 =	sne.s32 s18, s8  }
.Ltmp1:
0x20: {  	_ = 	snop;
	(pc) =	sbr.rel @!p1 .LBB2_20-.Ltmp1, $1  }
0x21: {  	_ =	sdelay $0x3  }
.LBB2_1:
.Ltmp2:
0x22: {  	(pc) =	sbr.rel @p0 .LBB2_7-.Ltmp2, $1  }
0x23: {  	_ =	sdelay $0x3  }
0x24: {  	p1 =	seq.s32 s7, $0x1  }
.Ltmp3:
0x25: {  	_ = 	snop;
	(pc) =	sbr.rel @p1 .LBB2_4-.Ltmp3, $4  }
0x26: {  	s19 =	sand.u32 $0x1FFFFF80, s1  }
0x27: {  	s19 =	sadd.s32 s3, s19  }
0x28: {  	[tilespmem:s5], [sflag:$0x1] =	stream.strided.gather [hbm4b:s19+s9], $0x1000, s10, s9, $0x38;
	[tilespmem:$0x1E200] =	vst v63  }
0x29: {  	s20 =	sadd.s32 $0x80, s1;
	s21 =	simm.s32 $0x0;
	s19 =	sadd.s32 $0xFFFFFFFF, s7  }
.LBB2_3:
0x2a: {  	s22 =	sand.u32 $0x1FFFFF80, s20;
	p1 =	seq.s32 s19, $0x1;
	s19 =	sadd.s32 $0xFFFFFFFF, s19  }
.Ltmp4:
0x2b: {  	s21 =	sadd.s32 $0x1000, s21;
	s22 =	sadd.s32 s3, s22;
	(pc) =	sbr.rel @!p1 .LBB2_3-.Ltmp4, $3  }
0x2c: {  	[tilespmem:s21], [sflag:$0x1] =	stream.strided.gather [hbm4b:s22+s9], $0x1000, s10, s9, $0x38;
	[tilespmem:$0x1E200] =	vst v63  }
0x2d: {  	_ =	sdelay $0x1  }
0x2e: {  	s20 =	sadd.s32 $0x80, s20  }
.LBB2_4:
0x2f: {  	p1 =	seq.s32 s7, $0x1  }
.Ltmp5:
0x30: {  	_ = 	snop;
	(pc) =	sbr.rel @p1 .LBB2_6-.Ltmp5, $3  }
0x31: {  	_ =	sdelay $0x1  }
0x32: {  	_ =	swait.ge [sflag:s11], $0x1000  }
0x33: {  	s19 =	sadd.s32 $0xFFFFFFFF, s7;
	[sflag:s11] =	ssyncset.done $0x0  }
.LBB2_5:
0x34: {  	p1 =	seq.s32 s19, $0x1;
	s19 =	sadd.s32 $0xFFFFFFFF, s19;
	[sflag:s11] =	ssyncadd.s32 $0xFFFFF000  }
.Ltmp6:
0x35: {  	(pc) =	sbr.rel @!p1 .LBB2_5-.Ltmp6, $3  }
0x36: {  	_ =	sdelay $0x1  }
0x37: {  	_ =	swait.ge [sflag:s11], $0x1000  }
0x38: {  	[sflag:s11] =	ssyncset.done $0x0  }
.LBB2_6:
0x39: {  	[sflag:s11] =	ssyncadd.s32 $0xFFFFF000  }
.LBB2_7:
.Ltmp7:
0x3a: {  	(pc) =	sbr.rel .LBB2_8-.Ltmp7, $3  }
0x3b: {  	_ =	sdelay $0x1  }
0x3c: {  	s21 =	simm.s32 $0x0;
	s22 =	simm.s32 $0x0  }
0x3d: {  	s19 =	simm.s32 $0x0;
	s20 =	simm.s32 $0x0;
	s23 =	simm.s32 $0x0  }
.LBB2_12:
0x3e: {  	s23 =	sadd.s32 $0x1, s23  }
0x3f: {  	p1 =	sne.s32 s23, $0x4  }
.Ltmp8:
0x40: {  	_ = 	snop;
	(pc) =	sbr.rel @!p1 .LBB2_13-.Ltmp8, $2  }
0x41: {  	_ =	sdelay $0x2  }
0x42: {  	s22 =	sadd.s32 $0x1000, s22  }
.LBB2_8:
0x43: {  	s24 =	sshll.u32 s23, $0x9  }
.Ltmp9:
0x44: {  	s24 =	sadd.s32 s2, s24;
	(pc) =	sbr.rel .LBB2_9-.Ltmp9, $4  }
0x45: {  	[tilespmem:s12], [sflag:$0x3] =	stream.linear.gather [hbm4b:s24+s21], $0x1000, $0x38;
	[tilespmem:$0x1E200] =	vst v63  }
0x46: {  	_ =	swait.ge [sflag:s13], $0x1000  }
0x47: {  	[sflag:s13] =	ssyncset.done $0x0  }
0x48: {  	s25 =	simm.s32 $0x0;
	s24 =	smov.u32 s22;
	[sflag:s13] =	ssyncadd.s32 $0xFFFFF000  }
.LBB2_11:
0x49: {  	s25 =	sadd.s32 $0x40, s25  }
0x4a: {  	p2 =	sne.s32 s25, $0x4000  }
.Ltmp10:
0x4b: {  	_ = 	snop;
	(pc) =	sbr.rel @!p2 .LBB2_12-.Ltmp10, $4  }
0x4c: {  	_ = 	snop  }
0x4d: {  	p1 =	sgt.s32 s20, $0x3F;
	s26 =	simm.s32 $0x1  }
0x4e: {  	s28 =	sadd.s32 $0xFFFFFFC0, s20;
	s26 =	simm.s32 @!p1 $0x0  }
0x4f: {  	s24 =	sadd.s32 $0x10, s24;
	s20 =	smov.u32 @p1 s28;
	s19 =	sadd.s32 s26, s19  }
.LBB2_9:
0x50: {  	s26 =	sshra.s32 s25, $0x2  }
0x51: {  	v4 =	vld [tilespmem:s26+$0x19000];
	_ =	sdelay $0x4  }
0x52: {  	vm1 =	vge.s32 v4, v2;
	vm2 =	vlt.s32 v4, v3  }
0x53: {  	v5 =	vimm.s32 $0x0;
	vm1 =	vmand vm1, vm2  }
0x54: {  	v5 =	vsel vm1, $0x1, v5  }
0x55: {  	(xrf0) =	vadd.scan.msk.s32 $0xffff, v5;
	_ =	sdelay $0x5  }
0x56: {  	v5, _, _ =	vpop (xrf0)  }
0x57: {  	(v2sf) =	vpush v5, $0xF;
	_ =	sdelay $0xe  }
0x58: {  	s31 =	spop (v2sf)  }
0x59: {  	p1 =	slt.s32 s31, $0x1  }
0x5a: {  	v4 =	vsub.s32 @!p1 v4, v2;
	v5 =	vlaneseq.u32 @!p1  }
0x5b: {  	[tilespmem:s20+$0x1A000] =	vst.msk @!p1 vm1, v4;
	v4 =	vor.u32 @!p1 s24, v5  }
0x5c: {  	[tilespmem:s20+$0x1A080] =	vst.msk @!p1 vm1, v4;
	s20 =	sadd.s32 s20, s31  }
0x5d: {  	p1 =	slt.s32 s20, $0x40  }
.Ltmp11:
0x5e: {  	_ = 	snop;
	(pc) =	sbr.rel @p1 .LBB2_11-.Ltmp11, $1  }
0x5f: {  	_ =	sdelay $0x3  }
0x60: {  	p1 =	slt.s32 s19, $0x2  }
0x61: {  	s26 =	simm.s32 @!p1 $0x2  }
0x62: {  	_ =	swait.ge @!p1 [sflag:s26], $0x2000  }
0x63: {  	[sflag:s26] =	ssyncset.done @!p1 $0x0  }
0x64: {  	[sflag:s26] =	ssyncadd.s32 @!p1 $0xFFFFE000  }
0x65: {  	s31 =	sshrl.u32 s19, $0x1F;
	v4 =	vld [tilespmem:$0x1A000]  }
0x66: {  	s26 =	sadd.s32 s31, s19  }
0x67: {  	s26 =	sand.u32 $0xFFFFFFFE, s26  }
0x68: {  	s26 =	ssub.s32 s19, s26  }
0x69: {  	v6 =	vmov s26  }
0x6a: {  	v5 =	vshll.u32 v6, $0x7;
	v7 =	vshll.u32 v4, $0x5  }
0x6b: {  	v8 =	vld [tilespmem:$0x1A080];
	v9 =	vor.u32 v0, v5;
	v4 =	vand.u32 $0x7F, v4;
	v7 =	vand.u32 $0xFFFFF000, v7  }
0x6c: {  	v7 =	vor.u32 v4, v7;
	_ =	sdelay $0x3  }
0x6d: {  	v4 =	vshll.u32 v6, $0xD;
	[tilespmem:v9+s14+$0x0] =	vst.idx.msk $0xffff, v8  }
0x6e: {  	v8 =	vor.u32 v1, v4;
	v6 =	vld.idx.msk [tilespmem:v7+s5+$0x0], $0xffff;
	_ =	sdelay $0x4  }
0x6f: {  	v9 =	vor.u32 $0x80, v7;
	[tilespmem:v8+s15+$0x0] =	vst.idx.msk $0xffff, v6;
	v8 =	vld [tilespmem:$0x1FFB0];
	_ =	sdelay $0x4  }
0x70: {  	v6 =	vld.idx.msk [tilespmem:v9+s5+$0x0], $0xffff;
	v8 =	vor.u32 v8, v4;
	_ =	sdelay $0x4  }
0x71: {  	v9 =	vor.u32 $0x100, v7;
	[tilespmem:v8+s15+$0x0] =	vst.idx.msk $0xffff, v6;
	v8 =	vld [tilespmem:$0x1FFC0];
	_ =	sdelay $0x4  }
0x72: {  	v6 =	vld.idx.msk [tilespmem:v9+s5+$0x0], $0xffff;
	v8 =	vor.u32 v8, v4;
	_ =	sdelay $0x4  }
0x73: {  	v9 =	vor.u32 $0x180, v7;
	[tilespmem:v8+s15+$0x0] =	vst.idx.msk $0xffff, v6;
	v8 =	vld [tilespmem:$0x1FFD0];
	_ =	sdelay $0x4  }
0x74: {  	v6 =	vld.idx.msk [tilespmem:v9+s5+$0x0], $0xffff;
	v8 =	vor.u32 v8, v4;
	_ =	sdelay $0x4  }
0x75: {  	v9 =	vor.u32 $0x200, v7;
	[tilespmem:v8+s15+$0x0] =	vst.idx.msk $0xffff, v6;
	v8 =	vld [tilespmem:$0x1FFE0];
	_ =	sdelay $0x4  }
0x76: {  	v6 =	vld.idx.msk [tilespmem:v9+s5+$0x0], $0xffff;
	v8 =	vor.u32 v8, v4;
	_ =	sdelay $0x4  }
0x77: {  	v9 =	vor.u32 $0x280, v7;
	[tilespmem:v8+s15+$0x0] =	vst.idx.msk $0xffff, v6;
	v8 =	vld [tilespmem:$0x1FFF0];
	_ =	sdelay $0x4  }
0x78: {  	v6 =	vld.idx.msk [tilespmem:v9+s5+$0x0], $0xffff;
	v8 =	vor.u32 v8, v4  }
0x79: {  	v9 =	vor.u32 $0x300, v7;
	_ =	sdelay $0x3  }
0x7a: {  	[tilespmem:v8+s15+$0x0] =	vst.idx.msk $0xffff, v6  }
0x7b: {  	v8 =	vor.u32 v10, v4;
	v6 =	vld.idx.msk [tilespmem:v9+s5+$0x0], $0xffff  }
0x7c: {  	v9 =	vor.u32 $0x380, v7;
	_ =	sdelay $0x3  }
0x7d: {  	[tilespmem:v8+s15+$0x0] =	vst.idx.msk $0xffff, v6  }
0x7e: {  	v8 =	vor.u32 v11, v4;
	v6 =	vld.idx.msk [tilespmem:v9+s5+$0x0], $0xffff  }
0x7f: {  	v9 =	vor.u32 $0x400, v7;
	_ =	sdelay $0x3  }
0x80: {  	[tilespmem:v8+s15+$0x0] =	vst.idx.msk $0xffff, v6  }
0x81: {  	v8 =	vor.u32 v12, v4;
	v6 =	vld.idx.msk [tilespmem:v9+s5+$0x0], $0xffff  }
0x82: {  	v9 =	vor.u32 $0x480, v7;
	_ =	sdelay $0x3  }
0x83: {  	[tilespmem:v8+s15+$0x0] =	vst.idx.msk $0xffff, v6  }
0x84: {  	v8 =	vor.u32 v13, v4;
	v6 =	vld.idx.msk [tilespmem:v9+s5+$0x0], $0xffff  }
0x85: {  	v9 =	vor.u32 $0x500, v7;
	_ =	sdelay $0x3  }
0x86: {  	[tilespmem:v8+s15+$0x0] =	vst.idx.msk $0xffff, v6  }
0x87: {  	v8 =	vor.u32 v14, v4;
	v6 =	vld.idx.msk [tilespmem:v9+s5+$0x0], $0xffff  }
0x88: {  	v9 =	vor.u32 $0x580, v7;
	_ =	sdelay $0x3  }
0x89: {  	[tilespmem:v8+s15+$0x0] =	vst.idx.msk $0xffff, v6  }
0x8a: {  	v8 =	vor.u32 v15, v4;
	v6 =	vld.idx.msk [tilespmem:v9+s5+$0x0], $0xffff  }
0x8b: {  	v9 =	vor.u32 $0x600, v7;
	_ =	sdelay $0x3  }
0x8c: {  	[tilespmem:v8+s15+$0x0] =	vst.idx.msk $0xffff, v6  }
0x8d: {  	v8 =	vor.u32 v16, v4;
	v6 =	vld.idx.msk [tilespmem:v9+s5+$0x0], $0xffff  }
0x8e: {  	v9 =	vor.u32 $0x680, v7;
	_ =	sdelay $0x3  }
0x8f: {  	[tilespmem:v8+s15+$0x0] =	vst.idx.msk $0xffff, v6  }
0x90: {  	v8 =	vor.u32 v17, v4;
	v6 =	vld.idx.msk [tilespmem:v9+s5+$0x0], $0xffff  }
0x91: {  	v9 =	vor.u32 $0x700, v7;
	_ =	sdelay $0x3  }
0x92: {  	[tilespmem:v8+s15+$0x0] =	vst.idx.msk $0xffff, v6  }
0x93: {  	v8 =	vor.u32 v18, v4;
	v6 =	vld.idx.msk [tilespmem:v9+s5+$0x0], $0xffff  }
0x94: {  	v9 =	vor.u32 $0x780, v7;
	_ =	sdelay $0x3  }
0x95: {  	[tilespmem:v8+s15+$0x0] =	vst.idx.msk $0xffff, v6  }
0x96: {  	v8 =	vor.u32 v19, v4;
	v6 =	vld.idx.msk [tilespmem:v9+s5+$0x0], $0xffff  }
0x97: {  	v9 =	vor.u32 $0x800, v7;
	_ =	sdelay $0x3  }
0x98: {  	[tilespmem:v8+s15+$0x0] =	vst.idx.msk $0xffff, v6  }
0x99: {  	v8 =	vor.u32 v20, v4;
	v6 =	vld.idx.msk [tilespmem:v9+s5+$0x0], $0xffff  }
0x9a: {  	v9 =	vor.u32 $0x880, v7;
	_ =	sdelay $0x3  }
0x9b: {  	[tilespmem:v8+s15+$0x0] =	vst.idx.msk $0xffff, v6  }
0x9c: {  	v8 =	vor.u32 v21, v4;
	v6 =	vld.idx.msk [tilespmem:v9+s5+$0x0], $0xffff  }
0x9d: {  	v9 =	vor.u32 $0x900, v7;
	_ =	sdelay $0x3  }
0x9e: {  	[tilespmem:v8+s15+$0x0] =	vst.idx.msk $0xffff, v6  }
0x9f: {  	v8 =	vor.u32 v22, v4;
	v6 =	vld.idx.msk [tilespmem:v9+s5+$0x0], $0xffff  }
0xa0: {  	v9 =	vor.u32 $0x980, v7;
	_ =	sdelay $0x3  }
0xa1: {  	[tilespmem:v8+s15+$0x0] =	vst.idx.msk $0xffff, v6  }
0xa2: {  	v8 =	vor.u32 v23, v4;
	v6 =	vld.idx.msk [tilespmem:v9+s5+$0x0], $0xffff  }
0xa3: {  	v9 =	vor.u32 $0xA00, v7;
	_ =	sdelay $0x3  }
0xa4: {  	[tilespmem:v8+s15+$0x0] =	vst.idx.msk $0xffff, v6  }
0xa5: {  	v8 =	vor.u32 v24, v4;
	v6 =	vld.idx.msk [tilespmem:v9+s5+$0x0], $0xffff  }
0xa6: {  	v9 =	vor.u32 $0xA80, v7;
	_ =	sdelay $0x3  }
0xa7: {  	[tilespmem:v8+s15+$0x0] =	vst.idx.msk $0xffff, v6  }
0xa8: {  	v8 =	vor.u32 v25, v4;
	v6 =	vld.idx.msk [tilespmem:v9+s5+$0x0], $0xffff  }
0xa9: {  	v9 =	vor.u32 $0xB00, v7;
	_ =	sdelay $0x3  }
0xaa: {  	[tilespmem:v8+s15+$0x0] =	vst.idx.msk $0xffff, v6  }
0xab: {  	v8 =	vor.u32 v26, v4;
	v6 =	vld.idx.msk [tilespmem:v9+s5+$0x0], $0xffff  }
0xac: {  	v9 =	vor.u32 $0xB80, v7;
	_ =	sdelay $0x3  }
0xad: {  	[tilespmem:v8+s15+$0x0] =	vst.idx.msk $0xffff, v6  }
0xae: {  	v8 =	vor.u32 v27, v4;
	v6 =	vld.idx.msk [tilespmem:v9+s5+$0x0], $0xffff  }
0xaf: {  	v9 =	vor.u32 $0xC00, v7;
	_ =	sdelay $0x3  }
0xb0: {  	[tilespmem:v8+s15+$0x0] =	vst.idx.msk $0xffff, v6  }
0xb1: {  	v8 =	vor.u32 v28, v4;
	v6 =	vld.idx.msk [tilespmem:v9+s5+$0x0], $0xffff  }
0xb2: {  	v9 =	vor.u32 $0xC80, v7;
	_ =	sdelay $0x3  }
0xb3: {  	[tilespmem:v8+s15+$0x0] =	vst.idx.msk $0xffff, v6  }
0xb4: {  	v8 =	vor.u32 v29, v4;
	v6 =	vld.idx.msk [tilespmem:v9+s5+$0x0], $0xffff  }
0xb5: {  	v9 =	vor.u32 $0xD00, v7;
	_ =	sdelay $0x3  }
0xb6: {  	[tilespmem:v8+s15+$0x0] =	vst.idx.msk $0xffff, v6  }
0xb7: {  	v8 =	vor.u32 v30, v4;
	v6 =	vld.idx.msk [tilespmem:v9+s5+$0x0], $0xffff  }
0xb8: {  	v9 =	vor.u32 $0xD80, v7;
	_ =	sdelay $0x3  }
0xb9: {  	[tilespmem:v8+s15+$0x0] =	vst.idx.msk $0xffff, v6  }
0xba: {  	v8 =	vor.u32 v31, v4;
	v6 =	vld.idx.msk [tilespmem:v9+s5+$0x0], $0xffff  }
0xbb: {  	v9 =	vor.u32 $0xE00, v7;
	_ =	sdelay $0x3  }
0xbc: {  	[tilespmem:v8+s15+$0x0] =	vst.idx.msk $0xffff, v6  }
0xbd: {  	v8 =	vor.u32 v32, v4;
	v6 =	vld.idx.msk [tilespmem:v9+s5+$0x0], $0xffff  }
0xbe: {  	v9 =	vor.u32 $0xE80, v7;
	_ =	sdelay $0x3  }
0xbf: {  	[tilespmem:v8+s15+$0x0] =	vst.idx.msk $0xffff, v6  }
0xc0: {  	v8 =	vor.u32 v33, v4;
	v6 =	vld.idx.msk [tilespmem:v9+s5+$0x0], $0xffff  }
0xc1: {  	v9 =	vor.u32 $0xF00, v7;
	_ =	sdelay $0x3  }
0xc2: {  	[tilespmem:v8+s15+$0x0] =	vst.idx.msk $0xffff, v6  }
0xc3: {  	v8 =	vor.u32 v34, v4;
	v6 =	vld.idx.msk [tilespmem:v9+s5+$0x0], $0xffff  }
0xc4: {  	v7 =	vor.u32 $0xF80, v7;
	_ =	sdelay $0x3  }
0xc5: {  	[tilespmem:v8+s15+$0x0] =	vst.idx.msk $0xffff, v6  }
0xc6: {  	v6 =	vld.idx.msk [tilespmem:v7+s5+$0x0], $0xffff;
	v7 =	vor.u32 v35, v4;
	_ =	sdelay $0x4  }
0xc7: {  	[tilespmem:v7+s15+$0x0] =	vst.idx.msk $0xffff, v6  }
0xc8: {  	v6 =	vld [tilespmem:$0x1A010];
	_ =	sdelay $0x4  }
0xc9: {  	v7 =	vshll.u32 v6, $0x5  }
0xca: {  	v9 =	vor.u32 v36, v5;
	v8 =	vld [tilespmem:$0x1A090];
	v6 =	vand.u32 $0x7F, v6;
	v7 =	vand.u32 $0xFFFFF000, v7  }
0xcb: {  	v6 =	vor.u32 v6, v7;
	_ =	sdelay $0x3  }
0xcc: {  	[tilespmem:v9+s14+$0x0] =	vst.idx.msk $0xffff, v8  }
0xcd: {  	v8 =	vor.u32 v37, v4;
	v7 =	vld.idx.msk [tilespmem:v6+s5+$0x0], $0xffff  }
0xce: {  	v9 =	vor.u32 $0x80, v6;
	_ =	sdelay $0x3  }
0xcf: {  	[tilespmem:v8+s15+$0x0] =	vst.idx.msk $0xffff, v7  }
0xd0: {  	v8 =	vor.u32 v38, v4;
	v7 =	vld.idx.msk [tilespmem:v9+s5+$0x0], $0xffff  }
0xd1: {  	v9 =	vor.u32 $0x100, v6;
	_ =	sdelay $0x3  }
0xd2: {  	[tilespmem:v8+s15+$0x0] =	vst.idx.msk $0xffff, v7  }
0xd3: {  	v8 =	vor.u32 v39, v4;
	v7 =	vld.idx.msk [tilespmem:v9+s5+$0x0], $0xffff  }
0xd4: {  	v9 =	vor.u32 $0x180, v6;
	_ =	sdelay $0x3  }
0xd5: {  	[tilespmem:v8+s15+$0x0] =	vst.idx.msk $0xffff, v7  }
0xd6: {  	v8 =	vor.u32 v40, v4;
	v7 =	vld.idx.msk [tilespmem:v9+s5+$0x0], $0xffff  }
0xd7: {  	v9 =	vor.u32 $0x200, v6;
	_ =	sdelay $0x3  }
0xd8: {  	[tilespmem:v8+s15+$0x0] =	vst.idx.msk $0xffff, v7  }
0xd9: {  	v8 =	vor.u32 v41, v4;
	v7 =	vld.idx.msk [tilespmem:v9+s5+$0x0], $0xffff  }
0xda: {  	v9 =	vor.u32 $0x280, v6;
	_ =	sdelay $0x3  }
0xdb: {  	[tilespmem:v8+s15+$0x0] =	vst.idx.msk $0xffff, v7  }
0xdc: {  	v8 =	vor.u32 v42, v4;
	v7 =	vld.idx.msk [tilespmem:v9+s5+$0x0], $0xffff  }
0xdd: {  	v9 =	vor.u32 $0x300, v6;
	_ =	sdelay $0x3  }
0xde: {  	[tilespmem:v8+s15+$0x0] =	vst.idx.msk $0xffff, v7  }
0xdf: {  	v8 =	vor.u32 v43, v4;
	v7 =	vld.idx.msk [tilespmem:v9+s5+$0x0], $0xffff  }
0xe0: {  	v9 =	vor.u32 $0x380, v6;
	_ =	sdelay $0x3  }
0xe1: {  	[tilespmem:v8+s15+$0x0] =	vst.idx.msk $0xffff, v7  }
0xe2: {  	v8 =	vor.u32 v44, v4;
	v7 =	vld.idx.msk [tilespmem:v9+s5+$0x0], $0xffff  }
0xe3: {  	v9 =	vor.u32 $0x400, v6;
	_ =	sdelay $0x3  }
0xe4: {  	[tilespmem:v8+s15+$0x0] =	vst.idx.msk $0xffff, v7  }
0xe5: {  	v8 =	vor.u32 v45, v4;
	v7 =	vld.idx.msk [tilespmem:v9+s5+$0x0], $0xffff  }
0xe6: {  	v9 =	vor.u32 $0x480, v6;
	_ =	sdelay $0x3  }
0xe7: {  	[tilespmem:v8+s15+$0x0] =	vst.idx.msk $0xffff, v7  }
0xe8: {  	v8 =	vor.u32 v46, v4;
	v7 =	vld.idx.msk [tilespmem:v9+s5+$0x0], $0xffff  }
0xe9: {  	v9 =	vor.u32 $0x500, v6;
	_ =	sdelay $0x3  }
0xea: {  	[tilespmem:v8+s15+$0x0] =	vst.idx.msk $0xffff, v7  }
0xeb: {  	v8 =	vor.u32 v47, v4;
	v7 =	vld.idx.msk [tilespmem:v9+s5+$0x0], $0xffff  }
0xec: {  	v9 =	vor.u32 $0x580, v6;
	_ =	sdelay $0x3  }
0xed: {  	[tilespmem:v8+s15+$0x0] =	vst.idx.msk $0xffff, v7  }
0xee: {  	v8 =	vor.u32 v48, v4;
	v7 =	vld.idx.msk [tilespmem:v9+s5+$0x0], $0xffff  }
0xef: {  	v9 =	vor.u32 $0x600, v6;
	_ =	sdelay $0x3  }
0xf0: {  	[tilespmem:v8+s15+$0x0] =	vst.idx.msk $0xffff, v7  }
0xf1: {  	v8 =	vor.u32 v49, v4;
	v7 =	vld.idx.msk [tilespmem:v9+s5+$0x0], $0xffff  }
0xf2: {  	v9 =	vor.u32 $0x680, v6;
	_ =	sdelay $0x3  }
0xf3: {  	[tilespmem:v8+s15+$0x0] =	vst.idx.msk $0xffff, v7  }
0xf4: {  	v8 =	vor.u32 v50, v4;
	v7 =	vld.idx.msk [tilespmem:v9+s5+$0x0], $0xffff  }
0xf5: {  	v9 =	vor.u32 $0x700, v6;
	_ =	sdelay $0x3  }
0xf6: {  	[tilespmem:v8+s15+$0x0] =	vst.idx.msk $0xffff, v7  }
0xf7: {  	v8 =	vor.u32 v51, v4;
	v7 =	vld.idx.msk [tilespmem:v9+s5+$0x0], $0xffff  }
0xf8: {  	v9 =	vor.u32 $0x780, v6;
	_ =	sdelay $0x3  }
0xf9: {  	[tilespmem:v8+s15+$0x0] =	vst.idx.msk $0xffff, v7  }
0xfa: {  	v8 =	vor.u32 v52, v4;
	v7 =	vld.idx.msk [tilespmem:v9+s5+$0x0], $0xffff  }
0xfb: {  	v9 =	vor.u32 $0x800, v6;
	_ =	sdelay $0x3  }
0xfc: {  	[tilespmem:v8+s15+$0x0] =	vst.idx.msk $0xffff, v7  }
0xfd: {  	v8 =	vor.u32 v53, v4;
	v7 =	vld.idx.msk [tilespmem:v9+s5+$0x0], $0xffff  }
0xfe: {  	v9 =	vor.u32 $0x880, v6;
	_ =	sdelay $0x3  }
0xff: {  	[tilespmem:v8+s15+$0x0] =	vst.idx.msk $0xffff, v7  }
0x100: {  	v8 =	vor.u32 v54, v4;
	v7 =	vld.idx.msk [tilespmem:v9+s5+$0x0], $0xffff  }
0x101: {  	v9 =	vor.u32 $0x900, v6;
	_ =	sdelay $0x3  }
0x102: {  	[tilespmem:v8+s15+$0x0] =	vst.idx.msk $0xffff, v7  }
0x103: {  	v8 =	vor.u32 v55, v4;
	v7 =	vld.idx.msk [tilespmem:v9+s5+$0x0], $0xffff  }
0x104: {  	v9 =	vor.u32 $0x980, v6;
	_ =	sdelay $0x3  }
0x105: {  	[tilespmem:v8+s15+$0x0] =	vst.idx.msk $0xffff, v7  }
0x106: {  	v8 =	vor.u32 v56, v4;
	v7 =	vld.idx.msk [tilespmem:v9+s5+$0x0], $0xffff  }
0x107: {  	v9 =	vor.u32 $0xA00, v6;
	_ =	sdelay $0x3  }
0x108: {  	[tilespmem:v8+s15+$0x0] =	vst.idx.msk $0xffff, v7  }
0x109: {  	v8 =	vor.u32 v57, v4;
	v7 =	vld.idx.msk [tilespmem:v9+s5+$0x0], $0xffff  }
0x10a: {  	v9 =	vor.u32 $0xA80, v6;
	_ =	sdelay $0x3  }
0x10b: {  	[tilespmem:v8+s15+$0x0] =	vst.idx.msk $0xffff, v7  }
0x10c: {  	v8 =	vor.u32 v58, v4;
	v7 =	vld.idx.msk [tilespmem:v9+s5+$0x0], $0xffff  }
0x10d: {  	v9 =	vor.u32 $0xB00, v6;
	_ =	sdelay $0x3  }
0x10e: {  	[tilespmem:v8+s15+$0x0] =	vst.idx.msk $0xffff, v7  }
0x10f: {  	v8 =	vor.u32 v59, v4;
	v7 =	vld.idx.msk [tilespmem:v9+s5+$0x0], $0xffff  }
0x110: {  	v9 =	vor.u32 $0xB80, v6;
	_ =	sdelay $0x3  }
0x111: {  	[tilespmem:v8+s15+$0x0] =	vst.idx.msk $0xffff, v7  }
0x112: {  	v8 =	vor.u32 v60, v4;
	v7 =	vld.idx.msk [tilespmem:v9+s5+$0x0], $0xffff  }
0x113: {  	v9 =	vor.u32 $0xC00, v6;
	_ =	sdelay $0x3  }
0x114: {  	[tilespmem:v8+s15+$0x0] =	vst.idx.msk $0xffff, v7  }
0x115: {  	v8 =	vor.u32 v61, v4;
	v7 =	vld.idx.msk [tilespmem:v9+s5+$0x0], $0xffff  }
0x116: {  	v9 =	vor.u32 $0xC80, v6;
	_ =	sdelay $0x3  }
0x117: {  	[tilespmem:v8+s15+$0x0] =	vst.idx.msk $0xffff, v7  }
0x118: {  	v8 =	vor.u32 v62, v4;
	v7 =	vld.idx.msk [tilespmem:v9+s5+$0x0], $0xffff  }
0x119: {  	v9 =	vor.u32 $0xD00, v6;
	_ =	sdelay $0x3  }
0x11a: {  	[tilespmem:v8+s15+$0x0] =	vst.idx.msk $0xffff, v7  }
0x11b: {  	v8 =	vor.u32 v63, v4;
	v7 =	vld.idx.msk [tilespmem:v9+s5+$0x0], $0xffff  }
0x11c: {  	v9 =	vor.u32 $0xD80, v6;
	_ =	sdelay $0x3  }
0x11d: {  	[tilespmem:v8+s15+$0x0] =	vst.idx.msk $0xffff, v7;
	v7 =	vor.u32 $0x81B, v1  }
0x11e: {  	v8 =	vld.idx.msk [tilespmem:v9+s5+$0x0], $0xffff;
	v7 =	vor.u32 v7, v4  }
0x11f: {  	v9 =	vor.u32 $0xE00, v6;
	_ =	sdelay $0x3  }
0x120: {  	[tilespmem:v7+s15+$0x0] =	vst.idx.msk $0xffff, v8;
	v7 =	vor.u32 $0x81C, v1  }
0x121: {  	v8 =	vld.idx.msk [tilespmem:v9+s5+$0x0], $0xffff;
	v7 =	vor.u32 v7, v4  }
0x122: {  	v9 =	vor.u32 $0xE80, v6;
	_ =	sdelay $0x3  }
0x123: {  	[tilespmem:v7+s15+$0x0] =	vst.idx.msk $0xffff, v8;
	v7 =	vor.u32 $0x81D, v1  }
0x124: {  	v8 =	vld.idx.msk [tilespmem:v9+s5+$0x0], $0xffff;
	v7 =	vor.u32 v7, v4  }
0x125: {  	v9 =	vor.u32 $0xF00, v6;
	_ =	sdelay $0x3  }
0x126: {  	[tilespmem:v7+s15+$0x0] =	vst.idx.msk $0xffff, v8;
	v7 =	vor.u32 $0x81E, v1  }
0x127: {  	v8 =	vld.idx.msk [tilespmem:v9+s5+$0x0], $0xffff;
	v7 =	vor.u32 v7, v4  }
0x128: {  	v6 =	vor.u32 $0xF80, v6;
	_ =	sdelay $0x3  }
0x129: {  	[tilespmem:v7+s15+$0x0] =	vst.idx.msk $0xffff, v8;
	v7 =	vor.u32 $0x81F, v1  }
0x12a: {  	v6 =	vld.idx.msk [tilespmem:v6+s5+$0x0], $0xffff;
	v7 =	vor.u32 v7, v4;
	_ =	sdelay $0x4  }
0x12b: {  	[tilespmem:v7+s15+$0x0] =	vst.idx.msk $0xffff, v6  }
0x12c: {  	v6 =	vld [tilespmem:$0x1A020];
	_ =	sdelay $0x4  }
0x12d: {  	v7 =	vor.u32 $0x20, v0;
	v8 =	vshll.u32 v6, $0x5  }
0x12e: {  	v9 =	vld [tilespmem:$0x1A0A0];
	v7 =	vor.u32 v7, v5;
	v6 =	vand.u32 $0x7F, v6;
	v8 =	vand.u32 $0xFFFFF000, v8  }
0x12f: {  	v6 =	vor.u32 v6, v8;
	_ =	sdelay $0x3  }
0x130: {  	[tilespmem:v7+s14+$0x0] =	vst.idx.msk $0xffff, v9;
	v7 =	vor.u32 $0x1000, v1  }
0x131: {  	v7 =	vor.u32 v7, v4;
	v8 =	vld.idx.msk [tilespmem:v6+s5+$0x0], $0xffff  }
0x132: {  	v9 =	vor.u32 $0x80, v6;
	_ =	sdelay $0x3  }
0x133: {  	[tilespmem:v7+s15+$0x0] =	vst.idx.msk $0xffff, v8;
	v7 =	vor.u32 $0x1001, v1  }
0x134: {  	v8 =	vld.idx.msk [tilespmem:v9+s5+$0x0], $0xffff;
	v7 =	vor.u32 v7, v4  }
0x135: {  	v9 =	vor.u32 $0x100, v6;
	_ =	sdelay $0x3  }
0x136: {  	[tilespmem:v7+s15+$0x0] =	vst.idx.msk $0xffff, v8;
	v7 =	vor.u32 $0x1002, v1  }
0x137: {  	v8 =	vld.idx.msk [tilespmem:v9+s5+$0x0], $0xffff;
	v7 =	vor.u32 v7, v4  }
0x138: {  	v9 =	vor.u32 $0x180, v6;
	_ =	sdelay $0x3  }
0x139: {  	[tilespmem:v7+s15+$0x0] =	vst.idx.msk $0xffff, v8;
	v7 =	vor.u32 $0x1003, v1  }
0x13a: {  	v8 =	vld.idx.msk [tilespmem:v9+s5+$0x0], $0xffff;
	v7 =	vor.u32 v7, v4  }
0x13b: {  	v9 =	vor.u32 $0x200, v6;
	_ =	sdelay $0x3  }
0x13c: {  	[tilespmem:v7+s15+$0x0] =	vst.idx.msk $0xffff, v8;
	v7 =	vor.u32 $0x1004, v1  }
0x13d: {  	v8 =	vld.idx.msk [tilespmem:v9+s5+$0x0], $0xffff;
	v7 =	vor.u32 v7, v4  }
0x13e: {  	v9 =	vor.u32 $0x280, v6;
	_ =	sdelay $0x3  }
0x13f: {  	[tilespmem:v7+s15+$0x0] =	vst.idx.msk $0xffff, v8;
	v7 =	vor.u32 $0x1005, v1  }
0x140: {  	v8 =	vld.idx.msk [tilespmem:v9+s5+$0x0], $0xffff;
	v7 =	vor.u32 v7, v4  }
0x141: {  	v9 =	vor.u32 $0x300, v6;
	_ =	sdelay $0x3  }
0x142: {  	[tilespmem:v7+s15+$0x0] =	vst.idx.msk $0xffff, v8;
	v7 =	vor.u32 $0x1006, v1  }
0x143: {  	v8 =	vld.idx.msk [tilespmem:v9+s5+$0x0], $0xffff;
	v7 =	vor.u32 v7, v4  }
0x144: {  	v9 =	vor.u32 $0x380, v6;
	_ =	sdelay $0x3  }
0x145: {  	[tilespmem:v7+s15+$0x0] =	vst.idx.msk $0xffff, v8;
	v7 =	vor.u32 $0x1007, v1  }
0x146: {  	v8 =	vld.idx.msk [tilespmem:v9+s5+$0x0], $0xffff;
	v7 =	vor.u32 v7, v4  }
0x147: {  	v9 =	vor.u32 $0x400, v6;
	_ =	sdelay $0x3  }
0x148: {  	[tilespmem:v7+s15+$0x0] =	vst.idx.msk $0xffff, v8;
	v7 =	vor.u32 $0x1008, v1  }
0x149: {  	v8 =	vld.idx.msk [tilespmem:v9+s5+$0x0], $0xffff;
	v7 =	vor.u32 v7, v4  }
0x14a: {  	v9 =	vor.u32 $0x480, v6;
	_ =	sdelay $0x3  }
0x14b: {  	[tilespmem:v7+s15+$0x0] =	vst.idx.msk $0xffff, v8;
	v7 =	vor.u32 $0x1009, v1  }
0x14c: {  	v8 =	vld.idx.msk [tilespmem:v9+s5+$0x0], $0xffff;
	v7 =	vor.u32 v7, v4  }
0x14d: {  	v9 =	vor.u32 $0x500, v6;
	_ =	sdelay $0x3  }
0x14e: {  	[tilespmem:v7+s15+$0x0] =	vst.idx.msk $0xffff, v8;
	v7 =	vor.u32 $0x100A, v1  }
0x14f: {  	v8 =	vld.idx.msk [tilespmem:v9+s5+$0x0], $0xffff;
	v7 =	vor.u32 v7, v4  }
0x150: {  	v9 =	vor.u32 $0x580, v6;
	_ =	sdelay $0x3  }
0x151: {  	[tilespmem:v7+s15+$0x0] =	vst.idx.msk $0xffff, v8;
	v7 =	vor.u32 $0x100B, v1  }
0x152: {  	v8 =	vld.idx.msk [tilespmem:v9+s5+$0x0], $0xffff;
	v7 =	vor.u32 v7, v4  }
0x153: {  	v9 =	vor.u32 $0x600, v6;
	_ =	sdelay $0x3  }
0x154: {  	[tilespmem:v7+s15+$0x0] =	vst.idx.msk $0xffff, v8;
	v7 =	vor.u32 $0x100C, v1  }
0x155: {  	v8 =	vld.idx.msk [tilespmem:v9+s5+$0x0], $0xffff;
	v7 =	vor.u32 v7, v4  }
0x156: {  	v9 =	vor.u32 $0x680, v6;
	_ =	sdelay $0x3  }
0x157: {  	[tilespmem:v7+s15+$0x0] =	vst.idx.msk $0xffff, v8;
	v7 =	vor.u32 $0x100D, v1  }
0x158: {  	v8 =	vld.idx.msk [tilespmem:v9+s5+$0x0], $0xffff;
	v7 =	vor.u32 v7, v4  }
0x159: {  	v9 =	vor.u32 $0x700, v6;
	_ =	sdelay $0x3  }
0x15a: {  	[tilespmem:v7+s15+$0x0] =	vst.idx.msk $0xffff, v8;
	v7 =	vor.u32 $0x100E, v1  }
0x15b: {  	v8 =	vld.idx.msk [tilespmem:v9+s5+$0x0], $0xffff;
	v7 =	vor.u32 v7, v4  }
0x15c: {  	v9 =	vor.u32 $0x780, v6;
	_ =	sdelay $0x3  }
0x15d: {  	[tilespmem:v7+s15+$0x0] =	vst.idx.msk $0xffff, v8;
	v7 =	vor.u32 $0x100F, v1  }
0x15e: {  	v8 =	vld.idx.msk [tilespmem:v9+s5+$0x0], $0xffff;
	v7 =	vor.u32 v7, v4  }
0x15f: {  	v9 =	vor.u32 $0x800, v6;
	_ =	sdelay $0x3  }
0x160: {  	[tilespmem:v7+s15+$0x0] =	vst.idx.msk $0xffff, v8;
	v7 =	vor.u32 $0x1010, v1  }
0x161: {  	v8 =	vld.idx.msk [tilespmem:v9+s5+$0x0], $0xffff;
	v7 =	vor.u32 v7, v4  }
0x162: {  	v9 =	vor.u32 $0x880, v6;
	_ =	sdelay $0x3  }
0x163: {  	[tilespmem:v7+s15+$0x0] =	vst.idx.msk $0xffff, v8;
	v7 =	vor.u32 $0x1011, v1  }
0x164: {  	v8 =	vld.idx.msk [tilespmem:v9+s5+$0x0], $0xffff;
	v7 =	vor.u32 v7, v4  }
0x165: {  	v9 =	vor.u32 $0x900, v6;
	_ =	sdelay $0x3  }
0x166: {  	[tilespmem:v7+s15+$0x0] =	vst.idx.msk $0xffff, v8;
	v7 =	vor.u32 $0x1012, v1  }
0x167: {  	v8 =	vld.idx.msk [tilespmem:v9+s5+$0x0], $0xffff;
	v7 =	vor.u32 v7, v4  }
0x168: {  	v9 =	vor.u32 $0x980, v6;
	_ =	sdelay $0x3  }
0x169: {  	[tilespmem:v7+s15+$0x0] =	vst.idx.msk $0xffff, v8;
	v7 =	vor.u32 $0x1013, v1  }
0x16a: {  	v8 =	vld.idx.msk [tilespmem:v9+s5+$0x0], $0xffff;
	v7 =	vor.u32 v7, v4  }
0x16b: {  	v9 =	vor.u32 $0xA00, v6;
	_ =	sdelay $0x3  }
0x16c: {  	[tilespmem:v7+s15+$0x0] =	vst.idx.msk $0xffff, v8;
	v7 =	vor.u32 $0x1014, v1  }
0x16d: {  	v8 =	vld.idx.msk [tilespmem:v9+s5+$0x0], $0xffff;
	v7 =	vor.u32 v7, v4  }
0x16e: {  	v9 =	vor.u32 $0xA80, v6;
	_ =	sdelay $0x3  }
0x16f: {  	[tilespmem:v7+s15+$0x0] =	vst.idx.msk $0xffff, v8;
	v7 =	vor.u32 $0x1015, v1  }
0x170: {  	v8 =	vld.idx.msk [tilespmem:v9+s5+$0x0], $0xffff;
	v7 =	vor.u32 v7, v4  }
0x171: {  	v9 =	vor.u32 $0xB00, v6;
	_ =	sdelay $0x3  }
0x172: {  	[tilespmem:v7+s15+$0x0] =	vst.idx.msk $0xffff, v8;
	v7 =	vor.u32 $0x1016, v1  }
0x173: {  	v8 =	vld.idx.msk [tilespmem:v9+s5+$0x0], $0xffff;
	v7 =	vor.u32 v7, v4  }
0x174: {  	v9 =	vor.u32 $0xB80, v6;
	_ =	sdelay $0x3  }
0x175: {  	[tilespmem:v7+s15+$0x0] =	vst.idx.msk $0xffff, v8;
	v7 =	vor.u32 $0x1017, v1  }
0x176: {  	v8 =	vld.idx.msk [tilespmem:v9+s5+$0x0], $0xffff;
	v7 =	vor.u32 v7, v4  }
0x177: {  	v9 =	vor.u32 $0xC00, v6;
	_ =	sdelay $0x3  }
0x178: {  	[tilespmem:v7+s15+$0x0] =	vst.idx.msk $0xffff, v8;
	v7 =	vor.u32 $0x1018, v1  }
0x179: {  	v8 =	vld.idx.msk [tilespmem:v9+s5+$0x0], $0xffff;
	v7 =	vor.u32 v7, v4  }
0x17a: {  	v9 =	vor.u32 $0xC80, v6;
	_ =	sdelay $0x3  }
0x17b: {  	[tilespmem:v7+s15+$0x0] =	vst.idx.msk $0xffff, v8;
	v7 =	vor.u32 $0x1019, v1  }
0x17c: {  	v8 =	vld.idx.msk [tilespmem:v9+s5+$0x0], $0xffff;
	v7 =	vor.u32 v7, v4  }
0x17d: {  	v9 =	vor.u32 $0xD00, v6;
	_ =	sdelay $0x3  }
0x17e: {  	[tilespmem:v7+s15+$0x0] =	vst.idx.msk $0xffff, v8;
	v7 =	vor.u32 $0x101A, v1  }
0x17f: {  	v8 =	vld.idx.msk [tilespmem:v9+s5+$0x0], $0xffff;
	v7 =	vor.u32 v7, v4  }
0x180: {  	v9 =	vor.u32 $0xD80, v6;
	_ =	sdelay $0x3  }
0x181: {  	[tilespmem:v7+s15+$0x0] =	vst.idx.msk $0xffff, v8;
	v7 =	vor.u32 $0x101B, v1  }
0x182: {  	v8 =	vld.idx.msk [tilespmem:v9+s5+$0x0], $0xffff;
	v7 =	vor.u32 v7, v4  }
0x183: {  	v9 =	vor.u32 $0xE00, v6;
	_ =	sdelay $0x3  }
0x184: {  	[tilespmem:v7+s15+$0x0] =	vst.idx.msk $0xffff, v8;
	v7 =	vor.u32 $0x101C, v1  }
0x185: {  	v8 =	vld.idx.msk [tilespmem:v9+s5+$0x0], $0xffff;
	v7 =	vor.u32 v7, v4  }
0x186: {  	v9 =	vor.u32 $0xE80, v6;
	_ =	sdelay $0x3  }
0x187: {  	[tilespmem:v7+s15+$0x0] =	vst.idx.msk $0xffff, v8;
	v7 =	vor.u32 $0x101D, v1  }
0x188: {  	v8 =	vld.idx.msk [tilespmem:v9+s5+$0x0], $0xffff;
	v7 =	vor.u32 v7, v4  }
0x189: {  	v9 =	vor.u32 $0xF00, v6;
	_ =	sdelay $0x3  }
0x18a: {  	[tilespmem:v7+s15+$0x0] =	vst.idx.msk $0xffff, v8;
	v7 =	vor.u32 $0x101E, v1  }
0x18b: {  	v8 =	vld.idx.msk [tilespmem:v9+s5+$0x0], $0xffff;
	v7 =	vor.u32 v7, v4  }
0x18c: {  	v6 =	vor.u32 $0xF80, v6;
	_ =	sdelay $0x3  }
0x18d: {  	[tilespmem:v7+s15+$0x0] =	vst.idx.msk $0xffff, v8;
	v7 =	vor.u32 $0x101F, v1  }
0x18e: {  	v6 =	vld.idx.msk [tilespmem:v6+s5+$0x0], $0xffff;
	v7 =	vor.u32 v7, v4;
	_ =	sdelay $0x4  }
0x18f: {  	[tilespmem:v7+s15+$0x0] =	vst.idx.msk $0xffff, v6  }
0x190: {  	v6 =	vld [tilespmem:$0x1A030];
	_ =	sdelay $0x4  }
0x191: {  	v7 =	vor.u32 $0x30, v0;
	v8 =	vshll.u32 v6, $0x5  }
0x192: {  	v7 =	vor.u32 v7, v5;
	v9 =	vld [tilespmem:$0x1A0B0];
	v5 =	vand.u32 $0x7F, v6;
	v6 =	vand.u32 $0xFFFFF000, v8  }
0x193: {  	v5 =	vor.u32 v5, v6;
	_ =	sdelay $0x3  }
0x194: {  	[tilespmem:v7+s14+$0x0] =	vst.idx.msk $0xffff, v9;
	v6 =	vor.u32 $0x1800, v1  }
0x195: {  	v6 =	vor.u32 v6, v4;
	v7 =	vld.idx.msk [tilespmem:v5+s5+$0x0], $0xffff  }
0x196: {  	v8 =	vor.u32 $0x80, v5;
	_ =	sdelay $0x3  }
0x197: {  	[tilespmem:v6+s15+$0x0] =	vst.idx.msk $0xffff, v7;
	v6 =	vor.u32 $0x1801, v1  }
0x198: {  	v7 =	vld.idx.msk [tilespmem:v8+s5+$0x0], $0xffff;
	v6 =	vor.u32 v6, v4  }
0x199: {  	v8 =	vor.u32 $0x100, v5;
	_ =	sdelay $0x3  }
0x19a: {  	[tilespmem:v6+s15+$0x0] =	vst.idx.msk $0xffff, v7;
	v6 =	vor.u32 $0x1802, v1  }
0x19b: {  	v7 =	vld.idx.msk [tilespmem:v8+s5+$0x0], $0xffff;
	v6 =	vor.u32 v6, v4  }
0x19c: {  	v8 =	vor.u32 $0x180, v5;
	_ =	sdelay $0x3  }
0x19d: {  	[tilespmem:v6+s15+$0x0] =	vst.idx.msk $0xffff, v7;
	v6 =	vor.u32 $0x1803, v1  }
0x19e: {  	v7 =	vld.idx.msk [tilespmem:v8+s5+$0x0], $0xffff;
	v6 =	vor.u32 v6, v4  }
0x19f: {  	v8 =	vor.u32 $0x200, v5;
	_ =	sdelay $0x3  }
0x1a0: {  	[tilespmem:v6+s15+$0x0] =	vst.idx.msk $0xffff, v7;
	v6 =	vor.u32 $0x1804, v1  }
0x1a1: {  	v7 =	vld.idx.msk [tilespmem:v8+s5+$0x0], $0xffff;
	v6 =	vor.u32 v6, v4  }
0x1a2: {  	v8 =	vor.u32 $0x280, v5;
	_ =	sdelay $0x3  }
0x1a3: {  	[tilespmem:v6+s15+$0x0] =	vst.idx.msk $0xffff, v7;
	v6 =	vor.u32 $0x1805, v1  }
0x1a4: {  	v7 =	vld.idx.msk [tilespmem:v8+s5+$0x0], $0xffff;
	v6 =	vor.u32 v6, v4  }
0x1a5: {  	v8 =	vor.u32 $0x300, v5;
	_ =	sdelay $0x3  }
0x1a6: {  	[tilespmem:v6+s15+$0x0] =	vst.idx.msk $0xffff, v7;
	v6 =	vor.u32 $0x1806, v1  }
0x1a7: {  	v7 =	vld.idx.msk [tilespmem:v8+s5+$0x0], $0xffff;
	v6 =	vor.u32 v6, v4  }
0x1a8: {  	v8 =	vor.u32 $0x380, v5;
	_ =	sdelay $0x3  }
0x1a9: {  	[tilespmem:v6+s15+$0x0] =	vst.idx.msk $0xffff, v7;
	v6 =	vor.u32 $0x1807, v1  }
0x1aa: {  	v7 =	vld.idx.msk [tilespmem:v8+s5+$0x0], $0xffff;
	v6 =	vor.u32 v6, v4  }
0x1ab: {  	v8 =	vor.u32 $0x400, v5;
	_ =	sdelay $0x3  }
0x1ac: {  	[tilespmem:v6+s15+$0x0] =	vst.idx.msk $0xffff, v7;
	v6 =	vor.u32 $0x1808, v1  }
0x1ad: {  	v7 =	vld.idx.msk [tilespmem:v8+s5+$0x0], $0xffff;
	v6 =	vor.u32 v6, v4  }
0x1ae: {  	v8 =	vor.u32 $0x480, v5;
	_ =	sdelay $0x3  }
0x1af: {  	[tilespmem:v6+s15+$0x0] =	vst.idx.msk $0xffff, v7;
	v6 =	vor.u32 $0x1809, v1  }
0x1b0: {  	v7 =	vld.idx.msk [tilespmem:v8+s5+$0x0], $0xffff;
	v6 =	vor.u32 v6, v4  }
0x1b1: {  	v8 =	vor.u32 $0x500, v5;
	_ =	sdelay $0x3  }
0x1b2: {  	[tilespmem:v6+s15+$0x0] =	vst.idx.msk $0xffff, v7;
	v6 =	vor.u32 $0x180A, v1  }
0x1b3: {  	v7 =	vld.idx.msk [tilespmem:v8+s5+$0x0], $0xffff;
	v6 =	vor.u32 v6, v4  }
0x1b4: {  	v8 =	vor.u32 $0x580, v5;
	_ =	sdelay $0x3  }
0x1b5: {  	[tilespmem:v6+s15+$0x0] =	vst.idx.msk $0xffff, v7;
	v6 =	vor.u32 $0x180B, v1  }
0x1b6: {  	v7 =	vld.idx.msk [tilespmem:v8+s5+$0x0], $0xffff;
	v6 =	vor.u32 v6, v4  }
0x1b7: {  	v8 =	vor.u32 $0x600, v5;
	_ =	sdelay $0x3  }
0x1b8: {  	[tilespmem:v6+s15+$0x0] =	vst.idx.msk $0xffff, v7;
	v6 =	vor.u32 $0x180C, v1  }
0x1b9: {  	v7 =	vld.idx.msk [tilespmem:v8+s5+$0x0], $0xffff;
	v6 =	vor.u32 v6, v4  }
0x1ba: {  	v8 =	vor.u32 $0x680, v5;
	_ =	sdelay $0x3  }
0x1bb: {  	[tilespmem:v6+s15+$0x0] =	vst.idx.msk $0xffff, v7;
	v6 =	vor.u32 $0x180D, v1  }
0x1bc: {  	v7 =	vld.idx.msk [tilespmem:v8+s5+$0x0], $0xffff;
	v6 =	vor.u32 v6, v4  }
0x1bd: {  	v8 =	vor.u32 $0x700, v5;
	_ =	sdelay $0x3  }
0x1be: {  	[tilespmem:v6+s15+$0x0] =	vst.idx.msk $0xffff, v7;
	v6 =	vor.u32 $0x180E, v1  }
0x1bf: {  	v7 =	vld.idx.msk [tilespmem:v8+s5+$0x0], $0xffff;
	v6 =	vor.u32 v6, v4  }
0x1c0: {  	v8 =	vor.u32 $0x780, v5;
	_ =	sdelay $0x3  }
0x1c1: {  	[tilespmem:v6+s15+$0x0] =	vst.idx.msk $0xffff, v7;
	v6 =	vor.u32 $0x180F, v1  }
0x1c2: {  	v7 =	vld.idx.msk [tilespmem:v8+s5+$0x0], $0xffff;
	v6 =	vor.u32 v6, v4  }
0x1c3: {  	v8 =	vor.u32 $0x800, v5;
	_ =	sdelay $0x3  }
0x1c4: {  	[tilespmem:v6+s15+$0x0] =	vst.idx.msk $0xffff, v7;
	v6 =	vor.u32 $0x1810, v1  }
0x1c5: {  	v7 =	vld.idx.msk [tilespmem:v8+s5+$0x0], $0xffff;
	v6 =	vor.u32 v6, v4  }
0x1c6: {  	v8 =	vor.u32 $0x880, v5;
	_ =	sdelay $0x3  }
0x1c7: {  	[tilespmem:v6+s15+$0x0] =	vst.idx.msk $0xffff, v7;
	v6 =	vor.u32 $0x1811, v1  }
0x1c8: {  	v7 =	vld.idx.msk [tilespmem:v8+s5+$0x0], $0xffff;
	v6 =	vor.u32 v6, v4  }
0x1c9: {  	v8 =	vor.u32 $0x900, v5;
	_ =	sdelay $0x3  }
0x1ca: {  	[tilespmem:v6+s15+$0x0] =	vst.idx.msk $0xffff, v7;
	v6 =	vor.u32 $0x1812, v1  }
0x1cb: {  	v7 =	vld.idx.msk [tilespmem:v8+s5+$0x0], $0xffff;
	v6 =	vor.u32 v6, v4  }
0x1cc: {  	v8 =	vor.u32 $0x980, v5;
	_ =	sdelay $0x3  }
0x1cd: {  	[tilespmem:v6+s15+$0x0] =	vst.idx.msk $0xffff, v7;
	v6 =	vor.u32 $0x1813, v1  }
0x1ce: {  	v7 =	vld.idx.msk [tilespmem:v8+s5+$0x0], $0xffff;
	v6 =	vor.u32 v6, v4  }
0x1cf: {  	v8 =	vor.u32 $0xA00, v5;
	_ =	sdelay $0x3  }
0x1d0: {  	[tilespmem:v6+s15+$0x0] =	vst.idx.msk $0xffff, v7;
	v6 =	vor.u32 $0x1814, v1  }
0x1d1: {  	v7 =	vld.idx.msk [tilespmem:v8+s5+$0x0], $0xffff;
	v6 =	vor.u32 v6, v4  }
0x1d2: {  	v8 =	vor.u32 $0xA80, v5;
	_ =	sdelay $0x3  }
0x1d3: {  	[tilespmem:v6+s15+$0x0] =	vst.idx.msk $0xffff, v7;
	v6 =	vor.u32 $0x1815, v1  }
0x1d4: {  	v7 =	vld.idx.msk [tilespmem:v8+s5+$0x0], $0xffff;
	v6 =	vor.u32 v6, v4  }
0x1d5: {  	v8 =	vor.u32 $0xB00, v5;
	_ =	sdelay $0x3  }
0x1d6: {  	[tilespmem:v6+s15+$0x0] =	vst.idx.msk $0xffff, v7;
	v6 =	vor.u32 $0x1816, v1  }
0x1d7: {  	v7 =	vld.idx.msk [tilespmem:v8+s5+$0x0], $0xffff;
	v6 =	vor.u32 v6, v4  }
0x1d8: {  	v8 =	vor.u32 $0xB80, v5;
	_ =	sdelay $0x3  }
0x1d9: {  	[tilespmem:v6+s15+$0x0] =	vst.idx.msk $0xffff, v7;
	v6 =	vor.u32 $0x1817, v1  }
0x1da: {  	v7 =	vld.idx.msk [tilespmem:v8+s5+$0x0], $0xffff;
	v6 =	vor.u32 v6, v4  }
0x1db: {  	v8 =	vor.u32 $0xC00, v5;
	_ =	sdelay $0x3  }
0x1dc: {  	[tilespmem:v6+s15+$0x0] =	vst.idx.msk $0xffff, v7;
	v6 =	vor.u32 $0x1818, v1  }
0x1dd: {  	v7 =	vld.idx.msk [tilespmem:v8+s5+$0x0], $0xffff;
	v6 =	vor.u32 v6, v4  }
0x1de: {  	v8 =	vor.u32 $0xC80, v5;
	_ =	sdelay $0x3  }
0x1df: {  	[tilespmem:v6+s15+$0x0] =	vst.idx.msk $0xffff, v7;
	v6 =	vor.u32 $0x1819, v1  }
0x1e0: {  	v7 =	vld.idx.msk [tilespmem:v8+s5+$0x0], $0xffff;
	v6 =	vor.u32 v6, v4  }
0x1e1: {  	v8 =	vor.u32 $0xD00, v5;
	_ =	sdelay $0x3  }
0x1e2: {  	[tilespmem:v6+s15+$0x0] =	vst.idx.msk $0xffff, v7;
	v6 =	vor.u32 $0x181A, v1  }
0x1e3: {  	v7 =	vld.idx.msk [tilespmem:v8+s5+$0x0], $0xffff;
	v6 =	vor.u32 v6, v4  }
0x1e4: {  	v8 =	vor.u32 $0xD80, v5;
	_ =	sdelay $0x3  }
0x1e5: {  	[tilespmem:v6+s15+$0x0] =	vst.idx.msk $0xffff, v7;
	v6 =	vor.u32 $0x181B, v1  }
0x1e6: {  	v7 =	vld.idx.msk [tilespmem:v8+s5+$0x0], $0xffff;
	v6 =	vor.u32 v6, v4  }
0x1e7: {  	v8 =	vor.u32 $0xE00, v5;
	_ =	sdelay $0x3  }
0x1e8: {  	[tilespmem:v6+s15+$0x0] =	vst.idx.msk $0xffff, v7;
	v6 =	vor.u32 $0x181C, v1  }
0x1e9: {  	v7 =	vld.idx.msk [tilespmem:v8+s5+$0x0], $0xffff;
	v6 =	vor.u32 v6, v4  }
0x1ea: {  	v8 =	vor.u32 $0xE80, v5;
	_ =	sdelay $0x3  }
0x1eb: {  	[tilespmem:v6+s15+$0x0] =	vst.idx.msk $0xffff, v7;
	v6 =	vor.u32 $0x181D, v1  }
0x1ec: {  	v7 =	vld.idx.msk [tilespmem:v8+s5+$0x0], $0xffff;
	v6 =	vor.u32 v6, v4  }
0x1ed: {  	v8 =	vor.u32 $0xF00, v5;
	_ =	sdelay $0x3  }
0x1ee: {  	[tilespmem:v6+s15+$0x0] =	vst.idx.msk $0xffff, v7;
	v6 =	vor.u32 $0x181E, v1  }
0x1ef: {  	v7 =	vld.idx.msk [tilespmem:v8+s5+$0x0], $0xffff;
	v6 =	vor.u32 v6, v4  }
0x1f0: {  	v5 =	vor.u32 $0xF80, v5;
	_ =	sdelay $0x3  }
0x1f1: {  	[tilespmem:v6+s15+$0x0] =	vst.idx.msk $0xffff, v7;
	v6 =	vor.u32 $0x181F, v1  }
0x1f2: {  	v4 =	vor.u32 v6, v4;
	v5 =	vld.idx.msk [tilespmem:v5+s5+$0x0], $0xffff;
	_ =	sdelay $0x2  }
0x1f3: {  	s28 =	sshll.u32 s26, $0xF;
	s26 =	sshll.u32 s26, $0x9  }
0x1f4: {  	s28 =	sshra.s32 s28, $0x2;
	s26 =	sshra.s32 s26, $0x2  }
0x1f5: {  	s28 =	sadd.s32 $0x1A100, s28;
	s26 =	sadd.s32 $0x1E100, s26;
	[tilespmem:v4+s15+$0x0] =	vst.idx.msk $0xffff, v5  }
0x1f6: {  	[hbm4b:s6+s16] =	stream.indirect.scatter [tilespmem:s28], [sflag:$0x2], $0x80, s26, s16, $0xb8;
	[tilespmem:$0x1E200] =	vst v63  }
0x1f7: {  	v4 =	vld [tilespmem:$0x1A040]  }
0x1f8: {  	v5 =	vld [tilespmem:$0x1A0C0]  }
.Ltmp12:
0x1f9: {  	_ = 	snop;
	(pc) =	sbr.rel .LBB2_11-.Ltmp12, $3  }
0x1fa: {  	_ =	sdelay $0x1  }
0x1fb: {  	[tilespmem:$0x1A000] =	vst v4  }
0x1fc: {  	[tilespmem:$0x1A080] =	vst v5  }
.LBB2_13:
0x1fd: {  	p1 =	slt.s32 s20, $0x1  }
.Ltmp13:
0x1fe: {  	_ = 	snop;
	(pc) =	sbr.rel @p1 .LBB2_15-.Ltmp13, $1  }
0x1ff: {  	_ =	sdelay $0x3  }
0x200: {  	p1 =	slt.s32 s19, $0x2  }
0x201: {  	s21 =	simm.s32 @!p1 $0x2  }
0x202: {  	_ =	swait.ge @!p1 [sflag:s21], $0x2000  }
0x203: {  	[sflag:s21] =	ssyncset.done @!p1 $0x0  }
0x204: {  	[sflag:s21] =	ssyncadd.s32 @!p1 $0xFFFFE000  }
0x205: {  	v4 =	vld [tilespmem:$0x1A000];
	_ =	sdelay $0x4  }
0x206: {  	v5 =	vnsel vm0, $0x0, v4  }
0x207: {  	v6 =	vld [tilespmem:$0x1A080];
	(xrf0) =	vadd.scan.msk.s32 $0xffff, v5;
	_ =	sdelay $0x4  }
0x208: {  	s31 =	sshrl.u32 s19, $0x1F;
	v5 =	vnsel vm0, $0x0, v6  }
0x209: {  	s21 =	sadd.s32 s31, s19;
	v7, _, _ =	vpop (xrf0);
	(xrf0) =	vadd.scan.msk.s32 $0xffff, v5  }
0x20a: {  	s21 =	sand.u32 $0xFFFFFFFE, s21;
	v5 =	vmov s20;
	v7 =	vbroadcast v7, $0xF  }
0x20b: {  	s21 =	ssub.s32 s19, s21;
	vm1 =	vgt.s32 v5, v0  }
0x20c: {  	[tilespmem:$0x1FF70] =	vst v5;
	v5 =	vmov s21;
	v4 =	vsel vm1, v4, v7  }
0x20d: {  	v8 =	vshll.u32 v5, $0x7;
	[tilespmem:$0x1FF80] =	vst v7;
	v7 =	vshll.u32 v4, $0x5  }
0x20e: {  	[tilespmem:$0x1FF90] =	vst v8;
	v8 =	vor.u32 v0, v8;
	v4 =	vand.u32 $0x7F, v4;
	v7 =	vand.u32 $0xFFFFF000, v7  }
0x20f: {  	v9, _, _ =	vpop (xrf0);
	v7 =	vor.u32 v4, v7  }
0x210: {  	v4 =	vbroadcast v9, $0xF;
	_ =	sdelay $0x1  }
0x211: {  	v6 =	vsel vm1, v6, v4  }
0x212: {  	v9 =	vshll.u32 v5, $0xD;
	[tilespmem:v8+s14+$0x0] =	vst.idx.msk $0xffff, v6  }
0x213: {  	v6 =	vor.u32 v1, v9;
	v5 =	vld.idx.msk [tilespmem:v7+s5+$0x0], $0xffff;
	_ =	sdelay $0x4  }
0x214: {  	v8 =	vor.u32 $0x80, v7;
	[tilespmem:v6+s15+$0x0] =	vst.idx.msk $0xffff, v5;
	v6 =	vld [tilespmem:$0x1FFB0];
	_ =	sdelay $0x4  }
0x215: {  	v5 =	vld.idx.msk [tilespmem:v8+s5+$0x0], $0xffff;
	v6 =	vor.u32 v6, v9;
	_ =	sdelay $0x4  }
0x216: {  	v8 =	vor.u32 $0x100, v7;
	[tilespmem:v6+s15+$0x0] =	vst.idx.msk $0xffff, v5;
	v6 =	vld [tilespmem:$0x1FFC0];
	_ =	sdelay $0x4  }
0x217: {  	v5 =	vld.idx.msk [tilespmem:v8+s5+$0x0], $0xffff;
	v6 =	vor.u32 v6, v9;
	_ =	sdelay $0x4  }
0x218: {  	v8 =	vor.u32 $0x180, v7;
	[tilespmem:v6+s15+$0x0] =	vst.idx.msk $0xffff, v5;
	v6 =	vld [tilespmem:$0x1FFD0];
	_ =	sdelay $0x4  }
0x219: {  	v5 =	vld.idx.msk [tilespmem:v8+s5+$0x0], $0xffff;
	v6 =	vor.u32 v6, v9;
	_ =	sdelay $0x4  }
0x21a: {  	v8 =	vor.u32 $0x200, v7;
	[tilespmem:v6+s15+$0x0] =	vst.idx.msk $0xffff, v5;
	v6 =	vld [tilespmem:$0x1FFE0];
	_ =	sdelay $0x4  }
0x21b: {  	v5 =	vld.idx.msk [tilespmem:v8+s5+$0x0], $0xffff;
	v6 =	vor.u32 v6, v9;
	_ =	sdelay $0x4  }
0x21c: {  	v8 =	vor.u32 $0x280, v7;
	[tilespmem:v6+s15+$0x0] =	vst.idx.msk $0xffff, v5;
	v6 =	vld [tilespmem:$0x1FFF0];
	_ =	sdelay $0x4  }
0x21d: {  	v5 =	vld.idx.msk [tilespmem:v8+s5+$0x0], $0xffff;
	v6 =	vor.u32 v6, v9  }
0x21e: {  	v8 =	vor.u32 $0x300, v7;
	_ =	sdelay $0x3  }
0x21f: {  	[tilespmem:v6+s15+$0x0] =	vst.idx.msk $0xffff, v5  }
0x220: {  	v6 =	vor.u32 v10, v9;
	v5 =	vld.idx.msk [tilespmem:v8+s5+$0x0], $0xffff  }
0x221: {  	v8 =	vor.u32 $0x380, v7;
	_ =	sdelay $0x3  }
0x222: {  	[tilespmem:v6+s15+$0x0] =	vst.idx.msk $0xffff, v5  }
0x223: {  	v6 =	vor.u32 v11, v9;
	v5 =	vld.idx.msk [tilespmem:v8+s5+$0x0], $0xffff  }
0x224: {  	v8 =	vor.u32 $0x400, v7;
	_ =	sdelay $0x3  }
0x225: {  	[tilespmem:v6+s15+$0x0] =	vst.idx.msk $0xffff, v5  }
0x226: {  	v6 =	vor.u32 v12, v9;
	v5 =	vld.idx.msk [tilespmem:v8+s5+$0x0], $0xffff  }
0x227: {  	v8 =	vor.u32 $0x480, v7;
	_ =	sdelay $0x3  }
0x228: {  	[tilespmem:v6+s15+$0x0] =	vst.idx.msk $0xffff, v5  }
0x229: {  	v6 =	vor.u32 v13, v9;
	v5 =	vld.idx.msk [tilespmem:v8+s5+$0x0], $0xffff  }
0x22a: {  	v8 =	vor.u32 $0x500, v7;
	_ =	sdelay $0x3  }
0x22b: {  	[tilespmem:v6+s15+$0x0] =	vst.idx.msk $0xffff, v5  }
0x22c: {  	v6 =	vor.u32 v14, v9;
	v5 =	vld.idx.msk [tilespmem:v8+s5+$0x0], $0xffff  }
0x22d: {  	v8 =	vor.u32 $0x580, v7;
	_ =	sdelay $0x3  }
0x22e: {  	[tilespmem:v6+s15+$0x0] =	vst.idx.msk $0xffff, v5  }
0x22f: {  	v6 =	vor.u32 v15, v9;
	v5 =	vld.idx.msk [tilespmem:v8+s5+$0x0], $0xffff  }
0x230: {  	v8 =	vor.u32 $0x600, v7;
	_ =	sdelay $0x3  }
0x231: {  	[tilespmem:v6+s15+$0x0] =	vst.idx.msk $0xffff, v5  }
0x232: {  	v6 =	vor.u32 v16, v9;
	v5 =	vld.idx.msk [tilespmem:v8+s5+$0x0], $0xffff  }
0x233: {  	v8 =	vor.u32 $0x680, v7;
	_ =	sdelay $0x3  }
0x234: {  	[tilespmem:v6+s15+$0x0] =	vst.idx.msk $0xffff, v5  }
0x235: {  	v6 =	vor.u32 v17, v9;
	v5 =	vld.idx.msk [tilespmem:v8+s5+$0x0], $0xffff  }
0x236: {  	v8 =	vor.u32 $0x700, v7;
	_ =	sdelay $0x3  }
0x237: {  	[tilespmem:v6+s15+$0x0] =	vst.idx.msk $0xffff, v5  }
0x238: {  	v6 =	vor.u32 v18, v9;
	v5 =	vld.idx.msk [tilespmem:v8+s5+$0x0], $0xffff  }
0x239: {  	v8 =	vor.u32 $0x780, v7;
	_ =	sdelay $0x3  }
0x23a: {  	[tilespmem:v6+s15+$0x0] =	vst.idx.msk $0xffff, v5  }
0x23b: {  	v6 =	vor.u32 v19, v9;
	v5 =	vld.idx.msk [tilespmem:v8+s5+$0x0], $0xffff  }
0x23c: {  	v8 =	vor.u32 $0x800, v7;
	_ =	sdelay $0x3  }
0x23d: {  	[tilespmem:v6+s15+$0x0] =	vst.idx.msk $0xffff, v5  }
0x23e: {  	v6 =	vor.u32 v20, v9;
	v5 =	vld.idx.msk [tilespmem:v8+s5+$0x0], $0xffff  }
0x23f: {  	v8 =	vor.u32 $0x880, v7;
	_ =	sdelay $0x3  }
0x240: {  	[tilespmem:v6+s15+$0x0] =	vst.idx.msk $0xffff, v5  }
0x241: {  	v6 =	vor.u32 v21, v9;
	v5 =	vld.idx.msk [tilespmem:v8+s5+$0x0], $0xffff  }
0x242: {  	v8 =	vor.u32 $0x900, v7;
	_ =	sdelay $0x3  }
0x243: {  	[tilespmem:v6+s15+$0x0] =	vst.idx.msk $0xffff, v5  }
0x244: {  	v6 =	vor.u32 v22, v9;
	v5 =	vld.idx.msk [tilespmem:v8+s5+$0x0], $0xffff  }
0x245: {  	v8 =	vor.u32 $0x980, v7;
	_ =	sdelay $0x3  }
0x246: {  	[tilespmem:v6+s15+$0x0] =	vst.idx.msk $0xffff, v5  }
0x247: {  	v6 =	vor.u32 v23, v9;
	v5 =	vld.idx.msk [tilespmem:v8+s5+$0x0], $0xffff  }
0x248: {  	v8 =	vor.u32 $0xA00, v7;
	_ =	sdelay $0x3  }
0x249: {  	[tilespmem:v6+s15+$0x0] =	vst.idx.msk $0xffff, v5  }
0x24a: {  	v6 =	vor.u32 v24, v9;
	v5 =	vld.idx.msk [tilespmem:v8+s5+$0x0], $0xffff  }
0x24b: {  	v8 =	vor.u32 $0xA80, v7;
	_ =	sdelay $0x3  }
0x24c: {  	[tilespmem:v6+s15+$0x0] =	vst.idx.msk $0xffff, v5  }
0x24d: {  	v6 =	vor.u32 v25, v9;
	v5 =	vld.idx.msk [tilespmem:v8+s5+$0x0], $0xffff  }
0x24e: {  	v8 =	vor.u32 $0xB00, v7;
	_ =	sdelay $0x3  }
0x24f: {  	[tilespmem:v6+s15+$0x0] =	vst.idx.msk $0xffff, v5  }
0x250: {  	v6 =	vor.u32 v26, v9;
	v5 =	vld.idx.msk [tilespmem:v8+s5+$0x0], $0xffff  }
0x251: {  	v8 =	vor.u32 $0xB80, v7;
	_ =	sdelay $0x3  }
0x252: {  	[tilespmem:v6+s15+$0x0] =	vst.idx.msk $0xffff, v5  }
0x253: {  	v6 =	vor.u32 v27, v9;
	v5 =	vld.idx.msk [tilespmem:v8+s5+$0x0], $0xffff  }
0x254: {  	v8 =	vor.u32 $0xC00, v7;
	_ =	sdelay $0x3  }
0x255: {  	[tilespmem:v6+s15+$0x0] =	vst.idx.msk $0xffff, v5  }
0x256: {  	v6 =	vor.u32 v28, v9;
	v5 =	vld.idx.msk [tilespmem:v8+s5+$0x0], $0xffff  }
0x257: {  	v8 =	vor.u32 $0xC80, v7;
	_ =	sdelay $0x3  }
0x258: {  	[tilespmem:v6+s15+$0x0] =	vst.idx.msk $0xffff, v5  }
0x259: {  	v6 =	vor.u32 v29, v9;
	v5 =	vld.idx.msk [tilespmem:v8+s5+$0x0], $0xffff  }
0x25a: {  	v8 =	vor.u32 $0xD00, v7;
	_ =	sdelay $0x3  }
0x25b: {  	[tilespmem:v6+s15+$0x0] =	vst.idx.msk $0xffff, v5  }
0x25c: {  	v6 =	vor.u32 v30, v9;
	v5 =	vld.idx.msk [tilespmem:v8+s5+$0x0], $0xffff  }
0x25d: {  	v8 =	vor.u32 $0xD80, v7;
	_ =	sdelay $0x3  }
0x25e: {  	[tilespmem:v6+s15+$0x0] =	vst.idx.msk $0xffff, v5  }
0x25f: {  	v6 =	vor.u32 v31, v9;
	v5 =	vld.idx.msk [tilespmem:v8+s5+$0x0], $0xffff  }
0x260: {  	v8 =	vor.u32 $0xE00, v7;
	_ =	sdelay $0x3  }
0x261: {  	[tilespmem:v6+s15+$0x0] =	vst.idx.msk $0xffff, v5  }
0x262: {  	v6 =	vor.u32 v32, v9;
	v5 =	vld.idx.msk [tilespmem:v8+s5+$0x0], $0xffff  }
0x263: {  	v8 =	vor.u32 $0xE80, v7;
	_ =	sdelay $0x3  }
0x264: {  	[tilespmem:v6+s15+$0x0] =	vst.idx.msk $0xffff, v5  }
0x265: {  	v6 =	vor.u32 v33, v9;
	v5 =	vld.idx.msk [tilespmem:v8+s5+$0x0], $0xffff  }
0x266: {  	v8 =	vor.u32 $0xF00, v7;
	_ =	sdelay $0x3  }
0x267: {  	[tilespmem:v6+s15+$0x0] =	vst.idx.msk $0xffff, v5  }
0x268: {  	v6 =	vor.u32 v34, v9;
	v5 =	vld.idx.msk [tilespmem:v8+s5+$0x0], $0xffff  }
0x269: {  	v7 =	vor.u32 $0xF80, v7;
	_ =	sdelay $0x3  }
0x26a: {  	[tilespmem:v6+s15+$0x0] =	vst.idx.msk $0xffff, v5  }
0x26b: {  	v6 =	vor.u32 v35, v9;
	v5 =	vld.idx.msk [tilespmem:v7+s5+$0x0], $0xffff;
	_ =	sdelay $0x3  }
0x26c: {  	[tilespmem:$0x1FFA0] =	vst v4;
	v4 =	vld [tilespmem:$0x1FF70]  }
0x26d: {  	[tilespmem:v6+s15+$0x0] =	vst.idx.msk $0xffff, v5;
	v6 =	vld [tilespmem:$0x1FF80]  }
0x26e: {  	v5 =	vld [tilespmem:$0x1A010];
	_ =	sdelay $0x3  }
0x26f: {  	vm1 =	vgt.s32 v4, v36;
	v8 =	vld [tilespmem:$0x1FF90]  }
0x270: {  	v5 =	vsel vm1, v5, v6  }
0x271: {  	v7 =	vshll.u32 v5, $0x5  }
0x272: {  	v6 =	vld [tilespmem:$0x1A090];
	v5 =	vand.u32 $0x7F, v5;
	v7 =	vand.u32 $0xFFFFF000, v7  }
0x273: {  	v5 =	vor.u32 v5, v7;
	v7 =	vld [tilespmem:$0x1FFA0]  }
0x274: {  	v8 =	vor.u32 v36, v8;
	_ =	sdelay $0x3  }
0x275: {  	v6 =	vsel vm1, v6, v7  }
0x276: {  	[tilespmem:v8+s14+$0x0] =	vst.idx.msk $0xffff, v6  }
0x277: {  	v7 =	vor.u32 v37, v9;
	v6 =	vld.idx.msk [tilespmem:v5+s5+$0x0], $0xffff  }
0x278: {  	v8 =	vor.u32 $0x80, v5;
	_ =	sdelay $0x3  }
0x279: {  	[tilespmem:v7+s15+$0x0] =	vst.idx.msk $0xffff, v6  }
0x27a: {  	v7 =	vor.u32 v38, v9;
	v6 =	vld.idx.msk [tilespmem:v8+s5+$0x0], $0xffff  }
0x27b: {  	v8 =	vor.u32 $0x100, v5;
	_ =	sdelay $0x3  }
0x27c: {  	[tilespmem:v7+s15+$0x0] =	vst.idx.msk $0xffff, v6  }
0x27d: {  	v7 =	vor.u32 v39, v9;
	v6 =	vld.idx.msk [tilespmem:v8+s5+$0x0], $0xffff  }
0x27e: {  	v8 =	vor.u32 $0x180, v5;
	_ =	sdelay $0x3  }
0x27f: {  	[tilespmem:v7+s15+$0x0] =	vst.idx.msk $0xffff, v6  }
0x280: {  	v7 =	vor.u32 v40, v9;
	v6 =	vld.idx.msk [tilespmem:v8+s5+$0x0], $0xffff  }
0x281: {  	v8 =	vor.u32 $0x200, v5;
	_ =	sdelay $0x3  }
0x282: {  	[tilespmem:v7+s15+$0x0] =	vst.idx.msk $0xffff, v6  }
0x283: {  	v7 =	vor.u32 v41, v9;
	v6 =	vld.idx.msk [tilespmem:v8+s5+$0x0], $0xffff  }
0x284: {  	v8 =	vor.u32 $0x280, v5;
	_ =	sdelay $0x3  }
0x285: {  	[tilespmem:v7+s15+$0x0] =	vst.idx.msk $0xffff, v6  }
0x286: {  	v7 =	vor.u32 v42, v9;
	v6 =	vld.idx.msk [tilespmem:v8+s5+$0x0], $0xffff  }
0x287: {  	v8 =	vor.u32 $0x300, v5;
	_ =	sdelay $0x3  }
0x288: {  	[tilespmem:v7+s15+$0x0] =	vst.idx.msk $0xffff, v6  }
0x289: {  	v7 =	vor.u32 v43, v9;
	v6 =	vld.idx.msk [tilespmem:v8+s5+$0x0], $0xffff  }
0x28a: {  	v8 =	vor.u32 $0x380, v5;
	_ =	sdelay $0x3  }
0x28b: {  	[tilespmem:v7+s15+$0x0] =	vst.idx.msk $0xffff, v6  }
0x28c: {  	v7 =	vor.u32 v44, v9;
	v6 =	vld.idx.msk [tilespmem:v8+s5+$0x0], $0xffff  }
0x28d: {  	v8 =	vor.u32 $0x400, v5;
	_ =	sdelay $0x3  }
0x28e: {  	[tilespmem:v7+s15+$0x0] =	vst.idx.msk $0xffff, v6  }
0x28f: {  	v7 =	vor.u32 v45, v9;
	v6 =	vld.idx.msk [tilespmem:v8+s5+$0x0], $0xffff  }
0x290: {  	v8 =	vor.u32 $0x480, v5;
	_ =	sdelay $0x3  }
0x291: {  	[tilespmem:v7+s15+$0x0] =	vst.idx.msk $0xffff, v6  }
0x292: {  	v7 =	vor.u32 v46, v9;
	v6 =	vld.idx.msk [tilespmem:v8+s5+$0x0], $0xffff  }
0x293: {  	v8 =	vor.u32 $0x500, v5;
	_ =	sdelay $0x3  }
0x294: {  	[tilespmem:v7+s15+$0x0] =	vst.idx.msk $0xffff, v6  }
0x295: {  	v7 =	vor.u32 v47, v9;
	v6 =	vld.idx.msk [tilespmem:v8+s5+$0x0], $0xffff  }
0x296: {  	v8 =	vor.u32 $0x580, v5;
	_ =	sdelay $0x3  }
0x297: {  	[tilespmem:v7+s15+$0x0] =	vst.idx.msk $0xffff, v6  }
0x298: {  	v7 =	vor.u32 v48, v9;
	v6 =	vld.idx.msk [tilespmem:v8+s5+$0x0], $0xffff  }
0x299: {  	v8 =	vor.u32 $0x600, v5;
	_ =	sdelay $0x3  }
0x29a: {  	[tilespmem:v7+s15+$0x0] =	vst.idx.msk $0xffff, v6  }
0x29b: {  	v7 =	vor.u32 v49, v9;
	v6 =	vld.idx.msk [tilespmem:v8+s5+$0x0], $0xffff  }
0x29c: {  	v8 =	vor.u32 $0x680, v5;
	_ =	sdelay $0x3  }
0x29d: {  	[tilespmem:v7+s15+$0x0] =	vst.idx.msk $0xffff, v6  }
0x29e: {  	v7 =	vor.u32 v50, v9;
	v6 =	vld.idx.msk [tilespmem:v8+s5+$0x0], $0xffff  }
0x29f: {  	v8 =	vor.u32 $0x700, v5;
	_ =	sdelay $0x3  }
0x2a0: {  	[tilespmem:v7+s15+$0x0] =	vst.idx.msk $0xffff, v6  }
0x2a1: {  	v7 =	vor.u32 v51, v9;
	v6 =	vld.idx.msk [tilespmem:v8+s5+$0x0], $0xffff  }
0x2a2: {  	v8 =	vor.u32 $0x780, v5;
	_ =	sdelay $0x3  }
0x2a3: {  	[tilespmem:v7+s15+$0x0] =	vst.idx.msk $0xffff, v6  }
0x2a4: {  	v7 =	vor.u32 v52, v9;
	v6 =	vld.idx.msk [tilespmem:v8+s5+$0x0], $0xffff  }
0x2a5: {  	v8 =	vor.u32 $0x800, v5;
	_ =	sdelay $0x3  }
0x2a6: {  	[tilespmem:v7+s15+$0x0] =	vst.idx.msk $0xffff, v6  }
0x2a7: {  	v7 =	vor.u32 v53, v9;
	v6 =	vld.idx.msk [tilespmem:v8+s5+$0x0], $0xffff  }
0x2a8: {  	v8 =	vor.u32 $0x880, v5;
	_ =	sdelay $0x3  }
0x2a9: {  	[tilespmem:v7+s15+$0x0] =	vst.idx.msk $0xffff, v6  }
0x2aa: {  	v7 =	vor.u32 v54, v9;
	v6 =	vld.idx.msk [tilespmem:v8+s5+$0x0], $0xffff  }
0x2ab: {  	v8 =	vor.u32 $0x900, v5;
	_ =	sdelay $0x3  }
0x2ac: {  	[tilespmem:v7+s15+$0x0] =	vst.idx.msk $0xffff, v6  }
0x2ad: {  	v7 =	vor.u32 v55, v9;
	v6 =	vld.idx.msk [tilespmem:v8+s5+$0x0], $0xffff  }
0x2ae: {  	v8 =	vor.u32 $0x980, v5;
	_ =	sdelay $0x3  }
0x2af: {  	[tilespmem:v7+s15+$0x0] =	vst.idx.msk $0xffff, v6  }
0x2b0: {  	v7 =	vor.u32 v56, v9;
	v6 =	vld.idx.msk [tilespmem:v8+s5+$0x0], $0xffff  }
0x2b1: {  	v8 =	vor.u32 $0xA00, v5;
	_ =	sdelay $0x3  }
0x2b2: {  	[tilespmem:v7+s15+$0x0] =	vst.idx.msk $0xffff, v6  }
0x2b3: {  	v7 =	vor.u32 v57, v9;
	v6 =	vld.idx.msk [tilespmem:v8+s5+$0x0], $0xffff  }
0x2b4: {  	v8 =	vor.u32 $0xA80, v5;
	_ =	sdelay $0x3  }
0x2b5: {  	[tilespmem:v7+s15+$0x0] =	vst.idx.msk $0xffff, v6  }
0x2b6: {  	v7 =	vor.u32 v58, v9;
	v6 =	vld.idx.msk [tilespmem:v8+s5+$0x0], $0xffff  }
0x2b7: {  	v8 =	vor.u32 $0xB00, v5;
	_ =	sdelay $0x3  }
0x2b8: {  	[tilespmem:v7+s15+$0x0] =	vst.idx.msk $0xffff, v6  }
0x2b9: {  	v7 =	vor.u32 v59, v9;
	v6 =	vld.idx.msk [tilespmem:v8+s5+$0x0], $0xffff  }
0x2ba: {  	v8 =	vor.u32 $0xB80, v5;
	_ =	sdelay $0x3  }
0x2bb: {  	[tilespmem:v7+s15+$0x0] =	vst.idx.msk $0xffff, v6  }
0x2bc: {  	v7 =	vor.u32 v60, v9;
	v6 =	vld.idx.msk [tilespmem:v8+s5+$0x0], $0xffff  }
0x2bd: {  	v8 =	vor.u32 $0xC00, v5;
	_ =	sdelay $0x3  }
0x2be: {  	[tilespmem:v7+s15+$0x0] =	vst.idx.msk $0xffff, v6  }
0x2bf: {  	v7 =	vor.u32 v61, v9;
	v6 =	vld.idx.msk [tilespmem:v8+s5+$0x0], $0xffff  }
0x2c0: {  	v8 =	vor.u32 $0xC80, v5;
	_ =	sdelay $0x3  }
0x2c1: {  	[tilespmem:v7+s15+$0x0] =	vst.idx.msk $0xffff, v6  }
0x2c2: {  	v7 =	vor.u32 v62, v9;
	v6 =	vld.idx.msk [tilespmem:v8+s5+$0x0], $0xffff  }
0x2c3: {  	v8 =	vor.u32 $0xD00, v5;
	_ =	sdelay $0x3  }
0x2c4: {  	[tilespmem:v7+s15+$0x0] =	vst.idx.msk $0xffff, v6  }
0x2c5: {  	v7 =	vor.u32 v63, v9;
	v6 =	vld.idx.msk [tilespmem:v8+s5+$0x0], $0xffff  }
0x2c6: {  	v8 =	vor.u32 $0xD80, v5;
	_ =	sdelay $0x3  }
0x2c7: {  	[tilespmem:v7+s15+$0x0] =	vst.idx.msk $0xffff, v6;
	v6 =	vor.u32 $0x81B, v1  }
0x2c8: {  	v7 =	vld.idx.msk [tilespmem:v8+s5+$0x0], $0xffff;
	v6 =	vor.u32 v6, v9  }
0x2c9: {  	v8 =	vor.u32 $0xE00, v5;
	_ =	sdelay $0x3  }
0x2ca: {  	[tilespmem:v6+s15+$0x0] =	vst.idx.msk $0xffff, v7;
	v6 =	vor.u32 $0x81C, v1  }
0x2cb: {  	v7 =	vld.idx.msk [tilespmem:v8+s5+$0x0], $0xffff;
	v6 =	vor.u32 v6, v9  }
0x2cc: {  	v8 =	vor.u32 $0xE80, v5;
	_ =	sdelay $0x3  }
0x2cd: {  	[tilespmem:v6+s15+$0x0] =	vst.idx.msk $0xffff, v7;
	v6 =	vor.u32 $0x81D, v1  }
0x2ce: {  	v7 =	vld.idx.msk [tilespmem:v8+s5+$0x0], $0xffff;
	v6 =	vor.u32 v6, v9  }
0x2cf: {  	v8 =	vor.u32 $0xF00, v5;
	_ =	sdelay $0x3  }
0x2d0: {  	[tilespmem:v6+s15+$0x0] =	vst.idx.msk $0xffff, v7;
	v6 =	vor.u32 $0x81E, v1  }
0x2d1: {  	v7 =	vld.idx.msk [tilespmem:v8+s5+$0x0], $0xffff;
	v6 =	vor.u32 v6, v9  }
0x2d2: {  	v5 =	vor.u32 $0xF80, v5;
	_ =	sdelay $0x3  }
0x2d3: {  	[tilespmem:v6+s15+$0x0] =	vst.idx.msk $0xffff, v7;
	v6 =	vor.u32 $0x81F, v1  }
0x2d4: {  	v5 =	vld.idx.msk [tilespmem:v5+s5+$0x0], $0xffff;
	v6 =	vor.u32 v6, v9;
	_ =	sdelay $0x4  }
0x2d5: {  	[tilespmem:v6+s15+$0x0] =	vst.idx.msk $0xffff, v5  }
0x2d6: {  	v6 =	vor.u32 $0x20, v0;
	v5 =	vld [tilespmem:$0x1A020]  }
0x2d7: {  	vm1 =	vgt.s32 v4, v6;
	v4 =	vld [tilespmem:$0x1FF80];
	_ =	sdelay $0x4  }
0x2d8: {  	v5 =	vsel vm1, v5, v4;
	v4 =	vld [tilespmem:$0x1FF90];
	_ =	sdelay $0x3  }
0x2d9: {  	v7 =	vld [tilespmem:$0x1A0A0]  }
0x2da: {  	v8 =	vshll.u32 v5, $0x5;
	v6 =	vor.u32 v6, v4;
	v4 =	vld [tilespmem:$0x1FFA0]  }
0x2db: {  	v5 =	vand.u32 $0x7F, v5;
	v8 =	vand.u32 $0xFFFFF000, v8  }
0x2dc: {  	v5 =	vor.u32 v5, v8;
	_ =	sdelay $0x2  }
0x2dd: {  	v7 =	vsel vm1, v7, v4  }
0x2de: {  	[tilespmem:v6+s14+$0x0] =	vst.idx.msk $0xffff, v7;
	v6 =	vor.u32 $0x1000, v1  }
0x2df: {  	v7 =	vld.idx.msk [tilespmem:v5+s5+$0x0], $0xffff;
	v6 =	vor.u32 v6, v9  }
0x2e0: {  	v8 =	vor.u32 $0x80, v5;
	_ =	sdelay $0x3  }
0x2e1: {  	[tilespmem:v6+s15+$0x0] =	vst.idx.msk $0xffff, v7;
	v6 =	vor.u32 $0x1001, v1  }
0x2e2: {  	v7 =	vld.idx.msk [tilespmem:v8+s5+$0x0], $0xffff;
	v6 =	vor.u32 v6, v9  }
0x2e3: {  	v8 =	vor.u32 $0x100, v5;
	_ =	sdelay $0x3  }
0x2e4: {  	[tilespmem:v6+s15+$0x0] =	vst.idx.msk $0xffff, v7;
	v6 =	vor.u32 $0x1002, v1  }
0x2e5: {  	v7 =	vld.idx.msk [tilespmem:v8+s5+$0x0], $0xffff;
	v6 =	vor.u32 v6, v9  }
0x2e6: {  	v8 =	vor.u32 $0x180, v5;
	_ =	sdelay $0x3  }
0x2e7: {  	[tilespmem:v6+s15+$0x0] =	vst.idx.msk $0xffff, v7;
	v6 =	vor.u32 $0x1003, v1  }
0x2e8: {  	v7 =	vld.idx.msk [tilespmem:v8+s5+$0x0], $0xffff;
	v6 =	vor.u32 v6, v9  }
0x2e9: {  	v8 =	vor.u32 $0x200, v5;
	_ =	sdelay $0x3  }
0x2ea: {  	[tilespmem:v6+s15+$0x0] =	vst.idx.msk $0xffff, v7;
	v6 =	vor.u32 $0x1004, v1  }
0x2eb: {  	v7 =	vld.idx.msk [tilespmem:v8+s5+$0x0], $0xffff;
	v6 =	vor.u32 v6, v9  }
0x2ec: {  	v8 =	vor.u32 $0x280, v5;
	_ =	sdelay $0x3  }
0x2ed: {  	[tilespmem:v6+s15+$0x0] =	vst.idx.msk $0xffff, v7;
	v6 =	vor.u32 $0x1005, v1  }
0x2ee: {  	v7 =	vld.idx.msk [tilespmem:v8+s5+$0x0], $0xffff;
	v6 =	vor.u32 v6, v9  }
0x2ef: {  	v8 =	vor.u32 $0x300, v5;
	_ =	sdelay $0x3  }
0x2f0: {  	[tilespmem:v6+s15+$0x0] =	vst.idx.msk $0xffff, v7;
	v6 =	vor.u32 $0x1006, v1  }
0x2f1: {  	v7 =	vld.idx.msk [tilespmem:v8+s5+$0x0], $0xffff;
	v6 =	vor.u32 v6, v9  }
0x2f2: {  	v8 =	vor.u32 $0x380, v5;
	_ =	sdelay $0x3  }
0x2f3: {  	[tilespmem:v6+s15+$0x0] =	vst.idx.msk $0xffff, v7;
	v6 =	vor.u32 $0x1007, v1  }
0x2f4: {  	v7 =	vld.idx.msk [tilespmem:v8+s5+$0x0], $0xffff;
	v6 =	vor.u32 v6, v9  }
0x2f5: {  	v8 =	vor.u32 $0x400, v5;
	_ =	sdelay $0x3  }
0x2f6: {  	[tilespmem:v6+s15+$0x0] =	vst.idx.msk $0xffff, v7;
	v6 =	vor.u32 $0x1008, v1  }
0x2f7: {  	v7 =	vld.idx.msk [tilespmem:v8+s5+$0x0], $0xffff;
	v6 =	vor.u32 v6, v9  }
0x2f8: {  	v8 =	vor.u32 $0x480, v5;
	_ =	sdelay $0x3  }
0x2f9: {  	[tilespmem:v6+s15+$0x0] =	vst.idx.msk $0xffff, v7;
	v6 =	vor.u32 $0x1009, v1  }
0x2fa: {  	v7 =	vld.idx.msk [tilespmem:v8+s5+$0x0], $0xffff;
	v6 =	vor.u32 v6, v9  }
0x2fb: {  	v8 =	vor.u32 $0x500, v5;
	_ =	sdelay $0x3  }
0x2fc: {  	[tilespmem:v6+s15+$0x0] =	vst.idx.msk $0xffff, v7;
	v6 =	vor.u32 $0x100A, v1  }
0x2fd: {  	v7 =	vld.idx.msk [tilespmem:v8+s5+$0x0], $0xffff;
	v6 =	vor.u32 v6, v9  }
0x2fe: {  	v8 =	vor.u32 $0x580, v5;
	_ =	sdelay $0x3  }
0x2ff: {  	[tilespmem:v6+s15+$0x0] =	vst.idx.msk $0xffff, v7;
	v6 =	vor.u32 $0x100B, v1  }
0x300: {  	v7 =	vld.idx.msk [tilespmem:v8+s5+$0x0], $0xffff;
	v6 =	vor.u32 v6, v9  }
0x301: {  	v8 =	vor.u32 $0x600, v5;
	_ =	sdelay $0x3  }
0x302: {  	[tilespmem:v6+s15+$0x0] =	vst.idx.msk $0xffff, v7;
	v6 =	vor.u32 $0x100C, v1  }
0x303: {  	v7 =	vld.idx.msk [tilespmem:v8+s5+$0x0], $0xffff;
	v6 =	vor.u32 v6, v9  }
0x304: {  	v8 =	vor.u32 $0x680, v5;
	_ =	sdelay $0x3  }
0x305: {  	[tilespmem:v6+s15+$0x0] =	vst.idx.msk $0xffff, v7;
	v6 =	vor.u32 $0x100D, v1  }
0x306: {  	v7 =	vld.idx.msk [tilespmem:v8+s5+$0x0], $0xffff;
	v6 =	vor.u32 v6, v9  }
0x307: {  	v8 =	vor.u32 $0x700, v5;
	_ =	sdelay $0x3  }
0x308: {  	[tilespmem:v6+s15+$0x0] =	vst.idx.msk $0xffff, v7;
	v6 =	vor.u32 $0x100E, v1  }
0x309: {  	v7 =	vld.idx.msk [tilespmem:v8+s5+$0x0], $0xffff;
	v6 =	vor.u32 v6, v9  }
0x30a: {  	v8 =	vor.u32 $0x780, v5;
	_ =	sdelay $0x3  }
0x30b: {  	[tilespmem:v6+s15+$0x0] =	vst.idx.msk $0xffff, v7;
	v6 =	vor.u32 $0x100F, v1  }
0x30c: {  	v7 =	vld.idx.msk [tilespmem:v8+s5+$0x0], $0xffff;
	v6 =	vor.u32 v6, v9  }
0x30d: {  	v8 =	vor.u32 $0x800, v5;
	_ =	sdelay $0x3  }
0x30e: {  	[tilespmem:v6+s15+$0x0] =	vst.idx.msk $0xffff, v7;
	v6 =	vor.u32 $0x1010, v1  }
0x30f: {  	v7 =	vld.idx.msk [tilespmem:v8+s5+$0x0], $0xffff;
	v6 =	vor.u32 v6, v9  }
0x310: {  	v8 =	vor.u32 $0x880, v5;
	_ =	sdelay $0x3  }
0x311: {  	[tilespmem:v6+s15+$0x0] =	vst.idx.msk $0xffff, v7;
	v6 =	vor.u32 $0x1011, v1  }
0x312: {  	v7 =	vld.idx.msk [tilespmem:v8+s5+$0x0], $0xffff;
	v6 =	vor.u32 v6, v9  }
0x313: {  	v8 =	vor.u32 $0x900, v5;
	_ =	sdelay $0x3  }
0x314: {  	[tilespmem:v6+s15+$0x0] =	vst.idx.msk $0xffff, v7;
	v6 =	vor.u32 $0x1012, v1  }
0x315: {  	v7 =	vld.idx.msk [tilespmem:v8+s5+$0x0], $0xffff;
	v6 =	vor.u32 v6, v9  }
0x316: {  	v8 =	vor.u32 $0x980, v5;
	_ =	sdelay $0x3  }
0x317: {  	[tilespmem:v6+s15+$0x0] =	vst.idx.msk $0xffff, v7;
	v6 =	vor.u32 $0x1013, v1  }
0x318: {  	v7 =	vld.idx.msk [tilespmem:v8+s5+$0x0], $0xffff;
	v6 =	vor.u32 v6, v9  }
0x319: {  	v8 =	vor.u32 $0xA00, v5;
	_ =	sdelay $0x3  }
0x31a: {  	[tilespmem:v6+s15+$0x0] =	vst.idx.msk $0xffff, v7;
	v6 =	vor.u32 $0x1014, v1  }
0x31b: {  	v7 =	vld.idx.msk [tilespmem:v8+s5+$0x0], $0xffff;
	v6 =	vor.u32 v6, v9  }
0x31c: {  	v8 =	vor.u32 $0xA80, v5;
	_ =	sdelay $0x3  }
0x31d: {  	[tilespmem:v6+s15+$0x0] =	vst.idx.msk $0xffff, v7;
	v6 =	vor.u32 $0x1015, v1  }
0x31e: {  	v7 =	vld.idx.msk [tilespmem:v8+s5+$0x0], $0xffff;
	v6 =	vor.u32 v6, v9  }
0x31f: {  	v8 =	vor.u32 $0xB00, v5;
	_ =	sdelay $0x3  }
0x320: {  	[tilespmem:v6+s15+$0x0] =	vst.idx.msk $0xffff, v7;
	v6 =	vor.u32 $0x1016, v1  }
0x321: {  	v7 =	vld.idx.msk [tilespmem:v8+s5+$0x0], $0xffff;
	v6 =	vor.u32 v6, v9  }
0x322: {  	v8 =	vor.u32 $0xB80, v5;
	_ =	sdelay $0x3  }
0x323: {  	[tilespmem:v6+s15+$0x0] =	vst.idx.msk $0xffff, v7;
	v6 =	vor.u32 $0x1017, v1  }
0x324: {  	v7 =	vld.idx.msk [tilespmem:v8+s5+$0x0], $0xffff;
	v6 =	vor.u32 v6, v9  }
0x325: {  	v8 =	vor.u32 $0xC00, v5;
	_ =	sdelay $0x3  }
0x326: {  	[tilespmem:v6+s15+$0x0] =	vst.idx.msk $0xffff, v7;
	v6 =	vor.u32 $0x1018, v1  }
0x327: {  	v7 =	vld.idx.msk [tilespmem:v8+s5+$0x0], $0xffff;
	v6 =	vor.u32 v6, v9  }
0x328: {  	v8 =	vor.u32 $0xC80, v5;
	_ =	sdelay $0x3  }
0x329: {  	[tilespmem:v6+s15+$0x0] =	vst.idx.msk $0xffff, v7;
	v6 =	vor.u32 $0x1019, v1  }
0x32a: {  	v7 =	vld.idx.msk [tilespmem:v8+s5+$0x0], $0xffff;
	v6 =	vor.u32 v6, v9  }
0x32b: {  	v8 =	vor.u32 $0xD00, v5;
	_ =	sdelay $0x3  }
0x32c: {  	[tilespmem:v6+s15+$0x0] =	vst.idx.msk $0xffff, v7;
	v6 =	vor.u32 $0x101A, v1  }
0x32d: {  	v7 =	vld.idx.msk [tilespmem:v8+s5+$0x0], $0xffff;
	v6 =	vor.u32 v6, v9  }
0x32e: {  	v8 =	vor.u32 $0xD80, v5;
	_ =	sdelay $0x3  }
0x32f: {  	[tilespmem:v6+s15+$0x0] =	vst.idx.msk $0xffff, v7;
	v6 =	vor.u32 $0x101B, v1  }
0x330: {  	v7 =	vld.idx.msk [tilespmem:v8+s5+$0x0], $0xffff;
	v6 =	vor.u32 v6, v9  }
0x331: {  	v8 =	vor.u32 $0xE00, v5;
	_ =	sdelay $0x3  }
0x332: {  	[tilespmem:v6+s15+$0x0] =	vst.idx.msk $0xffff, v7;
	v6 =	vor.u32 $0x101C, v1  }
0x333: {  	v7 =	vld.idx.msk [tilespmem:v8+s5+$0x0], $0xffff;
	v6 =	vor.u32 v6, v9  }
0x334: {  	v8 =	vor.u32 $0xE80, v5;
	_ =	sdelay $0x3  }
0x335: {  	[tilespmem:v6+s15+$0x0] =	vst.idx.msk $0xffff, v7;
	v6 =	vor.u32 $0x101D, v1  }
0x336: {  	v7 =	vld.idx.msk [tilespmem:v8+s5+$0x0], $0xffff;
	v6 =	vor.u32 v6, v9  }
0x337: {  	v8 =	vor.u32 $0xF00, v5;
	_ =	sdelay $0x3  }
0x338: {  	[tilespmem:v6+s15+$0x0] =	vst.idx.msk $0xffff, v7;
	v6 =	vor.u32 $0x101E, v1  }
0x339: {  	v7 =	vld.idx.msk [tilespmem:v8+s5+$0x0], $0xffff;
	v6 =	vor.u32 v6, v9  }
0x33a: {  	v5 =	vor.u32 $0xF80, v5;
	_ =	sdelay $0x3  }
0x33b: {  	[tilespmem:v6+s15+$0x0] =	vst.idx.msk $0xffff, v7;
	v6 =	vor.u32 $0x101F, v1  }
0x33c: {  	v5 =	vld.idx.msk [tilespmem:v5+s5+$0x0], $0xffff;
	v6 =	vor.u32 v6, v9;
	_ =	sdelay $0x1  }
0x33d: {  	v4 =	vld [tilespmem:$0x1FF70];
	_ =	sdelay $0x2  }
0x33e: {  	[tilespmem:v6+s15+$0x0] =	vst.idx.msk $0xffff, v5  }
0x33f: {  	v6 =	vor.u32 $0x30, v0;
	v5 =	vld [tilespmem:$0x1A030]  }
0x340: {  	vm1 =	vgt.s32 v4, v6;
	v4 =	vld [tilespmem:$0x1FF80];
	_ =	sdelay $0x4  }
0x341: {  	v5 =	vsel vm1, v5, v4;
	v4 =	vld [tilespmem:$0x1FF90];
	_ =	sdelay $0x3  }
0x342: {  	v7 =	vld [tilespmem:$0x1A0B0]  }
0x343: {  	v8 =	vshll.u32 v5, $0x5;
	v6 =	vor.u32 v6, v4;
	v4 =	vld [tilespmem:$0x1FFA0]  }
0x344: {  	v5 =	vand.u32 $0x7F, v5;
	v8 =	vand.u32 $0xFFFFF000, v8  }
0x345: {  	v5 =	vor.u32 v5, v8;
	_ =	sdelay $0x2  }
0x346: {  	v4 =	vsel vm1, v7, v4  }
0x347: {  	[tilespmem:v6+s14+$0x0] =	vst.idx.msk $0xffff, v4;
	v4 =	vor.u32 $0x1800, v1  }
0x348: {  	v6 =	vld.idx.msk [tilespmem:v5+s5+$0x0], $0xffff;
	v4 =	vor.u32 v4, v9  }
0x349: {  	v7 =	vor.u32 $0x80, v5;
	_ =	sdelay $0x3  }
0x34a: {  	[tilespmem:v4+s15+$0x0] =	vst.idx.msk $0xffff, v6;
	v4 =	vor.u32 $0x1801, v1  }
0x34b: {  	v6 =	vld.idx.msk [tilespmem:v7+s5+$0x0], $0xffff;
	v4 =	vor.u32 v4, v9  }
0x34c: {  	v7 =	vor.u32 $0x100, v5;
	_ =	sdelay $0x3  }
0x34d: {  	[tilespmem:v4+s15+$0x0] =	vst.idx.msk $0xffff, v6;
	v4 =	vor.u32 $0x1802, v1  }
0x34e: {  	v6 =	vld.idx.msk [tilespmem:v7+s5+$0x0], $0xffff;
	v4 =	vor.u32 v4, v9  }
0x34f: {  	v7 =	vor.u32 $0x180, v5;
	_ =	sdelay $0x3  }
0x350: {  	[tilespmem:v4+s15+$0x0] =	vst.idx.msk $0xffff, v6;
	v4 =	vor.u32 $0x1803, v1  }
0x351: {  	v6 =	vld.idx.msk [tilespmem:v7+s5+$0x0], $0xffff;
	v4 =	vor.u32 v4, v9  }
0x352: {  	v7 =	vor.u32 $0x200, v5;
	_ =	sdelay $0x3  }
0x353: {  	[tilespmem:v4+s15+$0x0] =	vst.idx.msk $0xffff, v6;
	v4 =	vor.u32 $0x1804, v1  }
0x354: {  	v6 =	vld.idx.msk [tilespmem:v7+s5+$0x0], $0xffff;
	v4 =	vor.u32 v4, v9  }
0x355: {  	v7 =	vor.u32 $0x280, v5;
	_ =	sdelay $0x3  }
0x356: {  	[tilespmem:v4+s15+$0x0] =	vst.idx.msk $0xffff, v6;
	v4 =	vor.u32 $0x1805, v1  }
0x357: {  	v6 =	vld.idx.msk [tilespmem:v7+s5+$0x0], $0xffff;
	v4 =	vor.u32 v4, v9  }
0x358: {  	v7 =	vor.u32 $0x300, v5;
	_ =	sdelay $0x3  }
0x359: {  	[tilespmem:v4+s15+$0x0] =	vst.idx.msk $0xffff, v6;
	v4 =	vor.u32 $0x1806, v1  }
0x35a: {  	v6 =	vld.idx.msk [tilespmem:v7+s5+$0x0], $0xffff;
	v4 =	vor.u32 v4, v9  }
0x35b: {  	v7 =	vor.u32 $0x380, v5;
	_ =	sdelay $0x3  }
0x35c: {  	[tilespmem:v4+s15+$0x0] =	vst.idx.msk $0xffff, v6;
	v4 =	vor.u32 $0x1807, v1  }
0x35d: {  	v6 =	vld.idx.msk [tilespmem:v7+s5+$0x0], $0xffff;
	v4 =	vor.u32 v4, v9  }
0x35e: {  	v7 =	vor.u32 $0x400, v5;
	_ =	sdelay $0x3  }
0x35f: {  	[tilespmem:v4+s15+$0x0] =	vst.idx.msk $0xffff, v6;
	v4 =	vor.u32 $0x1808, v1  }
0x360: {  	v6 =	vld.idx.msk [tilespmem:v7+s5+$0x0], $0xffff;
	v4 =	vor.u32 v4, v9  }
0x361: {  	v7 =	vor.u32 $0x480, v5;
	_ =	sdelay $0x3  }
0x362: {  	[tilespmem:v4+s15+$0x0] =	vst.idx.msk $0xffff, v6;
	v4 =	vor.u32 $0x1809, v1  }
0x363: {  	v6 =	vld.idx.msk [tilespmem:v7+s5+$0x0], $0xffff;
	v4 =	vor.u32 v4, v9  }
0x364: {  	v7 =	vor.u32 $0x500, v5;
	_ =	sdelay $0x3  }
0x365: {  	[tilespmem:v4+s15+$0x0] =	vst.idx.msk $0xffff, v6;
	v4 =	vor.u32 $0x180A, v1  }
0x366: {  	v6 =	vld.idx.msk [tilespmem:v7+s5+$0x0], $0xffff;
	v4 =	vor.u32 v4, v9  }
0x367: {  	v7 =	vor.u32 $0x580, v5;
	_ =	sdelay $0x3  }
0x368: {  	[tilespmem:v4+s15+$0x0] =	vst.idx.msk $0xffff, v6;
	v4 =	vor.u32 $0x180B, v1  }
0x369: {  	v6 =	vld.idx.msk [tilespmem:v7+s5+$0x0], $0xffff;
	v4 =	vor.u32 v4, v9  }
0x36a: {  	v7 =	vor.u32 $0x600, v5;
	_ =	sdelay $0x3  }
0x36b: {  	[tilespmem:v4+s15+$0x0] =	vst.idx.msk $0xffff, v6;
	v4 =	vor.u32 $0x180C, v1  }
0x36c: {  	v6 =	vld.idx.msk [tilespmem:v7+s5+$0x0], $0xffff;
	v4 =	vor.u32 v4, v9  }
0x36d: {  	v7 =	vor.u32 $0x680, v5;
	_ =	sdelay $0x3  }
0x36e: {  	[tilespmem:v4+s15+$0x0] =	vst.idx.msk $0xffff, v6;
	v4 =	vor.u32 $0x180D, v1  }
0x36f: {  	v6 =	vld.idx.msk [tilespmem:v7+s5+$0x0], $0xffff;
	v4 =	vor.u32 v4, v9  }
0x370: {  	v7 =	vor.u32 $0x700, v5;
	_ =	sdelay $0x3  }
0x371: {  	[tilespmem:v4+s15+$0x0] =	vst.idx.msk $0xffff, v6;
	v4 =	vor.u32 $0x180E, v1  }
0x372: {  	v6 =	vld.idx.msk [tilespmem:v7+s5+$0x0], $0xffff;
	v4 =	vor.u32 v4, v9  }
0x373: {  	v7 =	vor.u32 $0x780, v5;
	_ =	sdelay $0x3  }
0x374: {  	[tilespmem:v4+s15+$0x0] =	vst.idx.msk $0xffff, v6;
	v4 =	vor.u32 $0x180F, v1  }
0x375: {  	v6 =	vld.idx.msk [tilespmem:v7+s5+$0x0], $0xffff;
	v4 =	vor.u32 v4, v9  }
0x376: {  	v7 =	vor.u32 $0x800, v5;
	_ =	sdelay $0x3  }
0x377: {  	[tilespmem:v4+s15+$0x0] =	vst.idx.msk $0xffff, v6;
	v4 =	vor.u32 $0x1810, v1  }
0x378: {  	v6 =	vld.idx.msk [tilespmem:v7+s5+$0x0], $0xffff;
	v4 =	vor.u32 v4, v9  }
0x379: {  	v7 =	vor.u32 $0x880, v5;
	_ =	sdelay $0x3  }
0x37a: {  	[tilespmem:v4+s15+$0x0] =	vst.idx.msk $0xffff, v6;
	v4 =	vor.u32 $0x1811, v1  }
0x37b: {  	v6 =	vld.idx.msk [tilespmem:v7+s5+$0x0], $0xffff;
	v4 =	vor.u32 v4, v9  }
0x37c: {  	v7 =	vor.u32 $0x900, v5;
	_ =	sdelay $0x3  }
0x37d: {  	[tilespmem:v4+s15+$0x0] =	vst.idx.msk $0xffff, v6;
	v4 =	vor.u32 $0x1812, v1  }
0x37e: {  	v6 =	vld.idx.msk [tilespmem:v7+s5+$0x0], $0xffff;
	v4 =	vor.u32 v4, v9  }
0x37f: {  	v7 =	vor.u32 $0x980, v5;
	_ =	sdelay $0x3  }
0x380: {  	[tilespmem:v4+s15+$0x0] =	vst.idx.msk $0xffff, v6;
	v4 =	vor.u32 $0x1813, v1  }
0x381: {  	v6 =	vld.idx.msk [tilespmem:v7+s5+$0x0], $0xffff;
	v4 =	vor.u32 v4, v9  }
0x382: {  	v7 =	vor.u32 $0xA00, v5;
	_ =	sdelay $0x3  }
0x383: {  	[tilespmem:v4+s15+$0x0] =	vst.idx.msk $0xffff, v6;
	v4 =	vor.u32 $0x1814, v1  }
0x384: {  	v6 =	vld.idx.msk [tilespmem:v7+s5+$0x0], $0xffff;
	v4 =	vor.u32 v4, v9  }
0x385: {  	v7 =	vor.u32 $0xA80, v5;
	_ =	sdelay $0x3  }
0x386: {  	[tilespmem:v4+s15+$0x0] =	vst.idx.msk $0xffff, v6;
	v4 =	vor.u32 $0x1815, v1  }
0x387: {  	v6 =	vld.idx.msk [tilespmem:v7+s5+$0x0], $0xffff;
	v4 =	vor.u32 v4, v9  }
0x388: {  	v7 =	vor.u32 $0xB00, v5;
	_ =	sdelay $0x3  }
0x389: {  	[tilespmem:v4+s15+$0x0] =	vst.idx.msk $0xffff, v6;
	v4 =	vor.u32 $0x1816, v1  }
0x38a: {  	v6 =	vld.idx.msk [tilespmem:v7+s5+$0x0], $0xffff;
	v4 =	vor.u32 v4, v9  }
0x38b: {  	v7 =	vor.u32 $0xB80, v5;
	_ =	sdelay $0x3  }
0x38c: {  	[tilespmem:v4+s15+$0x0] =	vst.idx.msk $0xffff, v6;
	v4 =	vor.u32 $0x1817, v1  }
0x38d: {  	v6 =	vld.idx.msk [tilespmem:v7+s5+$0x0], $0xffff;
	v4 =	vor.u32 v4, v9  }
0x38e: {  	v7 =	vor.u32 $0xC00, v5;
	_ =	sdelay $0x3  }
0x38f: {  	[tilespmem:v4+s15+$0x0] =	vst.idx.msk $0xffff, v6;
	v4 =	vor.u32 $0x1818, v1  }
0x390: {  	v6 =	vld.idx.msk [tilespmem:v7+s5+$0x0], $0xffff;
	v4 =	vor.u32 v4, v9  }
0x391: {  	v7 =	vor.u32 $0xC80, v5;
	_ =	sdelay $0x3  }
0x392: {  	[tilespmem:v4+s15+$0x0] =	vst.idx.msk $0xffff, v6;
	v4 =	vor.u32 $0x1819, v1  }
0x393: {  	v6 =	vld.idx.msk [tilespmem:v7+s5+$0x0], $0xffff;
	v4 =	vor.u32 v4, v9  }
0x394: {  	v7 =	vor.u32 $0xD00, v5;
	_ =	sdelay $0x3  }
0x395: {  	[tilespmem:v4+s15+$0x0] =	vst.idx.msk $0xffff, v6;
	v4 =	vor.u32 $0x181A, v1  }
0x396: {  	v6 =	vld.idx.msk [tilespmem:v7+s5+$0x0], $0xffff;
	v4 =	vor.u32 v4, v9  }
0x397: {  	v7 =	vor.u32 $0xD80, v5;
	_ =	sdelay $0x3  }
0x398: {  	[tilespmem:v4+s15+$0x0] =	vst.idx.msk $0xffff, v6;
	v4 =	vor.u32 $0x181B, v1  }
0x399: {  	v6 =	vld.idx.msk [tilespmem:v7+s5+$0x0], $0xffff;
	v4 =	vor.u32 v4, v9  }
0x39a: {  	v7 =	vor.u32 $0xE00, v5;
	_ =	sdelay $0x3  }
0x39b: {  	[tilespmem:v4+s15+$0x0] =	vst.idx.msk $0xffff, v6;
	v4 =	vor.u32 $0x181C, v1  }
0x39c: {  	v6 =	vld.idx.msk [tilespmem:v7+s5+$0x0], $0xffff;
	v4 =	vor.u32 v4, v9  }
0x39d: {  	v7 =	vor.u32 $0xE80, v5;
	_ =	sdelay $0x3  }
0x39e: {  	[tilespmem:v4+s15+$0x0] =	vst.idx.msk $0xffff, v6;
	v4 =	vor.u32 $0x181D, v1  }
0x39f: {  	v6 =	vld.idx.msk [tilespmem:v7+s5+$0x0], $0xffff;
	v4 =	vor.u32 v4, v9  }
0x3a0: {  	v7 =	vor.u32 $0xF00, v5;
	_ =	sdelay $0x3  }
0x3a1: {  	[tilespmem:v4+s15+$0x0] =	vst.idx.msk $0xffff, v6;
	v4 =	vor.u32 $0x181E, v1  }
0x3a2: {  	v6 =	vld.idx.msk [tilespmem:v7+s5+$0x0], $0xffff;
	v4 =	vor.u32 v4, v9  }
0x3a3: {  	v5 =	vor.u32 $0xF80, v5;
	_ =	sdelay $0x3  }
0x3a4: {  	[tilespmem:v4+s15+$0x0] =	vst.idx.msk $0xffff, v6;
	v4 =	vor.u32 $0x181F, v1  }
0x3a5: {  	v4 =	vor.u32 v4, v9;
	v5 =	vld.idx.msk [tilespmem:v5+s5+$0x0], $0xffff;
	_ =	sdelay $0x2  }
0x3a6: {  	s22 =	sshll.u32 s21, $0xF;
	s21 =	sshll.u32 s21, $0x9  }
0x3a7: {  	s22 =	sshra.s32 s22, $0x2;
	s21 =	sshra.s32 s21, $0x2  }
0x3a8: {  	s22 =	sadd.s32 $0x1A100, s22;
	s21 =	sadd.s32 $0x1E100, s21;
	[tilespmem:v4+s15+$0x0] =	vst.idx.msk $0xffff, v5  }
0x3a9: {  	[hbm4b:s6+s16] =	stream.indirect.scatter [tilespmem:s22], [sflag:$0x2], $0x80, s21, s16, $0xb8;
	[tilespmem:$0x1E200] =	vst v63  }
.LBB2_15:
0x3aa: {  	p1 =	sgt.s32 s20, $0x0;
	s20 =	simm.s32 $0x1  }
0x3ab: {  	s20 =	simm.s32 @!p1 $0x0  }
0x3ac: {  	s19 =	sadd.s32 s20, s19  }
0x3ad: {  	p1 =	slt.s32 s19, $0x2  }
.Ltmp14:
0x3ae: {  	_ = 	snop;
	(pc) =	sbr.rel @!p1 .LBB2_16-.Ltmp14, $1  }
0x3af: {  	_ =	sdelay $0x3  }
0x3b0: {  	p1 =	sne.s32 s19, $0x1  }
.Ltmp15:
0x3b1: {  	_ = 	snop;
	(pc) =	sbr.rel @p1 .LBB2_19-.Ltmp15, $4  }
.Ltmp16:
0x3b2: {  	_ = 	snop;
	(pc) =	sbr.rel @!p1 .LBB2_18-.Ltmp16, $4  }
0x3b3: {  	_ = 	snop  }
0x3b4: {  	_ = 	snop  }
0x3b5: {  	_ = 	snop  }
0x3b6: {  	_ = 	snop  }
.LBB2_20:
0x3b7: {  	_ =	sfence.sel $0x180000  }
0x3b8: {  	[bflag:$0x0] =	sbarrier.arrive $0xFFFF  }
0x3b9: {  	p0 =	sne.s32 s0, $0x0;
	_ =	strace $0x90000047  }
0x3ba: {  	s0 =	sadd.s32 @!p0 $0x100000, s4;
	[bflag:$0x2] =	sbarrier.arrive $0xFFFF  }
0x3bb: {  	[sflag:s0] =	ssyncadd.tile.s32 @!p0 $0x1;
	_ =	shalt  }
.Lfunc_end2:
_tile_overlayer_lowered:
.L_overlay_start_2:
0x3bc: {  	(tag) =	ssettag $0x2  }
0x3bd: {  	s0 =	rddreg [dreg:$0x0];
	s2 =	stileid.u32  }
0x3be: {  	s1 =	rddreg [dreg:$0x1];
	p0 =	sne.s32 s2, $0x0  }
0x3bf: {  	s3 =	rddreg [dreg:$0x2];
	[bflag:$0x3] =	sbarrier.arrive $0xFFFF;
	s2 =	simm.s32 @!p0 $0x1C03  }
0x3c0: {  	[timem:s3], [sflag:s2] =	dma.local @!p0 [hbm:s0], s1  }
0x3c1: {  	s0 =	simm.s32 @!p0 $0x3  }
0x3c2: {  	_ =	swait.ge @!p0 [sflag:s0], s1  }
0x3c3: {  	s1 =	ssub.s32 @!p0 $0x0, s1;
	[sflag:s0] =	ssyncset.done @!p0 $0x0  }
0x3c4: {  	[sflag:s0] =	ssyncadd.s32 @!p0 s1  }
0x3c5: {  	[bflag:$0x3] =	sbarrier.arrive $0xFFFF  }
0x3c6: {  	_ =	shalt  }

</sc_bundles>
